<compile_context>
chip_gen: v7x
topology: tpu7x:2x2x1
jax: 0.10.2.dev20260603
libtpu: 0.0.44.dev20260713+nightly
codegen_flags: <defaults>
</compile_context>

<pallas_src>
import functools

import jax
import jax.numpy as jnp
import numpy as np
from jax import lax
from jax.experimental import pallas as pl
from jax.experimental.pallas import tpu as pltpu
from jax.experimental.pallas import tpu_sc as plsc

_EPS = 1e-5
_G = 500
_GP = 512
_NC = 2
_NS = 16
_C = 128
_ZR = 80


def _mesh():
    return plsc.VectorSubcoreMesh(core_axis_name="c", subcore_axis_name="s")


def _sc_degree(dst3, n):
    nw, p_chunks, c = dst3.shape
    row_chunks = n // _ZR

    @functools.partial(
        pl.kernel,
        out_type=jax.ShapeDtypeStruct((_NC, n, 16), jnp.float32),
        mesh=_mesh(),
        scratch_types=[
            pltpu.VMEM((p_chunks, c), jnp.int32),
            pltpu.VMEM((c, 16), jnp.float32),
            pltpu.VMEM((_ZR, 16), jnp.float32),
            pltpu.VMEM_SHARED((n + 8, 16), jnp.float32),
            pltpu.SemaphoreType.DMA,
        ],
    )
    def k(dst_hbm, out_hbm, didx, ones_v, ztile, acc, sem):
        cid = lax.axis_index("c")
        sid = lax.axis_index("s")
        wid = cid * _NS + sid

        one16 = jnp.ones((16,), jnp.float32)
        zero16 = jnp.zeros((16,), jnp.float32)

        @pl.loop(0, c)
        def _(i):
            ones_v[i] = one16

        @pl.loop(0, _ZR)
        def _(i):
            ztile[i] = zero16

        @pl.loop(sid, row_chunks, step=_NS)
        def _(t):
            pltpu.sync_copy(ztile, acc.at[pl.ds(t * _ZR, _ZR)])

        pltpu.sync_copy(dst_hbm.at[wid], didx)

        plsc.subcore_barrier()

        @pl.loop(0, p_chunks)
        def _(t):
            pltpu.sync_copy(ones_v, acc.at[didx.at[t]], add=True)

        plsc.subcore_barrier()

        @pl.loop(sid, row_chunks, step=_NS)
        def _(t):
            pltpu.sync_copy(acc.at[pl.ds(t * _ZR, _ZR)],
                            out_hbm.at[cid].at[pl.ds(t * _ZR, _ZR)])

    return k(dst3)


_NBUF = 2
_HALVES = 2


def _sc_scatter(u, src3, dst3):
    n, d = u.shape
    nw, p_chunks, c = src3.shape
    hc = p_chunks // _HALVES
    row_chunks = n // _ZR

    @functools.partial(
        pl.kernel,
        out_type=jax.ShapeDtypeStruct((_NC, n, d), jnp.float32),
        mesh=_mesh(),
        scratch_types=[
            pltpu.VMEM((hc, c), jnp.int32),
            pltpu.VMEM((hc, c), jnp.int32),
            pltpu.VMEM((_NBUF, c, d), jnp.float32),
            pltpu.VMEM((40, d), jnp.float32),
            pltpu.VMEM_SHARED((n, d), jnp.float32),
            pltpu.SemaphoreType.DMA,
            pltpu.SemaphoreType.DMA,
        ],
    )
    def k(u_hbm, src_hbm, dst_hbm, out_hbm, sidx, didx, rows, ztile,
          acc, *sems):
        cid = lax.axis_index("c")
        sid = lax.axis_index("s")
        wid = cid * _NS + sid

        zero16 = jnp.zeros((16,), jnp.float32)

        @pl.loop(0, 40)
        def _(i):
            @pl.loop(0, d, step=16)
            def _(j):
                ztile[i, pl.ds(j, 16)] = zero16

        @pl.loop(sid, n // 40, step=_NS)
        def _(t):
            pltpu.sync_copy(ztile, acc.at[pl.ds(t * 40, 40)])

        plsc.subcore_barrier()

        def gather(kk, j):
            return pltpu.make_async_copy(u_hbm.at[sidx.at[kk]], rows.at[j],
                                         sems[j])

        for half in range(_HALVES):
            pltpu.sync_copy(src_hbm.at[wid].at[pl.ds(half * hc, hc)], sidx)
            pltpu.sync_copy(dst_hbm.at[wid].at[pl.ds(half * hc, hc)], didx)

            for j in range(_NBUF):
                gather(j, j).start()

            @pl.loop(0, hc // _NBUF)
            def _(q):
                for j in range(_NBUF):
                    kk = q * _NBUF + j
                    gather(kk, j).wait()
                    pltpu.sync_copy(rows.at[j], acc.at[didx.at[kk]],
                                    add=True)

                    @pl.when(kk + _NBUF < hc)
                    def _():
                        gather(kk + _NBUF, j).start()

        plsc.subcore_barrier()

        @pl.loop(sid, row_chunks, step=_NS)
        def _(t):
            pltpu.sync_copy(acc.at[pl.ds(t * _ZR, _ZR)],
                            out_hbm.at[cid].at[pl.ds(t * _ZR, _ZR)])

    return k(u, src3, dst3)


def _sc_pool(h, batch):
    n, d = h.shape
    row_chunks = n // _ZR
    g_chunks = 8
    gr = _GP // g_chunks

    @functools.partial(
        pl.kernel,
        out_type=(jax.ShapeDtypeStruct((_NC, _GP, d), jnp.float32),
                  jax.ShapeDtypeStruct((_NC, _GP, 16), jnp.float32)),
        mesh=_mesh(),
        scratch_types=[
            pltpu.VMEM((1, _ZR), jnp.int32),
            pltpu.VMEM((_ZR, d), jnp.float32),
            pltpu.VMEM((_ZR, 16), jnp.float32),
            pltpu.VMEM((gr, d), jnp.float32),
            pltpu.VMEM((gr, 16), jnp.float32),
            pltpu.VMEM_SHARED((_GP, d), jnp.float32),
            pltpu.VMEM_SHARED((_GP, 16), jnp.float32),
        ],
    )
    def k(h_hbm, b_hbm, osum_hbm, ocnt_hbm,
          bidx, hrows, ones_v, zs, zc, acc_s, acc_c):
        cid = lax.axis_index("c")
        sid = lax.axis_index("s")
        wid = cid * _NS + sid

        one16 = jnp.ones((16,), jnp.float32)
        zero16 = jnp.zeros((16,), jnp.float32)

        @pl.loop(0, _ZR)
        def _(i):
            ones_v[i] = one16

        @pl.loop(0, gr)
        def _(i):
            zc[i] = zero16

            @pl.loop(0, d, step=16)
            def _(j):
                zs[i, pl.ds(j, 16)] = zero16

        @pl.when(sid < g_chunks)
        def _():
            pltpu.sync_copy(zs, acc_s.at[pl.ds(sid * gr, gr)])
            pltpu.sync_copy(zc, acc_c.at[pl.ds(sid * gr, gr)])

        plsc.subcore_barrier()

        @pl.loop(wid, row_chunks, step=_NC * _NS)
        def _(t):
            pltpu.sync_copy(b_hbm.at[pl.ds(t * _ZR, _ZR)], bidx.at[0])
            pltpu.sync_copy(h_hbm.at[pl.ds(t * _ZR, _ZR)], hrows)
            pltpu.sync_copy(hrows, acc_s.at[bidx.at[0]], add=True)
            pltpu.sync_copy(ones_v, acc_c.at[bidx.at[0]], add=True)

        plsc.subcore_barrier()

        @pl.when(sid < g_chunks)
        def _():
            pltpu.sync_copy(acc_s.at[pl.ds(sid * gr, gr)],
                            osum_hbm.at[cid].at[pl.ds(sid * gr, gr)])
            pltpu.sync_copy(acc_c.at[pl.ds(sid * gr, gr)],
                            ocnt_hbm.at[cid].at[pl.ds(sid * gr, gr)])

    return k(h, batch)



_BLK = 1000


def _dot(a, b):
    return jnp.dot(a, b, preferred_element_type=jnp.float32,
                   precision=lax.Precision.HIGHEST)


def _tc_embed(x, emb_W, emb_b, cw0):
    n, d = x.shape

    def body(x_ref, w_ref, b_ref, cw_ref, o_ref):
        h = _dot(x_ref[...], w_ref[...]) + b_ref[...]
        o_ref[...] = _dot(h, cw_ref[...])

    return pl.pallas_call(
        body,
        grid=(n // _BLK,),
        in_specs=[
            pl.BlockSpec((_BLK, d), lambda i: (i, 0)),
            pl.BlockSpec((d, d), lambda i: (0, 0)),
            pl.BlockSpec((1, d), lambda i: (0, 0)),
            pl.BlockSpec((d, d), lambda i: (0, 0)),
        ],
        out_specs=pl.BlockSpec((_BLK, d), lambda i: (i, 0)),
        out_shape=jax.ShapeDtypeStruct((n, d), jnp.float32),
    )(x, emb_W, emb_b.reshape(1, d), cw0)


def _dinv_from(degp_ref):
    deg = degp_ref[0, :, 0] + degp_ref[1, :, 0] + 1.0
    return lax.rsqrt(deg)[:, None]


def _tc_scale(m0, degp):
    n, d = m0.shape

    def body(m_ref, g_ref, o_ref):
        o_ref[...] = _dinv_from(g_ref) * m_ref[...]

    return pl.pallas_call(
        body,
        grid=(n // _BLK,),
        in_specs=[
            pl.BlockSpec((_BLK, d), lambda i: (i, 0)),
            pl.BlockSpec((2, _BLK, 16), lambda i: (0, i, 0)),
        ],
        out_specs=pl.BlockSpec((_BLK, d), lambda i: (i, 0)),
        out_shape=jax.ShapeDtypeStruct((n, d), jnp.float32),
    )(m0, degp)


def _bn_relu(agg, g_ref, b_ref):
    scale = g_ref[...] * (1.0 / jnp.sqrt(1.0 + _EPS))
    return jnp.maximum(scale * agg + b_ref[...], 0.0)


def _tc_layer(p, u, selfc, degp, bn_g, bn_b, conv_b, cw_next):
    n, d = u.shape

    def body(p_ref, u_ref, sc_ref, g_ref, bg_ref, bb_ref, cb_ref, cw_ref,
             o_ref):
        dinv = _dinv_from(g_ref)
        agg = dinv * (p_ref[0] + p_ref[1] + sc_ref[...] * u_ref[...]) \
            + cb_ref[...]
        h = _bn_relu(agg, bg_ref, bb_ref)
        o_ref[...] = dinv * _dot(h, cw_ref[...])

    return pl.pallas_call(
        body,
        grid=(n // _BLK,),
        in_specs=[
            pl.BlockSpec((2, _BLK, d), lambda i: (0, i, 0)),
            pl.BlockSpec((_BLK, d), lambda i: (i, 0)),
            pl.BlockSpec((_BLK, 1), lambda i: (i, 0)),
            pl.BlockSpec((2, _BLK, 16), lambda i: (0, i, 0)),
            pl.BlockSpec((1, d), lambda i: (0, 0)),
            pl.BlockSpec((1, d), lambda i: (0, 0)),
            pl.BlockSpec((1, d), lambda i: (0, 0)),
            pl.BlockSpec((d, d), lambda i: (0, 0)),
        ],
        out_specs=pl.BlockSpec((_BLK, d), lambda i: (i, 0)),
        out_shape=jax.ShapeDtypeStruct((n, d), jnp.float32),
    )(p, u, selfc, degp, bn_g.reshape(1, d), bn_b.reshape(1, d),
      conv_b.reshape(1, d), cw_next)


def _tc_last(p, u, selfc, degp, bn_g, bn_b, conv_b):
    n, d = u.shape

    def body(p_ref, u_ref, sc_ref, g_ref, bg_ref, bb_ref, cb_ref, o_ref):
        dinv = _dinv_from(g_ref)
        agg = dinv * (p_ref[0] + p_ref[1] + sc_ref[...] * u_ref[...]) \
            + cb_ref[...]
        o_ref[...] = _bn_relu(agg, bg_ref, bb_ref)

    return pl.pallas_call(
        body,
        grid=(n // _BLK,),
        in_specs=[
            pl.BlockSpec((2, _BLK, d), lambda i: (0, i, 0)),
            pl.BlockSpec((_BLK, d), lambda i: (i, 0)),
            pl.BlockSpec((_BLK, 1), lambda i: (i, 0)),
            pl.BlockSpec((2, _BLK, 16), lambda i: (0, i, 0)),
            pl.BlockSpec((1, d), lambda i: (0, 0)),
            pl.BlockSpec((1, d), lambda i: (0, 0)),
            pl.BlockSpec((1, d), lambda i: (0, 0)),
        ],
        out_specs=pl.BlockSpec((_BLK, d), lambda i: (i, 0)),
        out_shape=jax.ShapeDtypeStruct((n, d), jnp.float32),
    )(p, u, selfc, degp, bn_g.reshape(1, d), bn_b.reshape(1, d),
      conv_b.reshape(1, d))


def _tc_head(sums, cnts, mlp_W1, mlp_b1, mlp_bn_g, mlp_bn_b, mlp_W2, mlp_b2):
    g, d = sums.shape[1], sums.shape[2]

    def body(s_ref, c_ref, w1_ref, b1_ref, g_ref, b_ref, w2_ref, b2_ref,
             o_ref):
        cnt = c_ref[0, :, 0] + c_ref[1, :, 0]
        pooled = (s_ref[0] + s_ref[1]) / jnp.maximum(cnt, 1.0)[:, None]
        t = _dot(pooled, w1_ref[...]) + b1_ref[...]
        h2 = _bn_relu(t, g_ref, b_ref)
        o_ref[...] = jnp.sum(h2 * w2_ref[...], axis=1,
                             keepdims=True) + b2_ref[...]

    out = pl.pallas_call(
        body,
        out_shape=jax.ShapeDtypeStruct((g, 1), jnp.float32),
    )(sums, cnts, mlp_W1, mlp_b1.reshape(1, d), mlp_bn_g.reshape(1, d),
      mlp_bn_b.reshape(1, d), mlp_W2.reshape(1, d), mlp_b2.reshape(1, 1))
    return out[:_G]


def kernel(x, edge_index, batch, emb_W, emb_b, conv_W, conv_b, bn_g, bn_b,
           mlp_W1, mlp_b1, mlp_bn_g, mlp_bn_b, mlp_W2, mlp_b2):
    n, d = x.shape
    num_layers = conv_W.shape[0]
    src = edge_index[0]
    dst = edge_index[1]

    e = src.shape[0]
    nw = _NC * _NS
    p_chunks = 80
    e_pad = nw * p_chunks * _C
    npad = e_pad - e
    padr_np = (np.arange(npad, dtype=np.int64) * 37) % n
    padr = jnp.asarray(padr_np, dst.dtype)
    src3 = jnp.concatenate([src, padr]).reshape(nw, p_chunks, _C)
    dst3 = jnp.concatenate([dst, padr]).reshape(nw, p_chunks, _C)
    dst3d = jnp.concatenate(
        [dst, jnp.full((npad,), n, dst.dtype)]).reshape(nw, p_chunks, _C)
    selfc = jnp.asarray(
        1.0 - np.bincount(padr_np, minlength=n), jnp.float32).reshape(n, 1)

    degp = _sc_degree(dst3d, n)
    m0 = _tc_embed(x, emb_W, emb_b, conv_W[0])
    u = _tc_scale(m0, degp)
    h = None
    for l in range(num_layers):
        p = _sc_scatter(u, src3, dst3)
        if l + 1 < num_layers:
            u = _tc_layer(p, u, selfc, degp, bn_g[l], bn_b[l], conv_b[l],
                          conv_W[l + 1])
        else:
            h = _tc_last(p, u, selfc, degp, bn_g[l], bn_b[l], conv_b[l])
    sums, cnts = _sc_pool(h, batch)
    return _tc_head(sums, cnts, mlp_W1, mlp_b1, mlp_bn_g, mlp_bn_b,
                    mlp_W2, mlp_b2)

# --- scband reference (transcript-rebuilt; emitter-appended) ---
"""Pipeline reference for scband-molecular-gnn-48249662603743 (READ-ONLY COPY).

The authoritative reference and input builder live on the scoring server;
editing this copy changes nothing except your own understanding.
"""

import jax, jax.numpy as jnp
import numpy as np

N = 10000
E = 320000
D = 128
G = 500
L = 3
EPS = 1e-5


def setup_inputs(seed: int = 0):
    key = jax.random.key(seed)
    ks = jax.random.split(key, 8)
    s = 0.05
    x = jax.random.normal(ks[0], (N, D), dtype=jnp.float32)
    edge_index = jax.random.randint(ks[1], (2, E), 0, N, dtype=jnp.int32)
    batch = jnp.sort(jax.random.randint(ks[2], (N,), 0, G, dtype=jnp.int32))
    emb_W = jax.random.normal(ks[3], (D, D), dtype=jnp.float32) * s
    emb_b = jnp.zeros((D,), dtype=jnp.float32)
    conv_W = jax.random.normal(ks[4], (L, D, D), dtype=jnp.float32) * s
    conv_b = jnp.zeros((L, D), dtype=jnp.float32)
    bn_g = jnp.ones((L, D), dtype=jnp.float32)
    bn_b = jnp.zeros((L, D), dtype=jnp.float32)
    mlp_W1 = jax.random.normal(ks[5], (D, D), dtype=jnp.float32) * s
    mlp_b1 = jnp.zeros((D,), dtype=jnp.float32)
    mlp_bn_g = jnp.ones((D,), dtype=jnp.float32)
    mlp_bn_b = jnp.zeros((D,), dtype=jnp.float32)
    mlp_W2 = jax.random.normal(ks[6], (D, 1), dtype=jnp.float32) * s
    mlp_b2 = jnp.zeros((1,), dtype=jnp.float32)
    return {"x": x, "edge_index": edge_index, "batch": batch,
            "emb_W": emb_W, "emb_b": emb_b, "conv_W": conv_W, "conv_b": conv_b,
            "bn_g": bn_g, "bn_b": bn_b, "mlp_W1": mlp_W1, "mlp_b1": mlp_b1,
            "mlp_bn_g": mlp_bn_g, "mlp_bn_b": mlp_bn_b, "mlp_W2": mlp_W2, "mlp_b2": mlp_b2}


def _bn(h, g, b):
    # BatchNorm1d in eval mode: running_mean=0, running_var=1
    return g * (h / jnp.sqrt(1.0 + EPS)) + b


def _forward(x, emb_W, emb_b, conv_W, conv_b, bn_g, bn_b,
             mlp_W1, mlp_b1, mlp_bn_g, mlp_bn_b, mlp_W2, mlp_b2,
             edge_index, batch):
    src = edge_index[0]
    dst = edge_index[1]
    loop = jnp.arange(N, dtype=src.dtype)
    src2 = jnp.concatenate([src, loop])
    dst2 = jnp.concatenate([dst, loop])
    # GCN symmetric normalization with self-loops
    deg = jax.ops.segment_sum(jnp.ones_like(dst2, dtype=jnp.float32), dst2, num_segments=N)
    dinv = jnp.where(deg > 0, 1.0 / jnp.sqrt(deg), 0.0)
    norm = dinv[src2] * dinv[dst2]
    # embedding linear
    h = x @ emb_W + emb_b
    for l in range(L):
        m = h @ conv_W[l]
        agg = jax.ops.segment_sum(m[src2] * norm[:, None], dst2, num_segments=N) + conv_b[l]
        h = jax.nn.relu(_bn(agg, bn_g[l], bn_b[l]))
    # global mean pool over batch vector
    sums = jax.ops.segment_sum(h, batch, num_segments=G)
    cnt = jax.ops.segment_sum(jnp.ones((N,), dtype=jnp.float32), batch, num_segments=G)
    pooled = sums / jnp.clip(cnt, 1.0)[:, None]
    # MLP head
    h2 = jax.nn.relu(_bn(pooled @ mlp_W1 + mlp_b1, mlp_bn_g, mlp_bn_b))
    return h2 @ mlp_W2 + mlp_b2


def reference(x, edge_index, batch, emb_W, emb_b, conv_W, conv_b, bn_g, bn_b,
              mlp_W1, mlp_b1, mlp_bn_g, mlp_bn_b, mlp_W2, mlp_b2):
    return _forward(x, emb_W, emb_b, conv_W, conv_b, bn_g, bn_b,
                    mlp_W1, mlp_b1, mlp_bn_g, mlp_bn_b, mlp_W2, mlp_b2,
                    edge_index, batch)

if __name__ == "__main__":
    import jax
    _d = setup_inputs()
    print(jax.jit(kernel)(*tuple(_d.values())))

</pallas_src>

<mosaic_0001>
#map = affine_map<(d0, d1) -> (0, 0)>
#map1 = affine_map<(d0, d1) -> (0, 0, 0)>
module attributes {stable_mosaic.version = 14 : i64} {
  func.func @k(%arg0: i32, %arg1: i32, %arg2: memref<10000x128xf32, #tpu.memory_space<hbm>>, %arg3: memref<32x80x128xi32, #tpu.memory_space<hbm>>, %arg4: memref<32x80x128xi32, #tpu.memory_space<hbm>>, %arg5: memref<2x10000x128xf32, #tpu.memory_space<hbm>>, %arg6: memref<40x128xi32, #tpu.memory_space<vmem>>, %arg7: memref<40x128xi32, #tpu.memory_space<vmem>>, %arg8: memref<2x128x128xf32, #tpu.memory_space<vmem>>, %arg9: memref<40x128xf32, #tpu.memory_space<vmem>>, %arg10: memref<10000x128xf32, #tpu.memory_space<vmem_shared>>, %arg11: memref<!tpu.dma_semaphore, #tpu.memory_space<semaphore_mem>>, %arg12: memref<!tpu.dma_semaphore, #tpu.memory_space<semaphore_mem>>) attributes {dimension_semantics = [#tpu.dimension_semantics<core_parallel>, #tpu.dimension_semantics<subcore_parallel>], iteration_bounds = array<i64: 2, 16>, scalar_prefetch = 0 : i64, scratch_operands = 7 : i64, tpu.core_type = #tpu.core_type<sc_vector_subcore>, window_params = [{transform_indices = #map}, {transform_indices = #map1}, {transform_indices = #map1}, {transform_indices = #map1}]} {
    %mul3A = arith.constant 16 : i32
    %mul3A_0 = arith.muli %arg0, %mul3A : i32
    %add3A = arith.addi %mul3A_0, %arg1 : i32
    %broadcast_in_dim3A = arith.constant 0.000000e+00 : f32
    %broadcast_in_dim3A_1 = vector.broadcast %broadcast_in_dim3A : f32 to vector<16xf32>
    %scan3A = arith.constant 0 : i32
    %scan3A_2 = arith.constant 40 : i32
    %scan3A_3 = arith.addi %scan3A, %scan3A_2 : i32
    %scan3A_4 = arith.constant 1 : i32
    scf.for %scan3A_97 = %scan3A to %scan3A_3 step %scan3A_4  : i32 {
      %mul3A_98 = arith.constant 1 : i32
      %mul3A_99 = arith.muli %scan3A_97, %mul3A_98 : i32
      %add3A_100 = arith.constant 0 : i32
      %add3A_101 = arith.addi %add3A_100, %mul3A_99 : i32
      %scan3A_102 = arith.constant 0 : i32
      %scan3A_103 = arith.constant 8 : i32
      %scan3A_104 = arith.addi %scan3A_102, %scan3A_103 : i32
      %scan3A_105 = arith.constant 1 : i32
      scf.for %scan3A_107 = %scan3A_102 to %scan3A_104 step %scan3A_105  : i32 {
        %mul3A_108 = arith.constant 16 : i32
        %mul3A_109 = arith.muli %scan3A_107, %mul3A_108 : i32
        %add3A_110 = arith.constant 0 : i32
        %add3A_111 = arith.addi %add3A_110, %mul3A_109 : i32
        %swap3A = arith.index_cast %add3A_101 : i32 to index
        %swap3A_112 = arith.index_cast %add3A_111 : i32 to index
        %swap3A_113 = tpu.vector_load %arg9[%swap3A, %swap3A_112] {strides = array<i32>} : memref<40x128xf32, #tpu.memory_space<vmem>>, vector<1x16xf32>,
        %swap3A_114 = vector.shape_cast %swap3A_113 : vector<1x16xf32> to vector<16xf32>
        %swap3A_115 = vector.shape_cast %broadcast_in_dim3A_1 : vector<16xf32> to vector<1x16xf32>
        tpu.vector_store %arg9[%swap3A, %swap3A_112], %swap3A_115 {strides = array<i32>} : memref<40x128xf32, #tpu.memory_space<vmem>>, vector<1x16xf32>,
      }
      %scan3A_106 = arith.constant 8 : i32
    }
    %scan3A_5 = arith.constant 40 : i32
    %sub3A = arith.constant 250 : i32
    %sub3A_6 = arith.subi %sub3A, %arg1 : i32
    %sub3A_7 = arith.constant 16 : i32
    %sub3A_8 = arith.constant 1 : i32
    %sub3A_9 = arith.subi %sub3A_7, %sub3A_8 : i32
    %add3A_10 = arith.addi %sub3A_6, %sub3A_9 : i32
    %div3A = arith.constant 16 : i32
    %div3A_11 = arith.divsi %add3A_10, %div3A : i32
    %while3A = arith.constant 16 : i32
    %while3A_12 = arith.constant 0 : i32
    %while3A_13 = arith.subi %div3A_11, %while3A_12 : i32
    %while3A_14 = arith.addi %while3A_12, %while3A_13 : i32
    %while3A_15 = arith.constant 1 : i32
    %while3A_16 = arith.divsi %while3A_13, %while3A_15 : i32
    %while3A_17 = arith.muli %while3A_16, %while3A_15 : i32
    %while3A_18 = arith.addi %while3A_12, %while3A_17 : i32
    %while3A_19 = arith.constant 1 : i32
    scf.for %while3A_97 = %while3A_12 to %while3A_18 step %while3A_19  : i32 {
      %mul3A_98 = arith.muli %while3A_97, %while3A : i32
      %add3A_99 = arith.addi %arg1, %mul3A_98 : i32
      %mul3A_100 = arith.constant 40 : i32
      %mul3A_101 = arith.muli %add3A_99, %mul3A_100 : i32
      "tpu.region"() ({
        %run_scoped3A = tpu.sem_alloc : memref<!tpu.dma_semaphore, #tpu.memory_space<semaphore_mem>>
        %dma_start3A_102 = arith.constant 0 : i32
        %dma_start3A_103 = tpu.memref_slice %arg10[%mul3A_101, %dma_start3A_102] : memref<10000x128xf32, #tpu.memory_space<vmem_shared>> -> memref<40x128xf32, #tpu.memory_space<vmem_shared>>
        %dma_start3A_104 = arith.constant 0 : i32
        %dma_start3A_105 = tpu.memref_slice %arg10[%mul3A_101, %dma_start3A_104] : memref<10000x128xf32, #tpu.memory_space<vmem_shared>> -> memref<40x128xf32, #tpu.memory_space<vmem_shared>>
        tpu.enqueue_dma source(%arg9 : memref<40x128xf32, #tpu.memory_space<vmem>>) target(%dma_start3A_105 : memref<40x128xf32, #tpu.memory_space<vmem_shared>>) target_semaphore(%run_scoped3A : memref<!tpu.dma_semaphore, #tpu.memory_space<semaphore_mem>>)
        %dma_wait3A = arith.constant 0 : i32
        %dma_wait3A_106 = tpu.memref_slice %arg10[%mul3A_101, %dma_wait3A] : memref<10000x128xf32, #tpu.memory_space<vmem_shared>> -> memref<40x128xf32, #tpu.memory_space<vmem_shared>>
        %dma_wait3A_107 = arith.constant 0 : i32
        %dma_wait3A_108 = tpu.memref_slice %arg10[%mul3A_101, %dma_wait3A_107] : memref<10000x128xf32, #tpu.memory_space<vmem_shared>> -> memref<40x128xf32, #tpu.memory_space<vmem_shared>>
        tpu.wait_dma2 semaphore(%run_scoped3A : memref<!tpu.dma_semaphore, #tpu.memory_space<semaphore_mem>>) src(%arg9 : memref<40x128xf32, #tpu.memory_space<vmem>>) dst(%dma_wait3A_108 : memref<40x128xf32, #tpu.memory_space<vmem_shared>>)
        tpu.yield
      }) : () -> ()
    }
    %while3A_20 = arith.constant 1 : i32
    scf.for %while3A_97 = %while3A_18 to %while3A_14 step %while3A_20  : i32 {
      %mul3A_98 = arith.muli %while3A_97, %while3A : i32
      %add3A_99 = arith.addi %arg1, %mul3A_98 : i32
      %mul3A_100 = arith.constant 40 : i32
      %mul3A_101 = arith.muli %add3A_99, %mul3A_100 : i32
      "tpu.region"() ({
        %run_scoped3A = tpu.sem_alloc : memref<!tpu.dma_semaphore, #tpu.memory_space<semaphore_mem>>
        %dma_start3A_102 = arith.constant 0 : i32
        %dma_start3A_103 = tpu.memref_slice %arg10[%mul3A_101, %dma_start3A_102] : memref<10000x128xf32, #tpu.memory_space<vmem_shared>> -> memref<40x128xf32, #tpu.memory_space<vmem_shared>>
        %dma_start3A_104 = arith.constant 0 : i32
        %dma_start3A_105 = tpu.memref_slice %arg10[%mul3A_101, %dma_start3A_104] : memref<10000x128xf32, #tpu.memory_space<vmem_shared>> -> memref<40x128xf32, #tpu.memory_space<vmem_shared>>
        tpu.enqueue_dma source(%arg9 : memref<40x128xf32, #tpu.memory_space<vmem>>) target(%dma_start3A_105 : memref<40x128xf32, #tpu.memory_space<vmem_shared>>) target_semaphore(%run_scoped3A : memref<!tpu.dma_semaphore, #tpu.memory_space<semaphore_mem>>)
        %dma_wait3A = arith.constant 0 : i32
        %dma_wait3A_106 = tpu.memref_slice %arg10[%mul3A_101, %dma_wait3A] : memref<10000x128xf32, #tpu.memory_space<vmem_shared>> -> memref<40x128xf32, #tpu.memory_space<vmem_shared>>
        %dma_wait3A_107 = arith.constant 0 : i32
        %dma_wait3A_108 = tpu.memref_slice %arg10[%mul3A_101, %dma_wait3A_107] : memref<10000x128xf32, #tpu.memory_space<vmem_shared>> -> memref<40x128xf32, #tpu.memory_space<vmem_shared>>
        tpu.wait_dma2 semaphore(%run_scoped3A : memref<!tpu.dma_semaphore, #tpu.memory_space<semaphore_mem>>) src(%arg9 : memref<40x128xf32, #tpu.memory_space<vmem>>) dst(%dma_wait3A_108 : memref<40x128xf32, #tpu.memory_space<vmem_shared>>)
        tpu.yield
      }) : () -> ()
    }
    %barrier3A = arith.constant 0 : index
    tpu.barrier barrier_id(%barrier3A)
    "tpu.region"() ({
      %run_scoped3A = tpu.sem_alloc : memref<!tpu.dma_semaphore, #tpu.memory_space<semaphore_mem>>
      %dma_start3A_97 = arith.constant 0 : i32
      %dma_start3A_98 = arith.constant 0 : i32
      %dma_start3A_99 = tpu.memref_slice %arg3[%add3A, %dma_start3A_97, %dma_start3A_98] : memref<32x80x128xi32, #tpu.memory_space<hbm>> -> memref<1x80x128xi32, #tpu.memory_space<hbm>>
      %dma_start3A_100 = tpu.memref_squeeze %dma_start3A_99 : memref<1x80x128xi32, #tpu.memory_space<hbm>> -> memref<80x128xi32, #tpu.memory_space<hbm>>
      %dma_start3A_101 = arith.constant 0 : i32
      %dma_start3A_102 = arith.constant 0 : i32
      %dma_start3A_103 = tpu.memref_slice %dma_start3A_100[%dma_start3A_101, %dma_start3A_102] : memref<80x128xi32, #tpu.memory_space<hbm>> -> memref<40x128xi32, #tpu.memory_space<hbm>>
      %dma_start3A_104 = arith.constant 0 : i32
      %dma_start3A_105 = arith.constant 0 : i32
      %dma_start3A_106 = tpu.memref_slice %arg3[%add3A, %dma_start3A_104, %dma_start3A_105] : memref<32x80x128xi32, #tpu.memory_space<hbm>> -> memref<1x80x128xi32, #tpu.memory_space<hbm>>
      %dma_start3A_107 = tpu.memref_squeeze %dma_start3A_106 : memref<1x80x128xi32, #tpu.memory_space<hbm>> -> memref<80x128xi32, #tpu.memory_space<hbm>>
      %dma_start3A_108 = arith.constant 0 : i32
      %dma_start3A_109 = arith.constant 0 : i32
      %dma_start3A_110 = tpu.memref_slice %dma_start3A_107[%dma_start3A_108, %dma_start3A_109] : memref<80x128xi32, #tpu.memory_space<hbm>> -> memref<40x128xi32, #tpu.memory_space<hbm>>
      tpu.enqueue_dma source(%dma_start3A_110 : memref<40x128xi32, #tpu.memory_space<hbm>>) target(%arg6 : memref<40x128xi32, #tpu.memory_space<vmem>>) target_semaphore(%run_scoped3A : memref<!tpu.dma_semaphore, #tpu.memory_space<semaphore_mem>>)
      %dma_wait3A = arith.constant 0 : i32
      %dma_wait3A_111 = arith.constant 0 : i32
      %dma_wait3A_112 = tpu.memref_slice %arg3[%add3A, %dma_wait3A, %dma_wait3A_111] : memref<32x80x128xi32, #tpu.memory_space<hbm>> -> memref<1x80x128xi32, #tpu.memory_space<hbm>>
      %dma_wait3A_113 = tpu.memref_squeeze %dma_wait3A_112 : memref<1x80x128xi32, #tpu.memory_space<hbm>> -> memref<80x128xi32, #tpu.memory_space<hbm>>
      %dma_wait3A_114 = arith.constant 0 : i32
      %dma_wait3A_115 = arith.constant 0 : i32
      %dma_wait3A_116 = tpu.memref_slice %dma_wait3A_113[%dma_wait3A_114, %dma_wait3A_115] : memref<80x128xi32, #tpu.memory_space<hbm>> -> memref<40x128xi32, #tpu.memory_space<hbm>>
      %dma_wait3A_117 = arith.constant 0 : i32
      %dma_wait3A_118 = arith.constant 0 : i32
      %dma_wait3A_119 = tpu.memref_slice %arg3[%add3A, %dma_wait3A_117, %dma_wait3A_118] : memref<32x80x128xi32, #tpu.memory_space<hbm>> -> memref<1x80x128xi32, #tpu.memory_space<hbm>>
      %dma_wait3A_120 = tpu.memref_squeeze %dma_wait3A_119 : memref<1x80x128xi32, #tpu.memory_space<hbm>> -> memref<80x128xi32, #tpu.memory_space<hbm>>
      %dma_wait3A_121 = arith.constant 0 : i32
      %dma_wait3A_122 = arith.constant 0 : i32
      %dma_wait3A_123 = tpu.memref_slice %dma_wait3A_120[%dma_wait3A_121, %dma_wait3A_122] : memref<80x128xi32, #tpu.memory_space<hbm>> -> memref<40x128xi32, #tpu.memory_space<hbm>>
      tpu.wait_dma2 semaphore(%run_scoped3A : memref<!tpu.dma_semaphore, #tpu.memory_space<semaphore_mem>>) src(%dma_wait3A_123 : memref<40x128xi32, #tpu.memory_space<hbm>>) dst(%arg6 : memref<40x128xi32, #tpu.memory_space<vmem>>)
      tpu.yield
    }) : () -> ()
    "tpu.region"() ({
      %run_scoped3A = tpu.sem_alloc : memref<!tpu.dma_semaphore, #tpu.memory_space<semaphore_mem>>
      %dma_start3A_97 = arith.constant 0 : i32
      %dma_start3A_98 = arith.constant 0 : i32
      %dma_start3A_99 = tpu.memref_slice %arg4[%add3A, %dma_start3A_97, %dma_start3A_98] : memref<32x80x128xi32, #tpu.memory_space<hbm>> -> memref<1x80x128xi32, #tpu.memory_space<hbm>>
      %dma_start3A_100 = tpu.memref_squeeze %dma_start3A_99 : memref<1x80x128xi32, #tpu.memory_space<hbm>> -> memref<80x128xi32, #tpu.memory_space<hbm>>
      %dma_start3A_101 = arith.constant 0 : i32
      %dma_start3A_102 = arith.constant 0 : i32
      %dma_start3A_103 = tpu.memref_slice %dma_start3A_100[%dma_start3A_101, %dma_start3A_102] : memref<80x128xi32, #tpu.memory_space<hbm>> -> memref<40x128xi32, #tpu.memory_space<hbm>>
      %dma_start3A_104 = arith.constant 0 : i32
      %dma_start3A_105 = arith.constant 0 : i32
      %dma_start3A_106 = tpu.memref_slice %arg4[%add3A, %dma_start3A_104, %dma_start3A_105] : memref<32x80x128xi32, #tpu.memory_space<hbm>> -> memref<1x80x128xi32, #tpu.memory_space<hbm>>
      %dma_start3A_107 = tpu.memref_squeeze %dma_start3A_106 : memref<1x80x128xi32, #tpu.memory_space<hbm>> -> memref<80x128xi32, #tpu.memory_space<hbm>>
      %dma_start3A_108 = arith.constant 0 : i32
      %dma_start3A_109 = arith.constant 0 : i32
      %dma_start3A_110 = tpu.memref_slice %dma_start3A_107[%dma_start3A_108, %dma_start3A_109] : memref<80x128xi32, #tpu.memory_space<hbm>> -> memref<40x128xi32, #tpu.memory_space<hbm>>
      tpu.enqueue_dma source(%dma_start3A_110 : memref<40x128xi32, #tpu.memory_space<hbm>>) target(%arg7 : memref<40x128xi32, #tpu.memory_space<vmem>>) target_semaphore(%run_scoped3A : memref<!tpu.dma_semaphore, #tpu.memory_space<semaphore_mem>>)
      %dma_wait3A = arith.constant 0 : i32
      %dma_wait3A_111 = arith.constant 0 : i32
      %dma_wait3A_112 = tpu.memref_slice %arg4[%add3A, %dma_wait3A, %dma_wait3A_111] : memref<32x80x128xi32, #tpu.memory_space<hbm>> -> memref<1x80x128xi32, #tpu.memory_space<hbm>>
      %dma_wait3A_113 = tpu.memref_squeeze %dma_wait3A_112 : memref<1x80x128xi32, #tpu.memory_space<hbm>> -> memref<80x128xi32, #tpu.memory_space<hbm>>
      %dma_wait3A_114 = arith.constant 0 : i32
      %dma_wait3A_115 = arith.constant 0 : i32
      %dma_wait3A_116 = tpu.memref_slice %dma_wait3A_113[%dma_wait3A_114, %dma_wait3A_115] : memref<80x128xi32, #tpu.memory_space<hbm>> -> memref<40x128xi32, #tpu.memory_space<hbm>>
      %dma_wait3A_117 = arith.constant 0 : i32
      %dma_wait3A_118 = arith.constant 0 : i32
      %dma_wait3A_119 = tpu.memref_slice %arg4[%add3A, %dma_wait3A_117, %dma_wait3A_118] : memref<32x80x128xi32, #tpu.memory_space<hbm>> -> memref<1x80x128xi32, #tpu.memory_space<hbm>>
      %dma_wait3A_120 = tpu.memref_squeeze %dma_wait3A_119 : memref<1x80x128xi32, #tpu.memory_space<hbm>> -> memref<80x128xi32, #tpu.memory_space<hbm>>
      %dma_wait3A_121 = arith.constant 0 : i32
      %dma_wait3A_122 = arith.constant 0 : i32
      %dma_wait3A_123 = tpu.memref_slice %dma_wait3A_120[%dma_wait3A_121, %dma_wait3A_122] : memref<80x128xi32, #tpu.memory_space<hbm>> -> memref<40x128xi32, #tpu.memory_space<hbm>>
      tpu.wait_dma2 semaphore(%run_scoped3A : memref<!tpu.dma_semaphore, #tpu.memory_space<semaphore_mem>>) src(%dma_wait3A_123 : memref<40x128xi32, #tpu.memory_space<hbm>>) dst(%arg7 : memref<40x128xi32, #tpu.memory_space<vmem>>)
      tpu.yield
    }) : () -> ()
    %dma_start3A = arith.constant 0 : i32
    %dma_start3A_21 = arith.constant 0 : i32
    %dma_start3A_22 = arith.constant 0 : i32
    %dma_start3A_23 = arith.constant 0 : i32
    %dma_start3A_24 = tpu.memref_slice %arg8[%dma_start3A_21, %dma_start3A_22, %dma_start3A_23] : memref<2x128x128xf32, #tpu.memory_space<vmem>> -> memref<1x128x128xf32, #tpu.memory_space<vmem>>
    %dma_start3A_25 = tpu.memref_squeeze %dma_start3A_24 : memref<1x128x128xf32, #tpu.memory_space<vmem>> -> memref<128x128xf32, #tpu.memory_space<vmem>>
    %dma_start3A_26 = arith.constant 0 : i32
    %dma_start3A_27 = tpu.memref_slice %arg6[%dma_start3A, %dma_start3A_26] : memref<40x128xi32, #tpu.memory_space<vmem>> -> memref<1x128xi32, #tpu.memory_space<vmem>>
    %dma_start3A_28 = tpu.memref_squeeze %dma_start3A_27 : memref<1x128xi32, #tpu.memory_space<vmem>> -> memref<128xi32, #tpu.memory_space<vmem>>
    %dma_start3A_29 = arith.constant 0 : i32
    %dma_start3A_30 = arith.constant 0 : i32
    %dma_start3A_31 = tpu.memref_slice %arg2[%dma_start3A_29, %dma_start3A_30] : memref<10000x128xf32, #tpu.memory_space<hbm>> -> memref<10000x128xf32, #tpu.memory_space<hbm>>
    tpu.enqueue_indirect_dma source(%dma_start3A_31 : memref<10000x128xf32, #tpu.memory_space<hbm>>) target(%dma_start3A_25 : memref<128x128xf32, #tpu.memory_space<vmem>>) offsets(%dma_start3A_28 : memref<128xi32, #tpu.memory_space<vmem>>) semaphore(%arg11 : memref<!tpu.dma_semaphore, #tpu.memory_space<semaphore_mem>>)
    %dma_start3A_32 = arith.constant 1 : i32
    %dma_start3A_33 = arith.constant 1 : i32
    %dma_start3A_34 = arith.constant 0 : i32
    %dma_start3A_35 = arith.constant 0 : i32
    %dma_start3A_36 = tpu.memref_slice %arg8[%dma_start3A_33, %dma_start3A_34, %dma_start3A_35] : memref<2x128x128xf32, #tpu.memory_space<vmem>> -> memref<1x128x128xf32, #tpu.memory_space<vmem>>
    %dma_start3A_37 = tpu.memref_squeeze %dma_start3A_36 : memref<1x128x128xf32, #tpu.memory_space<vmem>> -> memref<128x128xf32, #tpu.memory_space<vmem>>
    %dma_start3A_38 = arith.constant 0 : i32
    %dma_start3A_39 = tpu.memref_slice %arg6[%dma_start3A_32, %dma_start3A_38] : memref<40x128xi32, #tpu.memory_space<vmem>> -> memref<1x128xi32, #tpu.memory_space<vmem>>
    %dma_start3A_40 = tpu.memref_squeeze %dma_start3A_39 : memref<1x128xi32, #tpu.memory_space<vmem>> -> memref<128xi32, #tpu.memory_space<vmem>>
    %dma_start3A_41 = arith.constant 0 : i32
    %dma_start3A_42 = arith.constant 0 : i32
    %dma_start3A_43 = tpu.memref_slice %arg2[%dma_start3A_41, %dma_start3A_42] : memref<10000x128xf32, #tpu.memory_space<hbm>> -> memref<10000x128xf32, #tpu.memory_space<hbm>>
    tpu.enqueue_indirect_dma source(%dma_start3A_43 : memref<10000x128xf32, #tpu.memory_space<hbm>>) target(%dma_start3A_37 : memref<128x128xf32, #tpu.memory_space<vmem>>) offsets(%dma_start3A_40 : memref<128xi32, #tpu.memory_space<vmem>>) semaphore(%arg12 : memref<!tpu.dma_semaphore, #tpu.memory_space<semaphore_mem>>)
    %scan3A_44 = arith.constant 0 : i32
    %scan3A_45 = arith.constant 20 : i32
    %scan3A_46 = arith.addi %scan3A_44, %scan3A_45 : i32
    %scan3A_47 = arith.constant 1 : i32
    scf.for %scan3A_97 = %scan3A_44 to %scan3A_46 step %scan3A_47  : i32 {
      %mul3A_98 = arith.constant 1 : i32
      %mul3A_99 = arith.muli %scan3A_97, %mul3A_98 : i32
      %add3A_100 = arith.constant 0 : i32
      %add3A_101 = arith.addi %add3A_100, %mul3A_99 : i32
      %mul3A_102 = arith.constant 2 : i32
      %mul3A_103 = arith.muli %add3A_101, %mul3A_102 : i32
      %add3A_104 = arith.constant 0 : i32
      %add3A_105 = arith.addi %mul3A_103, %add3A_104 : i32
      %dma_wait3A = arith.constant 0 : i32
      %dma_wait3A_106 = arith.constant 0 : i32
      %dma_wait3A_107 = arith.constant 0 : i32
      %dma_wait3A_108 = tpu.memref_slice %arg8[%dma_wait3A, %dma_wait3A_106, %dma_wait3A_107] : memref<2x128x128xf32, #tpu.memory_space<vmem>> -> memref<1x128x128xf32, #tpu.memory_space<vmem>>
      %dma_wait3A_109 = tpu.memref_squeeze %dma_wait3A_108 : memref<1x128x128xf32, #tpu.memory_space<vmem>> -> memref<128x128xf32, #tpu.memory_space<vmem>>
      %dma_wait3A_110 = arith.constant 0 : i32
      %dma_wait3A_111 = tpu.memref_slice %arg6[%add3A_105, %dma_wait3A_110] : memref<40x128xi32, #tpu.memory_space<vmem>> -> memref<1x128xi32, #tpu.memory_space<vmem>>
      %dma_wait3A_112 = tpu.memref_squeeze %dma_wait3A_111 : memref<1x128xi32, #tpu.memory_space<vmem>> -> memref<128xi32, #tpu.memory_space<vmem>>
      %dma_wait3A_113 = arith.constant 0 : i32
      %dma_wait3A_114 = arith.constant 0 : i32
      %dma_wait3A_115 = tpu.memref_slice %arg2[%dma_wait3A_113, %dma_wait3A_114] : memref<10000x128xf32, #tpu.memory_space<hbm>> -> memref<10000x128xf32, #tpu.memory_space<hbm>>
      tpu.wait_indirect_dma semaphore(%arg11 : memref<!tpu.dma_semaphore, #tpu.memory_space<semaphore_mem>>) src(%dma_wait3A_115 : memref<10000x128xf32, #tpu.memory_space<hbm>>) dst(%dma_wait3A_109 : memref<128x128xf32, #tpu.memory_space<vmem>>)
      %run_scoped3A = arith.constant 0 : i32
      "tpu.region"() ({
        %run_scoped3A_143 = tpu.sem_alloc : memref<!tpu.dma_semaphore, #tpu.memory_space<semaphore_mem>>
        %dma_start3A_144 = arith.constant 0 : i32
        %dma_start3A_145 = arith.constant 0 : i32
        %dma_start3A_146 = tpu.memref_slice %arg8[%run_scoped3A, %dma_start3A_144, %dma_start3A_145] : memref<2x128x128xf32, #tpu.memory_space<vmem>> -> memref<1x128x128xf32, #tpu.memory_space<vmem>>
        %dma_start3A_147 = tpu.memref_squeeze %dma_start3A_146 : memref<1x128x128xf32, #tpu.memory_space<vmem>> -> memref<128x128xf32, #tpu.memory_space<vmem>>
        %dma_start3A_148 = arith.constant 0 : i32
        %dma_start3A_149 = tpu.memref_slice %arg7[%add3A_105, %dma_start3A_148] : memref<40x128xi32, #tpu.memory_space<vmem>> -> memref<1x128xi32, #tpu.memory_space<vmem>>
        %dma_start3A_150 = tpu.memref_squeeze %dma_start3A_149 : memref<1x128xi32, #tpu.memory_space<vmem>> -> memref<128xi32, #tpu.memory_space<vmem>>
        %dma_start3A_151 = arith.constant 0 : i32
        %dma_start3A_152 = arith.constant 0 : i32
        %dma_start3A_153 = tpu.memref_slice %arg10[%dma_start3A_151, %dma_start3A_152] : memref<10000x128xf32, #tpu.memory_space<vmem_shared>> -> memref<10000x128xf32, #tpu.memory_space<vmem_shared>>
        tpu.enqueue_indirect_dma source(%dma_start3A_147 : memref<128x128xf32, #tpu.memory_space<vmem>>) target(%dma_start3A_153 : memref<10000x128xf32, #tpu.memory_space<vmem_shared>>) offsets(%dma_start3A_150 : memref<128xi32, #tpu.memory_space<vmem>>) semaphore(%run_scoped3A_143 : memref<!tpu.dma_semaphore, #tpu.memory_space<semaphore_mem>>) {add = true}
        %dma_wait3A_154 = arith.constant 0 : i32
        %dma_wait3A_155 = arith.constant 0 : i32
        %dma_wait3A_156 = tpu.memref_slice %arg8[%run_scoped3A, %dma_wait3A_154, %dma_wait3A_155] : memref<2x128x128xf32, #tpu.memory_space<vmem>> -> memref<1x128x128xf32, #tpu.memory_space<vmem>>
        %dma_wait3A_157 = tpu.memref_squeeze %dma_wait3A_156 : memref<1x128x128xf32, #tpu.memory_space<vmem>> -> memref<128x128xf32, #tpu.memory_space<vmem>>
        %dma_wait3A_158 = arith.constant 0 : i32
        %dma_wait3A_159 = tpu.memref_slice %arg7[%add3A_105, %dma_wait3A_158] : memref<40x128xi32, #tpu.memory_space<vmem>> -> memref<1x128xi32, #tpu.memory_space<vmem>>
        %dma_wait3A_160 = tpu.memref_squeeze %dma_wait3A_159 : memref<1x128xi32, #tpu.memory_space<vmem>> -> memref<128xi32, #tpu.memory_space<vmem>>
        %dma_wait3A_161 = arith.constant 0 : i32
        %dma_wait3A_162 = arith.constant 0 : i32
        %dma_wait3A_163 = tpu.memref_slice %arg10[%dma_wait3A_161, %dma_wait3A_162] : memref<10000x128xf32, #tpu.memory_space<vmem_shared>> -> memref<10000x128xf32, #tpu.memory_space<vmem_shared>>
        tpu.wait_indirect_dma semaphore(%run_scoped3A_143 : memref<!tpu.dma_semaphore, #tpu.memory_space<semaphore_mem>>) src(%dma_wait3A_157 : memref<128x128xf32, #tpu.memory_space<vmem>>) dst(%dma_wait3A_163 : memref<10000x128xf32, #tpu.memory_space<vmem_shared>>)
        tpu.yield
      }) : () -> ()
      %add3A_116 = arith.constant 2 : i32
      %add3A_117 = arith.addi %add3A_105, %add3A_116 : i32
      %lt3A = arith.constant 40 : i32
      %lt3A_118 = arith.cmpi slt, %add3A_117, %lt3A : i32
      %convert_element_type3A = arith.extui %lt3A_118 : i1 to i32
      %cond3A = arith.constant 0 : i32
      %cond3A_119 = arith.cmpi ne, %convert_element_type3A, %cond3A : i32
      scf.if %cond3A_119 {
        %add3A_143 = arith.constant 2 : i32
        %add3A_144 = arith.addi %add3A_105, %add3A_143 : i32
        %dma_start3A_145 = arith.constant 0 : i32
        %dma_start3A_146 = arith.constant 0 : i32
        %dma_start3A_147 = arith.constant 0 : i32
        %dma_start3A_148 = tpu.memref_slice %arg8[%dma_start3A_145, %dma_start3A_146, %dma_start3A_147] : memref<2x128x128xf32, #tpu.memory_space<vmem>> -> memref<1x128x128xf32, #tpu.memory_space<vmem>>
        %dma_start3A_149 = tpu.memref_squeeze %dma_start3A_148 : memref<1x128x128xf32, #tpu.memory_space<vmem>> -> memref<128x128xf32, #tpu.memory_space<vmem>>
        %dma_start3A_150 = arith.constant 0 : i32
        %dma_start3A_151 = tpu.memref_slice %arg6[%add3A_144, %dma_start3A_150] : memref<40x128xi32, #tpu.memory_space<vmem>> -> memref<1x128xi32, #tpu.memory_space<vmem>>
        %dma_start3A_152 = tpu.memref_squeeze %dma_start3A_151 : memref<1x128xi32, #tpu.memory_space<vmem>> -> memref<128xi32, #tpu.memory_space<vmem>>
        %dma_start3A_153 = arith.constant 0 : i32
        %dma_start3A_154 = arith.constant 0 : i32
        %dma_start3A_155 = tpu.memref_slice %arg2[%dma_start3A_153, %dma_start3A_154] : memref<10000x128xf32, #tpu.memory_space<hbm>> -> memref<10000x128xf32, #tpu.memory_space<hbm>>
        tpu.enqueue_indirect_dma source(%dma_start3A_155 : memref<10000x128xf32, #tpu.memory_space<hbm>>) target(%dma_start3A_149 : memref<128x128xf32, #tpu.memory_space<vmem>>) offsets(%dma_start3A_152 : memref<128xi32, #tpu.memory_space<vmem>>) semaphore(%arg11 : memref<!tpu.dma_semaphore, #tpu.memory_space<semaphore_mem>>)
      } else {
      }
      %mul3A_120 = arith.constant 2 : i32
      %mul3A_121 = arith.muli %add3A_101, %mul3A_120 : i32
      %add3A_122 = arith.constant 1 : i32
      %add3A_123 = arith.addi %mul3A_121, %add3A_122 : i32
      %dma_wait3A_124 = arith.constant 1 : i32
      %dma_wait3A_125 = arith.constant 0 : i32
      %dma_wait3A_126 = arith.constant 0 : i32
      %dma_wait3A_127 = tpu.memref_slice %arg8[%dma_wait3A_124, %dma_wait3A_125, %dma_wait3A_126] : memref<2x128x128xf32, #tpu.memory_space<vmem>> -> memref<1x128x128xf32, #tpu.memory_space<vmem>>
      %dma_wait3A_128 = tpu.memref_squeeze %dma_wait3A_127 : memref<1x128x128xf32, #tpu.memory_space<vmem>> -> memref<128x128xf32, #tpu.memory_space<vmem>>
      %dma_wait3A_129 = arith.constant 0 : i32
      %dma_wait3A_130 = tpu.memref_slice %arg6[%add3A_123, %dma_wait3A_129] : memref<40x128xi32, #tpu.memory_space<vmem>> -> memref<1x128xi32, #tpu.memory_space<vmem>>
      %dma_wait3A_131 = tpu.memref_squeeze %dma_wait3A_130 : memref<1x128xi32, #tpu.memory_space<vmem>> -> memref<128xi32, #tpu.memory_space<vmem>>
      %dma_wait3A_132 = arith.constant 0 : i32
      %dma_wait3A_133 = arith.constant 0 : i32
      %dma_wait3A_134 = tpu.memref_slice %arg2[%dma_wait3A_132, %dma_wait3A_133] : memref<10000x128xf32, #tpu.memory_space<hbm>> -> memref<10000x128xf32, #tpu.memory_space<hbm>>
      tpu.wait_indirect_dma semaphore(%arg12 : memref<!tpu.dma_semaphore, #tpu.memory_space<semaphore_mem>>) src(%dma_wait3A_134 : memref<10000x128xf32, #tpu.memory_space<hbm>>) dst(%dma_wait3A_128 : memref<128x128xf32, #tpu.memory_space<vmem>>)
      %run_scoped3A_135 = arith.constant 1 : i32
      "tpu.region"() ({
        %run_scoped3A_143 = tpu.sem_alloc : memref<!tpu.dma_semaphore, #tpu.memory_space<semaphore_mem>>
        %dma_start3A_144 = arith.constant 0 : i32
        %dma_start3A_145 = arith.constant 0 : i32
        %dma_start3A_146 = tpu.memref_slice %arg8[%run_scoped3A_135, %dma_start3A_144, %dma_start3A_145] : memref<2x128x128xf32, #tpu.memory_space<vmem>> -> memref<1x128x128xf32, #tpu.memory_space<vmem>>
        %dma_start3A_147 = tpu.memref_squeeze %dma_start3A_146 : memref<1x128x128xf32, #tpu.memory_space<vmem>> -> memref<128x128xf32, #tpu.memory_space<vmem>>
        %dma_start3A_148 = arith.constant 0 : i32
        %dma_start3A_149 = tpu.memref_slice %arg7[%add3A_123, %dma_start3A_148] : memref<40x128xi32, #tpu.memory_space<vmem>> -> memref<1x128xi32, #tpu.memory_space<vmem>>
        %dma_start3A_150 = tpu.memref_squeeze %dma_start3A_149 : memref<1x128xi32, #tpu.memory_space<vmem>> -> memref<128xi32, #tpu.memory_space<vmem>>
        %dma_start3A_151 = arith.constant 0 : i32
        %dma_start3A_152 = arith.constant 0 : i32
        %dma_start3A_153 = tpu.memref_slice %arg10[%dma_start3A_151, %dma_start3A_152] : memref<10000x128xf32, #tpu.memory_space<vmem_shared>> -> memref<10000x128xf32, #tpu.memory_space<vmem_shared>>
        tpu.enqueue_indirect_dma source(%dma_start3A_147 : memref<128x128xf32, #tpu.memory_space<vmem>>) target(%dma_start3A_153 : memref<10000x128xf32, #tpu.memory_space<vmem_shared>>) offsets(%dma_start3A_150 : memref<128xi32, #tpu.memory_space<vmem>>) semaphore(%run_scoped3A_143 : memref<!tpu.dma_semaphore, #tpu.memory_space<semaphore_mem>>) {add = true}
        %dma_wait3A_154 = arith.constant 0 : i32
        %dma_wait3A_155 = arith.constant 0 : i32
        %dma_wait3A_156 = tpu.memref_slice %arg8[%run_scoped3A_135, %dma_wait3A_154, %dma_wait3A_155] : memref<2x128x128xf32, #tpu.memory_space<vmem>> -> memref<1x128x128xf32, #tpu.memory_space<vmem>>
        %dma_wait3A_157 = tpu.memref_squeeze %dma_wait3A_156 : memref<1x128x128xf32, #tpu.memory_space<vmem>> -> memref<128x128xf32, #tpu.memory_space<vmem>>
        %dma_wait3A_158 = arith.constant 0 : i32
        %dma_wait3A_159 = tpu.memref_slice %arg7[%add3A_123, %dma_wait3A_158] : memref<40x128xi32, #tpu.memory_space<vmem>> -> memref<1x128xi32, #tpu.memory_space<vmem>>
        %dma_wait3A_160 = tpu.memref_squeeze %dma_wait3A_159 : memref<1x128xi32, #tpu.memory_space<vmem>> -> memref<128xi32, #tpu.memory_space<vmem>>
        %dma_wait3A_161 = arith.constant 0 : i32
        %dma_wait3A_162 = arith.constant 0 : i32
        %dma_wait3A_163 = tpu.memref_slice %arg10[%dma_wait3A_161, %dma_wait3A_162] : memref<10000x128xf32, #tpu.memory_space<vmem_shared>> -> memref<10000x128xf32, #tpu.memory_space<vmem_shared>>
        tpu.wait_indirect_dma semaphore(%run_scoped3A_143 : memref<!tpu.dma_semaphore, #tpu.memory_space<semaphore_mem>>) src(%dma_wait3A_157 : memref<128x128xf32, #tpu.memory_space<vmem>>) dst(%dma_wait3A_163 : memref<10000x128xf32, #tpu.memory_space<vmem_shared>>)
        tpu.yield
      }) : () -> ()
      %add3A_136 = arith.constant 2 : i32
      %add3A_137 = arith.addi %add3A_123, %add3A_136 : i32
      %lt3A_138 = arith.constant 40 : i32
      %lt3A_139 = arith.cmpi slt, %add3A_137, %lt3A_138 : i32
      %convert_element_type3A_140 = arith.extui %lt3A_139 : i1 to i32
      %cond3A_141 = arith.constant 0 : i32
      %cond3A_142 = arith.cmpi ne, %convert_element_type3A_140, %cond3A_141 : i32
      scf.if %cond3A_142 {
        %add3A_143 = arith.constant 2 : i32
        %add3A_144 = arith.addi %add3A_123, %add3A_143 : i32
        %dma_start3A_145 = arith.constant 1 : i32
        %dma_start3A_146 = arith.constant 0 : i32
        %dma_start3A_147 = arith.constant 0 : i32
        %dma_start3A_148 = tpu.memref_slice %arg8[%dma_start3A_145, %dma_start3A_146, %dma_start3A_147] : memref<2x128x128xf32, #tpu.memory_space<vmem>> -> memref<1x128x128xf32, #tpu.memory_space<vmem>>
        %dma_start3A_149 = tpu.memref_squeeze %dma_start3A_148 : memref<1x128x128xf32, #tpu.memory_space<vmem>> -> memref<128x128xf32, #tpu.memory_space<vmem>>
        %dma_start3A_150 = arith.constant 0 : i32
        %dma_start3A_151 = tpu.memref_slice %arg6[%add3A_144, %dma_start3A_150] : memref<40x128xi32, #tpu.memory_space<vmem>> -> memref<1x128xi32, #tpu.memory_space<vmem>>
        %dma_start3A_152 = tpu.memref_squeeze %dma_start3A_151 : memref<1x128xi32, #tpu.memory_space<vmem>> -> memref<128xi32, #tpu.memory_space<vmem>>
        %dma_start3A_153 = arith.constant 0 : i32
        %dma_start3A_154 = arith.constant 0 : i32
        %dma_start3A_155 = tpu.memref_slice %arg2[%dma_start3A_153, %dma_start3A_154] : memref<10000x128xf32, #tpu.memory_space<hbm>> -> memref<10000x128xf32, #tpu.memory_space<hbm>>
        tpu.enqueue_indirect_dma source(%dma_start3A_155 : memref<10000x128xf32, #tpu.memory_space<hbm>>) target(%dma_start3A_149 : memref<128x128xf32, #tpu.memory_space<vmem>>) offsets(%dma_start3A_152 : memref<128xi32, #tpu.memory_space<vmem>>) semaphore(%arg12 : memref<!tpu.dma_semaphore, #tpu.memory_space<semaphore_mem>>)
      } else {
      }
    }
    %scan3A_48 = arith.constant 20 : i32
    "tpu.region"() ({
      %run_scoped3A = tpu.sem_alloc : memref<!tpu.dma_semaphore, #tpu.memory_space<semaphore_mem>>
      %dma_start3A_97 = arith.constant 0 : i32
      %dma_start3A_98 = arith.constant 0 : i32
      %dma_start3A_99 = tpu.memref_slice %arg3[%add3A, %dma_start3A_97, %dma_start3A_98] : memref<32x80x128xi32, #tpu.memory_space<hbm>> -> memref<1x80x128xi32, #tpu.memory_space<hbm>>
      %dma_start3A_100 = tpu.memref_squeeze %dma_start3A_99 : memref<1x80x128xi32, #tpu.memory_space<hbm>> -> memref<80x128xi32, #tpu.memory_space<hbm>>
      %dma_start3A_101 = arith.constant 40 : i32
      %dma_start3A_102 = arith.constant 0 : i32
      %dma_start3A_103 = tpu.memref_slice %dma_start3A_100[%dma_start3A_101, %dma_start3A_102] : memref<80x128xi32, #tpu.memory_space<hbm>> -> memref<40x128xi32, #tpu.memory_space<hbm>>
      %dma_start3A_104 = arith.constant 0 : i32
      %dma_start3A_105 = arith.constant 0 : i32
      %dma_start3A_106 = tpu.memref_slice %arg3[%add3A, %dma_start3A_104, %dma_start3A_105] : memref<32x80x128xi32, #tpu.memory_space<hbm>> -> memref<1x80x128xi32, #tpu.memory_space<hbm>>
      %dma_start3A_107 = tpu.memref_squeeze %dma_start3A_106 : memref<1x80x128xi32, #tpu.memory_space<hbm>> -> memref<80x128xi32, #tpu.memory_space<hbm>>
      %dma_start3A_108 = arith.constant 40 : i32
      %dma_start3A_109 = arith.constant 0 : i32
      %dma_start3A_110 = tpu.memref_slice %dma_start3A_107[%dma_start3A_108, %dma_start3A_109] : memref<80x128xi32, #tpu.memory_space<hbm>> -> memref<40x128xi32, #tpu.memory_space<hbm>>
      tpu.enqueue_dma source(%dma_start3A_110 : memref<40x128xi32, #tpu.memory_space<hbm>>) target(%arg6 : memref<40x128xi32, #tpu.memory_space<vmem>>) target_semaphore(%run_scoped3A : memref<!tpu.dma_semaphore, #tpu.memory_space<semaphore_mem>>)
      %dma_wait3A = arith.constant 0 : i32
      %dma_wait3A_111 = arith.constant 0 : i32
      %dma_wait3A_112 = tpu.memref_slice %arg3[%add3A, %dma_wait3A, %dma_wait3A_111] : memref<32x80x128xi32, #tpu.memory_space<hbm>> -> memref<1x80x128xi32, #tpu.memory_space<hbm>>
      %dma_wait3A_113 = tpu.memref_squeeze %dma_wait3A_112 : memref<1x80x128xi32, #tpu.memory_space<hbm>> -> memref<80x128xi32, #tpu.memory_space<hbm>>
      %dma_wait3A_114 = arith.constant 40 : i32
      %dma_wait3A_115 = arith.constant 0 : i32
      %dma_wait3A_116 = tpu.memref_slice %dma_wait3A_113[%dma_wait3A_114, %dma_wait3A_115] : memref<80x128xi32, #tpu.memory_space<hbm>> -> memref<40x128xi32, #tpu.memory_space<hbm>>
      %dma_wait3A_117 = arith.constant 0 : i32
      %dma_wait3A_118 = arith.constant 0 : i32
      %dma_wait3A_119 = tpu.memref_slice %arg3[%add3A, %dma_wait3A_117, %dma_wait3A_118] : memref<32x80x128xi32, #tpu.memory_space<hbm>> -> memref<1x80x128xi32, #tpu.memory_space<hbm>>
      %dma_wait3A_120 = tpu.memref_squeeze %dma_wait3A_119 : memref<1x80x128xi32, #tpu.memory_space<hbm>> -> memref<80x128xi32, #tpu.memory_space<hbm>>
      %dma_wait3A_121 = arith.constant 40 : i32
      %dma_wait3A_122 = arith.constant 0 : i32
      %dma_wait3A_123 = tpu.memref_slice %dma_wait3A_120[%dma_wait3A_121, %dma_wait3A_122] : memref<80x128xi32, #tpu.memory_space<hbm>> -> memref<40x128xi32, #tpu.memory_space<hbm>>
      tpu.wait_dma2 semaphore(%run_scoped3A : memref<!tpu.dma_semaphore, #tpu.memory_space<semaphore_mem>>) src(%dma_wait3A_123 : memref<40x128xi32, #tpu.memory_space<hbm>>) dst(%arg6 : memref<40x128xi32, #tpu.memory_space<vmem>>)
      tpu.yield
    }) : () -> ()
    "tpu.region"() ({
      %run_scoped3A = tpu.sem_alloc : memref<!tpu.dma_semaphore, #tpu.memory_space<semaphore_mem>>
      %dma_start3A_97 = arith.constant 0 : i32
      %dma_start3A_98 = arith.constant 0 : i32
      %dma_start3A_99 = tpu.memref_slice %arg4[%add3A, %dma_start3A_97, %dma_start3A_98] : memref<32x80x128xi32, #tpu.memory_space<hbm>> -> memref<1x80x128xi32, #tpu.memory_space<hbm>>
      %dma_start3A_100 = tpu.memref_squeeze %dma_start3A_99 : memref<1x80x128xi32, #tpu.memory_space<hbm>> -> memref<80x128xi32, #tpu.memory_space<hbm>>
      %dma_start3A_101 = arith.constant 40 : i32
      %dma_start3A_102 = arith.constant 0 : i32
      %dma_start3A_103 = tpu.memref_slice %dma_start3A_100[%dma_start3A_101, %dma_start3A_102] : memref<80x128xi32, #tpu.memory_space<hbm>> -> memref<40x128xi32, #tpu.memory_space<hbm>>
      %dma_start3A_104 = arith.constant 0 : i32
      %dma_start3A_105 = arith.constant 0 : i32
      %dma_start3A_106 = tpu.memref_slice %arg4[%add3A, %dma_start3A_104, %dma_start3A_105] : memref<32x80x128xi32, #tpu.memory_space<hbm>> -> memref<1x80x128xi32, #tpu.memory_space<hbm>>
      %dma_start3A_107 = tpu.memref_squeeze %dma_start3A_106 : memref<1x80x128xi32, #tpu.memory_space<hbm>> -> memref<80x128xi32, #tpu.memory_space<hbm>>
      %dma_start3A_108 = arith.constant 40 : i32
      %dma_start3A_109 = arith.constant 0 : i32
      %dma_start3A_110 = tpu.memref_slice %dma_start3A_107[%dma_start3A_108, %dma_start3A_109] : memref<80x128xi32, #tpu.memory_space<hbm>> -> memref<40x128xi32, #tpu.memory_space<hbm>>
      tpu.enqueue_dma source(%dma_start3A_110 : memref<40x128xi32, #tpu.memory_space<hbm>>) target(%arg7 : memref<40x128xi32, #tpu.memory_space<vmem>>) target_semaphore(%run_scoped3A : memref<!tpu.dma_semaphore, #tpu.memory_space<semaphore_mem>>)
      %dma_wait3A = arith.constant 0 : i32
      %dma_wait3A_111 = arith.constant 0 : i32
      %dma_wait3A_112 = tpu.memref_slice %arg4[%add3A, %dma_wait3A, %dma_wait3A_111] : memref<32x80x128xi32, #tpu.memory_space<hbm>> -> memref<1x80x128xi32, #tpu.memory_space<hbm>>
      %dma_wait3A_113 = tpu.memref_squeeze %dma_wait3A_112 : memref<1x80x128xi32, #tpu.memory_space<hbm>> -> memref<80x128xi32, #tpu.memory_space<hbm>>
      %dma_wait3A_114 = arith.constant 40 : i32
      %dma_wait3A_115 = arith.constant 0 : i32
      %dma_wait3A_116 = tpu.memref_slice %dma_wait3A_113[%dma_wait3A_114, %dma_wait3A_115] : memref<80x128xi32, #tpu.memory_space<hbm>> -> memref<40x128xi32, #tpu.memory_space<hbm>>
      %dma_wait3A_117 = arith.constant 0 : i32
      %dma_wait3A_118 = arith.constant 0 : i32
      %dma_wait3A_119 = tpu.memref_slice %arg4[%add3A, %dma_wait3A_117, %dma_wait3A_118] : memref<32x80x128xi32, #tpu.memory_space<hbm>> -> memref<1x80x128xi32, #tpu.memory_space<hbm>>
      %dma_wait3A_120 = tpu.memref_squeeze %dma_wait3A_119 : memref<1x80x128xi32, #tpu.memory_space<hbm>> -> memref<80x128xi32, #tpu.memory_space<hbm>>
      %dma_wait3A_121 = arith.constant 40 : i32
      %dma_wait3A_122 = arith.constant 0 : i32
      %dma_wait3A_123 = tpu.memref_slice %dma_wait3A_120[%dma_wait3A_121, %dma_wait3A_122] : memref<80x128xi32, #tpu.memory_space<hbm>> -> memref<40x128xi32, #tpu.memory_space<hbm>>
      tpu.wait_dma2 semaphore(%run_scoped3A : memref<!tpu.dma_semaphore, #tpu.memory_space<semaphore_mem>>) src(%dma_wait3A_123 : memref<40x128xi32, #tpu.memory_space<hbm>>) dst(%arg7 : memref<40x128xi32, #tpu.memory_space<vmem>>)
      tpu.yield
    }) : () -> ()
    %dma_start3A_49 = arith.constant 0 : i32
    %dma_start3A_50 = arith.constant 0 : i32
    %dma_start3A_51 = arith.constant 0 : i32
    %dma_start3A_52 = arith.constant 0 : i32
    %dma_start3A_53 = tpu.memref_slice %arg8[%dma_start3A_50, %dma_start3A_51, %dma_start3A_52] : memref<2x128x128xf32, #tpu.memory_space<vmem>> -> memref<1x128x128xf32, #tpu.memory_space<vmem>>
    %dma_start3A_54 = tpu.memref_squeeze %dma_start3A_53 : memref<1x128x128xf32, #tpu.memory_space<vmem>> -> memref<128x128xf32, #tpu.memory_space<vmem>>
    %dma_start3A_55 = arith.constant 0 : i32
    %dma_start3A_56 = tpu.memref_slice %arg6[%dma_start3A_49, %dma_start3A_55] : memref<40x128xi32, #tpu.memory_space<vmem>> -> memref<1x128xi32, #tpu.memory_space<vmem>>
    %dma_start3A_57 = tpu.memref_squeeze %dma_start3A_56 : memref<1x128xi32, #tpu.memory_space<vmem>> -> memref<128xi32, #tpu.memory_space<vmem>>
    %dma_start3A_58 = arith.constant 0 : i32
    %dma_start3A_59 = arith.constant 0 : i32
    %dma_start3A_60 = tpu.memref_slice %arg2[%dma_start3A_58, %dma_start3A_59] : memref<10000x128xf32, #tpu.memory_space<hbm>> -> memref<10000x128xf32, #tpu.memory_space<hbm>>
    tpu.enqueue_indirect_dma source(%dma_start3A_60 : memref<10000x128xf32, #tpu.memory_space<hbm>>) target(%dma_start3A_54 : memref<128x128xf32, #tpu.memory_space<vmem>>) offsets(%dma_start3A_57 : memref<128xi32, #tpu.memory_space<vmem>>) semaphore(%arg11 : memref<!tpu.dma_semaphore, #tpu.memory_space<semaphore_mem>>)
    %dma_start3A_61 = arith.constant 1 : i32
    %dma_start3A_62 = arith.constant 1 : i32
    %dma_start3A_63 = arith.constant 0 : i32
    %dma_start3A_64 = arith.constant 0 : i32
    %dma_start3A_65 = tpu.memref_slice %arg8[%dma_start3A_62, %dma_start3A_63, %dma_start3A_64] : memref<2x128x128xf32, #tpu.memory_space<vmem>> -> memref<1x128x128xf32, #tpu.memory_space<vmem>>
    %dma_start3A_66 = tpu.memref_squeeze %dma_start3A_65 : memref<1x128x128xf32, #tpu.memory_space<vmem>> -> memref<128x128xf32, #tpu.memory_space<vmem>>
    %dma_start3A_67 = arith.constant 0 : i32
    %dma_start3A_68 = tpu.memref_slice %arg6[%dma_start3A_61, %dma_start3A_67] : memref<40x128xi32, #tpu.memory_space<vmem>> -> memref<1x128xi32, #tpu.memory_space<vmem>>
    %dma_start3A_69 = tpu.memref_squeeze %dma_start3A_68 : memref<1x128xi32, #tpu.memory_space<vmem>> -> memref<128xi32, #tpu.memory_space<vmem>>
    %dma_start3A_70 = arith.constant 0 : i32
    %dma_start3A_71 = arith.constant 0 : i32
    %dma_start3A_72 = tpu.memref_slice %arg2[%dma_start3A_70, %dma_start3A_71] : memref<10000x128xf32, #tpu.memory_space<hbm>> -> memref<10000x128xf32, #tpu.memory_space<hbm>>
    tpu.enqueue_indirect_dma source(%dma_start3A_72 : memref<10000x128xf32, #tpu.memory_space<hbm>>) target(%dma_start3A_66 : memref<128x128xf32, #tpu.memory_space<vmem>>) offsets(%dma_start3A_69 : memref<128xi32, #tpu.memory_space<vmem>>) semaphore(%arg12 : memref<!tpu.dma_semaphore, #tpu.memory_space<semaphore_mem>>)
    %scan3A_73 = arith.constant 0 : i32
    %scan3A_74 = arith.constant 20 : i32
    %scan3A_75 = arith.addi %scan3A_73, %scan3A_74 : i32
    %scan3A_76 = arith.constant 1 : i32
    scf.for %scan3A_97 = %scan3A_73 to %scan3A_75 step %scan3A_76  : i32 {
      %mul3A_98 = arith.constant 1 : i32
      %mul3A_99 = arith.muli %scan3A_97, %mul3A_98 : i32
      %add3A_100 = arith.constant 0 : i32
      %add3A_101 = arith.addi %add3A_100, %mul3A_99 : i32
      %mul3A_102 = arith.constant 2 : i32
      %mul3A_103 = arith.muli %add3A_101, %mul3A_102 : i32
      %add3A_104 = arith.constant 0 : i32
      %add3A_105 = arith.addi %mul3A_103, %add3A_104 : i32
      %dma_wait3A = arith.constant 0 : i32
      %dma_wait3A_106 = arith.constant 0 : i32
      %dma_wait3A_107 = arith.constant 0 : i32
      %dma_wait3A_108 = tpu.memref_slice %arg8[%dma_wait3A, %dma_wait3A_106, %dma_wait3A_107] : memref<2x128x128xf32, #tpu.memory_space<vmem>> -> memref<1x128x128xf32, #tpu.memory_space<vmem>>
      %dma_wait3A_109 = tpu.memref_squeeze %dma_wait3A_108 : memref<1x128x128xf32, #tpu.memory_space<vmem>> -> memref<128x128xf32, #tpu.memory_space<vmem>>
      %dma_wait3A_110 = arith.constant 0 : i32
      %dma_wait3A_111 = tpu.memref_slice %arg6[%add3A_105, %dma_wait3A_110] : memref<40x128xi32, #tpu.memory_space<vmem>> -> memref<1x128xi32, #tpu.memory_space<vmem>>
      %dma_wait3A_112 = tpu.memref_squeeze %dma_wait3A_111 : memref<1x128xi32, #tpu.memory_space<vmem>> -> memref<128xi32, #tpu.memory_space<vmem>>
      %dma_wait3A_113 = arith.constant 0 : i32
      %dma_wait3A_114 = arith.constant 0 : i32
      %dma_wait3A_115 = tpu.memref_slice %arg2[%dma_wait3A_113, %dma_wait3A_114] : memref<10000x128xf32, #tpu.memory_space<hbm>> -> memref<10000x128xf32, #tpu.memory_space<hbm>>
      tpu.wait_indirect_dma semaphore(%arg11 : memref<!tpu.dma_semaphore, #tpu.memory_space<semaphore_mem>>) src(%dma_wait3A_115 : memref<10000x128xf32, #tpu.memory_space<hbm>>) dst(%dma_wait3A_109 : memref<128x128xf32, #tpu.memory_space<vmem>>)
      %run_scoped3A = arith.constant 0 : i32
      "tpu.region"() ({
        %run_scoped3A_143 = tpu.sem_alloc : memref<!tpu.dma_semaphore, #tpu.memory_space<semaphore_mem>>
        %dma_start3A_144 = arith.constant 0 : i32
        %dma_start3A_145 = arith.constant 0 : i32
        %dma_start3A_146 = tpu.memref_slice %arg8[%run_scoped3A, %dma_start3A_144, %dma_start3A_145] : memref<2x128x128xf32, #tpu.memory_space<vmem>> -> memref<1x128x128xf32, #tpu.memory_space<vmem>>
        %dma_start3A_147 = tpu.memref_squeeze %dma_start3A_146 : memref<1x128x128xf32, #tpu.memory_space<vmem>> -> memref<128x128xf32, #tpu.memory_space<vmem>>
        %dma_start3A_148 = arith.constant 0 : i32
        %dma_start3A_149 = tpu.memref_slice %arg7[%add3A_105, %dma_start3A_148] : memref<40x128xi32, #tpu.memory_space<vmem>> -> memref<1x128xi32, #tpu.memory_space<vmem>>
        %dma_start3A_150 = tpu.memref_squeeze %dma_start3A_149 : memref<1x128xi32, #tpu.memory_space<vmem>> -> memref<128xi32, #tpu.memory_space<vmem>>
        %dma_start3A_151 = arith.constant 0 : i32
        %dma_start3A_152 = arith.constant 0 : i32
        %dma_start3A_153 = tpu.memref_slice %arg10[%dma_start3A_151, %dma_start3A_152] : memref<10000x128xf32, #tpu.memory_space<vmem_shared>> -> memref<10000x128xf32, #tpu.memory_space<vmem_shared>>
        tpu.enqueue_indirect_dma source(%dma_start3A_147 : memref<128x128xf32, #tpu.memory_space<vmem>>) target(%dma_start3A_153 : memref<10000x128xf32, #tpu.memory_space<vmem_shared>>) offsets(%dma_start3A_150 : memref<128xi32, #tpu.memory_space<vmem>>) semaphore(%run_scoped3A_143 : memref<!tpu.dma_semaphore, #tpu.memory_space<semaphore_mem>>) {add = true}
        %dma_wait3A_154 = arith.constant 0 : i32
        %dma_wait3A_155 = arith.constant 0 : i32
        %dma_wait3A_156 = tpu.memref_slice %arg8[%run_scoped3A, %dma_wait3A_154, %dma_wait3A_155] : memref<2x128x128xf32, #tpu.memory_space<vmem>> -> memref<1x128x128xf32, #tpu.memory_space<vmem>>
        %dma_wait3A_157 = tpu.memref_squeeze %dma_wait3A_156 : memref<1x128x128xf32, #tpu.memory_space<vmem>> -> memref<128x128xf32, #tpu.memory_space<vmem>>
        %dma_wait3A_158 = arith.constant 0 : i32
        %dma_wait3A_159 = tpu.memref_slice %arg7[%add3A_105, %dma_wait3A_158] : memref<40x128xi32, #tpu.memory_space<vmem>> -> memref<1x128xi32, #tpu.memory_space<vmem>>
        %dma_wait3A_160 = tpu.memref_squeeze %dma_wait3A_159 : memref<1x128xi32, #tpu.memory_space<vmem>> -> memref<128xi32, #tpu.memory_space<vmem>>
        %dma_wait3A_161 = arith.constant 0 : i32
        %dma_wait3A_162 = arith.constant 0 : i32
        %dma_wait3A_163 = tpu.memref_slice %arg10[%dma_wait3A_161, %dma_wait3A_162] : memref<10000x128xf32, #tpu.memory_space<vmem_shared>> -> memref<10000x128xf32, #tpu.memory_space<vmem_shared>>
        tpu.wait_indirect_dma semaphore(%run_scoped3A_143 : memref<!tpu.dma_semaphore, #tpu.memory_space<semaphore_mem>>) src(%dma_wait3A_157 : memref<128x128xf32, #tpu.memory_space<vmem>>) dst(%dma_wait3A_163 : memref<10000x128xf32, #tpu.memory_space<vmem_shared>>)
        tpu.yield
      }) : () -> ()
      %add3A_116 = arith.constant 2 : i32
      %add3A_117 = arith.addi %add3A_105, %add3A_116 : i32
      %lt3A = arith.constant 40 : i32
      %lt3A_118 = arith.cmpi slt, %add3A_117, %lt3A : i32
      %convert_element_type3A = arith.extui %lt3A_118 : i1 to i32
      %cond3A = arith.constant 0 : i32
      %cond3A_119 = arith.cmpi ne, %convert_element_type3A, %cond3A : i32
      scf.if %cond3A_119 {
        %add3A_143 = arith.constant 2 : i32
        %add3A_144 = arith.addi %add3A_105, %add3A_143 : i32
        %dma_start3A_145 = arith.constant 0 : i32
        %dma_start3A_146 = arith.constant 0 : i32
        %dma_start3A_147 = arith.constant 0 : i32
        %dma_start3A_148 = tpu.memref_slice %arg8[%dma_start3A_145, %dma_start3A_146, %dma_start3A_147] : memref<2x128x128xf32, #tpu.memory_space<vmem>> -> memref<1x128x128xf32, #tpu.memory_space<vmem>>
        %dma_start3A_149 = tpu.memref_squeeze %dma_start3A_148 : memref<1x128x128xf32, #tpu.memory_space<vmem>> -> memref<128x128xf32, #tpu.memory_space<vmem>>
        %dma_start3A_150 = arith.constant 0 : i32
        %dma_start3A_151 = tpu.memref_slice %arg6[%add3A_144, %dma_start3A_150] : memref<40x128xi32, #tpu.memory_space<vmem>> -> memref<1x128xi32, #tpu.memory_space<vmem>>
        %dma_start3A_152 = tpu.memref_squeeze %dma_start3A_151 : memref<1x128xi32, #tpu.memory_space<vmem>> -> memref<128xi32, #tpu.memory_space<vmem>>
        %dma_start3A_153 = arith.constant 0 : i32
        %dma_start3A_154 = arith.constant 0 : i32
        %dma_start3A_155 = tpu.memref_slice %arg2[%dma_start3A_153, %dma_start3A_154] : memref<10000x128xf32, #tpu.memory_space<hbm>> -> memref<10000x128xf32, #tpu.memory_space<hbm>>
        tpu.enqueue_indirect_dma source(%dma_start3A_155 : memref<10000x128xf32, #tpu.memory_space<hbm>>) target(%dma_start3A_149 : memref<128x128xf32, #tpu.memory_space<vmem>>) offsets(%dma_start3A_152 : memref<128xi32, #tpu.memory_space<vmem>>) semaphore(%arg11 : memref<!tpu.dma_semaphore, #tpu.memory_space<semaphore_mem>>)
      } else {
      }
      %mul3A_120 = arith.constant 2 : i32
      %mul3A_121 = arith.muli %add3A_101, %mul3A_120 : i32
      %add3A_122 = arith.constant 1 : i32
      %add3A_123 = arith.addi %mul3A_121, %add3A_122 : i32
      %dma_wait3A_124 = arith.constant 1 : i32
      %dma_wait3A_125 = arith.constant 0 : i32
      %dma_wait3A_126 = arith.constant 0 : i32
      %dma_wait3A_127 = tpu.memref_slice %arg8[%dma_wait3A_124, %dma_wait3A_125, %dma_wait3A_126] : memref<2x128x128xf32, #tpu.memory_space<vmem>> -> memref<1x128x128xf32, #tpu.memory_space<vmem>>
      %dma_wait3A_128 = tpu.memref_squeeze %dma_wait3A_127 : memref<1x128x128xf32, #tpu.memory_space<vmem>> -> memref<128x128xf32, #tpu.memory_space<vmem>>
      %dma_wait3A_129 = arith.constant 0 : i32
      %dma_wait3A_130 = tpu.memref_slice %arg6[%add3A_123, %dma_wait3A_129] : memref<40x128xi32, #tpu.memory_space<vmem>> -> memref<1x128xi32, #tpu.memory_space<vmem>>
      %dma_wait3A_131 = tpu.memref_squeeze %dma_wait3A_130 : memref<1x128xi32, #tpu.memory_space<vmem>> -> memref<128xi32, #tpu.memory_space<vmem>>
      %dma_wait3A_132 = arith.constant 0 : i32
      %dma_wait3A_133 = arith.constant 0 : i32
      %dma_wait3A_134 = tpu.memref_slice %arg2[%dma_wait3A_132, %dma_wait3A_133] : memref<10000x128xf32, #tpu.memory_space<hbm>> -> memref<10000x128xf32, #tpu.memory_space<hbm>>
      tpu.wait_indirect_dma semaphore(%arg12 : memref<!tpu.dma_semaphore, #tpu.memory_space<semaphore_mem>>) src(%dma_wait3A_134 : memref<10000x128xf32, #tpu.memory_space<hbm>>) dst(%dma_wait3A_128 : memref<128x128xf32, #tpu.memory_space<vmem>>)
      %run_scoped3A_135 = arith.constant 1 : i32
      "tpu.region"() ({
        %run_scoped3A_143 = tpu.sem_alloc : memref<!tpu.dma_semaphore, #tpu.memory_space<semaphore_mem>>
        %dma_start3A_144 = arith.constant 0 : i32
        %dma_start3A_145 = arith.constant 0 : i32
        %dma_start3A_146 = tpu.memref_slice %arg8[%run_scoped3A_135, %dma_start3A_144, %dma_start3A_145] : memref<2x128x128xf32, #tpu.memory_space<vmem>> -> memref<1x128x128xf32, #tpu.memory_space<vmem>>
        %dma_start3A_147 = tpu.memref_squeeze %dma_start3A_146 : memref<1x128x128xf32, #tpu.memory_space<vmem>> -> memref<128x128xf32, #tpu.memory_space<vmem>>
        %dma_start3A_148 = arith.constant 0 : i32
        %dma_start3A_149 = tpu.memref_slice %arg7[%add3A_123, %dma_start3A_148] : memref<40x128xi32, #tpu.memory_space<vmem>> -> memref<1x128xi32, #tpu.memory_space<vmem>>
        %dma_start3A_150 = tpu.memref_squeeze %dma_start3A_149 : memref<1x128xi32, #tpu.memory_space<vmem>> -> memref<128xi32, #tpu.memory_space<vmem>>
        %dma_start3A_151 = arith.constant 0 : i32
        %dma_start3A_152 = arith.constant 0 : i32
        %dma_start3A_153 = tpu.memref_slice %arg10[%dma_start3A_151, %dma_start3A_152] : memref<10000x128xf32, #tpu.memory_space<vmem_shared>> -> memref<10000x128xf32, #tpu.memory_space<vmem_shared>>
        tpu.enqueue_indirect_dma source(%dma_start3A_147 : memref<128x128xf32, #tpu.memory_space<vmem>>) target(%dma_start3A_153 : memref<10000x128xf32, #tpu.memory_space<vmem_shared>>) offsets(%dma_start3A_150 : memref<128xi32, #tpu.memory_space<vmem>>) semaphore(%run_scoped3A_143 : memref<!tpu.dma_semaphore, #tpu.memory_space<semaphore_mem>>) {add = true}
        %dma_wait3A_154 = arith.constant 0 : i32
        %dma_wait3A_155 = arith.constant 0 : i32
        %dma_wait3A_156 = tpu.memref_slice %arg8[%run_scoped3A_135, %dma_wait3A_154, %dma_wait3A_155] : memref<2x128x128xf32, #tpu.memory_space<vmem>> -> memref<1x128x128xf32, #tpu.memory_space<vmem>>
        %dma_wait3A_157 = tpu.memref_squeeze %dma_wait3A_156 : memref<1x128x128xf32, #tpu.memory_space<vmem>> -> memref<128x128xf32, #tpu.memory_space<vmem>>
        %dma_wait3A_158 = arith.constant 0 : i32
        %dma_wait3A_159 = tpu.memref_slice %arg7[%add3A_123, %dma_wait3A_158] : memref<40x128xi32, #tpu.memory_space<vmem>> -> memref<1x128xi32, #tpu.memory_space<vmem>>
        %dma_wait3A_160 = tpu.memref_squeeze %dma_wait3A_159 : memref<1x128xi32, #tpu.memory_space<vmem>> -> memref<128xi32, #tpu.memory_space<vmem>>
        %dma_wait3A_161 = arith.constant 0 : i32
        %dma_wait3A_162 = arith.constant 0 : i32
        %dma_wait3A_163 = tpu.memref_slice %arg10[%dma_wait3A_161, %dma_wait3A_162] : memref<10000x128xf32, #tpu.memory_space<vmem_shared>> -> memref<10000x128xf32, #tpu.memory_space<vmem_shared>>
        tpu.wait_indirect_dma semaphore(%run_scoped3A_143 : memref<!tpu.dma_semaphore, #tpu.memory_space<semaphore_mem>>) src(%dma_wait3A_157 : memref<128x128xf32, #tpu.memory_space<vmem>>) dst(%dma_wait3A_163 : memref<10000x128xf32, #tpu.memory_space<vmem_shared>>)
        tpu.yield
      }) : () -> ()
      %add3A_136 = arith.constant 2 : i32
      %add3A_137 = arith.addi %add3A_123, %add3A_136 : i32
      %lt3A_138 = arith.constant 40 : i32
      %lt3A_139 = arith.cmpi slt, %add3A_137, %lt3A_138 : i32
      %convert_element_type3A_140 = arith.extui %lt3A_139 : i1 to i32
      %cond3A_141 = arith.constant 0 : i32
      %cond3A_142 = arith.cmpi ne, %convert_element_type3A_140, %cond3A_141 : i32
      scf.if %cond3A_142 {
        %add3A_143 = arith.constant 2 : i32
        %add3A_144 = arith.addi %add3A_123, %add3A_143 : i32
        %dma_start3A_145 = arith.constant 1 : i32
        %dma_start3A_146 = arith.constant 0 : i32
        %dma_start3A_147 = arith.constant 0 : i32
        %dma_start3A_148 = tpu.memref_slice %arg8[%dma_start3A_145, %dma_start3A_146, %dma_start3A_147] : memref<2x128x128xf32, #tpu.memory_space<vmem>> -> memref<1x128x128xf32, #tpu.memory_space<vmem>>
        %dma_start3A_149 = tpu.memref_squeeze %dma_start3A_148 : memref<1x128x128xf32, #tpu.memory_space<vmem>> -> memref<128x128xf32, #tpu.memory_space<vmem>>
        %dma_start3A_150 = arith.constant 0 : i32
        %dma_start3A_151 = tpu.memref_slice %arg6[%add3A_144, %dma_start3A_150] : memref<40x128xi32, #tpu.memory_space<vmem>> -> memref<1x128xi32, #tpu.memory_space<vmem>>
        %dma_start3A_152 = tpu.memref_squeeze %dma_start3A_151 : memref<1x128xi32, #tpu.memory_space<vmem>> -> memref<128xi32, #tpu.memory_space<vmem>>
        %dma_start3A_153 = arith.constant 0 : i32
        %dma_start3A_154 = arith.constant 0 : i32
        %dma_start3A_155 = tpu.memref_slice %arg2[%dma_start3A_153, %dma_start3A_154] : memref<10000x128xf32, #tpu.memory_space<hbm>> -> memref<10000x128xf32, #tpu.memory_space<hbm>>
        tpu.enqueue_indirect_dma source(%dma_start3A_155 : memref<10000x128xf32, #tpu.memory_space<hbm>>) target(%dma_start3A_149 : memref<128x128xf32, #tpu.memory_space<vmem>>) offsets(%dma_start3A_152 : memref<128xi32, #tpu.memory_space<vmem>>) semaphore(%arg12 : memref<!tpu.dma_semaphore, #tpu.memory_space<semaphore_mem>>)
      } else {
      }
    }
    %scan3A_77 = arith.constant 20 : i32
    %barrier3A_78 = arith.constant 0 : index
    tpu.barrier barrier_id(%barrier3A_78)
    %sub3A_79 = arith.constant 125 : i32
    %sub3A_80 = arith.subi %sub3A_79, %arg1 : i32
    %sub3A_81 = arith.constant 16 : i32
    %sub3A_82 = arith.constant 1 : i32
    %sub3A_83 = arith.subi %sub3A_81, %sub3A_82 : i32
    %add3A_84 = arith.addi %sub3A_80, %sub3A_83 : i32
    %div3A_85 = arith.constant 16 : i32
    %div3A_86 = arith.divsi %add3A_84, %div3A_85 : i32
    %while3A_87 = arith.constant 16 : i32
    %while3A_88 = arith.constant 0 : i32
    %while3A_89 = arith.subi %div3A_86, %while3A_88 : i32
    %while3A_90 = arith.addi %while3A_88, %while3A_89 : i32
    %while3A_91 = arith.constant 1 : i32
    %while3A_92 = arith.divsi %while3A_89, %while3A_91 : i32
    %while3A_93 = arith.muli %while3A_92, %while3A_91 : i32
    %while3A_94 = arith.addi %while3A_88, %while3A_93 : i32
    %while3A_95 = arith.constant 1 : i32
    scf.for %while3A_97 = %while3A_88 to %while3A_94 step %while3A_95  : i32 {
      %mul3A_98 = arith.muli %while3A_97, %while3A_87 : i32
      %add3A_99 = arith.addi %arg1, %mul3A_98 : i32
      %mul3A_100 = arith.constant 80 : i32
      %mul3A_101 = arith.muli %add3A_99, %mul3A_100 : i32
      %mul3A_102 = arith.constant 80 : i32
      %mul3A_103 = arith.muli %add3A_99, %mul3A_102 : i32
      "tpu.region"() ({
        %run_scoped3A = tpu.sem_alloc : memref<!tpu.dma_semaphore, #tpu.memory_space<semaphore_mem>>
        %dma_start3A_104 = arith.constant 0 : i32
        %dma_start3A_105 = arith.constant 0 : i32
        %dma_start3A_106 = tpu.memref_slice %arg5[%arg0, %dma_start3A_104, %dma_start3A_105] : memref<2x10000x128xf32, #tpu.memory_space<hbm>> -> memref<1x10000x128xf32, #tpu.memory_space<hbm>>
        %dma_start3A_107 = tpu.memref_squeeze %dma_start3A_106 : memref<1x10000x128xf32, #tpu.memory_space<hbm>> -> memref<10000x128xf32, #tpu.memory_space<hbm>>
        %dma_start3A_108 = arith.constant 0 : i32
        %dma_start3A_109 = tpu.memref_slice %dma_start3A_107[%mul3A_103, %dma_start3A_108] : memref<10000x128xf32, #tpu.memory_space<hbm>> -> memref<80x128xf32, #tpu.memory_space<hbm>>
        %dma_start3A_110 = arith.constant 0 : i32
        %dma_start3A_111 = tpu.memref_slice %arg10[%mul3A_101, %dma_start3A_110] : memref<10000x128xf32, #tpu.memory_space<vmem_shared>> -> memref<80x128xf32, #tpu.memory_space<vmem_shared>>
        tpu.enqueue_dma source(%dma_start3A_111 : memref<80x128xf32, #tpu.memory_space<vmem_shared>>) target(%dma_start3A_109 : memref<80x128xf32, #tpu.memory_space<hbm>>) target_semaphore(%run_scoped3A : memref<!tpu.dma_semaphore, #tpu.memory_space<semaphore_mem>>)
        %dma_wait3A = arith.constant 0 : i32
        %dma_wait3A_112 = arith.constant 0 : i32
        %dma_wait3A_113 = tpu.memref_slice %arg5[%arg0, %dma_wait3A, %dma_wait3A_112] : memref<2x10000x128xf32, #tpu.memory_space<hbm>> -> memref<1x10000x128xf32, #tpu.memory_space<hbm>>
        %dma_wait3A_114 = tpu.memref_squeeze %dma_wait3A_113 : memref<1x10000x128xf32, #tpu.memory_space<hbm>> -> memref<10000x128xf32, #tpu.memory_space<hbm>>
        %dma_wait3A_115 = arith.constant 0 : i32
        %dma_wait3A_116 = tpu.memref_slice %dma_wait3A_114[%mul3A_103, %dma_wait3A_115] : memref<10000x128xf32, #tpu.memory_space<hbm>> -> memref<80x128xf32, #tpu.memory_space<hbm>>
        %dma_wait3A_117 = arith.constant 0 : i32
        %dma_wait3A_118 = tpu.memref_slice %arg10[%mul3A_101, %dma_wait3A_117] : memref<10000x128xf32, #tpu.memory_space<vmem_shared>> -> memref<80x128xf32, #tpu.memory_space<vmem_shared>>
        tpu.wait_dma2 semaphore(%run_scoped3A : memref<!tpu.dma_semaphore, #tpu.memory_space<semaphore_mem>>) src(%dma_wait3A_118 : memref<80x128xf32, #tpu.memory_space<vmem_shared>>) dst(%dma_wait3A_116 : memref<80x128xf32, #tpu.memory_space<hbm>>)
        tpu.yield
      }) : () -> ()
    }
    %while3A_96 = arith.constant 1 : i32
    scf.for %while3A_97 = %while3A_94 to %while3A_90 step %while3A_96  : i32 {
      %mul3A_98 = arith.muli %while3A_97, %while3A_87 : i32
      %add3A_99 = arith.addi %arg1, %mul3A_98 : i32
      %mul3A_100 = arith.constant 80 : i32
      %mul3A_101 = arith.muli %add3A_99, %mul3A_100 : i32
      %mul3A_102 = arith.constant 80 : i32
      %mul3A_103 = arith.muli %add3A_99, %mul3A_102 : i32
      "tpu.region"() ({
        %run_scoped3A = tpu.sem_alloc : memref<!tpu.dma_semaphore, #tpu.memory_space<semaphore_mem>>
        %dma_start3A_104 = arith.constant 0 : i32
        %dma_start3A_105 = arith.constant 0 : i32
        %dma_start3A_106 = tpu.memref_slice %arg5[%arg0, %dma_start3A_104, %dma_start3A_105] : memref<2x10000x128xf32, #tpu.memory_space<hbm>> -> memref<1x10000x128xf32, #tpu.memory_space<hbm>>
        %dma_start3A_107 = tpu.memref_squeeze %dma_start3A_106 : memref<1x10000x128xf32, #tpu.memory_space<hbm>> -> memref<10000x128xf32, #tpu.memory_space<hbm>>
        %dma_start3A_108 = arith.constant 0 : i32
        %dma_start3A_109 = tpu.memref_slice %dma_start3A_107[%mul3A_103, %dma_start3A_108] : memref<10000x128xf32, #tpu.memory_space<hbm>> -> memref<80x128xf32, #tpu.memory_space<hbm>>
        %dma_start3A_110 = arith.constant 0 : i32
        %dma_start3A_111 = tpu.memref_slice %arg10[%mul3A_101, %dma_start3A_110] : memref<10000x128xf32, #tpu.memory_space<vmem_shared>> -> memref<80x128xf32, #tpu.memory_space<vmem_shared>>
        tpu.enqueue_dma source(%dma_start3A_111 : memref<80x128xf32, #tpu.memory_space<vmem_shared>>) target(%dma_start3A_109 : memref<80x128xf32, #tpu.memory_space<hbm>>) target_semaphore(%run_scoped3A : memref<!tpu.dma_semaphore, #tpu.memory_space<semaphore_mem>>)
        %dma_wait3A = arith.constant 0 : i32
        %dma_wait3A_112 = arith.constant 0 : i32
        %dma_wait3A_113 = tpu.memref_slice %arg5[%arg0, %dma_wait3A, %dma_wait3A_112] : memref<2x10000x128xf32, #tpu.memory_space<hbm>> -> memref<1x10000x128xf32, #tpu.memory_space<hbm>>
        %dma_wait3A_114 = tpu.memref_squeeze %dma_wait3A_113 : memref<1x10000x128xf32, #tpu.memory_space<hbm>> -> memref<10000x128xf32, #tpu.memory_space<hbm>>
        %dma_wait3A_115 = arith.constant 0 : i32
        %dma_wait3A_116 = tpu.memref_slice %dma_wait3A_114[%mul3A_103, %dma_wait3A_115] : memref<10000x128xf32, #tpu.memory_space<hbm>> -> memref<80x128xf32, #tpu.memory_space<hbm>>
        %dma_wait3A_117 = arith.constant 0 : i32
        %dma_wait3A_118 = tpu.memref_slice %arg10[%mul3A_101, %dma_wait3A_117] : memref<10000x128xf32, #tpu.memory_space<vmem_shared>> -> memref<80x128xf32, #tpu.memory_space<vmem_shared>>
        tpu.wait_dma2 semaphore(%run_scoped3A : memref<!tpu.dma_semaphore, #tpu.memory_space<semaphore_mem>>) src(%dma_wait3A_118 : memref<80x128xf32, #tpu.memory_space<vmem_shared>>) dst(%dma_wait3A_116 : memref<80x128xf32, #tpu.memory_space<hbm>>)
        tpu.yield
      }) : () -> ()
    }
    return
  }
}

#map = affine_map<(d0, d1) -> (0, 0, 0)>
module attributes {stable_mosaic.version = 14 : i64} {
  func.func @k(%arg0: i32, %arg1: i32, %arg2: memref<32x80x128xi32, #tpu.memory_space<hbm>>, %arg3: memref<2x10000x16xf32, #tpu.memory_space<hbm>>, %arg4: memref<80x128xi32, #tpu.memory_space<vmem>>, %arg5: memref<128x16xf32, #tpu.memory_space<vmem>>, %arg6: memref<80x16xf32, #tpu.memory_space<vmem>>, %arg7: memref<10008x16xf32, #tpu.memory_space<vmem_shared>>, %arg8: memref<!tpu.dma_semaphore, #tpu.memory_space<semaphore_mem>>) attributes {dimension_semantics = [#tpu.dimension_semantics<core_parallel>, #tpu.dimension_semantics<subcore_parallel>], iteration_bounds = array<i64: 2, 16>, scalar_prefetch = 0 : i64, scratch_operands = 5 : i64, tpu.core_type = #tpu.core_type<sc_vector_subcore>, window_params = [{transform_indices = #map}, {transform_indices = #map}]} {
    %mul3A = arith.constant 16 : i32
    %mul3A_0 = arith.muli %arg0, %mul3A : i32
    %add3A = arith.addi %mul3A_0, %arg1 : i32
    %broadcast_in_dim3A = arith.constant 1.000000e+00 : f32
    %broadcast_in_dim3A_1 = vector.broadcast %broadcast_in_dim3A : f32 to vector<16xf32>
    %broadcast_in_dim3A_2 = arith.constant 0.000000e+00 : f32
    %broadcast_in_dim3A_3 = vector.broadcast %broadcast_in_dim3A_2 : f32 to vector<16xf32>
    %scan3A = arith.constant 0 : i32
    %scan3A_4 = arith.constant 128 : i32
    %scan3A_5 = arith.addi %scan3A, %scan3A_4 : i32
    %scan3A_6 = arith.constant 1 : i32
    scf.for %scan3A_52 = %scan3A to %scan3A_5 step %scan3A_6  : i32 {
      %mul3A_53 = arith.constant 1 : i32
      %mul3A_54 = arith.muli %scan3A_52, %mul3A_53 : i32
      %add3A_55 = arith.constant 0 : i32
      %add3A_56 = arith.addi %add3A_55, %mul3A_54 : i32
      %swap3A = arith.index_cast %add3A_56 : i32 to index
      %swap3A_57 = arith.constant 0 : index
      %swap3A_58 = tpu.vector_load %arg5[%swap3A, %swap3A_57] {strides = array<i32>} : memref<128x16xf32, #tpu.memory_space<vmem>>, vector<1x16xf32>,
      %swap3A_59 = vector.shape_cast %swap3A_58 : vector<1x16xf32> to vector<16xf32>
      %swap3A_60 = vector.shape_cast %broadcast_in_dim3A_1 : vector<16xf32> to vector<1x16xf32>
      tpu.vector_store %arg5[%swap3A, %swap3A_57], %swap3A_60 {strides = array<i32>} : memref<128x16xf32, #tpu.memory_space<vmem>>, vector<1x16xf32>,
    }
    %scan3A_7 = arith.constant 128 : i32
    %scan3A_8 = arith.constant 0 : i32
    %scan3A_9 = arith.constant 80 : i32
    %scan3A_10 = arith.addi %scan3A_8, %scan3A_9 : i32
    %scan3A_11 = arith.constant 1 : i32
    scf.for %scan3A_52 = %scan3A_8 to %scan3A_10 step %scan3A_11  : i32 {
      %mul3A_53 = arith.constant 1 : i32
      %mul3A_54 = arith.muli %scan3A_52, %mul3A_53 : i32
      %add3A_55 = arith.constant 0 : i32
      %add3A_56 = arith.addi %add3A_55, %mul3A_54 : i32
      %swap3A = arith.index_cast %add3A_56 : i32 to index
      %swap3A_57 = arith.constant 0 : index
      %swap3A_58 = tpu.vector_load %arg6[%swap3A, %swap3A_57] {strides = array<i32>} : memref<80x16xf32, #tpu.memory_space<vmem>>, vector<1x16xf32>,
      %swap3A_59 = vector.shape_cast %swap3A_58 : vector<1x16xf32> to vector<16xf32>
      %swap3A_60 = vector.shape_cast %broadcast_in_dim3A_3 : vector<16xf32> to vector<1x16xf32>
      tpu.vector_store %arg6[%swap3A, %swap3A_57], %swap3A_60 {strides = array<i32>} : memref<80x16xf32, #tpu.memory_space<vmem>>, vector<1x16xf32>,
    }
    %scan3A_12 = arith.constant 80 : i32
    %sub3A = arith.constant 125 : i32
    %sub3A_13 = arith.subi %sub3A, %arg1 : i32
    %sub3A_14 = arith.constant 16 : i32
    %sub3A_15 = arith.constant 1 : i32
    %sub3A_16 = arith.subi %sub3A_14, %sub3A_15 : i32
    %add3A_17 = arith.addi %sub3A_13, %sub3A_16 : i32
    %div3A = arith.constant 16 : i32
    %div3A_18 = arith.divsi %add3A_17, %div3A : i32
    %while3A = arith.constant 16 : i32
    %while3A_19 = arith.constant 0 : i32
    %while3A_20 = arith.subi %div3A_18, %while3A_19 : i32
    %while3A_21 = arith.addi %while3A_19, %while3A_20 : i32
    %while3A_22 = arith.constant 1 : i32
    %while3A_23 = arith.divsi %while3A_20, %while3A_22 : i32
    %while3A_24 = arith.muli %while3A_23, %while3A_22 : i32
    %while3A_25 = arith.addi %while3A_19, %while3A_24 : i32
    %while3A_26 = arith.constant 1 : i32
    scf.for %while3A_52 = %while3A_19 to %while3A_25 step %while3A_26  : i32 {
      %mul3A_53 = arith.muli %while3A_52, %while3A : i32
      %add3A_54 = arith.addi %arg1, %mul3A_53 : i32
      %mul3A_55 = arith.constant 80 : i32
      %mul3A_56 = arith.muli %add3A_54, %mul3A_55 : i32
      "tpu.region"() ({
        %run_scoped3A = tpu.sem_alloc : memref<!tpu.dma_semaphore, #tpu.memory_space<semaphore_mem>>
        %dma_start3A = arith.constant 0 : i32
        %dma_start3A_57 = tpu.memref_slice %arg7[%mul3A_56, %dma_start3A] : memref<10008x16xf32, #tpu.memory_space<vmem_shared>> -> memref<80x16xf32, #tpu.memory_space<vmem_shared>>
        %dma_start3A_58 = arith.constant 0 : i32
        %dma_start3A_59 = tpu.memref_slice %arg7[%mul3A_56, %dma_start3A_58] : memref<10008x16xf32, #tpu.memory_space<vmem_shared>> -> memref<80x16xf32, #tpu.memory_space<vmem_shared>>
        tpu.enqueue_dma source(%arg6 : memref<80x16xf32, #tpu.memory_space<vmem>>) target(%dma_start3A_59 : memref<80x16xf32, #tpu.memory_space<vmem_shared>>) target_semaphore(%run_scoped3A : memref<!tpu.dma_semaphore, #tpu.memory_space<semaphore_mem>>)
        %dma_wait3A = arith.constant 0 : i32
        %dma_wait3A_60 = tpu.memref_slice %arg7[%mul3A_56, %dma_wait3A] : memref<10008x16xf32, #tpu.memory_space<vmem_shared>> -> memref<80x16xf32, #tpu.memory_space<vmem_shared>>
        %dma_wait3A_61 = arith.constant 0 : i32
        %dma_wait3A_62 = tpu.memref_slice %arg7[%mul3A_56, %dma_wait3A_61] : memref<10008x16xf32, #tpu.memory_space<vmem_shared>> -> memref<80x16xf32, #tpu.memory_space<vmem_shared>>
        tpu.wait_dma2 semaphore(%run_scoped3A : memref<!tpu.dma_semaphore, #tpu.memory_space<semaphore_mem>>) src(%arg6 : memref<80x16xf32, #tpu.memory_space<vmem>>) dst(%dma_wait3A_62 : memref<80x16xf32, #tpu.memory_space<vmem_shared>>)
        tpu.yield
      }) : () -> ()
    }
    %while3A_27 = arith.constant 1 : i32
    scf.for %while3A_52 = %while3A_25 to %while3A_21 step %while3A_27  : i32 {
      %mul3A_53 = arith.muli %while3A_52, %while3A : i32
      %add3A_54 = arith.addi %arg1, %mul3A_53 : i32
      %mul3A_55 = arith.constant 80 : i32
      %mul3A_56 = arith.muli %add3A_54, %mul3A_55 : i32
      "tpu.region"() ({
        %run_scoped3A = tpu.sem_alloc : memref<!tpu.dma_semaphore, #tpu.memory_space<semaphore_mem>>
        %dma_start3A = arith.constant 0 : i32
        %dma_start3A_57 = tpu.memref_slice %arg7[%mul3A_56, %dma_start3A] : memref<10008x16xf32, #tpu.memory_space<vmem_shared>> -> memref<80x16xf32, #tpu.memory_space<vmem_shared>>
        %dma_start3A_58 = arith.constant 0 : i32
        %dma_start3A_59 = tpu.memref_slice %arg7[%mul3A_56, %dma_start3A_58] : memref<10008x16xf32, #tpu.memory_space<vmem_shared>> -> memref<80x16xf32, #tpu.memory_space<vmem_shared>>
        tpu.enqueue_dma source(%arg6 : memref<80x16xf32, #tpu.memory_space<vmem>>) target(%dma_start3A_59 : memref<80x16xf32, #tpu.memory_space<vmem_shared>>) target_semaphore(%run_scoped3A : memref<!tpu.dma_semaphore, #tpu.memory_space<semaphore_mem>>)
        %dma_wait3A = arith.constant 0 : i32
        %dma_wait3A_60 = tpu.memref_slice %arg7[%mul3A_56, %dma_wait3A] : memref<10008x16xf32, #tpu.memory_space<vmem_shared>> -> memref<80x16xf32, #tpu.memory_space<vmem_shared>>
        %dma_wait3A_61 = arith.constant 0 : i32
        %dma_wait3A_62 = tpu.memref_slice %arg7[%mul3A_56, %dma_wait3A_61] : memref<10008x16xf32, #tpu.memory_space<vmem_shared>> -> memref<80x16xf32, #tpu.memory_space<vmem_shared>>
        tpu.wait_dma2 semaphore(%run_scoped3A : memref<!tpu.dma_semaphore, #tpu.memory_space<semaphore_mem>>) src(%arg6 : memref<80x16xf32, #tpu.memory_space<vmem>>) dst(%dma_wait3A_62 : memref<80x16xf32, #tpu.memory_space<vmem_shared>>)
        tpu.yield
      }) : () -> ()
    }
    "tpu.region"() ({
      %run_scoped3A = tpu.sem_alloc : memref<!tpu.dma_semaphore, #tpu.memory_space<semaphore_mem>>
      %dma_start3A = arith.constant 0 : i32
      %dma_start3A_52 = arith.constant 0 : i32
      %dma_start3A_53 = tpu.memref_slice %arg2[%add3A, %dma_start3A, %dma_start3A_52] : memref<32x80x128xi32, #tpu.memory_space<hbm>> -> memref<1x80x128xi32, #tpu.memory_space<hbm>>
      %dma_start3A_54 = tpu.memref_squeeze %dma_start3A_53 : memref<1x80x128xi32, #tpu.memory_space<hbm>> -> memref<80x128xi32, #tpu.memory_space<hbm>>
      %dma_start3A_55 = arith.constant 0 : i32
      %dma_start3A_56 = arith.constant 0 : i32
      %dma_start3A_57 = tpu.memref_slice %arg2[%add3A, %dma_start3A_55, %dma_start3A_56] : memref<32x80x128xi32, #tpu.memory_space<hbm>> -> memref<1x80x128xi32, #tpu.memory_space<hbm>>
      %dma_start3A_58 = tpu.memref_squeeze %dma_start3A_57 : memref<1x80x128xi32, #tpu.memory_space<hbm>> -> memref<80x128xi32, #tpu.memory_space<hbm>>
      tpu.enqueue_dma source(%dma_start3A_58 : memref<80x128xi32, #tpu.memory_space<hbm>>) target(%arg4 : memref<80x128xi32, #tpu.memory_space<vmem>>) target_semaphore(%run_scoped3A : memref<!tpu.dma_semaphore, #tpu.memory_space<semaphore_mem>>)
      %dma_wait3A = arith.constant 0 : i32
      %dma_wait3A_59 = arith.constant 0 : i32
      %dma_wait3A_60 = tpu.memref_slice %arg2[%add3A, %dma_wait3A, %dma_wait3A_59] : memref<32x80x128xi32, #tpu.memory_space<hbm>> -> memref<1x80x128xi32, #tpu.memory_space<hbm>>
      %dma_wait3A_61 = tpu.memref_squeeze %dma_wait3A_60 : memref<1x80x128xi32, #tpu.memory_space<hbm>> -> memref<80x128xi32, #tpu.memory_space<hbm>>
      %dma_wait3A_62 = arith.constant 0 : i32
      %dma_wait3A_63 = arith.constant 0 : i32
      %dma_wait3A_64 = tpu.memref_slice %arg2[%add3A, %dma_wait3A_62, %dma_wait3A_63] : memref<32x80x128xi32, #tpu.memory_space<hbm>> -> memref<1x80x128xi32, #tpu.memory_space<hbm>>
      %dma_wait3A_65 = tpu.memref_squeeze %dma_wait3A_64 : memref<1x80x128xi32, #tpu.memory_space<hbm>> -> memref<80x128xi32, #tpu.memory_space<hbm>>
      tpu.wait_dma2 semaphore(%run_scoped3A : memref<!tpu.dma_semaphore, #tpu.memory_space<semaphore_mem>>) src(%dma_wait3A_65 : memref<80x128xi32, #tpu.memory_space<hbm>>) dst(%arg4 : memref<80x128xi32, #tpu.memory_space<vmem>>)
      tpu.yield
    }) : () -> ()
    %barrier3A = arith.constant 0 : index
    tpu.barrier barrier_id(%barrier3A)
    %scan3A_28 = arith.constant 0 : i32
    %scan3A_29 = arith.constant 80 : i32
    %scan3A_30 = arith.addi %scan3A_28, %scan3A_29 : i32
    %scan3A_31 = arith.constant 1 : i32
    scf.for %scan3A_52 = %scan3A_28 to %scan3A_30 step %scan3A_31  : i32 {
      %mul3A_53 = arith.constant 1 : i32
      %mul3A_54 = arith.muli %scan3A_52, %mul3A_53 : i32
      %add3A_55 = arith.constant 0 : i32
      %add3A_56 = arith.addi %add3A_55, %mul3A_54 : i32
      "tpu.region"() ({
        %run_scoped3A = tpu.sem_alloc : memref<!tpu.dma_semaphore, #tpu.memory_space<semaphore_mem>>
        %dma_start3A = arith.constant 0 : i32
        %dma_start3A_57 = tpu.memref_slice %arg4[%add3A_56, %dma_start3A] : memref<80x128xi32, #tpu.memory_space<vmem>> -> memref<1x128xi32, #tpu.memory_space<vmem>>
        %dma_start3A_58 = tpu.memref_squeeze %dma_start3A_57 : memref<1x128xi32, #tpu.memory_space<vmem>> -> memref<128xi32, #tpu.memory_space<vmem>>
        %dma_start3A_59 = arith.constant 0 : i32
        %dma_start3A_60 = arith.constant 0 : i32
        %dma_start3A_61 = tpu.memref_slice %arg7[%dma_start3A_59, %dma_start3A_60] : memref<10008x16xf32, #tpu.memory_space<vmem_shared>> -> memref<10008x16xf32, #tpu.memory_space<vmem_shared>>
        tpu.enqueue_indirect_dma source(%arg5 : memref<128x16xf32, #tpu.memory_space<vmem>>) target(%dma_start3A_61 : memref<10008x16xf32, #tpu.memory_space<vmem_shared>>) offsets(%dma_start3A_58 : memref<128xi32, #tpu.memory_space<vmem>>) semaphore(%run_scoped3A : memref<!tpu.dma_semaphore, #tpu.memory_space<semaphore_mem>>) {add = true}
        %dma_wait3A = arith.constant 0 : i32
        %dma_wait3A_62 = tpu.memref_slice %arg4[%add3A_56, %dma_wait3A] : memref<80x128xi32, #tpu.memory_space<vmem>> -> memref<1x128xi32, #tpu.memory_space<vmem>>
        %dma_wait3A_63 = tpu.memref_squeeze %dma_wait3A_62 : memref<1x128xi32, #tpu.memory_space<vmem>> -> memref<128xi32, #tpu.memory_space<vmem>>
        %dma_wait3A_64 = arith.constant 0 : i32
        %dma_wait3A_65 = arith.constant 0 : i32
        %dma_wait3A_66 = tpu.memref_slice %arg7[%dma_wait3A_64, %dma_wait3A_65] : memref<10008x16xf32, #tpu.memory_space<vmem_shared>> -> memref<10008x16xf32, #tpu.memory_space<vmem_shared>>
        tpu.wait_indirect_dma semaphore(%run_scoped3A : memref<!tpu.dma_semaphore, #tpu.memory_space<semaphore_mem>>) src(%arg5 : memref<128x16xf32, #tpu.memory_space<vmem>>) dst(%dma_wait3A_66 : memref<10008x16xf32, #tpu.memory_space<vmem_shared>>)
        tpu.yield
      }) : () -> ()
    }
    %scan3A_32 = arith.constant 80 : i32
    %barrier3A_33 = arith.constant 0 : index
    tpu.barrier barrier_id(%barrier3A_33)
    %sub3A_34 = arith.constant 125 : i32
    %sub3A_35 = arith.subi %sub3A_34, %arg1 : i32
    %sub3A_36 = arith.constant 16 : i32
    %sub3A_37 = arith.constant 1 : i32
    %sub3A_38 = arith.subi %sub3A_36, %sub3A_37 : i32
    %add3A_39 = arith.addi %sub3A_35, %sub3A_38 : i32
    %div3A_40 = arith.constant 16 : i32
    %div3A_41 = arith.divsi %add3A_39, %div3A_40 : i32
    %while3A_42 = arith.constant 16 : i32
    %while3A_43 = arith.constant 0 : i32
    %while3A_44 = arith.subi %div3A_41, %while3A_43 : i32
    %while3A_45 = arith.addi %while3A_43, %while3A_44 : i32
    %while3A_46 = arith.constant 1 : i32
    %while3A_47 = arith.divsi %while3A_44, %while3A_46 : i32
    %while3A_48 = arith.muli %while3A_47, %while3A_46 : i32
    %while3A_49 = arith.addi %while3A_43, %while3A_48 : i32
    %while3A_50 = arith.constant 1 : i32
    scf.for %while3A_52 = %while3A_43 to %while3A_49 step %while3A_50  : i32 {
      %mul3A_53 = arith.muli %while3A_52, %while3A_42 : i32
      %add3A_54 = arith.addi %arg1, %mul3A_53 : i32
      %mul3A_55 = arith.constant 80 : i32
      %mul3A_56 = arith.muli %add3A_54, %mul3A_55 : i32
      %mul3A_57 = arith.constant 80 : i32
      %mul3A_58 = arith.muli %add3A_54, %mul3A_57 : i32
      "tpu.region"() ({
        %run_scoped3A = tpu.sem_alloc : memref<!tpu.dma_semaphore, #tpu.memory_space<semaphore_mem>>
        %dma_start3A = arith.constant 0 : i32
        %dma_start3A_59 = arith.constant 0 : i32
        %dma_start3A_60 = tpu.memref_slice %arg3[%arg0, %dma_start3A, %dma_start3A_59] : memref<2x10000x16xf32, #tpu.memory_space<hbm>> -> memref<1x10000x16xf32, #tpu.memory_space<hbm>>
        %dma_start3A_61 = tpu.memref_squeeze %dma_start3A_60 : memref<1x10000x16xf32, #tpu.memory_space<hbm>> -> memref<10000x16xf32, #tpu.memory_space<hbm>>
        %dma_start3A_62 = arith.constant 0 : i32
        %dma_start3A_63 = tpu.memref_slice %dma_start3A_61[%mul3A_58, %dma_start3A_62] : memref<10000x16xf32, #tpu.memory_space<hbm>> -> memref<80x16xf32, #tpu.memory_space<hbm>>
        %dma_start3A_64 = arith.constant 0 : i32
        %dma_start3A_65 = tpu.memref_slice %arg7[%mul3A_56, %dma_start3A_64] : memref<10008x16xf32, #tpu.memory_space<vmem_shared>> -> memref<80x16xf32, #tpu.memory_space<vmem_shared>>
        tpu.enqueue_dma source(%dma_start3A_65 : memref<80x16xf32, #tpu.memory_space<vmem_shared>>) target(%dma_start3A_63 : memref<80x16xf32, #tpu.memory_space<hbm>>) target_semaphore(%run_scoped3A : memref<!tpu.dma_semaphore, #tpu.memory_space<semaphore_mem>>)
        %dma_wait3A = arith.constant 0 : i32
        %dma_wait3A_66 = arith.constant 0 : i32
        %dma_wait3A_67 = tpu.memref_slice %arg3[%arg0, %dma_wait3A, %dma_wait3A_66] : memref<2x10000x16xf32, #tpu.memory_space<hbm>> -> memref<1x10000x16xf32, #tpu.memory_space<hbm>>
        %dma_wait3A_68 = tpu.memref_squeeze %dma_wait3A_67 : memref<1x10000x16xf32, #tpu.memory_space<hbm>> -> memref<10000x16xf32, #tpu.memory_space<hbm>>
        %dma_wait3A_69 = arith.constant 0 : i32
        %dma_wait3A_70 = tpu.memref_slice %dma_wait3A_68[%mul3A_58, %dma_wait3A_69] : memref<10000x16xf32, #tpu.memory_space<hbm>> -> memref<80x16xf32, #tpu.memory_space<hbm>>
        %dma_wait3A_71 = arith.constant 0 : i32
        %dma_wait3A_72 = tpu.memref_slice %arg7[%mul3A_56, %dma_wait3A_71] : memref<10008x16xf32, #tpu.memory_space<vmem_shared>> -> memref<80x16xf32, #tpu.memory_space<vmem_shared>>
        tpu.wait_dma2 semaphore(%run_scoped3A : memref<!tpu.dma_semaphore, #tpu.memory_space<semaphore_mem>>) src(%dma_wait3A_72 : memref<80x16xf32, #tpu.memory_space<vmem_shared>>) dst(%dma_wait3A_70 : memref<80x16xf32, #tpu.memory_space<hbm>>)
        tpu.yield
      }) : () -> ()
    }
    %while3A_51 = arith.constant 1 : i32
    scf.for %while3A_52 = %while3A_49 to %while3A_45 step %while3A_51  : i32 {
      %mul3A_53 = arith.muli %while3A_52, %while3A_42 : i32
      %add3A_54 = arith.addi %arg1, %mul3A_53 : i32
      %mul3A_55 = arith.constant 80 : i32
      %mul3A_56 = arith.muli %add3A_54, %mul3A_55 : i32
      %mul3A_57 = arith.constant 80 : i32
      %mul3A_58 = arith.muli %add3A_54, %mul3A_57 : i32
      "tpu.region"() ({
        %run_scoped3A = tpu.sem_alloc : memref<!tpu.dma_semaphore, #tpu.memory_space<semaphore_mem>>
        %dma_start3A = arith.constant 0 : i32
        %dma_start3A_59 = arith.constant 0 : i32
        %dma_start3A_60 = tpu.memref_slice %arg3[%arg0, %dma_start3A, %dma_start3A_59] : memref<2x10000x16xf32, #tpu.memory_space<hbm>> -> memref<1x10000x16xf32, #tpu.memory_space<hbm>>
        %dma_start3A_61 = tpu.memref_squeeze %dma_start3A_60 : memref<1x10000x16xf32, #tpu.memory_space<hbm>> -> memref<10000x16xf32, #tpu.memory_space<hbm>>
        %dma_start3A_62 = arith.constant 0 : i32
        %dma_start3A_63 = tpu.memref_slice %dma_start3A_61[%mul3A_58, %dma_start3A_62] : memref<10000x16xf32, #tpu.memory_space<hbm>> -> memref<80x16xf32, #tpu.memory_space<hbm>>
        %dma_start3A_64 = arith.constant 0 : i32
        %dma_start3A_65 = tpu.memref_slice %arg7[%mul3A_56, %dma_start3A_64] : memref<10008x16xf32, #tpu.memory_space<vmem_shared>> -> memref<80x16xf32, #tpu.memory_space<vmem_shared>>
        tpu.enqueue_dma source(%dma_start3A_65 : memref<80x16xf32, #tpu.memory_space<vmem_shared>>) target(%dma_start3A_63 : memref<80x16xf32, #tpu.memory_space<hbm>>) target_semaphore(%run_scoped3A : memref<!tpu.dma_semaphore, #tpu.memory_space<semaphore_mem>>)
        %dma_wait3A = arith.constant 0 : i32
        %dma_wait3A_66 = arith.constant 0 : i32
        %dma_wait3A_67 = tpu.memref_slice %arg3[%arg0, %dma_wait3A, %dma_wait3A_66] : memref<2x10000x16xf32, #tpu.memory_space<hbm>> -> memref<1x10000x16xf32, #tpu.memory_space<hbm>>
        %dma_wait3A_68 = tpu.memref_squeeze %dma_wait3A_67 : memref<1x10000x16xf32, #tpu.memory_space<hbm>> -> memref<10000x16xf32, #tpu.memory_space<hbm>>
        %dma_wait3A_69 = arith.constant 0 : i32
        %dma_wait3A_70 = tpu.memref_slice %dma_wait3A_68[%mul3A_58, %dma_wait3A_69] : memref<10000x16xf32, #tpu.memory_space<hbm>> -> memref<80x16xf32, #tpu.memory_space<hbm>>
        %dma_wait3A_71 = arith.constant 0 : i32
        %dma_wait3A_72 = tpu.memref_slice %arg7[%mul3A_56, %dma_wait3A_71] : memref<10008x16xf32, #tpu.memory_space<vmem_shared>> -> memref<80x16xf32, #tpu.memory_space<vmem_shared>>
        tpu.wait_dma2 semaphore(%run_scoped3A : memref<!tpu.dma_semaphore, #tpu.memory_space<semaphore_mem>>) src(%dma_wait3A_72 : memref<80x16xf32, #tpu.memory_space<vmem_shared>>) dst(%dma_wait3A_70 : memref<80x16xf32, #tpu.memory_space<hbm>>)
        tpu.yield
      }) : () -> ()
    }
    return
  }
}

#map = affine_map<(d0, d1) -> (0, 0)>
#map1 = affine_map<(d0, d1) -> (0, 0, 0)>
module attributes {stable_mosaic.version = 14 : i64} {
  func.func @k(%arg0: i32, %arg1: i32, %arg2: memref<10000x128xf32, #tpu.memory_space<hbm>>, %arg3: memref<32x80x128xi32, #tpu.memory_space<hbm>>, %arg4: memref<32x80x128xi32, #tpu.memory_space<hbm>>, %arg5: memref<2x10000x128xf32, #tpu.memory_space<hbm>>, %arg6: memref<40x128xi32, #tpu.memory_space<vmem>>, %arg7: memref<40x128xi32, #tpu.memory_space<vmem>>, %arg8: memref<2x128x128xf32, #tpu.memory_space<vmem>>, %arg9: memref<40x128xf32, #tpu.memory_space<vmem>>, %arg10: memref<10000x128xf32, #tpu.memory_space<vmem_shared>>, %arg11: memref<!tpu.dma_semaphore, #tpu.memory_space<semaphore_mem>>, %arg12: memref<!tpu.dma_semaphore, #tpu.memory_space<semaphore_mem>>) attributes {dimension_semantics = [#tpu.dimension_semantics<core_parallel>, #tpu.dimension_semantics<subcore_parallel>], iteration_bounds = array<i64: 2, 16>, scalar_prefetch = 0 : i64, scratch_operands = 7 : i64, tpu.core_type = #tpu.core_type<sc_vector_subcore>, window_params = [{transform_indices = #map}, {transform_indices = #map1}, {transform_indices = #map1}, {transform_indices = #map1}]} {
    %mul3A = arith.constant 16 : i32
    %mul3A_0 = arith.muli %arg0, %mul3A : i32
    %add3A = arith.addi %mul3A_0, %arg1 : i32
    %broadcast_in_dim3A = arith.constant 0.000000e+00 : f32
    %broadcast_in_dim3A_1 = vector.broadcast %broadcast_in_dim3A : f32 to vector<16xf32>
    %scan3A = arith.constant 0 : i32
    %scan3A_2 = arith.constant 40 : i32
    %scan3A_3 = arith.addi %scan3A, %scan3A_2 : i32
    %scan3A_4 = arith.constant 1 : i32
    scf.for %scan3A_97 = %scan3A to %scan3A_3 step %scan3A_4  : i32 {
      %mul3A_98 = arith.constant 1 : i32
      %mul3A_99 = arith.muli %scan3A_97, %mul3A_98 : i32
      %add3A_100 = arith.constant 0 : i32
      %add3A_101 = arith.addi %add3A_100, %mul3A_99 : i32
      %scan3A_102 = arith.constant 0 : i32
      %scan3A_103 = arith.constant 8 : i32
      %scan3A_104 = arith.addi %scan3A_102, %scan3A_103 : i32
      %scan3A_105 = arith.constant 1 : i32
      scf.for %scan3A_107 = %scan3A_102 to %scan3A_104 step %scan3A_105  : i32 {
        %mul3A_108 = arith.constant 16 : i32
        %mul3A_109 = arith.muli %scan3A_107, %mul3A_108 : i32
        %add3A_110 = arith.constant 0 : i32
        %add3A_111 = arith.addi %add3A_110, %mul3A_109 : i32
        %swap3A = arith.index_cast %add3A_101 : i32 to index
        %swap3A_112 = arith.index_cast %add3A_111 : i32 to index
        %swap3A_113 = tpu.vector_load %arg9[%swap3A, %swap3A_112] {strides = array<i32>} : memref<40x128xf32, #tpu.memory_space<vmem>>, vector<1x16xf32>,
        %swap3A_114 = vector.shape_cast %swap3A_113 : vector<1x16xf32> to vector<16xf32>
        %swap3A_115 = vector.shape_cast %broadcast_in_dim3A_1 : vector<16xf32> to vector<1x16xf32>
        tpu.vector_store %arg9[%swap3A, %swap3A_112], %swap3A_115 {strides = array<i32>} : memref<40x128xf32, #tpu.memory_space<vmem>>, vector<1x16xf32>,
      }
      %scan3A_106 = arith.constant 8 : i32
    }
    %scan3A_5 = arith.constant 40 : i32
    %sub3A = arith.constant 250 : i32
    %sub3A_6 = arith.subi %sub3A, %arg1 : i32
    %sub3A_7 = arith.constant 16 : i32
    %sub3A_8 = arith.constant 1 : i32
    %sub3A_9 = arith.subi %sub3A_7, %sub3A_8 : i32
    %add3A_10 = arith.addi %sub3A_6, %sub3A_9 : i32
    %div3A = arith.constant 16 : i32
    %div3A_11 = arith.divsi %add3A_10, %div3A : i32
    %while3A = arith.constant 16 : i32
    %while3A_12 = arith.constant 0 : i32
    %while3A_13 = arith.subi %div3A_11, %while3A_12 : i32
    %while3A_14 = arith.addi %while3A_12, %while3A_13 : i32
    %while3A_15 = arith.constant 1 : i32
    %while3A_16 = arith.divsi %while3A_13, %while3A_15 : i32
    %while3A_17 = arith.muli %while3A_16, %while3A_15 : i32
    %while3A_18 = arith.addi %while3A_12, %while3A_17 : i32
    %while3A_19 = arith.constant 1 : i32
    scf.for %while3A_97 = %while3A_12 to %while3A_18 step %while3A_19  : i32 {
      %mul3A_98 = arith.muli %while3A_97, %while3A : i32
      %add3A_99 = arith.addi %arg1, %mul3A_98 : i32
      %mul3A_100 = arith.constant 40 : i32
      %mul3A_101 = arith.muli %add3A_99, %mul3A_100 : i32
      "tpu.region"() ({
        %run_scoped3A = tpu.sem_alloc : memref<!tpu.dma_semaphore, #tpu.memory_space<semaphore_mem>>
        %dma_start3A_102 = arith.constant 0 : i32
        %dma_start3A_103 = tpu.memref_slice %arg10[%mul3A_101, %dma_start3A_102] : memref<10000x128xf32, #tpu.memory_space<vmem_shared>> -> memref<40x128xf32, #tpu.memory_space<vmem_shared>>
        %dma_start3A_104 = arith.constant 0 : i32
        %dma_start3A_105 = tpu.memref_slice %arg10[%mul3A_101, %dma_start3A_104] : memref<10000x128xf32, #tpu.memory_space<vmem_shared>> -> memref<40x128xf32, #tpu.memory_space<vmem_shared>>
        tpu.enqueue_dma source(%arg9 : memref<40x128xf32, #tpu.memory_space<vmem>>) target(%dma_start3A_105 : memref<40x128xf32, #tpu.memory_space<vmem_shared>>) target_semaphore(%run_scoped3A : memref<!tpu.dma_semaphore, #tpu.memory_space<semaphore_mem>>)
        %dma_wait3A = arith.constant 0 : i32
        %dma_wait3A_106 = tpu.memref_slice %arg10[%mul3A_101, %dma_wait3A] : memref<10000x128xf32, #tpu.memory_space<vmem_shared>> -> memref<40x128xf32, #tpu.memory_space<vmem_shared>>
        %dma_wait3A_107 = arith.constant 0 : i32
        %dma_wait3A_108 = tpu.memref_slice %arg10[%mul3A_101, %dma_wait3A_107] : memref<10000x128xf32, #tpu.memory_space<vmem_shared>> -> memref<40x128xf32, #tpu.memory_space<vmem_shared>>
        tpu.wait_dma2 semaphore(%run_scoped3A : memref<!tpu.dma_semaphore, #tpu.memory_space<semaphore_mem>>) src(%arg9 : memref<40x128xf32, #tpu.memory_space<vmem>>) dst(%dma_wait3A_108 : memref<40x128xf32, #tpu.memory_space<vmem_shared>>)
        tpu.yield
      }) : () -> ()
    }
    %while3A_20 = arith.constant 1 : i32
    scf.for %while3A_97 = %while3A_18 to %while3A_14 step %while3A_20  : i32 {
      %mul3A_98 = arith.muli %while3A_97, %while3A : i32
      %add3A_99 = arith.addi %arg1, %mul3A_98 : i32
      %mul3A_100 = arith.constant 40 : i32
      %mul3A_101 = arith.muli %add3A_99, %mul3A_100 : i32
      "tpu.region"() ({
        %run_scoped3A = tpu.sem_alloc : memref<!tpu.dma_semaphore, #tpu.memory_space<semaphore_mem>>
        %dma_start3A_102 = arith.constant 0 : i32
        %dma_start3A_103 = tpu.memref_slice %arg10[%mul3A_101, %dma_start3A_102] : memref<10000x128xf32, #tpu.memory_space<vmem_shared>> -> memref<40x128xf32, #tpu.memory_space<vmem_shared>>
        %dma_start3A_104 = arith.constant 0 : i32
        %dma_start3A_105 = tpu.memref_slice %arg10[%mul3A_101, %dma_start3A_104] : memref<10000x128xf32, #tpu.memory_space<vmem_shared>> -> memref<40x128xf32, #tpu.memory_space<vmem_shared>>
        tpu.enqueue_dma source(%arg9 : memref<40x128xf32, #tpu.memory_space<vmem>>) target(%dma_start3A_105 : memref<40x128xf32, #tpu.memory_space<vmem_shared>>) target_semaphore(%run_scoped3A : memref<!tpu.dma_semaphore, #tpu.memory_space<semaphore_mem>>)
        %dma_wait3A = arith.constant 0 : i32
        %dma_wait3A_106 = tpu.memref_slice %arg10[%mul3A_101, %dma_wait3A] : memref<10000x128xf32, #tpu.memory_space<vmem_shared>> -> memref<40x128xf32, #tpu.memory_space<vmem_shared>>
        %dma_wait3A_107 = arith.constant 0 : i32
        %dma_wait3A_108 = tpu.memref_slice %arg10[%mul3A_101, %dma_wait3A_107] : memref<10000x128xf32, #tpu.memory_space<vmem_shared>> -> memref<40x128xf32, #tpu.memory_space<vmem_shared>>
        tpu.wait_dma2 semaphore(%run_scoped3A : memref<!tpu.dma_semaphore, #tpu.memory_space<semaphore_mem>>) src(%arg9 : memref<40x128xf32, #tpu.memory_space<vmem>>) dst(%dma_wait3A_108 : memref<40x128xf32, #tpu.memory_space<vmem_shared>>)
        tpu.yield
      }) : () -> ()
    }
    %barrier3A = arith.constant 0 : index
    tpu.barrier barrier_id(%barrier3A)
    "tpu.region"() ({
      %run_scoped3A = tpu.sem_alloc : memref<!tpu.dma_semaphore, #tpu.memory_space<semaphore_mem>>
      %dma_start3A_97 = arith.constant 0 : i32
      %dma_start3A_98 = arith.constant 0 : i32
      %dma_start3A_99 = tpu.memref_slice %arg3[%add3A, %dma_start3A_97, %dma_start3A_98] : memref<32x80x128xi32, #tpu.memory_space<hbm>> -> memref<1x80x128xi32, #tpu.memory_space<hbm>>
      %dma_start3A_100 = tpu.memref_squeeze %dma_start3A_99 : memref<1x80x128xi32, #tpu.memory_space<hbm>> -> memref<80x128xi32, #tpu.memory_space<hbm>>
      %dma_start3A_101 = arith.constant 0 : i32
      %dma_start3A_102 = arith.constant 0 : i32
      %dma_start3A_103 = tpu.memref_slice %dma_start3A_100[%dma_start3A_101, %dma_start3A_102] : memref<80x128xi32, #tpu.memory_space<hbm>> -> memref<40x128xi32, #tpu.memory_space<hbm>>
      %dma_start3A_104 = arith.constant 0 : i32
      %dma_start3A_105 = arith.constant 0 : i32
      %dma_start3A_106 = tpu.memref_slice %arg3[%add3A, %dma_start3A_104, %dma_start3A_105] : memref<32x80x128xi32, #tpu.memory_space<hbm>> -> memref<1x80x128xi32, #tpu.memory_space<hbm>>
      %dma_start3A_107 = tpu.memref_squeeze %dma_start3A_106 : memref<1x80x128xi32, #tpu.memory_space<hbm>> -> memref<80x128xi32, #tpu.memory_space<hbm>>
      %dma_start3A_108 = arith.constant 0 : i32
      %dma_start3A_109 = arith.constant 0 : i32
      %dma_start3A_110 = tpu.memref_slice %dma_start3A_107[%dma_start3A_108, %dma_start3A_109] : memref<80x128xi32, #tpu.memory_space<hbm>> -> memref<40x128xi32, #tpu.memory_space<hbm>>
      tpu.enqueue_dma source(%dma_start3A_110 : memref<40x128xi32, #tpu.memory_space<hbm>>) target(%arg6 : memref<40x128xi32, #tpu.memory_space<vmem>>) target_semaphore(%run_scoped3A : memref<!tpu.dma_semaphore, #tpu.memory_space<semaphore_mem>>)
      %dma_wait3A = arith.constant 0 : i32
      %dma_wait3A_111 = arith.constant 0 : i32
      %dma_wait3A_112 = tpu.memref_slice %arg3[%add3A, %dma_wait3A, %dma_wait3A_111] : memref<32x80x128xi32, #tpu.memory_space<hbm>> -> memref<1x80x128xi32, #tpu.memory_space<hbm>>
      %dma_wait3A_113 = tpu.memref_squeeze %dma_wait3A_112 : memref<1x80x128xi32, #tpu.memory_space<hbm>> -> memref<80x128xi32, #tpu.memory_space<hbm>>
      %dma_wait3A_114 = arith.constant 0 : i32
      %dma_wait3A_115 = arith.constant 0 : i32
      %dma_wait3A_116 = tpu.memref_slice %dma_wait3A_113[%dma_wait3A_114, %dma_wait3A_115] : memref<80x128xi32, #tpu.memory_space<hbm>> -> memref<40x128xi32, #tpu.memory_space<hbm>>
      %dma_wait3A_117 = arith.constant 0 : i32
      %dma_wait3A_118 = arith.constant 0 : i32
      %dma_wait3A_119 = tpu.memref_slice %arg3[%add3A, %dma_wait3A_117, %dma_wait3A_118] : memref<32x80x128xi32, #tpu.memory_space<hbm>> -> memref<1x80x128xi32, #tpu.memory_space<hbm>>
      %dma_wait3A_120 = tpu.memref_squeeze %dma_wait3A_119 : memref<1x80x128xi32, #tpu.memory_space<hbm>> -> memref<80x128xi32, #tpu.memory_space<hbm>>
      %dma_wait3A_121 = arith.constant 0 : i32
      %dma_wait3A_122 = arith.constant 0 : i32
      %dma_wait3A_123 = tpu.memref_slice %dma_wait3A_120[%dma_wait3A_121, %dma_wait3A_122] : memref<80x128xi32, #tpu.memory_space<hbm>> -> memref<40x128xi32, #tpu.memory_space<hbm>>
      tpu.wait_dma2 semaphore(%run_scoped3A : memref<!tpu.dma_semaphore, #tpu.memory_space<semaphore_mem>>) src(%dma_wait3A_123 : memref<40x128xi32, #tpu.memory_space<hbm>>) dst(%arg6 : memref<40x128xi32, #tpu.memory_space<vmem>>)
      tpu.yield
    }) : () -> ()
    "tpu.region"() ({
      %run_scoped3A = tpu.sem_alloc : memref<!tpu.dma_semaphore, #tpu.memory_space<semaphore_mem>>
      %dma_start3A_97 = arith.constant 0 : i32
      %dma_start3A_98 = arith.constant 0 : i32
      %dma_start3A_99 = tpu.memref_slice %arg4[%add3A, %dma_start3A_97, %dma_start3A_98] : memref<32x80x128xi32, #tpu.memory_space<hbm>> -> memref<1x80x128xi32, #tpu.memory_space<hbm>>
      %dma_start3A_100 = tpu.memref_squeeze %dma_start3A_99 : memref<1x80x128xi32, #tpu.memory_space<hbm>> -> memref<80x128xi32, #tpu.memory_space<hbm>>
      %dma_start3A_101 = arith.constant 0 : i32
      %dma_start3A_102 = arith.constant 0 : i32
      %dma_start3A_103 = tpu.memref_slice %dma_start3A_100[%dma_start3A_101, %dma_start3A_102] : memref<80x128xi32, #tpu.memory_space<hbm>> -> memref<40x128xi32, #tpu.memory_space<hbm>>
      %dma_start3A_104 = arith.constant 0 : i32
      %dma_start3A_105 = arith.constant 0 : i32
      %dma_start3A_106 = tpu.memref_slice %arg4[%add3A, %dma_start3A_104, %dma_start3A_105] : memref<32x80x128xi32, #tpu.memory_space<hbm>> -> memref<1x80x128xi32, #tpu.memory_space<hbm>>
      %dma_start3A_107 = tpu.memref_squeeze %dma_start3A_106 : memref<1x80x128xi32, #tpu.memory_space<hbm>> -> memref<80x128xi32, #tpu.memory_space<hbm>>
      %dma_start3A_108 = arith.constant 0 : i32
      %dma_start3A_109 = arith.constant 0 : i32
      %dma_start3A_110 = tpu.memref_slice %dma_start3A_107[%dma_start3A_108, %dma_start3A_109] : memref<80x128xi32, #tpu.memory_space<hbm>> -> memref<40x128xi32, #tpu.memory_space<hbm>>
      tpu.enqueue_dma source(%dma_start3A_110 : memref<40x128xi32, #tpu.memory_space<hbm>>) target(%arg7 : memref<40x128xi32, #tpu.memory_space<vmem>>) target_semaphore(%run_scoped3A : memref<!tpu.dma_semaphore, #tpu.memory_space<semaphore_mem>>)
      %dma_wait3A = arith.constant 0 : i32
      %dma_wait3A_111 = arith.constant 0 : i32
      %dma_wait3A_112 = tpu.memref_slice %arg4[%add3A, %dma_wait3A, %dma_wait3A_111] : memref<32x80x128xi32, #tpu.memory_space<hbm>> -> memref<1x80x128xi32, #tpu.memory_space<hbm>>
      %dma_wait3A_113 = tpu.memref_squeeze %dma_wait3A_112 : memref<1x80x128xi32, #tpu.memory_space<hbm>> -> memref<80x128xi32, #tpu.memory_space<hbm>>
      %dma_wait3A_114 = arith.constant 0 : i32
      %dma_wait3A_115 = arith.constant 0 : i32
      %dma_wait3A_116 = tpu.memref_slice %dma_wait3A_113[%dma_wait3A_114, %dma_wait3A_115] : memref<80x128xi32, #tpu.memory_space<hbm>> -> memref<40x128xi32, #tpu.memory_space<hbm>>
      %dma_wait3A_117 = arith.constant 0 : i32
      %dma_wait3A_118 = arith.constant 0 : i32
      %dma_wait3A_119 = tpu.memref_slice %arg4[%add3A, %dma_wait3A_117, %dma_wait3A_118] : memref<32x80x128xi32, #tpu.memory_space<hbm>> -> memref<1x80x128xi32, #tpu.memory_space<hbm>>
      %dma_wait3A_120 = tpu.memref_squeeze %dma_wait3A_119 : memref<1x80x128xi32, #tpu.memory_space<hbm>> -> memref<80x128xi32, #tpu.memory_space<hbm>>
      %dma_wait3A_121 = arith.constant 0 : i32
      %dma_wait3A_122 = arith.constant 0 : i32
      %dma_wait3A_123 = tpu.memref_slice %dma_wait3A_120[%dma_wait3A_121, %dma_wait3A_122] : memref<80x128xi32, #tpu.memory_space<hbm>> -> memref<40x128xi32, #tpu.memory_space<hbm>>
      tpu.wait_dma2 semaphore(%run_scoped3A : memref<!tpu.dma_semaphore, #tpu.memory_space<semaphore_mem>>) src(%dma_wait3A_123 : memref<40x128xi32, #tpu.memory_space<hbm>>) dst(%arg7 : memref<40x128xi32, #tpu.memory_space<vmem>>)
      tpu.yield
    }) : () -> ()
    %dma_start3A = arith.constant 0 : i32
    %dma_start3A_21 = arith.constant 0 : i32
    %dma_start3A_22 = arith.constant 0 : i32
    %dma_start3A_23 = arith.constant 0 : i32
    %dma_start3A_24 = tpu.memref_slice %arg8[%dma_start3A_21, %dma_start3A_22, %dma_start3A_23] : memref<2x128x128xf32, #tpu.memory_space<vmem>> -> memref<1x128x128xf32, #tpu.memory_space<vmem>>
    %dma_start3A_25 = tpu.memref_squeeze %dma_start3A_24 : memref<1x128x128xf32, #tpu.memory_space<vmem>> -> memref<128x128xf32, #tpu.memory_space<vmem>>
    %dma_start3A_26 = arith.constant 0 : i32
    %dma_start3A_27 = tpu.memref_slice %arg6[%dma_start3A, %dma_start3A_26] : memref<40x128xi32, #tpu.memory_space<vmem>> -> memref<1x128xi32, #tpu.memory_space<vmem>>
    %dma_start3A_28 = tpu.memref_squeeze %dma_start3A_27 : memref<1x128xi32, #tpu.memory_space<vmem>> -> memref<128xi32, #tpu.memory_space<vmem>>
    %dma_start3A_29 = arith.constant 0 : i32
    %dma_start3A_30 = arith.constant 0 : i32
    %dma_start3A_31 = tpu.memref_slice %arg2[%dma_start3A_29, %dma_start3A_30] : memref<10000x128xf32, #tpu.memory_space<hbm>> -> memref<10000x128xf32, #tpu.memory_space<hbm>>
    tpu.enqueue_indirect_dma source(%dma_start3A_31 : memref<10000x128xf32, #tpu.memory_space<hbm>>) target(%dma_start3A_25 : memref<128x128xf32, #tpu.memory_space<vmem>>) offsets(%dma_start3A_28 : memref<128xi32, #tpu.memory_space<vmem>>) semaphore(%arg11 : memref<!tpu.dma_semaphore, #tpu.memory_space<semaphore_mem>>)
    %dma_start3A_32 = arith.constant 1 : i32
    %dma_start3A_33 = arith.constant 1 : i32
    %dma_start3A_34 = arith.constant 0 : i32
    %dma_start3A_35 = arith.constant 0 : i32
    %dma_start3A_36 = tpu.memref_slice %arg8[%dma_start3A_33, %dma_start3A_34, %dma_start3A_35] : memref<2x128x128xf32, #tpu.memory_space<vmem>> -> memref<1x128x128xf32, #tpu.memory_space<vmem>>
    %dma_start3A_37 = tpu.memref_squeeze %dma_start3A_36 : memref<1x128x128xf32, #tpu.memory_space<vmem>> -> memref<128x128xf32, #tpu.memory_space<vmem>>
    %dma_start3A_38 = arith.constant 0 : i32
    %dma_start3A_39 = tpu.memref_slice %arg6[%dma_start3A_32, %dma_start3A_38] : memref<40x128xi32, #tpu.memory_space<vmem>> -> memref<1x128xi32, #tpu.memory_space<vmem>>
    %dma_start3A_40 = tpu.memref_squeeze %dma_start3A_39 : memref<1x128xi32, #tpu.memory_space<vmem>> -> memref<128xi32, #tpu.memory_space<vmem>>
    %dma_start3A_41 = arith.constant 0 : i32
    %dma_start3A_42 = arith.constant 0 : i32
    %dma_start3A_43 = tpu.memref_slice %arg2[%dma_start3A_41, %dma_start3A_42] : memref<10000x128xf32, #tpu.memory_space<hbm>> -> memref<10000x128xf32, #tpu.memory_space<hbm>>
    tpu.enqueue_indirect_dma source(%dma_start3A_43 : memref<10000x128xf32, #tpu.memory_space<hbm>>) target(%dma_start3A_37 : memref<128x128xf32, #tpu.memory_space<vmem>>) offsets(%dma_start3A_40 : memref<128xi32, #tpu.memory_space<vmem>>) semaphore(%arg12 : memref<!tpu.dma_semaphore, #tpu.memory_space<semaphore_mem>>)
    %scan3A_44 = arith.constant 0 : i32
    %scan3A_45 = arith.constant 20 : i32
    %scan3A_46 = arith.addi %scan3A_44, %scan3A_45 : i32
    %scan3A_47 = arith.constant 1 : i32
    scf.for %scan3A_97 = %scan3A_44 to %scan3A_46 step %scan3A_47  : i32 {
      %mul3A_98 = arith.constant 1 : i32
      %mul3A_99 = arith.muli %scan3A_97, %mul3A_98 : i32
      %add3A_100 = arith.constant 0 : i32
      %add3A_101 = arith.addi %add3A_100, %mul3A_99 : i32
      %mul3A_102 = arith.constant 2 : i32
      %mul3A_103 = arith.muli %add3A_101, %mul3A_102 : i32
      %add3A_104 = arith.constant 0 : i32
      %add3A_105 = arith.addi %mul3A_103, %add3A_104 : i32
      %dma_wait3A = arith.constant 0 : i32
      %dma_wait3A_106 = arith.constant 0 : i32
      %dma_wait3A_107 = arith.constant 0 : i32
      %dma_wait3A_108 = tpu.memref_slice %arg8[%dma_wait3A, %dma_wait3A_106, %dma_wait3A_107] : memref<2x128x128xf32, #tpu.memory_space<vmem>> -> memref<1x128x128xf32, #tpu.memory_space<vmem>>
      %dma_wait3A_109 = tpu.memref_squeeze %dma_wait3A_108 : memref<1x128x128xf32, #tpu.memory_space<vmem>> -> memref<128x128xf32, #tpu.memory_space<vmem>>
      %dma_wait3A_110 = arith.constant 0 : i32
      %dma_wait3A_111 = tpu.memref_slice %arg6[%add3A_105, %dma_wait3A_110] : memref<40x128xi32, #tpu.memory_space<vmem>> -> memref<1x128xi32, #tpu.memory_space<vmem>>
      %dma_wait3A_112 = tpu.memref_squeeze %dma_wait3A_111 : memref<1x128xi32, #tpu.memory_space<vmem>> -> memref<128xi32, #tpu.memory_space<vmem>>
      %dma_wait3A_113 = arith.constant 0 : i32
      %dma_wait3A_114 = arith.constant 0 : i32
      %dma_wait3A_115 = tpu.memref_slice %arg2[%dma_wait3A_113, %dma_wait3A_114] : memref<10000x128xf32, #tpu.memory_space<hbm>> -> memref<10000x128xf32, #tpu.memory_space<hbm>>
      tpu.wait_indirect_dma semaphore(%arg11 : memref<!tpu.dma_semaphore, #tpu.memory_space<semaphore_mem>>) src(%dma_wait3A_115 : memref<10000x128xf32, #tpu.memory_space<hbm>>) dst(%dma_wait3A_109 : memref<128x128xf32, #tpu.memory_space<vmem>>)
      %run_scoped3A = arith.constant 0 : i32
      "tpu.region"() ({
        %run_scoped3A_143 = tpu.sem_alloc : memref<!tpu.dma_semaphore, #tpu.memory_space<semaphore_mem>>
        %dma_start3A_144 = arith.constant 0 : i32
        %dma_start3A_145 = arith.constant 0 : i32
        %dma_start3A_146 = tpu.memref_slice %arg8[%run_scoped3A, %dma_start3A_144, %dma_start3A_145] : memref<2x128x128xf32, #tpu.memory_space<vmem>> -> memref<1x128x128xf32, #tpu.memory_space<vmem>>
        %dma_start3A_147 = tpu.memref_squeeze %dma_start3A_146 : memref<1x128x128xf32, #tpu.memory_space<vmem>> -> memref<128x128xf32, #tpu.memory_space<vmem>>
        %dma_start3A_148 = arith.constant 0 : i32
        %dma_start3A_149 = tpu.memref_slice %arg7[%add3A_105, %dma_start3A_148] : memref<40x128xi32, #tpu.memory_space<vmem>> -> memref<1x128xi32, #tpu.memory_space<vmem>>
        %dma_start3A_150 = tpu.memref_squeeze %dma_start3A_149 : memref<1x128xi32, #tpu.memory_space<vmem>> -> memref<128xi32, #tpu.memory_space<vmem>>
        %dma_start3A_151 = arith.constant 0 : i32
        %dma_start3A_152 = arith.constant 0 : i32
        %dma_start3A_153 = tpu.memref_slice %arg10[%dma_start3A_151, %dma_start3A_152] : memref<10000x128xf32, #tpu.memory_space<vmem_shared>> -> memref<10000x128xf32, #tpu.memory_space<vmem_shared>>
        tpu.enqueue_indirect_dma source(%dma_start3A_147 : memref<128x128xf32, #tpu.memory_space<vmem>>) target(%dma_start3A_153 : memref<10000x128xf32, #tpu.memory_space<vmem_shared>>) offsets(%dma_start3A_150 : memref<128xi32, #tpu.memory_space<vmem>>) semaphore(%run_scoped3A_143 : memref<!tpu.dma_semaphore, #tpu.memory_space<semaphore_mem>>) {add = true}
        %dma_wait3A_154 = arith.constant 0 : i32
        %dma_wait3A_155 = arith.constant 0 : i32
        %dma_wait3A_156 = tpu.memref_slice %arg8[%run_scoped3A, %dma_wait3A_154, %dma_wait3A_155] : memref<2x128x128xf32, #tpu.memory_space<vmem>> -> memref<1x128x128xf32, #tpu.memory_space<vmem>>
        %dma_wait3A_157 = tpu.memref_squeeze %dma_wait3A_156 : memref<1x128x128xf32, #tpu.memory_space<vmem>> -> memref<128x128xf32, #tpu.memory_space<vmem>>
        %dma_wait3A_158 = arith.constant 0 : i32
        %dma_wait3A_159 = tpu.memref_slice %arg7[%add3A_105, %dma_wait3A_158] : memref<40x128xi32, #tpu.memory_space<vmem>> -> memref<1x128xi32, #tpu.memory_space<vmem>>
        %dma_wait3A_160 = tpu.memref_squeeze %dma_wait3A_159 : memref<1x128xi32, #tpu.memory_space<vmem>> -> memref<128xi32, #tpu.memory_space<vmem>>
        %dma_wait3A_161 = arith.constant 0 : i32
        %dma_wait3A_162 = arith.constant 0 : i32
        %dma_wait3A_163 = tpu.memref_slice %arg10[%dma_wait3A_161, %dma_wait3A_162] : memref<10000x128xf32, #tpu.memory_space<vmem_shared>> -> memref<10000x128xf32, #tpu.memory_space<vmem_shared>>
        tpu.wait_indirect_dma semaphore(%run_scoped3A_143 : memref<!tpu.dma_semaphore, #tpu.memory_space<semaphore_mem>>) src(%dma_wait3A_157 : memref<128x128xf32, #tpu.memory_space<vmem>>) dst(%dma_wait3A_163 : memref<10000x128xf32, #tpu.memory_space<vmem_shared>>)
        tpu.yield
      }) : () -> ()
      %add3A_116 = arith.constant 2 : i32
      %add3A_117 = arith.addi %add3A_105, %add3A_116 : i32
      %lt3A = arith.constant 40 : i32
      %lt3A_118 = arith.cmpi slt, %add3A_117, %lt3A : i32
      %convert_element_type3A = arith.extui %lt3A_118 : i1 to i32
      %cond3A = arith.constant 0 : i32
      %cond3A_119 = arith.cmpi ne, %convert_element_type3A, %cond3A : i32
      scf.if %cond3A_119 {
        %add3A_143 = arith.constant 2 : i32
        %add3A_144 = arith.addi %add3A_105, %add3A_143 : i32
        %dma_start3A_145 = arith.constant 0 : i32
        %dma_start3A_146 = arith.constant 0 : i32
        %dma_start3A_147 = arith.constant 0 : i32
        %dma_start3A_148 = tpu.memref_slice %arg8[%dma_start3A_145, %dma_start3A_146, %dma_start3A_147] : memref<2x128x128xf32, #tpu.memory_space<vmem>> -> memref<1x128x128xf32, #tpu.memory_space<vmem>>
        %dma_start3A_149 = tpu.memref_squeeze %dma_start3A_148 : memref<1x128x128xf32, #tpu.memory_space<vmem>> -> memref<128x128xf32, #tpu.memory_space<vmem>>
        %dma_start3A_150 = arith.constant 0 : i32
        %dma_start3A_151 = tpu.memref_slice %arg6[%add3A_144, %dma_start3A_150] : memref<40x128xi32, #tpu.memory_space<vmem>> -> memref<1x128xi32, #tpu.memory_space<vmem>>
        %dma_start3A_152 = tpu.memref_squeeze %dma_start3A_151 : memref<1x128xi32, #tpu.memory_space<vmem>> -> memref<128xi32, #tpu.memory_space<vmem>>
        %dma_start3A_153 = arith.constant 0 : i32
        %dma_start3A_154 = arith.constant 0 : i32
        %dma_start3A_155 = tpu.memref_slice %arg2[%dma_start3A_153, %dma_start3A_154] : memref<10000x128xf32, #tpu.memory_space<hbm>> -> memref<10000x128xf32, #tpu.memory_space<hbm>>
        tpu.enqueue_indirect_dma source(%dma_start3A_155 : memref<10000x128xf32, #tpu.memory_space<hbm>>) target(%dma_start3A_149 : memref<128x128xf32, #tpu.memory_space<vmem>>) offsets(%dma_start3A_152 : memref<128xi32, #tpu.memory_space<vmem>>) semaphore(%arg11 : memref<!tpu.dma_semaphore, #tpu.memory_space<semaphore_mem>>)
      } else {
      }
      %mul3A_120 = arith.constant 2 : i32
      %mul3A_121 = arith.muli %add3A_101, %mul3A_120 : i32
      %add3A_122 = arith.constant 1 : i32
      %add3A_123 = arith.addi %mul3A_121, %add3A_122 : i32
      %dma_wait3A_124 = arith.constant 1 : i32
      %dma_wait3A_125 = arith.constant 0 : i32
      %dma_wait3A_126 = arith.constant 0 : i32
      %dma_wait3A_127 = tpu.memref_slice %arg8[%dma_wait3A_124, %dma_wait3A_125, %dma_wait3A_126] : memref<2x128x128xf32, #tpu.memory_space<vmem>> -> memref<1x128x128xf32, #tpu.memory_space<vmem>>
      %dma_wait3A_128 = tpu.memref_squeeze %dma_wait3A_127 : memref<1x128x128xf32, #tpu.memory_space<vmem>> -> memref<128x128xf32, #tpu.memory_space<vmem>>
      %dma_wait3A_129 = arith.constant 0 : i32
      %dma_wait3A_130 = tpu.memref_slice %arg6[%add3A_123, %dma_wait3A_129] : memref<40x128xi32, #tpu.memory_space<vmem>> -> memref<1x128xi32, #tpu.memory_space<vmem>>
      %dma_wait3A_131 = tpu.memref_squeeze %dma_wait3A_130 : memref<1x128xi32, #tpu.memory_space<vmem>> -> memref<128xi32, #tpu.memory_space<vmem>>
      %dma_wait3A_132 = arith.constant 0 : i32
      %dma_wait3A_133 = arith.constant 0 : i32
      %dma_wait3A_134 = tpu.memref_slice %arg2[%dma_wait3A_132, %dma_wait3A_133] : memref<10000x128xf32, #tpu.memory_space<hbm>> -> memref<10000x128xf32, #tpu.memory_space<hbm>>
      tpu.wait_indirect_dma semaphore(%arg12 : memref<!tpu.dma_semaphore, #tpu.memory_space<semaphore_mem>>) src(%dma_wait3A_134 : memref<10000x128xf32, #tpu.memory_space<hbm>>) dst(%dma_wait3A_128 : memref<128x128xf32, #tpu.memory_space<vmem>>)
      %run_scoped3A_135 = arith.constant 1 : i32
      "tpu.region"() ({
        %run_scoped3A_143 = tpu.sem_alloc : memref<!tpu.dma_semaphore, #tpu.memory_space<semaphore_mem>>
        %dma_start3A_144 = arith.constant 0 : i32
        %dma_start3A_145 = arith.constant 0 : i32
        %dma_start3A_146 = tpu.memref_slice %arg8[%run_scoped3A_135, %dma_start3A_144, %dma_start3A_145] : memref<2x128x128xf32, #tpu.memory_space<vmem>> -> memref<1x128x128xf32, #tpu.memory_space<vmem>>
        %dma_start3A_147 = tpu.memref_squeeze %dma_start3A_146 : memref<1x128x128xf32, #tpu.memory_space<vmem>> -> memref<128x128xf32, #tpu.memory_space<vmem>>
        %dma_start3A_148 = arith.constant 0 : i32
        %dma_start3A_149 = tpu.memref_slice %arg7[%add3A_123, %dma_start3A_148] : memref<40x128xi32, #tpu.memory_space<vmem>> -> memref<1x128xi32, #tpu.memory_space<vmem>>
        %dma_start3A_150 = tpu.memref_squeeze %dma_start3A_149 : memref<1x128xi32, #tpu.memory_space<vmem>> -> memref<128xi32, #tpu.memory_space<vmem>>
        %dma_start3A_151 = arith.constant 0 : i32
        %dma_start3A_152 = arith.constant 0 : i32
        %dma_start3A_153 = tpu.memref_slice %arg10[%dma_start3A_151, %dma_start3A_152] : memref<10000x128xf32, #tpu.memory_space<vmem_shared>> -> memref<10000x128xf32, #tpu.memory_space<vmem_shared>>
        tpu.enqueue_indirect_dma source(%dma_start3A_147 : memref<128x128xf32, #tpu.memory_space<vmem>>) target(%dma_start3A_153 : memref<10000x128xf32, #tpu.memory_space<vmem_shared>>) offsets(%dma_start3A_150 : memref<128xi32, #tpu.memory_space<vmem>>) semaphore(%run_scoped3A_143 : memref<!tpu.dma_semaphore, #tpu.memory_space<semaphore_mem>>) {add = true}
        %dma_wait3A_154 = arith.constant 0 : i32
        %dma_wait3A_155 = arith.constant 0 : i32
        %dma_wait3A_156 = tpu.memref_slice %arg8[%run_scoped3A_135, %dma_wait3A_154, %dma_wait3A_155] : memref<2x128x128xf32, #tpu.memory_space<vmem>> -> memref<1x128x128xf32, #tpu.memory_space<vmem>>
        %dma_wait3A_157 = tpu.memref_squeeze %dma_wait3A_156 : memref<1x128x128xf32, #tpu.memory_space<vmem>> -> memref<128x128xf32, #tpu.memory_space<vmem>>
        %dma_wait3A_158 = arith.constant 0 : i32
        %dma_wait3A_159 = tpu.memref_slice %arg7[%add3A_123, %dma_wait3A_158] : memref<40x128xi32, #tpu.memory_space<vmem>> -> memref<1x128xi32, #tpu.memory_space<vmem>>
        %dma_wait3A_160 = tpu.memref_squeeze %dma_wait3A_159 : memref<1x128xi32, #tpu.memory_space<vmem>> -> memref<128xi32, #tpu.memory_space<vmem>>
        %dma_wait3A_161 = arith.constant 0 : i32
        %dma_wait3A_162 = arith.constant 0 : i32
        %dma_wait3A_163 = tpu.memref_slice %arg10[%dma_wait3A_161, %dma_wait3A_162] : memref<10000x128xf32, #tpu.memory_space<vmem_shared>> -> memref<10000x128xf32, #tpu.memory_space<vmem_shared>>
        tpu.wait_indirect_dma semaphore(%run_scoped3A_143 : memref<!tpu.dma_semaphore, #tpu.memory_space<semaphore_mem>>) src(%dma_wait3A_157 : memref<128x128xf32, #tpu.memory_space<vmem>>) dst(%dma_wait3A_163 : memref<10000x128xf32, #tpu.memory_space<vmem_shared>>)
        tpu.yield
      }) : () -> ()
      %add3A_136 = arith.constant 2 : i32
      %add3A_137 = arith.addi %add3A_123, %add3A_136 : i32
      %lt3A_138 = arith.constant 40 : i32
      %lt3A_139 = arith.cmpi slt, %add3A_137, %lt3A_138 : i32
      %convert_element_type3A_140 = arith.extui %lt3A_139 : i1 to i32
      %cond3A_141 = arith.constant 0 : i32
      %cond3A_142 = arith.cmpi ne, %convert_element_type3A_140, %cond3A_141 : i32
      scf.if %cond3A_142 {
        %add3A_143 = arith.constant 2 : i32
        %add3A_144 = arith.addi %add3A_123, %add3A_143 : i32
        %dma_start3A_145 = arith.constant 1 : i32
        %dma_start3A_146 = arith.constant 0 : i32
        %dma_start3A_147 = arith.constant 0 : i32
        %dma_start3A_148 = tpu.memref_slice %arg8[%dma_start3A_145, %dma_start3A_146, %dma_start3A_147] : memref<2x128x128xf32, #tpu.memory_space<vmem>> -> memref<1x128x128xf32, #tpu.memory_space<vmem>>
        %dma_start3A_149 = tpu.memref_squeeze %dma_start3A_148 : memref<1x128x128xf32, #tpu.memory_space<vmem>> -> memref<128x128xf32, #tpu.memory_space<vmem>>
        %dma_start3A_150 = arith.constant 0 : i32
        %dma_start3A_151 = tpu.memref_slice %arg6[%add3A_144, %dma_start3A_150] : memref<40x128xi32, #tpu.memory_space<vmem>> -> memref<1x128xi32, #tpu.memory_space<vmem>>
        %dma_start3A_152 = tpu.memref_squeeze %dma_start3A_151 : memref<1x128xi32, #tpu.memory_space<vmem>> -> memref<128xi32, #tpu.memory_space<vmem>>
        %dma_start3A_153 = arith.constant 0 : i32
        %dma_start3A_154 = arith.constant 0 : i32
        %dma_start3A_155 = tpu.memref_slice %arg2[%dma_start3A_153, %dma_start3A_154] : memref<10000x128xf32, #tpu.memory_space<hbm>> -> memref<10000x128xf32, #tpu.memory_space<hbm>>
        tpu.enqueue_indirect_dma source(%dma_start3A_155 : memref<10000x128xf32, #tpu.memory_space<hbm>>) target(%dma_start3A_149 : memref<128x128xf32, #tpu.memory_space<vmem>>) offsets(%dma_start3A_152 : memref<128xi32, #tpu.memory_space<vmem>>) semaphore(%arg12 : memref<!tpu.dma_semaphore, #tpu.memory_space<semaphore_mem>>)
      } else {
      }
    }
    %scan3A_48 = arith.constant 20 : i32
    "tpu.region"() ({
      %run_scoped3A = tpu.sem_alloc : memref<!tpu.dma_semaphore, #tpu.memory_space<semaphore_mem>>
      %dma_start3A_97 = arith.constant 0 : i32
      %dma_start3A_98 = arith.constant 0 : i32
      %dma_start3A_99 = tpu.memref_slice %arg3[%add3A, %dma_start3A_97, %dma_start3A_98] : memref<32x80x128xi32, #tpu.memory_space<hbm>> -> memref<1x80x128xi32, #tpu.memory_space<hbm>>
      %dma_start3A_100 = tpu.memref_squeeze %dma_start3A_99 : memref<1x80x128xi32, #tpu.memory_space<hbm>> -> memref<80x128xi32, #tpu.memory_space<hbm>>
      %dma_start3A_101 = arith.constant 40 : i32
      %dma_start3A_102 = arith.constant 0 : i32
      %dma_start3A_103 = tpu.memref_slice %dma_start3A_100[%dma_start3A_101, %dma_start3A_102] : memref<80x128xi32, #tpu.memory_space<hbm>> -> memref<40x128xi32, #tpu.memory_space<hbm>>
      %dma_start3A_104 = arith.constant 0 : i32
      %dma_start3A_105 = arith.constant 0 : i32
      %dma_start3A_106 = tpu.memref_slice %arg3[%add3A, %dma_start3A_104, %dma_start3A_105] : memref<32x80x128xi32, #tpu.memory_space<hbm>> -> memref<1x80x128xi32, #tpu.memory_space<hbm>>
      %dma_start3A_107 = tpu.memref_squeeze %dma_start3A_106 : memref<1x80x128xi32, #tpu.memory_space<hbm>> -> memref<80x128xi32, #tpu.memory_space<hbm>>
      %dma_start3A_108 = arith.constant 40 : i32
      %dma_start3A_109 = arith.constant 0 : i32
      %dma_start3A_110 = tpu.memref_slice %dma_start3A_107[%dma_start3A_108, %dma_start3A_109] : memref<80x128xi32, #tpu.memory_space<hbm>> -> memref<40x128xi32, #tpu.memory_space<hbm>>
      tpu.enqueue_dma source(%dma_start3A_110 : memref<40x128xi32, #tpu.memory_space<hbm>>) target(%arg6 : memref<40x128xi32, #tpu.memory_space<vmem>>) target_semaphore(%run_scoped3A : memref<!tpu.dma_semaphore, #tpu.memory_space<semaphore_mem>>)
      %dma_wait3A = arith.constant 0 : i32
      %dma_wait3A_111 = arith.constant 0 : i32
      %dma_wait3A_112 = tpu.memref_slice %arg3[%add3A, %dma_wait3A, %dma_wait3A_111] : memref<32x80x128xi32, #tpu.memory_space<hbm>> -> memref<1x80x128xi32, #tpu.memory_space<hbm>>
      %dma_wait3A_113 = tpu.memref_squeeze %dma_wait3A_112 : memref<1x80x128xi32, #tpu.memory_space<hbm>> -> memref<80x128xi32, #tpu.memory_space<hbm>>
      %dma_wait3A_114 = arith.constant 40 : i32
      %dma_wait3A_115 = arith.constant 0 : i32
      %dma_wait3A_116 = tpu.memref_slice %dma_wait3A_113[%dma_wait3A_114, %dma_wait3A_115] : memref<80x128xi32, #tpu.memory_space<hbm>> -> memref<40x128xi32, #tpu.memory_space<hbm>>
      %dma_wait3A_117 = arith.constant 0 : i32
      %dma_wait3A_118 = arith.constant 0 : i32
      %dma_wait3A_119 = tpu.memref_slice %arg3[%add3A, %dma_wait3A_117, %dma_wait3A_118] : memref<32x80x128xi32, #tpu.memory_space<hbm>> -> memref<1x80x128xi32, #tpu.memory_space<hbm>>
      %dma_wait3A_120 = tpu.memref_squeeze %dma_wait3A_119 : memref<1x80x128xi32, #tpu.memory_space<hbm>> -> memref<80x128xi32, #tpu.memory_space<hbm>>
      %dma_wait3A_121 = arith.constant 40 : i32
      %dma_wait3A_122 = arith.constant 0 : i32
      %dma_wait3A_123 = tpu.memref_slice %dma_wait3A_120[%dma_wait3A_121, %dma_wait3A_122] : memref<80x128xi32, #tpu.memory_space<hbm>> -> memref<40x128xi32, #tpu.memory_space<hbm>>
      tpu.wait_dma2 semaphore(%run_scoped3A : memref<!tpu.dma_semaphore, #tpu.memory_space<semaphore_mem>>) src(%dma_wait3A_123 : memref<40x128xi32, #tpu.memory_space<hbm>>) dst(%arg6 : memref<40x128xi32, #tpu.memory_space<vmem>>)
      tpu.yield
    }) : () -> ()
    "tpu.region"() ({
      %run_scoped3A = tpu.sem_alloc : memref<!tpu.dma_semaphore, #tpu.memory_space<semaphore_mem>>
      %dma_start3A_97 = arith.constant 0 : i32
      %dma_start3A_98 = arith.constant 0 : i32
      %dma_start3A_99 = tpu.memref_slice %arg4[%add3A, %dma_start3A_97, %dma_start3A_98] : memref<32x80x128xi32, #tpu.memory_space<hbm>> -> memref<1x80x128xi32, #tpu.memory_space<hbm>>
      %dma_start3A_100 = tpu.memref_squeeze %dma_start3A_99 : memref<1x80x128xi32, #tpu.memory_space<hbm>> -> memref<80x128xi32, #tpu.memory_space<hbm>>
      %dma_start3A_101 = arith.constant 40 : i32
      %dma_start3A_102 = arith.constant 0 : i32
      %dma_start3A_103 = tpu.memref_slice %dma_start3A_100[%dma_start3A_101, %dma_start3A_102] : memref<80x128xi32, #tpu.memory_space<hbm>> -> memref<40x128xi32, #tpu.memory_space<hbm>>
      %dma_start3A_104 = arith.constant 0 : i32
      %dma_start3A_105 = arith.constant 0 : i32
      %dma_start3A_106 = tpu.memref_slice %arg4[%add3A, %dma_start3A_104, %dma_start3A_105] : memref<32x80x128xi32, #tpu.memory_space<hbm>> -> memref<1x80x128xi32, #tpu.memory_space<hbm>>
      %dma_start3A_107 = tpu.memref_squeeze %dma_start3A_106 : memref<1x80x128xi32, #tpu.memory_space<hbm>> -> memref<80x128xi32, #tpu.memory_space<hbm>>
      %dma_start3A_108 = arith.constant 40 : i32
      %dma_start3A_109 = arith.constant 0 : i32
      %dma_start3A_110 = tpu.memref_slice %dma_start3A_107[%dma_start3A_108, %dma_start3A_109] : memref<80x128xi32, #tpu.memory_space<hbm>> -> memref<40x128xi32, #tpu.memory_space<hbm>>
      tpu.enqueue_dma source(%dma_start3A_110 : memref<40x128xi32, #tpu.memory_space<hbm>>) target(%arg7 : memref<40x128xi32, #tpu.memory_space<vmem>>) target_semaphore(%run_scoped3A : memref<!tpu.dma_semaphore, #tpu.memory_space<semaphore_mem>>)
      %dma_wait3A = arith.constant 0 : i32
      %dma_wait3A_111 = arith.constant 0 : i32
      %dma_wait3A_112 = tpu.memref_slice %arg4[%add3A, %dma_wait3A, %dma_wait3A_111] : memref<32x80x128xi32, #tpu.memory_space<hbm>> -> memref<1x80x128xi32, #tpu.memory_space<hbm>>
      %dma_wait3A_113 = tpu.memref_squeeze %dma_wait3A_112 : memref<1x80x128xi32, #tpu.memory_space<hbm>> -> memref<80x128xi32, #tpu.memory_space<hbm>>
      %dma_wait3A_114 = arith.constant 40 : i32
      %dma_wait3A_115 = arith.constant 0 : i32
      %dma_wait3A_116 = tpu.memref_slice %dma_wait3A_113[%dma_wait3A_114, %dma_wait3A_115] : memref<80x128xi32, #tpu.memory_space<hbm>> -> memref<40x128xi32, #tpu.memory_space<hbm>>
      %dma_wait3A_117 = arith.constant 0 : i32
      %dma_wait3A_118 = arith.constant 0 : i32
      %dma_wait3A_119 = tpu.memref_slice %arg4[%add3A, %dma_wait3A_117, %dma_wait3A_118] : memref<32x80x128xi32, #tpu.memory_space<hbm>> -> memref<1x80x128xi32, #tpu.memory_space<hbm>>
      %dma_wait3A_120 = tpu.memref_squeeze %dma_wait3A_119 : memref<1x80x128xi32, #tpu.memory_space<hbm>> -> memref<80x128xi32, #tpu.memory_space<hbm>>
      %dma_wait3A_121 = arith.constant 40 : i32
      %dma_wait3A_122 = arith.constant 0 : i32
      %dma_wait3A_123 = tpu.memref_slice %dma_wait3A_120[%dma_wait3A_121, %dma_wait3A_122] : memref<80x128xi32, #tpu.memory_space<hbm>> -> memref<40x128xi32, #tpu.memory_space<hbm>>
      tpu.wait_dma2 semaphore(%run_scoped3A : memref<!tpu.dma_semaphore, #tpu.memory_space<semaphore_mem>>) src(%dma_wait3A_123 : memref<40x128xi32, #tpu.memory_space<hbm>>) dst(%arg7 : memref<40x128xi32, #tpu.memory_space<vmem>>)
      tpu.yield
    }) : () -> ()
    %dma_start3A_49 = arith.constant 0 : i32
    %dma_start3A_50 = arith.constant 0 : i32
    %dma_start3A_51 = arith.constant 0 : i32
    %dma_start3A_52 = arith.constant 0 : i32
    %dma_start3A_53 = tpu.memref_slice %arg8[%dma_start3A_50, %dma_start3A_51, %dma_start3A_52] : memref<2x128x128xf32, #tpu.memory_space<vmem>> -> memref<1x128x128xf32, #tpu.memory_space<vmem>>
    %dma_start3A_54 = tpu.memref_squeeze %dma_start3A_53 : memref<1x128x128xf32, #tpu.memory_space<vmem>> -> memref<128x128xf32, #tpu.memory_space<vmem>>
    %dma_start3A_55 = arith.constant 0 : i32
    %dma_start3A_56 = tpu.memref_slice %arg6[%dma_start3A_49, %dma_start3A_55] : memref<40x128xi32, #tpu.memory_space<vmem>> -> memref<1x128xi32, #tpu.memory_space<vmem>>
    %dma_start3A_57 = tpu.memref_squeeze %dma_start3A_56 : memref<1x128xi32, #tpu.memory_space<vmem>> -> memref<128xi32, #tpu.memory_space<vmem>>
    %dma_start3A_58 = arith.constant 0 : i32
    %dma_start3A_59 = arith.constant 0 : i32
    %dma_start3A_60 = tpu.memref_slice %arg2[%dma_start3A_58, %dma_start3A_59] : memref<10000x128xf32, #tpu.memory_space<hbm>> -> memref<10000x128xf32, #tpu.memory_space<hbm>>
    tpu.enqueue_indirect_dma source(%dma_start3A_60 : memref<10000x128xf32, #tpu.memory_space<hbm>>) target(%dma_start3A_54 : memref<128x128xf32, #tpu.memory_space<vmem>>) offsets(%dma_start3A_57 : memref<128xi32, #tpu.memory_space<vmem>>) semaphore(%arg11 : memref<!tpu.dma_semaphore, #tpu.memory_space<semaphore_mem>>)
    %dma_start3A_61 = arith.constant 1 : i32
    %dma_start3A_62 = arith.constant 1 : i32
    %dma_start3A_63 = arith.constant 0 : i32
    %dma_start3A_64 = arith.constant 0 : i32
    %dma_start3A_65 = tpu.memref_slice %arg8[%dma_start3A_62, %dma_start3A_63, %dma_start3A_64] : memref<2x128x128xf32, #tpu.memory_space<vmem>> -> memref<1x128x128xf32, #tpu.memory_space<vmem>>
    %dma_start3A_66 = tpu.memref_squeeze %dma_start3A_65 : memref<1x128x128xf32, #tpu.memory_space<vmem>> -> memref<128x128xf32, #tpu.memory_space<vmem>>
    %dma_start3A_67 = arith.constant 0 : i32
    %dma_start3A_68 = tpu.memref_slice %arg6[%dma_start3A_61, %dma_start3A_67] : memref<40x128xi32, #tpu.memory_space<vmem>> -> memref<1x128xi32, #tpu.memory_space<vmem>>
    %dma_start3A_69 = tpu.memref_squeeze %dma_start3A_68 : memref<1x128xi32, #tpu.memory_space<vmem>> -> memref<128xi32, #tpu.memory_space<vmem>>
    %dma_start3A_70 = arith.constant 0 : i32
    %dma_start3A_71 = arith.constant 0 : i32
    %dma_start3A_72 = tpu.memref_slice %arg2[%dma_start3A_70, %dma_start3A_71] : memref<10000x128xf32, #tpu.memory_space<hbm>> -> memref<10000x128xf32, #tpu.memory_space<hbm>>
    tpu.enqueue_indirect_dma source(%dma_start3A_72 : memref<10000x128xf32, #tpu.memory_space<hbm>>) target(%dma_start3A_66 : memref<128x128xf32, #tpu.memory_space<vmem>>) offsets(%dma_start3A_69 : memref<128xi32, #tpu.memory_space<vmem>>) semaphore(%arg12 : memref<!tpu.dma_semaphore, #tpu.memory_space<semaphore_mem>>)
    %scan3A_73 = arith.constant 0 : i32
    %scan3A_74 = arith.constant 20 : i32
    %scan3A_75 = arith.addi %scan3A_73, %scan3A_74 : i32
    %scan3A_76 = arith.constant 1 : i32
    scf.for %scan3A_97 = %scan3A_73 to %scan3A_75 step %scan3A_76  : i32 {
      %mul3A_98 = arith.constant 1 : i32
      %mul3A_99 = arith.muli %scan3A_97, %mul3A_98 : i32
      %add3A_100 = arith.constant 0 : i32
      %add3A_101 = arith.addi %add3A_100, %mul3A_99 : i32
      %mul3A_102 = arith.constant 2 : i32
      %mul3A_103 = arith.muli %add3A_101, %mul3A_102 : i32
      %add3A_104 = arith.constant 0 : i32
      %add3A_105 = arith.addi %mul3A_103, %add3A_104 : i32
      %dma_wait3A = arith.constant 0 : i32
      %dma_wait3A_106 = arith.constant 0 : i32
      %dma_wait3A_107 = arith.constant 0 : i32
      %dma_wait3A_108 = tpu.memref_slice %arg8[%dma_wait3A, %dma_wait3A_106, %dma_wait3A_107] : memref<2x128x128xf32, #tpu.memory_space<vmem>> -> memref<1x128x128xf32, #tpu.memory_space<vmem>>
      %dma_wait3A_109 = tpu.memref_squeeze %dma_wait3A_108 : memref<1x128x128xf32, #tpu.memory_space<vmem>> -> memref<128x128xf32, #tpu.memory_space<vmem>>
      %dma_wait3A_110 = arith.constant 0 : i32
      %dma_wait3A_111 = tpu.memref_slice %arg6[%add3A_105, %dma_wait3A_110] : memref<40x128xi32, #tpu.memory_space<vmem>> -> memref<1x128xi32, #tpu.memory_space<vmem>>
      %dma_wait3A_112 = tpu.memref_squeeze %dma_wait3A_111 : memref<1x128xi32, #tpu.memory_space<vmem>> -> memref<128xi32, #tpu.memory_space<vmem>>
      %dma_wait3A_113 = arith.constant 0 : i32
      %dma_wait3A_114 = arith.constant 0 : i32
      %dma_wait3A_115 = tpu.memref_slice %arg2[%dma_wait3A_113, %dma_wait3A_114] : memref<10000x128xf32, #tpu.memory_space<hbm>> -> memref<10000x128xf32, #tpu.memory_space<hbm>>
      tpu.wait_indirect_dma semaphore(%arg11 : memref<!tpu.dma_semaphore, #tpu.memory_space<semaphore_mem>>) src(%dma_wait3A_115 : memref<10000x128xf32, #tpu.memory_space<hbm>>) dst(%dma_wait3A_109 : memref<128x128xf32, #tpu.memory_space<vmem>>)
      %run_scoped3A = arith.constant 0 : i32
      "tpu.region"() ({
        %run_scoped3A_143 = tpu.sem_alloc : memref<!tpu.dma_semaphore, #tpu.memory_space<semaphore_mem>>
        %dma_start3A_144 = arith.constant 0 : i32
        %dma_start3A_145 = arith.constant 0 : i32
        %dma_start3A_146 = tpu.memref_slice %arg8[%run_scoped3A, %dma_start3A_144, %dma_start3A_145] : memref<2x128x128xf32, #tpu.memory_space<vmem>> -> memref<1x128x128xf32, #tpu.memory_space<vmem>>
        %dma_start3A_147 = tpu.memref_squeeze %dma_start3A_146 : memref<1x128x128xf32, #tpu.memory_space<vmem>> -> memref<128x128xf32, #tpu.memory_space<vmem>>
        %dma_start3A_148 = arith.constant 0 : i32
        %dma_start3A_149 = tpu.memref_slice %arg7[%add3A_105, %dma_start3A_148] : memref<40x128xi32, #tpu.memory_space<vmem>> -> memref<1x128xi32, #tpu.memory_space<vmem>>
        %dma_start3A_150 = tpu.memref_squeeze %dma_start3A_149 : memref<1x128xi32, #tpu.memory_space<vmem>> -> memref<128xi32, #tpu.memory_space<vmem>>
        %dma_start3A_151 = arith.constant 0 : i32
        %dma_start3A_152 = arith.constant 0 : i32
        %dma_start3A_153 = tpu.memref_slice %arg10[%dma_start3A_151, %dma_start3A_152] : memref<10000x128xf32, #tpu.memory_space<vmem_shared>> -> memref<10000x128xf32, #tpu.memory_space<vmem_shared>>
        tpu.enqueue_indirect_dma source(%dma_start3A_147 : memref<128x128xf32, #tpu.memory_space<vmem>>) target(%dma_start3A_153 : memref<10000x128xf32, #tpu.memory_space<vmem_shared>>) offsets(%dma_start3A_150 : memref<128xi32, #tpu.memory_space<vmem>>) semaphore(%run_scoped3A_143 : memref<!tpu.dma_semaphore, #tpu.memory_space<semaphore_mem>>) {add = true}
        %dma_wait3A_154 = arith.constant 0 : i32
        %dma_wait3A_155 = arith.constant 0 : i32
        %dma_wait3A_156 = tpu.memref_slice %arg8[%run_scoped3A, %dma_wait3A_154, %dma_wait3A_155] : memref<2x128x128xf32, #tpu.memory_space<vmem>> -> memref<1x128x128xf32, #tpu.memory_space<vmem>>
        %dma_wait3A_157 = tpu.memref_squeeze %dma_wait3A_156 : memref<1x128x128xf32, #tpu.memory_space<vmem>> -> memref<128x128xf32, #tpu.memory_space<vmem>>
        %dma_wait3A_158 = arith.constant 0 : i32
        %dma_wait3A_159 = tpu.memref_slice %arg7[%add3A_105, %dma_wait3A_158] : memref<40x128xi32, #tpu.memory_space<vmem>> -> memref<1x128xi32, #tpu.memory_space<vmem>>
        %dma_wait3A_160 = tpu.memref_squeeze %dma_wait3A_159 : memref<1x128xi32, #tpu.memory_space<vmem>> -> memref<128xi32, #tpu.memory_space<vmem>>
        %dma_wait3A_161 = arith.constant 0 : i32
        %dma_wait3A_162 = arith.constant 0 : i32
        %dma_wait3A_163 = tpu.memref_slice %arg10[%dma_wait3A_161, %dma_wait3A_162] : memref<10000x128xf32, #tpu.memory_space<vmem_shared>> -> memref<10000x128xf32, #tpu.memory_space<vmem_shared>>
        tpu.wait_indirect_dma semaphore(%run_scoped3A_143 : memref<!tpu.dma_semaphore, #tpu.memory_space<semaphore_mem>>) src(%dma_wait3A_157 : memref<128x128xf32, #tpu.memory_space<vmem>>) dst(%dma_wait3A_163 : memref<10000x128xf32, #tpu.memory_space<vmem_shared>>)
        tpu.yield
      }) : () -> ()
      %add3A_116 = arith.constant 2 : i32
      %add3A_117 = arith.addi %add3A_105, %add3A_116 : i32
      %lt3A = arith.constant 40 : i32
      %lt3A_118 = arith.cmpi slt, %add3A_117, %lt3A : i32
      %convert_element_type3A = arith.extui %lt3A_118 : i1 to i32
      %cond3A = arith.constant 0 : i32
      %cond3A_119 = arith.cmpi ne, %convert_element_type3A, %cond3A : i32
      scf.if %cond3A_119 {
        %add3A_143 = arith.constant 2 : i32
        %add3A_144 = arith.addi %add3A_105, %add3A_143 : i32
        %dma_start3A_145 = arith.constant 0 : i32
        %dma_start3A_146 = arith.constant 0 : i32
        %dma_start3A_147 = arith.constant 0 : i32
        %dma_start3A_148 = tpu.memref_slice %arg8[%dma_start3A_145, %dma_start3A_146, %dma_start3A_147] : memref<2x128x128xf32, #tpu.memory_space<vmem>> -> memref<1x128x128xf32, #tpu.memory_space<vmem>>
        %dma_start3A_149 = tpu.memref_squeeze %dma_start3A_148 : memref<1x128x128xf32, #tpu.memory_space<vmem>> -> memref<128x128xf32, #tpu.memory_space<vmem>>
        %dma_start3A_150 = arith.constant 0 : i32
        %dma_start3A_151 = tpu.memref_slice %arg6[%add3A_144, %dma_start3A_150] : memref<40x128xi32, #tpu.memory_space<vmem>> -> memref<1x128xi32, #tpu.memory_space<vmem>>
        %dma_start3A_152 = tpu.memref_squeeze %dma_start3A_151 : memref<1x128xi32, #tpu.memory_space<vmem>> -> memref<128xi32, #tpu.memory_space<vmem>>
        %dma_start3A_153 = arith.constant 0 : i32
        %dma_start3A_154 = arith.constant 0 : i32
        %dma_start3A_155 = tpu.memref_slice %arg2[%dma_start3A_153, %dma_start3A_154] : memref<10000x128xf32, #tpu.memory_space<hbm>> -> memref<10000x128xf32, #tpu.memory_space<hbm>>
        tpu.enqueue_indirect_dma source(%dma_start3A_155 : memref<10000x128xf32, #tpu.memory_space<hbm>>) target(%dma_start3A_149 : memref<128x128xf32, #tpu.memory_space<vmem>>) offsets(%dma_start3A_152 : memref<128xi32, #tpu.memory_space<vmem>>) semaphore(%arg11 : memref<!tpu.dma_semaphore, #tpu.memory_space<semaphore_mem>>)
      } else {
      }
      %mul3A_120 = arith.constant 2 : i32
      %mul3A_121 = arith.muli %add3A_101, %mul3A_120 : i32
      %add3A_122 = arith.constant 1 : i32
      %add3A_123 = arith.addi %mul3A_121, %add3A_122 : i32
      %dma_wait3A_124 = arith.constant 1 : i32
      %dma_wait3A_125 = arith.constant 0 : i32
      %dma_wait3A_126 = arith.constant 0 : i32
      %dma_wait3A_127 = tpu.memref_slice %arg8[%dma_wait3A_124, %dma_wait3A_125, %dma_wait3A_126] : memref<2x128x128xf32, #tpu.memory_space<vmem>> -> memref<1x128x128xf32, #tpu.memory_space<vmem>>
      %dma_wait3A_128 = tpu.memref_squeeze %dma_wait3A_127 : memref<1x128x128xf32, #tpu.memory_space<vmem>> -> memref<128x128xf32, #tpu.memory_space<vmem>>
      %dma_wait3A_129 = arith.constant 0 : i32
      %dma_wait3A_130 = tpu.memref_slice %arg6[%add3A_123, %dma_wait3A_129] : memref<40x128xi32, #tpu.memory_space<vmem>> -> memref<1x128xi32, #tpu.memory_space<vmem>>
      %dma_wait3A_131 = tpu.memref_squeeze %dma_wait3A_130 : memref<1x128xi32, #tpu.memory_space<vmem>> -> memref<128xi32, #tpu.memory_space<vmem>>
      %dma_wait3A_132 = arith.constant 0 : i32
      %dma_wait3A_133 = arith.constant 0 : i32
      %dma_wait3A_134 = tpu.memref_slice %arg2[%dma_wait3A_132, %dma_wait3A_133] : memref<10000x128xf32, #tpu.memory_space<hbm>> -> memref<10000x128xf32, #tpu.memory_space<hbm>>
      tpu.wait_indirect_dma semaphore(%arg12 : memref<!tpu.dma_semaphore, #tpu.memory_space<semaphore_mem>>) src(%dma_wait3A_134 : memref<10000x128xf32, #tpu.memory_space<hbm>>) dst(%dma_wait3A_128 : memref<128x128xf32, #tpu.memory_space<vmem>>)
      %run_scoped3A_135 = arith.constant 1 : i32
      "tpu.region"() ({
        %run_scoped3A_143 = tpu.sem_alloc : memref<!tpu.dma_semaphore, #tpu.memory_space<semaphore_mem>>
        %dma_start3A_144 = arith.constant 0 : i32
        %dma_start3A_145 = arith.constant 0 : i32
        %dma_start3A_146 = tpu.memref_slice %arg8[%run_scoped3A_135, %dma_start3A_144, %dma_start3A_145] : memref<2x128x128xf32, #tpu.memory_space<vmem>> -> memref<1x128x128xf32, #tpu.memory_space<vmem>>
        %dma_start3A_147 = tpu.memref_squeeze %dma_start3A_146 : memref<1x128x128xf32, #tpu.memory_space<vmem>> -> memref<128x128xf32, #tpu.memory_space<vmem>>
        %dma_start3A_148 = arith.constant 0 : i32
        %dma_start3A_149 = tpu.memref_slice %arg7[%add3A_123, %dma_start3A_148] : memref<40x128xi32, #tpu.memory_space<vmem>> -> memref<1x128xi32, #tpu.memory_space<vmem>>
        %dma_start3A_150 = tpu.memref_squeeze %dma_start3A_149 : memref<1x128xi32, #tpu.memory_space<vmem>> -> memref<128xi32, #tpu.memory_space<vmem>>
        %dma_start3A_151 = arith.constant 0 : i32
        %dma_start3A_152 = arith.constant 0 : i32
        %dma_start3A_153 = tpu.memref_slice %arg10[%dma_start3A_151, %dma_start3A_152] : memref<10000x128xf32, #tpu.memory_space<vmem_shared>> -> memref<10000x128xf32, #tpu.memory_space<vmem_shared>>
        tpu.enqueue_indirect_dma source(%dma_start3A_147 : memref<128x128xf32, #tpu.memory_space<vmem>>) target(%dma_start3A_153 : memref<10000x128xf32, #tpu.memory_space<vmem_shared>>) offsets(%dma_start3A_150 : memref<128xi32, #tpu.memory_space<vmem>>) semaphore(%run_scoped3A_143 : memref<!tpu.dma_semaphore, #tpu.memory_space<semaphore_mem>>) {add = true}
        %dma_wait3A_154 = arith.constant 0 : i32
        %dma_wait3A_155 = arith.constant 0 : i32
        %dma_wait3A_156 = tpu.memref_slice %arg8[%run_scoped3A_135, %dma_wait3A_154, %dma_wait3A_155] : memref<2x128x128xf32, #tpu.memory_space<vmem>> -> memref<1x128x128xf32, #tpu.memory_space<vmem>>
        %dma_wait3A_157 = tpu.memref_squeeze %dma_wait3A_156 : memref<1x128x128xf32, #tpu.memory_space<vmem>> -> memref<128x128xf32, #tpu.memory_space<vmem>>
        %dma_wait3A_158 = arith.constant 0 : i32
        %dma_wait3A_159 = tpu.memref_slice %arg7[%add3A_123, %dma_wait3A_158] : memref<40x128xi32, #tpu.memory_space<vmem>> -> memref<1x128xi32, #tpu.memory_space<vmem>>
        %dma_wait3A_160 = tpu.memref_squeeze %dma_wait3A_159 : memref<1x128xi32, #tpu.memory_space<vmem>> -> memref<128xi32, #tpu.memory_space<vmem>>
        %dma_wait3A_161 = arith.constant 0 : i32
        %dma_wait3A_162 = arith.constant 0 : i32
        %dma_wait3A_163 = tpu.memref_slice %arg10[%dma_wait3A_161, %dma_wait3A_162] : memref<10000x128xf32, #tpu.memory_space<vmem_shared>> -> memref<10000x128xf32, #tpu.memory_space<vmem_shared>>
        tpu.wait_indirect_dma semaphore(%run_scoped3A_143 : memref<!tpu.dma_semaphore, #tpu.memory_space<semaphore_mem>>) src(%dma_wait3A_157 : memref<128x128xf32, #tpu.memory_space<vmem>>) dst(%dma_wait3A_163 : memref<10000x128xf32, #tpu.memory_space<vmem_shared>>)
        tpu.yield
      }) : () -> ()
      %add3A_136 = arith.constant 2 : i32
      %add3A_137 = arith.addi %add3A_123, %add3A_136 : i32
      %lt3A_138 = arith.constant 40 : i32
      %lt3A_139 = arith.cmpi slt, %add3A_137, %lt3A_138 : i32
      %convert_element_type3A_140 = arith.extui %lt3A_139 : i1 to i32
      %cond3A_141 = arith.constant 0 : i32
      %cond3A_142 = arith.cmpi ne, %convert_element_type3A_140, %cond3A_141 : i32
      scf.if %cond3A_142 {
        %add3A_143 = arith.constant 2 : i32
        %add3A_144 = arith.addi %add3A_123, %add3A_143 : i32
        %dma_start3A_145 = arith.constant 1 : i32
        %dma_start3A_146 = arith.constant 0 : i32
        %dma_start3A_147 = arith.constant 0 : i32
        %dma_start3A_148 = tpu.memref_slice %arg8[%dma_start3A_145, %dma_start3A_146, %dma_start3A_147] : memref<2x128x128xf32, #tpu.memory_space<vmem>> -> memref<1x128x128xf32, #tpu.memory_space<vmem>>
        %dma_start3A_149 = tpu.memref_squeeze %dma_start3A_148 : memref<1x128x128xf32, #tpu.memory_space<vmem>> -> memref<128x128xf32, #tpu.memory_space<vmem>>
        %dma_start3A_150 = arith.constant 0 : i32
        %dma_start3A_151 = tpu.memref_slice %arg6[%add3A_144, %dma_start3A_150] : memref<40x128xi32, #tpu.memory_space<vmem>> -> memref<1x128xi32, #tpu.memory_space<vmem>>
        %dma_start3A_152 = tpu.memref_squeeze %dma_start3A_151 : memref<1x128xi32, #tpu.memory_space<vmem>> -> memref<128xi32, #tpu.memory_space<vmem>>
        %dma_start3A_153 = arith.constant 0 : i32
        %dma_start3A_154 = arith.constant 0 : i32
        %dma_start3A_155 = tpu.memref_slice %arg2[%dma_start3A_153, %dma_start3A_154] : memref<10000x128xf32, #tpu.memory_space<hbm>> -> memref<10000x128xf32, #tpu.memory_space<hbm>>
        tpu.enqueue_indirect_dma source(%dma_start3A_155 : memref<10000x128xf32, #tpu.memory_space<hbm>>) target(%dma_start3A_149 : memref<128x128xf32, #tpu.memory_space<vmem>>) offsets(%dma_start3A_152 : memref<128xi32, #tpu.memory_space<vmem>>) semaphore(%arg12 : memref<!tpu.dma_semaphore, #tpu.memory_space<semaphore_mem>>)
      } else {
      }
    }
    %scan3A_77 = arith.constant 20 : i32
    %barrier3A_78 = arith.constant 0 : index
    tpu.barrier barrier_id(%barrier3A_78)
    %sub3A_79 = arith.constant 125 : i32
    %sub3A_80 = arith.subi %sub3A_79, %arg1 : i32
    %sub3A_81 = arith.constant 16 : i32
    %sub3A_82 = arith.constant 1 : i32
    %sub3A_83 = arith.subi %sub3A_81, %sub3A_82 : i32
    %add3A_84 = arith.addi %sub3A_80, %sub3A_83 : i32
    %div3A_85 = arith.constant 16 : i32
    %div3A_86 = arith.divsi %add3A_84, %div3A_85 : i32
    %while3A_87 = arith.constant 16 : i32
    %while3A_88 = arith.constant 0 : i32
    %while3A_89 = arith.subi %div3A_86, %while3A_88 : i32
    %while3A_90 = arith.addi %while3A_88, %while3A_89 : i32
    %while3A_91 = arith.constant 1 : i32
    %while3A_92 = arith.divsi %while3A_89, %while3A_91 : i32
    %while3A_93 = arith.muli %while3A_92, %while3A_91 : i32
    %while3A_94 = arith.addi %while3A_88, %while3A_93 : i32
    %while3A_95 = arith.constant 1 : i32
    scf.for %while3A_97 = %while3A_88 to %while3A_94 step %while3A_95  : i32 {
      %mul3A_98 = arith.muli %while3A_97, %while3A_87 : i32
      %add3A_99 = arith.addi %arg1, %mul3A_98 : i32
      %mul3A_100 = arith.constant 80 : i32
      %mul3A_101 = arith.muli %add3A_99, %mul3A_100 : i32
      %mul3A_102 = arith.constant 80 : i32
      %mul3A_103 = arith.muli %add3A_99, %mul3A_102 : i32
      "tpu.region"() ({
        %run_scoped3A = tpu.sem_alloc : memref<!tpu.dma_semaphore, #tpu.memory_space<semaphore_mem>>
        %dma_start3A_104 = arith.constant 0 : i32
        %dma_start3A_105 = arith.constant 0 : i32
        %dma_start3A_106 = tpu.memref_slice %arg5[%arg0, %dma_start3A_104, %dma_start3A_105] : memref<2x10000x128xf32, #tpu.memory_space<hbm>> -> memref<1x10000x128xf32, #tpu.memory_space<hbm>>
        %dma_start3A_107 = tpu.memref_squeeze %dma_start3A_106 : memref<1x10000x128xf32, #tpu.memory_space<hbm>> -> memref<10000x128xf32, #tpu.memory_space<hbm>>
        %dma_start3A_108 = arith.constant 0 : i32
        %dma_start3A_109 = tpu.memref_slice %dma_start3A_107[%mul3A_103, %dma_start3A_108] : memref<10000x128xf32, #tpu.memory_space<hbm>> -> memref<80x128xf32, #tpu.memory_space<hbm>>
        %dma_start3A_110 = arith.constant 0 : i32
        %dma_start3A_111 = tpu.memref_slice %arg10[%mul3A_101, %dma_start3A_110] : memref<10000x128xf32, #tpu.memory_space<vmem_shared>> -> memref<80x128xf32, #tpu.memory_space<vmem_shared>>
        tpu.enqueue_dma source(%dma_start3A_111 : memref<80x128xf32, #tpu.memory_space<vmem_shared>>) target(%dma_start3A_109 : memref<80x128xf32, #tpu.memory_space<hbm>>) target_semaphore(%run_scoped3A : memref<!tpu.dma_semaphore, #tpu.memory_space<semaphore_mem>>)
        %dma_wait3A = arith.constant 0 : i32
        %dma_wait3A_112 = arith.constant 0 : i32
        %dma_wait3A_113 = tpu.memref_slice %arg5[%arg0, %dma_wait3A, %dma_wait3A_112] : memref<2x10000x128xf32, #tpu.memory_space<hbm>> -> memref<1x10000x128xf32, #tpu.memory_space<hbm>>
        %dma_wait3A_114 = tpu.memref_squeeze %dma_wait3A_113 : memref<1x10000x128xf32, #tpu.memory_space<hbm>> -> memref<10000x128xf32, #tpu.memory_space<hbm>>
        %dma_wait3A_115 = arith.constant 0 : i32
        %dma_wait3A_116 = tpu.memref_slice %dma_wait3A_114[%mul3A_103, %dma_wait3A_115] : memref<10000x128xf32, #tpu.memory_space<hbm>> -> memref<80x128xf32, #tpu.memory_space<hbm>>
        %dma_wait3A_117 = arith.constant 0 : i32
        %dma_wait3A_118 = tpu.memref_slice %arg10[%mul3A_101, %dma_wait3A_117] : memref<10000x128xf32, #tpu.memory_space<vmem_shared>> -> memref<80x128xf32, #tpu.memory_space<vmem_shared>>
        tpu.wait_dma2 semaphore(%run_scoped3A : memref<!tpu.dma_semaphore, #tpu.memory_space<semaphore_mem>>) src(%dma_wait3A_118 : memref<80x128xf32, #tpu.memory_space<vmem_shared>>) dst(%dma_wait3A_116 : memref<80x128xf32, #tpu.memory_space<hbm>>)
        tpu.yield
      }) : () -> ()
    }
    %while3A_96 = arith.constant 1 : i32
    scf.for %while3A_97 = %while3A_94 to %while3A_90 step %while3A_96  : i32 {
      %mul3A_98 = arith.muli %while3A_97, %while3A_87 : i32
      %add3A_99 = arith.addi %arg1, %mul3A_98 : i32
      %mul3A_100 = arith.constant 80 : i32
      %mul3A_101 = arith.muli %add3A_99, %mul3A_100 : i32
      %mul3A_102 = arith.constant 80 : i32
      %mul3A_103 = arith.muli %add3A_99, %mul3A_102 : i32
      "tpu.region"() ({
        %run_scoped3A = tpu.sem_alloc : memref<!tpu.dma_semaphore, #tpu.memory_space<semaphore_mem>>
        %dma_start3A_104 = arith.constant 0 : i32
        %dma_start3A_105 = arith.constant 0 : i32
        %dma_start3A_106 = tpu.memref_slice %arg5[%arg0, %dma_start3A_104, %dma_start3A_105] : memref<2x10000x128xf32, #tpu.memory_space<hbm>> -> memref<1x10000x128xf32, #tpu.memory_space<hbm>>
        %dma_start3A_107 = tpu.memref_squeeze %dma_start3A_106 : memref<1x10000x128xf32, #tpu.memory_space<hbm>> -> memref<10000x128xf32, #tpu.memory_space<hbm>>
        %dma_start3A_108 = arith.constant 0 : i32
        %dma_start3A_109 = tpu.memref_slice %dma_start3A_107[%mul3A_103, %dma_start3A_108] : memref<10000x128xf32, #tpu.memory_space<hbm>> -> memref<80x128xf32, #tpu.memory_space<hbm>>
        %dma_start3A_110 = arith.constant 0 : i32
        %dma_start3A_111 = tpu.memref_slice %arg10[%mul3A_101, %dma_start3A_110] : memref<10000x128xf32, #tpu.memory_space<vmem_shared>> -> memref<80x128xf32, #tpu.memory_space<vmem_shared>>
        tpu.enqueue_dma source(%dma_start3A_111 : memref<80x128xf32, #tpu.memory_space<vmem_shared>>) target(%dma_start3A_109 : memref<80x128xf32, #tpu.memory_space<hbm>>) target_semaphore(%run_scoped3A : memref<!tpu.dma_semaphore, #tpu.memory_space<semaphore_mem>>)
        %dma_wait3A = arith.constant 0 : i32
        %dma_wait3A_112 = arith.constant 0 : i32
        %dma_wait3A_113 = tpu.memref_slice %arg5[%arg0, %dma_wait3A, %dma_wait3A_112] : memref<2x10000x128xf32, #tpu.memory_space<hbm>> -> memref<1x10000x128xf32, #tpu.memory_space<hbm>>
        %dma_wait3A_114 = tpu.memref_squeeze %dma_wait3A_113 : memref<1x10000x128xf32, #tpu.memory_space<hbm>> -> memref<10000x128xf32, #tpu.memory_space<hbm>>
        %dma_wait3A_115 = arith.constant 0 : i32
        %dma_wait3A_116 = tpu.memref_slice %dma_wait3A_114[%mul3A_103, %dma_wait3A_115] : memref<10000x128xf32, #tpu.memory_space<hbm>> -> memref<80x128xf32, #tpu.memory_space<hbm>>
        %dma_wait3A_117 = arith.constant 0 : i32
        %dma_wait3A_118 = tpu.memref_slice %arg10[%mul3A_101, %dma_wait3A_117] : memref<10000x128xf32, #tpu.memory_space<vmem_shared>> -> memref<80x128xf32, #tpu.memory_space<vmem_shared>>
        tpu.wait_dma2 semaphore(%run_scoped3A : memref<!tpu.dma_semaphore, #tpu.memory_space<semaphore_mem>>) src(%dma_wait3A_118 : memref<80x128xf32, #tpu.memory_space<vmem_shared>>) dst(%dma_wait3A_116 : memref<80x128xf32, #tpu.memory_space<hbm>>)
        tpu.yield
      }) : () -> ()
    }
    return
  }
}

#map = affine_map<(d0, d1) -> (0, 0)>
#map1 = affine_map<(d0, d1) -> (0, 0, 0)>
module attributes {stable_mosaic.version = 14 : i64} {
  func.func @k(%arg0: i32, %arg1: i32, %arg2: memref<10000x128xf32, #tpu.memory_space<hbm>>, %arg3: memref<32x80x128xi32, #tpu.memory_space<hbm>>, %arg4: memref<32x80x128xi32, #tpu.memory_space<hbm>>, %arg5: memref<2x10000x128xf32, #tpu.memory_space<hbm>>, %arg6: memref<40x128xi32, #tpu.memory_space<vmem>>, %arg7: memref<40x128xi32, #tpu.memory_space<vmem>>, %arg8: memref<2x128x128xf32, #tpu.memory_space<vmem>>, %arg9: memref<40x128xf32, #tpu.memory_space<vmem>>, %arg10: memref<10000x128xf32, #tpu.memory_space<vmem_shared>>, %arg11: memref<!tpu.dma_semaphore, #tpu.memory_space<semaphore_mem>>, %arg12: memref<!tpu.dma_semaphore, #tpu.memory_space<semaphore_mem>>) attributes {dimension_semantics = [#tpu.dimension_semantics<core_parallel>, #tpu.dimension_semantics<subcore_parallel>], iteration_bounds = array<i64: 2, 16>, scalar_prefetch = 0 : i64, scratch_operands = 7 : i64, tpu.core_type = #tpu.core_type<sc_vector_subcore>, window_params = [{transform_indices = #map}, {transform_indices = #map1}, {transform_indices = #map1}, {transform_indices = #map1}]} {
    %mul3A = arith.constant 16 : i32
    %mul3A_0 = arith.muli %arg0, %mul3A : i32
    %add3A = arith.addi %mul3A_0, %arg1 : i32
    %broadcast_in_dim3A = arith.constant 0.000000e+00 : f32
    %broadcast_in_dim3A_1 = vector.broadcast %broadcast_in_dim3A : f32 to vector<16xf32>
    %scan3A = arith.constant 0 : i32
    %scan3A_2 = arith.constant 40 : i32
    %scan3A_3 = arith.addi %scan3A, %scan3A_2 : i32
    %scan3A_4 = arith.constant 1 : i32
    scf.for %scan3A_97 = %scan3A to %scan3A_3 step %scan3A_4  : i32 {
      %mul3A_98 = arith.constant 1 : i32
      %mul3A_99 = arith.muli %scan3A_97, %mul3A_98 : i32
      %add3A_100 = arith.constant 0 : i32
      %add3A_101 = arith.addi %add3A_100, %mul3A_99 : i32
      %scan3A_102 = arith.constant 0 : i32
      %scan3A_103 = arith.constant 8 : i32
      %scan3A_104 = arith.addi %scan3A_102, %scan3A_103 : i32
      %scan3A_105 = arith.constant 1 : i32
      scf.for %scan3A_107 = %scan3A_102 to %scan3A_104 step %scan3A_105  : i32 {
        %mul3A_108 = arith.constant 16 : i32
        %mul3A_109 = arith.muli %scan3A_107, %mul3A_108 : i32
        %add3A_110 = arith.constant 0 : i32
        %add3A_111 = arith.addi %add3A_110, %mul3A_109 : i32
        %swap3A = arith.index_cast %add3A_101 : i32 to index
        %swap3A_112 = arith.index_cast %add3A_111 : i32 to index
        %swap3A_113 = tpu.vector_load %arg9[%swap3A, %swap3A_112] {strides = array<i32>} : memref<40x128xf32, #tpu.memory_space<vmem>>, vector<1x16xf32>,
        %swap3A_114 = vector.shape_cast %swap3A_113 : vector<1x16xf32> to vector<16xf32>
        %swap3A_115 = vector.shape_cast %broadcast_in_dim3A_1 : vector<16xf32> to vector<1x16xf32>
        tpu.vector_store %arg9[%swap3A, %swap3A_112], %swap3A_115 {strides = array<i32>} : memref<40x128xf32, #tpu.memory_space<vmem>>, vector<1x16xf32>,
      }
      %scan3A_106 = arith.constant 8 : i32
    }
    %scan3A_5 = arith.constant 40 : i32
    %sub3A = arith.constant 250 : i32
    %sub3A_6 = arith.subi %sub3A, %arg1 : i32
    %sub3A_7 = arith.constant 16 : i32
    %sub3A_8 = arith.constant 1 : i32
    %sub3A_9 = arith.subi %sub3A_7, %sub3A_8 : i32
    %add3A_10 = arith.addi %sub3A_6, %sub3A_9 : i32
    %div3A = arith.constant 16 : i32
    %div3A_11 = arith.divsi %add3A_10, %div3A : i32
    %while3A = arith.constant 16 : i32
    %while3A_12 = arith.constant 0 : i32
    %while3A_13 = arith.subi %div3A_11, %while3A_12 : i32
    %while3A_14 = arith.addi %while3A_12, %while3A_13 : i32
    %while3A_15 = arith.constant 1 : i32
    %while3A_16 = arith.divsi %while3A_13, %while3A_15 : i32
    %while3A_17 = arith.muli %while3A_16, %while3A_15 : i32
    %while3A_18 = arith.addi %while3A_12, %while3A_17 : i32
    %while3A_19 = arith.constant 1 : i32
    scf.for %while3A_97 = %while3A_12 to %while3A_18 step %while3A_19  : i32 {
      %mul3A_98 = arith.muli %while3A_97, %while3A : i32
      %add3A_99 = arith.addi %arg1, %mul3A_98 : i32
      %mul3A_100 = arith.constant 40 : i32
      %mul3A_101 = arith.muli %add3A_99, %mul3A_100 : i32
      "tpu.region"() ({
        %run_scoped3A = tpu.sem_alloc : memref<!tpu.dma_semaphore, #tpu.memory_space<semaphore_mem>>
        %dma_start3A_102 = arith.constant 0 : i32
        %dma_start3A_103 = tpu.memref_slice %arg10[%mul3A_101, %dma_start3A_102] : memref<10000x128xf32, #tpu.memory_space<vmem_shared>> -> memref<40x128xf32, #tpu.memory_space<vmem_shared>>
        %dma_start3A_104 = arith.constant 0 : i32
        %dma_start3A_105 = tpu.memref_slice %arg10[%mul3A_101, %dma_start3A_104] : memref<10000x128xf32, #tpu.memory_space<vmem_shared>> -> memref<40x128xf32, #tpu.memory_space<vmem_shared>>
        tpu.enqueue_dma source(%arg9 : memref<40x128xf32, #tpu.memory_space<vmem>>) target(%dma_start3A_105 : memref<40x128xf32, #tpu.memory_space<vmem_shared>>) target_semaphore(%run_scoped3A : memref<!tpu.dma_semaphore, #tpu.memory_space<semaphore_mem>>)
        %dma_wait3A = arith.constant 0 : i32
        %dma_wait3A_106 = tpu.memref_slice %arg10[%mul3A_101, %dma_wait3A] : memref<10000x128xf32, #tpu.memory_space<vmem_shared>> -> memref<40x128xf32, #tpu.memory_space<vmem_shared>>
        %dma_wait3A_107 = arith.constant 0 : i32
        %dma_wait3A_108 = tpu.memref_slice %arg10[%mul3A_101, %dma_wait3A_107] : memref<10000x128xf32, #tpu.memory_space<vmem_shared>> -> memref<40x128xf32, #tpu.memory_space<vmem_shared>>
        tpu.wait_dma2 semaphore(%run_scoped3A : memref<!tpu.dma_semaphore, #tpu.memory_space<semaphore_mem>>) src(%arg9 : memref<40x128xf32, #tpu.memory_space<vmem>>) dst(%dma_wait3A_108 : memref<40x128xf32, #tpu.memory_space<vmem_shared>>)
        tpu.yield
      }) : () -> ()
    }
    %while3A_20 = arith.constant 1 : i32
    scf.for %while3A_97 = %while3A_18 to %while3A_14 step %while3A_20  : i32 {
      %mul3A_98 = arith.muli %while3A_97, %while3A : i32
      %add3A_99 = arith.addi %arg1, %mul3A_98 : i32
      %mul3A_100 = arith.constant 40 : i32
      %mul3A_101 = arith.muli %add3A_99, %mul3A_100 : i32
      "tpu.region"() ({
        %run_scoped3A = tpu.sem_alloc : memref<!tpu.dma_semaphore, #tpu.memory_space<semaphore_mem>>
        %dma_start3A_102 = arith.constant 0 : i32
        %dma_start3A_103 = tpu.memref_slice %arg10[%mul3A_101, %dma_start3A_102] : memref<10000x128xf32, #tpu.memory_space<vmem_shared>> -> memref<40x128xf32, #tpu.memory_space<vmem_shared>>
        %dma_start3A_104 = arith.constant 0 : i32
        %dma_start3A_105 = tpu.memref_slice %arg10[%mul3A_101, %dma_start3A_104] : memref<10000x128xf32, #tpu.memory_space<vmem_shared>> -> memref<40x128xf32, #tpu.memory_space<vmem_shared>>
        tpu.enqueue_dma source(%arg9 : memref<40x128xf32, #tpu.memory_space<vmem>>) target(%dma_start3A_105 : memref<40x128xf32, #tpu.memory_space<vmem_shared>>) target_semaphore(%run_scoped3A : memref<!tpu.dma_semaphore, #tpu.memory_space<semaphore_mem>>)
        %dma_wait3A = arith.constant 0 : i32
        %dma_wait3A_106 = tpu.memref_slice %arg10[%mul3A_101, %dma_wait3A] : memref<10000x128xf32, #tpu.memory_space<vmem_shared>> -> memref<40x128xf32, #tpu.memory_space<vmem_shared>>
        %dma_wait3A_107 = arith.constant 0 : i32
        %dma_wait3A_108 = tpu.memref_slice %arg10[%mul3A_101, %dma_wait3A_107] : memref<10000x128xf32, #tpu.memory_space<vmem_shared>> -> memref<40x128xf32, #tpu.memory_space<vmem_shared>>
        tpu.wait_dma2 semaphore(%run_scoped3A : memref<!tpu.dma_semaphore, #tpu.memory_space<semaphore_mem>>) src(%arg9 : memref<40x128xf32, #tpu.memory_space<vmem>>) dst(%dma_wait3A_108 : memref<40x128xf32, #tpu.memory_space<vmem_shared>>)
        tpu.yield
      }) : () -> ()
    }
    %barrier3A = arith.constant 0 : index
    tpu.barrier barrier_id(%barrier3A)
    "tpu.region"() ({
      %run_scoped3A = tpu.sem_alloc : memref<!tpu.dma_semaphore, #tpu.memory_space<semaphore_mem>>
      %dma_start3A_97 = arith.constant 0 : i32
      %dma_start3A_98 = arith.constant 0 : i32
      %dma_start3A_99 = tpu.memref_slice %arg3[%add3A, %dma_start3A_97, %dma_start3A_98] : memref<32x80x128xi32, #tpu.memory_space<hbm>> -> memref<1x80x128xi32, #tpu.memory_space<hbm>>
      %dma_start3A_100 = tpu.memref_squeeze %dma_start3A_99 : memref<1x80x128xi32, #tpu.memory_space<hbm>> -> memref<80x128xi32, #tpu.memory_space<hbm>>
      %dma_start3A_101 = arith.constant 0 : i32
      %dma_start3A_102 = arith.constant 0 : i32
      %dma_start3A_103 = tpu.memref_slice %dma_start3A_100[%dma_start3A_101, %dma_start3A_102] : memref<80x128xi32, #tpu.memory_space<hbm>> -> memref<40x128xi32, #tpu.memory_space<hbm>>
      %dma_start3A_104 = arith.constant 0 : i32
      %dma_start3A_105 = arith.constant 0 : i32
      %dma_start3A_106 = tpu.memref_slice %arg3[%add3A, %dma_start3A_104, %dma_start3A_105] : memref<32x80x128xi32, #tpu.memory_space<hbm>> -> memref<1x80x128xi32, #tpu.memory_space<hbm>>
      %dma_start3A_107 = tpu.memref_squeeze %dma_start3A_106 : memref<1x80x128xi32, #tpu.memory_space<hbm>> -> memref<80x128xi32, #tpu.memory_space<hbm>>
      %dma_start3A_108 = arith.constant 0 : i32
      %dma_start3A_109 = arith.constant 0 : i32
      %dma_start3A_110 = tpu.memref_slice %dma_start3A_107[%dma_start3A_108, %dma_start3A_109] : memref<80x128xi32, #tpu.memory_space<hbm>> -> memref<40x128xi32, #tpu.memory_space<hbm>>
      tpu.enqueue_dma source(%dma_start3A_110 : memref<40x128xi32, #tpu.memory_space<hbm>>) target(%arg6 : memref<40x128xi32, #tpu.memory_space<vmem>>) target_semaphore(%run_scoped3A : memref<!tpu.dma_semaphore, #tpu.memory_space<semaphore_mem>>)
      %dma_wait3A = arith.constant 0 : i32
      %dma_wait3A_111 = arith.constant 0 : i32
      %dma_wait3A_112 = tpu.memref_slice %arg3[%add3A, %dma_wait3A, %dma_wait3A_111] : memref<32x80x128xi32, #tpu.memory_space<hbm>> -> memref<1x80x128xi32, #tpu.memory_space<hbm>>
      %dma_wait3A_113 = tpu.memref_squeeze %dma_wait3A_112 : memref<1x80x128xi32, #tpu.memory_space<hbm>> -> memref<80x128xi32, #tpu.memory_space<hbm>>
      %dma_wait3A_114 = arith.constant 0 : i32
      %dma_wait3A_115 = arith.constant 0 : i32
      %dma_wait3A_116 = tpu.memref_slice %dma_wait3A_113[%dma_wait3A_114, %dma_wait3A_115] : memref<80x128xi32, #tpu.memory_space<hbm>> -> memref<40x128xi32, #tpu.memory_space<hbm>>
      %dma_wait3A_117 = arith.constant 0 : i32
      %dma_wait3A_118 = arith.constant 0 : i32
      %dma_wait3A_119 = tpu.memref_slice %arg3[%add3A, %dma_wait3A_117, %dma_wait3A_118] : memref<32x80x128xi32, #tpu.memory_space<hbm>> -> memref<1x80x128xi32, #tpu.memory_space<hbm>>
      %dma_wait3A_120 = tpu.memref_squeeze %dma_wait3A_119 : memref<1x80x128xi32, #tpu.memory_space<hbm>> -> memref<80x128xi32, #tpu.memory_space<hbm>>
      %dma_wait3A_121 = arith.constant 0 : i32
      %dma_wait3A_122 = arith.constant 0 : i32
      %dma_wait3A_123 = tpu.memref_slice %dma_wait3A_120[%dma_wait3A_121, %dma_wait3A_122] : memref<80x128xi32, #tpu.memory_space<hbm>> -> memref<40x128xi32, #tpu.memory_space<hbm>>
      tpu.wait_dma2 semaphore(%run_scoped3A : memref<!tpu.dma_semaphore, #tpu.memory_space<semaphore_mem>>) src(%dma_wait3A_123 : memref<40x128xi32, #tpu.memory_space<hbm>>) dst(%arg6 : memref<40x128xi32, #tpu.memory_space<vmem>>)
      tpu.yield
    }) : () -> ()
    "tpu.region"() ({
      %run_scoped3A = tpu.sem_alloc : memref<!tpu.dma_semaphore, #tpu.memory_space<semaphore_mem>>
      %dma_start3A_97 = arith.constant 0 : i32
      %dma_start3A_98 = arith.constant 0 : i32
      %dma_start3A_99 = tpu.memref_slice %arg4[%add3A, %dma_start3A_97, %dma_start3A_98] : memref<32x80x128xi32, #tpu.memory_space<hbm>> -> memref<1x80x128xi32, #tpu.memory_space<hbm>>
      %dma_start3A_100 = tpu.memref_squeeze %dma_start3A_99 : memref<1x80x128xi32, #tpu.memory_space<hbm>> -> memref<80x128xi32, #tpu.memory_space<hbm>>
      %dma_start3A_101 = arith.constant 0 : i32
      %dma_start3A_102 = arith.constant 0 : i32
      %dma_start3A_103 = tpu.memref_slice %dma_start3A_100[%dma_start3A_101, %dma_start3A_102] : memref<80x128xi32, #tpu.memory_space<hbm>> -> memref<40x128xi32, #tpu.memory_space<hbm>>
      %dma_start3A_104 = arith.constant 0 : i32
      %dma_start3A_105 = arith.constant 0 : i32
      %dma_start3A_106 = tpu.memref_slice %arg4[%add3A, %dma_start3A_104, %dma_start3A_105] : memref<32x80x128xi32, #tpu.memory_space<hbm>> -> memref<1x80x128xi32, #tpu.memory_space<hbm>>
      %dma_start3A_107 = tpu.memref_squeeze %dma_start3A_106 : memref<1x80x128xi32, #tpu.memory_space<hbm>> -> memref<80x128xi32, #tpu.memory_space<hbm>>
      %dma_start3A_108 = arith.constant 0 : i32
      %dma_start3A_109 = arith.constant 0 : i32
      %dma_start3A_110 = tpu.memref_slice %dma_start3A_107[%dma_start3A_108, %dma_start3A_109] : memref<80x128xi32, #tpu.memory_space<hbm>> -> memref<40x128xi32, #tpu.memory_space<hbm>>
      tpu.enqueue_dma source(%dma_start3A_110 : memref<40x128xi32, #tpu.memory_space<hbm>>) target(%arg7 : memref<40x128xi32, #tpu.memory_space<vmem>>) target_semaphore(%run_scoped3A : memref<!tpu.dma_semaphore, #tpu.memory_space<semaphore_mem>>)
      %dma_wait3A = arith.constant 0 : i32
      %dma_wait3A_111 = arith.constant 0 : i32
      %dma_wait3A_112 = tpu.memref_slice %arg4[%add3A, %dma_wait3A, %dma_wait3A_111] : memref<32x80x128xi32, #tpu.memory_space<hbm>> -> memref<1x80x128xi32, #tpu.memory_space<hbm>>
      %dma_wait3A_113 = tpu.memref_squeeze %dma_wait3A_112 : memref<1x80x128xi32, #tpu.memory_space<hbm>> -> memref<80x128xi32, #tpu.memory_space<hbm>>
      %dma_wait3A_114 = arith.constant 0 : i32
      %dma_wait3A_115 = arith.constant 0 : i32
      %dma_wait3A_116 = tpu.memref_slice %dma_wait3A_113[%dma_wait3A_114, %dma_wait3A_115] : memref<80x128xi32, #tpu.memory_space<hbm>> -> memref<40x128xi32, #tpu.memory_space<hbm>>
      %dma_wait3A_117 = arith.constant 0 : i32
      %dma_wait3A_118 = arith.constant 0 : i32
      %dma_wait3A_119 = tpu.memref_slice %arg4[%add3A, %dma_wait3A_117, %dma_wait3A_118] : memref<32x80x128xi32, #tpu.memory_space<hbm>> -> memref<1x80x128xi32, #tpu.memory_space<hbm>>
      %dma_wait3A_120 = tpu.memref_squeeze %dma_wait3A_119 : memref<1x80x128xi32, #tpu.memory_space<hbm>> -> memref<80x128xi32, #tpu.memory_space<hbm>>
      %dma_wait3A_121 = arith.constant 0 : i32
      %dma_wait3A_122 = arith.constant 0 : i32
      %dma_wait3A_123 = tpu.memref_slice %dma_wait3A_120[%dma_wait3A_121, %dma_wait3A_122] : memref<80x128xi32, #tpu.memory_space<hbm>> -> memref<40x128xi32, #tpu.memory_space<hbm>>
      tpu.wait_dma2 semaphore(%run_scoped3A : memref<!tpu.dma_semaphore, #tpu.memory_space<semaphore_mem>>) src(%dma_wait3A_123 : memref<40x128xi32, #tpu.memory_space<hbm>>) dst(%arg7 : memref<40x128xi32, #tpu.memory_space<vmem>>)
      tpu.yield
    }) : () -> ()
    %dma_start3A = arith.constant 0 : i32
    %dma_start3A_21 = arith.constant 0 : i32
    %dma_start3A_22 = arith.constant 0 : i32
    %dma_start3A_23 = arith.constant 0 : i32
    %dma_start3A_24 = tpu.memref_slice %arg8[%dma_start3A_21, %dma_start3A_22, %dma_start3A_23] : memref<2x128x128xf32, #tpu.memory_space<vmem>> -> memref<1x128x128xf32, #tpu.memory_space<vmem>>
    %dma_start3A_25 = tpu.memref_squeeze %dma_start3A_24 : memref<1x128x128xf32, #tpu.memory_space<vmem>> -> memref<128x128xf32, #tpu.memory_space<vmem>>
    %dma_start3A_26 = arith.constant 0 : i32
    %dma_start3A_27 = tpu.memref_slice %arg6[%dma_start3A, %dma_start3A_26] : memref<40x128xi32, #tpu.memory_space<vmem>> -> memref<1x128xi32, #tpu.memory_space<vmem>>
    %dma_start3A_28 = tpu.memref_squeeze %dma_start3A_27 : memref<1x128xi32, #tpu.memory_space<vmem>> -> memref<128xi32, #tpu.memory_space<vmem>>
    %dma_start3A_29 = arith.constant 0 : i32
    %dma_start3A_30 = arith.constant 0 : i32
    %dma_start3A_31 = tpu.memref_slice %arg2[%dma_start3A_29, %dma_start3A_30] : memref<10000x128xf32, #tpu.memory_space<hbm>> -> memref<10000x128xf32, #tpu.memory_space<hbm>>
    tpu.enqueue_indirect_dma source(%dma_start3A_31 : memref<10000x128xf32, #tpu.memory_space<hbm>>) target(%dma_start3A_25 : memref<128x128xf32, #tpu.memory_space<vmem>>) offsets(%dma_start3A_28 : memref<128xi32, #tpu.memory_space<vmem>>) semaphore(%arg11 : memref<!tpu.dma_semaphore, #tpu.memory_space<semaphore_mem>>)
    %dma_start3A_32 = arith.constant 1 : i32
    %dma_start3A_33 = arith.constant 1 : i32
    %dma_start3A_34 = arith.constant 0 : i32
    %dma_start3A_35 = arith.constant 0 : i32
    %dma_start3A_36 = tpu.memref_slice %arg8[%dma_start3A_33, %dma_start3A_34, %dma_start3A_35] : memref<2x128x128xf32, #tpu.memory_space<vmem>> -> memref<1x128x128xf32, #tpu.memory_space<vmem>>
    %dma_start3A_37 = tpu.memref_squeeze %dma_start3A_36 : memref<1x128x128xf32, #tpu.memory_space<vmem>> -> memref<128x128xf32, #tpu.memory_space<vmem>>
    %dma_start3A_38 = arith.constant 0 : i32
    %dma_start3A_39 = tpu.memref_slice %arg6[%dma_start3A_32, %dma_start3A_38] : memref<40x128xi32, #tpu.memory_space<vmem>> -> memref<1x128xi32, #tpu.memory_space<vmem>>
    %dma_start3A_40 = tpu.memref_squeeze %dma_start3A_39 : memref<1x128xi32, #tpu.memory_space<vmem>> -> memref<128xi32, #tpu.memory_space<vmem>>
    %dma_start3A_41 = arith.constant 0 : i32
    %dma_start3A_42 = arith.constant 0 : i32
    %dma_start3A_43 = tpu.memref_slice %arg2[%dma_start3A_41, %dma_start3A_42] : memref<10000x128xf32, #tpu.memory_space<hbm>> -> memref<10000x128xf32, #tpu.memory_space<hbm>>
    tpu.enqueue_indirect_dma source(%dma_start3A_43 : memref<10000x128xf32, #tpu.memory_space<hbm>>) target(%dma_start3A_37 : memref<128x128xf32, #tpu.memory_space<vmem>>) offsets(%dma_start3A_40 : memref<128xi32, #tpu.memory_space<vmem>>) semaphore(%arg12 : memref<!tpu.dma_semaphore, #tpu.memory_space<semaphore_mem>>)
    %scan3A_44 = arith.constant 0 : i32
    %scan3A_45 = arith.constant 20 : i32
    %scan3A_46 = arith.addi %scan3A_44, %scan3A_45 : i32
    %scan3A_47 = arith.constant 1 : i32
    scf.for %scan3A_97 = %scan3A_44 to %scan3A_46 step %scan3A_47  : i32 {
      %mul3A_98 = arith.constant 1 : i32
      %mul3A_99 = arith.muli %scan3A_97, %mul3A_98 : i32
      %add3A_100 = arith.constant 0 : i32
      %add3A_101 = arith.addi %add3A_100, %mul3A_99 : i32
      %mul3A_102 = arith.constant 2 : i32
      %mul3A_103 = arith.muli %add3A_101, %mul3A_102 : i32
      %add3A_104 = arith.constant 0 : i32
      %add3A_105 = arith.addi %mul3A_103, %add3A_104 : i32
      %dma_wait3A = arith.constant 0 : i32
      %dma_wait3A_106 = arith.constant 0 : i32
      %dma_wait3A_107 = arith.constant 0 : i32
      %dma_wait3A_108 = tpu.memref_slice %arg8[%dma_wait3A, %dma_wait3A_106, %dma_wait3A_107] : memref<2x128x128xf32, #tpu.memory_space<vmem>> -> memref<1x128x128xf32, #tpu.memory_space<vmem>>
      %dma_wait3A_109 = tpu.memref_squeeze %dma_wait3A_108 : memref<1x128x128xf32, #tpu.memory_space<vmem>> -> memref<128x128xf32, #tpu.memory_space<vmem>>
      %dma_wait3A_110 = arith.constant 0 : i32
      %dma_wait3A_111 = tpu.memref_slice %arg6[%add3A_105, %dma_wait3A_110] : memref<40x128xi32, #tpu.memory_space<vmem>> -> memref<1x128xi32, #tpu.memory_space<vmem>>
      %dma_wait3A_112 = tpu.memref_squeeze %dma_wait3A_111 : memref<1x128xi32, #tpu.memory_space<vmem>> -> memref<128xi32, #tpu.memory_space<vmem>>
      %dma_wait3A_113 = arith.constant 0 : i32
      %dma_wait3A_114 = arith.constant 0 : i32
      %dma_wait3A_115 = tpu.memref_slice %arg2[%dma_wait3A_113, %dma_wait3A_114] : memref<10000x128xf32, #tpu.memory_space<hbm>> -> memref<10000x128xf32, #tpu.memory_space<hbm>>
      tpu.wait_indirect_dma semaphore(%arg11 : memref<!tpu.dma_semaphore, #tpu.memory_space<semaphore_mem>>) src(%dma_wait3A_115 : memref<10000x128xf32, #tpu.memory_space<hbm>>) dst(%dma_wait3A_109 : memref<128x128xf32, #tpu.memory_space<vmem>>)
      %run_scoped3A = arith.constant 0 : i32
      "tpu.region"() ({
        %run_scoped3A_143 = tpu.sem_alloc : memref<!tpu.dma_semaphore, #tpu.memory_space<semaphore_mem>>
        %dma_start3A_144 = arith.constant 0 : i32
        %dma_start3A_145 = arith.constant 0 : i32
        %dma_start3A_146 = tpu.memref_slice %arg8[%run_scoped3A, %dma_start3A_144, %dma_start3A_145] : memref<2x128x128xf32, #tpu.memory_space<vmem>> -> memref<1x128x128xf32, #tpu.memory_space<vmem>>
        %dma_start3A_147 = tpu.memref_squeeze %dma_start3A_146 : memref<1x128x128xf32, #tpu.memory_space<vmem>> -> memref<128x128xf32, #tpu.memory_space<vmem>>
        %dma_start3A_148 = arith.constant 0 : i32
        %dma_start3A_149 = tpu.memref_slice %arg7[%add3A_105, %dma_start3A_148] : memref<40x128xi32, #tpu.memory_space<vmem>> -> memref<1x128xi32, #tpu.memory_space<vmem>>
        %dma_start3A_150 = tpu.memref_squeeze %dma_start3A_149 : memref<1x128xi32, #tpu.memory_space<vmem>> -> memref<128xi32, #tpu.memory_space<vmem>>
        %dma_start3A_151 = arith.constant 0 : i32
        %dma_start3A_152 = arith.constant 0 : i32
        %dma_start3A_153 = tpu.memref_slice %arg10[%dma_start3A_151, %dma_start3A_152] : memref<10000x128xf32, #tpu.memory_space<vmem_shared>> -> memref<10000x128xf32, #tpu.memory_space<vmem_shared>>
        tpu.enqueue_indirect_dma source(%dma_start3A_147 : memref<128x128xf32, #tpu.memory_space<vmem>>) target(%dma_start3A_153 : memref<10000x128xf32, #tpu.memory_space<vmem_shared>>) offsets(%dma_start3A_150 : memref<128xi32, #tpu.memory_space<vmem>>) semaphore(%run_scoped3A_143 : memref<!tpu.dma_semaphore, #tpu.memory_space<semaphore_mem>>) {add = true}
        %dma_wait3A_154 = arith.constant 0 : i32
        %dma_wait3A_155 = arith.constant 0 : i32
        %dma_wait3A_156 = tpu.memref_slice %arg8[%run_scoped3A, %dma_wait3A_154, %dma_wait3A_155] : memref<2x128x128xf32, #tpu.memory_space<vmem>> -> memref<1x128x128xf32, #tpu.memory_space<vmem>>
        %dma_wait3A_157 = tpu.memref_squeeze %dma_wait3A_156 : memref<1x128x128xf32, #tpu.memory_space<vmem>> -> memref<128x128xf32, #tpu.memory_space<vmem>>
        %dma_wait3A_158 = arith.constant 0 : i32
        %dma_wait3A_159 = tpu.memref_slice %arg7[%add3A_105, %dma_wait3A_158] : memref<40x128xi32, #tpu.memory_space<vmem>> -> memref<1x128xi32, #tpu.memory_space<vmem>>
        %dma_wait3A_160 = tpu.memref_squeeze %dma_wait3A_159 : memref<1x128xi32, #tpu.memory_space<vmem>> -> memref<128xi32, #tpu.memory_space<vmem>>
        %dma_wait3A_161 = arith.constant 0 : i32
        %dma_wait3A_162 = arith.constant 0 : i32
        %dma_wait3A_163 = tpu.memref_slice %arg10[%dma_wait3A_161, %dma_wait3A_162] : memref<10000x128xf32, #tpu.memory_space<vmem_shared>> -> memref<10000x128xf32, #tpu.memory_space<vmem_shared>>
        tpu.wait_indirect_dma semaphore(%run_scoped3A_143 : memref<!tpu.dma_semaphore, #tpu.memory_space<semaphore_mem>>) src(%dma_wait3A_157 : memref<128x128xf32, #tpu.memory_space<vmem>>) dst(%dma_wait3A_163 : memref<10000x128xf32, #tpu.memory_space<vmem_shared>>)
        tpu.yield
      }) : () -> ()
      %add3A_116 = arith.constant 2 : i32
      %add3A_117 = arith.addi %add3A_105, %add3A_116 : i32
      %lt3A = arith.constant 40 : i32
      %lt3A_118 = arith.cmpi slt, %add3A_117, %lt3A : i32
      %convert_element_type3A = arith.extui %lt3A_118 : i1 to i32
      %cond3A = arith.constant 0 : i32
      %cond3A_119 = arith.cmpi ne, %convert_element_type3A, %cond3A : i32
      scf.if %cond3A_119 {
        %add3A_143 = arith.constant 2 : i32
        %add3A_144 = arith.addi %add3A_105, %add3A_143 : i32
        %dma_start3A_145 = arith.constant 0 : i32
        %dma_start3A_146 = arith.constant 0 : i32
        %dma_start3A_147 = arith.constant 0 : i32
        %dma_start3A_148 = tpu.memref_slice %arg8[%dma_start3A_145, %dma_start3A_146, %dma_start3A_147] : memref<2x128x128xf32, #tpu.memory_space<vmem>> -> memref<1x128x128xf32, #tpu.memory_space<vmem>>
        %dma_start3A_149 = tpu.memref_squeeze %dma_start3A_148 : memref<1x128x128xf32, #tpu.memory_space<vmem>> -> memref<128x128xf32, #tpu.memory_space<vmem>>
        %dma_start3A_150 = arith.constant 0 : i32
        %dma_start3A_151 = tpu.memref_slice %arg6[%add3A_144, %dma_start3A_150] : memref<40x128xi32, #tpu.memory_space<vmem>> -> memref<1x128xi32, #tpu.memory_space<vmem>>
        %dma_start3A_152 = tpu.memref_squeeze %dma_start3A_151 : memref<1x128xi32, #tpu.memory_space<vmem>> -> memref<128xi32, #tpu.memory_space<vmem>>
        %dma_start3A_153 = arith.constant 0 : i32
        %dma_start3A_154 = arith.constant 0 : i32
        %dma_start3A_155 = tpu.memref_slice %arg2[%dma_start3A_153, %dma_start3A_154] : memref<10000x128xf32, #tpu.memory_space<hbm>> -> memref<10000x128xf32, #tpu.memory_space<hbm>>
        tpu.enqueue_indirect_dma source(%dma_start3A_155 : memref<10000x128xf32, #tpu.memory_space<hbm>>) target(%dma_start3A_149 : memref<128x128xf32, #tpu.memory_space<vmem>>) offsets(%dma_start3A_152 : memref<128xi32, #tpu.memory_space<vmem>>) semaphore(%arg11 : memref<!tpu.dma_semaphore, #tpu.memory_space<semaphore_mem>>)
      } else {
      }
      %mul3A_120 = arith.constant 2 : i32
      %mul3A_121 = arith.muli %add3A_101, %mul3A_120 : i32
      %add3A_122 = arith.constant 1 : i32
      %add3A_123 = arith.addi %mul3A_121, %add3A_122 : i32
      %dma_wait3A_124 = arith.constant 1 : i32
      %dma_wait3A_125 = arith.constant 0 : i32
      %dma_wait3A_126 = arith.constant 0 : i32
      %dma_wait3A_127 = tpu.memref_slice %arg8[%dma_wait3A_124, %dma_wait3A_125, %dma_wait3A_126] : memref<2x128x128xf32, #tpu.memory_space<vmem>> -> memref<1x128x128xf32, #tpu.memory_space<vmem>>
      %dma_wait3A_128 = tpu.memref_squeeze %dma_wait3A_127 : memref<1x128x128xf32, #tpu.memory_space<vmem>> -> memref<128x128xf32, #tpu.memory_space<vmem>>
      %dma_wait3A_129 = arith.constant 0 : i32
      %dma_wait3A_130 = tpu.memref_slice %arg6[%add3A_123, %dma_wait3A_129] : memref<40x128xi32, #tpu.memory_space<vmem>> -> memref<1x128xi32, #tpu.memory_space<vmem>>
      %dma_wait3A_131 = tpu.memref_squeeze %dma_wait3A_130 : memref<1x128xi32, #tpu.memory_space<vmem>> -> memref<128xi32, #tpu.memory_space<vmem>>
      %dma_wait3A_132 = arith.constant 0 : i32
      %dma_wait3A_133 = arith.constant 0 : i32
      %dma_wait3A_134 = tpu.memref_slice %arg2[%dma_wait3A_132, %dma_wait3A_133] : memref<10000x128xf32, #tpu.memory_space<hbm>> -> memref<10000x128xf32, #tpu.memory_space<hbm>>
      tpu.wait_indirect_dma semaphore(%arg12 : memref<!tpu.dma_semaphore, #tpu.memory_space<semaphore_mem>>) src(%dma_wait3A_134 : memref<10000x128xf32, #tpu.memory_space<hbm>>) dst(%dma_wait3A_128 : memref<128x128xf32, #tpu.memory_space<vmem>>)
      %run_scoped3A_135 = arith.constant 1 : i32
      "tpu.region"() ({
        %run_scoped3A_143 = tpu.sem_alloc : memref<!tpu.dma_semaphore, #tpu.memory_space<semaphore_mem>>
        %dma_start3A_144 = arith.constant 0 : i32
        %dma_start3A_145 = arith.constant 0 : i32
        %dma_start3A_146 = tpu.memref_slice %arg8[%run_scoped3A_135, %dma_start3A_144, %dma_start3A_145] : memref<2x128x128xf32, #tpu.memory_space<vmem>> -> memref<1x128x128xf32, #tpu.memory_space<vmem>>
        %dma_start3A_147 = tpu.memref_squeeze %dma_start3A_146 : memref<1x128x128xf32, #tpu.memory_space<vmem>> -> memref<128x128xf32, #tpu.memory_space<vmem>>
        %dma_start3A_148 = arith.constant 0 : i32
        %dma_start3A_149 = tpu.memref_slice %arg7[%add3A_123, %dma_start3A_148] : memref<40x128xi32, #tpu.memory_space<vmem>> -> memref<1x128xi32, #tpu.memory_space<vmem>>
        %dma_start3A_150 = tpu.memref_squeeze %dma_start3A_149 : memref<1x128xi32, #tpu.memory_space<vmem>> -> memref<128xi32, #tpu.memory_space<vmem>>
        %dma_start3A_151 = arith.constant 0 : i32
        %dma_start3A_152 = arith.constant 0 : i32
        %dma_start3A_153 = tpu.memref_slice %arg10[%dma_start3A_151, %dma_start3A_152] : memref<10000x128xf32, #tpu.memory_space<vmem_shared>> -> memref<10000x128xf32, #tpu.memory_space<vmem_shared>>
        tpu.enqueue_indirect_dma source(%dma_start3A_147 : memref<128x128xf32, #tpu.memory_space<vmem>>) target(%dma_start3A_153 : memref<10000x128xf32, #tpu.memory_space<vmem_shared>>) offsets(%dma_start3A_150 : memref<128xi32, #tpu.memory_space<vmem>>) semaphore(%run_scoped3A_143 : memref<!tpu.dma_semaphore, #tpu.memory_space<semaphore_mem>>) {add = true}
        %dma_wait3A_154 = arith.constant 0 : i32
        %dma_wait3A_155 = arith.constant 0 : i32
        %dma_wait3A_156 = tpu.memref_slice %arg8[%run_scoped3A_135, %dma_wait3A_154, %dma_wait3A_155] : memref<2x128x128xf32, #tpu.memory_space<vmem>> -> memref<1x128x128xf32, #tpu.memory_space<vmem>>
        %dma_wait3A_157 = tpu.memref_squeeze %dma_wait3A_156 : memref<1x128x128xf32, #tpu.memory_space<vmem>> -> memref<128x128xf32, #tpu.memory_space<vmem>>
        %dma_wait3A_158 = arith.constant 0 : i32
        %dma_wait3A_159 = tpu.memref_slice %arg7[%add3A_123, %dma_wait3A_158] : memref<40x128xi32, #tpu.memory_space<vmem>> -> memref<1x128xi32, #tpu.memory_space<vmem>>
        %dma_wait3A_160 = tpu.memref_squeeze %dma_wait3A_159 : memref<1x128xi32, #tpu.memory_space<vmem>> -> memref<128xi32, #tpu.memory_space<vmem>>
        %dma_wait3A_161 = arith.constant 0 : i32
        %dma_wait3A_162 = arith.constant 0 : i32
        %dma_wait3A_163 = tpu.memref_slice %arg10[%dma_wait3A_161, %dma_wait3A_162] : memref<10000x128xf32, #tpu.memory_space<vmem_shared>> -> memref<10000x128xf32, #tpu.memory_space<vmem_shared>>
        tpu.wait_indirect_dma semaphore(%run_scoped3A_143 : memref<!tpu.dma_semaphore, #tpu.memory_space<semaphore_mem>>) src(%dma_wait3A_157 : memref<128x128xf32, #tpu.memory_space<vmem>>) dst(%dma_wait3A_163 : memref<10000x128xf32, #tpu.memory_space<vmem_shared>>)
        tpu.yield
      }) : () -> ()
      %add3A_136 = arith.constant 2 : i32
      %add3A_137 = arith.addi %add3A_123, %add3A_136 : i32
      %lt3A_138 = arith.constant 40 : i32
      %lt3A_139 = arith.cmpi slt, %add3A_137, %lt3A_138 : i32
      %convert_element_type3A_140 = arith.extui %lt3A_139 : i1 to i32
      %cond3A_141 = arith.constant 0 : i32
      %cond3A_142 = arith.cmpi ne, %convert_element_type3A_140, %cond3A_141 : i32
      scf.if %cond3A_142 {
        %add3A_143 = arith.constant 2 : i32
        %add3A_144 = arith.addi %add3A_123, %add3A_143 : i32
        %dma_start3A_145 = arith.constant 1 : i32
        %dma_start3A_146 = arith.constant 0 : i32
        %dma_start3A_147 = arith.constant 0 : i32
        %dma_start3A_148 = tpu.memref_slice %arg8[%dma_start3A_145, %dma_start3A_146, %dma_start3A_147] : memref<2x128x128xf32, #tpu.memory_space<vmem>> -> memref<1x128x128xf32, #tpu.memory_space<vmem>>
        %dma_start3A_149 = tpu.memref_squeeze %dma_start3A_148 : memref<1x128x128xf32, #tpu.memory_space<vmem>> -> memref<128x128xf32, #tpu.memory_space<vmem>>
        %dma_start3A_150 = arith.constant 0 : i32
        %dma_start3A_151 = tpu.memref_slice %arg6[%add3A_144, %dma_start3A_150] : memref<40x128xi32, #tpu.memory_space<vmem>> -> memref<1x128xi32, #tpu.memory_space<vmem>>
        %dma_start3A_152 = tpu.memref_squeeze %dma_start3A_151 : memref<1x128xi32, #tpu.memory_space<vmem>> -> memref<128xi32, #tpu.memory_space<vmem>>
        %dma_start3A_153 = arith.constant 0 : i32
        %dma_start3A_154 = arith.constant 0 : i32
        %dma_start3A_155 = tpu.memref_slice %arg2[%dma_start3A_153, %dma_start3A_154] : memref<10000x128xf32, #tpu.memory_space<hbm>> -> memref<10000x128xf32, #tpu.memory_space<hbm>>
        tpu.enqueue_indirect_dma source(%dma_start3A_155 : memref<10000x128xf32, #tpu.memory_space<hbm>>) target(%dma_start3A_149 : memref<128x128xf32, #tpu.memory_space<vmem>>) offsets(%dma_start3A_152 : memref<128xi32, #tpu.memory_space<vmem>>) semaphore(%arg12 : memref<!tpu.dma_semaphore, #tpu.memory_space<semaphore_mem>>)
      } else {
      }
    }
    %scan3A_48 = arith.constant 20 : i32
    "tpu.region"() ({
      %run_scoped3A = tpu.sem_alloc : memref<!tpu.dma_semaphore, #tpu.memory_space<semaphore_mem>>
      %dma_start3A_97 = arith.constant 0 : i32
      %dma_start3A_98 = arith.constant 0 : i32
      %dma_start3A_99 = tpu.memref_slice %arg3[%add3A, %dma_start3A_97, %dma_start3A_98] : memref<32x80x128xi32, #tpu.memory_space<hbm>> -> memref<1x80x128xi32, #tpu.memory_space<hbm>>
      %dma_start3A_100 = tpu.memref_squeeze %dma_start3A_99 : memref<1x80x128xi32, #tpu.memory_space<hbm>> -> memref<80x128xi32, #tpu.memory_space<hbm>>
      %dma_start3A_101 = arith.constant 40 : i32
      %dma_start3A_102 = arith.constant 0 : i32
      %dma_start3A_103 = tpu.memref_slice %dma_start3A_100[%dma_start3A_101, %dma_start3A_102] : memref<80x128xi32, #tpu.memory_space<hbm>> -> memref<40x128xi32, #tpu.memory_space<hbm>>
      %dma_start3A_104 = arith.constant 0 : i32
      %dma_start3A_105 = arith.constant 0 : i32
      %dma_start3A_106 = tpu.memref_slice %arg3[%add3A, %dma_start3A_104, %dma_start3A_105] : memref<32x80x128xi32, #tpu.memory_space<hbm>> -> memref<1x80x128xi32, #tpu.memory_space<hbm>>
      %dma_start3A_107 = tpu.memref_squeeze %dma_start3A_106 : memref<1x80x128xi32, #tpu.memory_space<hbm>> -> memref<80x128xi32, #tpu.memory_space<hbm>>
      %dma_start3A_108 = arith.constant 40 : i32
      %dma_start3A_109 = arith.constant 0 : i32
      %dma_start3A_110 = tpu.memref_slice %dma_start3A_107[%dma_start3A_108, %dma_start3A_109] : memref<80x128xi32, #tpu.memory_space<hbm>> -> memref<40x128xi32, #tpu.memory_space<hbm>>
      tpu.enqueue_dma source(%dma_start3A_110 : memref<40x128xi32, #tpu.memory_space<hbm>>) target(%arg6 : memref<40x128xi32, #tpu.memory_space<vmem>>) target_semaphore(%run_scoped3A : memref<!tpu.dma_semaphore, #tpu.memory_space<semaphore_mem>>)
      %dma_wait3A = arith.constant 0 : i32
      %dma_wait3A_111 = arith.constant 0 : i32
      %dma_wait3A_112 = tpu.memref_slice %arg3[%add3A, %dma_wait3A, %dma_wait3A_111] : memref<32x80x128xi32, #tpu.memory_space<hbm>> -> memref<1x80x128xi32, #tpu.memory_space<hbm>>
      %dma_wait3A_113 = tpu.memref_squeeze %dma_wait3A_112 : memref<1x80x128xi32, #tpu.memory_space<hbm>> -> memref<80x128xi32, #tpu.memory_space<hbm>>
      %dma_wait3A_114 = arith.constant 40 : i32
      %dma_wait3A_115 = arith.constant 0 : i32
      %dma_wait3A_116 = tpu.memref_slice %dma_wait3A_113[%dma_wait3A_114, %dma_wait3A_115] : memref<80x128xi32, #tpu.memory_space<hbm>> -> memref<40x128xi32, #tpu.memory_space<hbm>>
      %dma_wait3A_117 = arith.constant 0 : i32
      %dma_wait3A_118 = arith.constant 0 : i32
      %dma_wait3A_119 = tpu.memref_slice %arg3[%add3A, %dma_wait3A_117, %dma_wait3A_118] : memref<32x80x128xi32, #tpu.memory_space<hbm>> -> memref<1x80x128xi32, #tpu.memory_space<hbm>>
      %dma_wait3A_120 = tpu.memref_squeeze %dma_wait3A_119 : memref<1x80x128xi32, #tpu.memory_space<hbm>> -> memref<80x128xi32, #tpu.memory_space<hbm>>
      %dma_wait3A_121 = arith.constant 40 : i32
      %dma_wait3A_122 = arith.constant 0 : i32
      %dma_wait3A_123 = tpu.memref_slice %dma_wait3A_120[%dma_wait3A_121, %dma_wait3A_122] : memref<80x128xi32, #tpu.memory_space<hbm>> -> memref<40x128xi32, #tpu.memory_space<hbm>>
      tpu.wait_dma2 semaphore(%run_scoped3A : memref<!tpu.dma_semaphore, #tpu.memory_space<semaphore_mem>>) src(%dma_wait3A_123 : memref<40x128xi32, #tpu.memory_space<hbm>>) dst(%arg6 : memref<40x128xi32, #tpu.memory_space<vmem>>)
      tpu.yield
    }) : () -> ()
    "tpu.region"() ({
      %run_scoped3A = tpu.sem_alloc : memref<!tpu.dma_semaphore, #tpu.memory_space<semaphore_mem>>
      %dma_start3A_97 = arith.constant 0 : i32
      %dma_start3A_98 = arith.constant 0 : i32
      %dma_start3A_99 = tpu.memref_slice %arg4[%add3A, %dma_start3A_97, %dma_start3A_98] : memref<32x80x128xi32, #tpu.memory_space<hbm>> -> memref<1x80x128xi32, #tpu.memory_space<hbm>>
      %dma_start3A_100 = tpu.memref_squeeze %dma_start3A_99 : memref<1x80x128xi32, #tpu.memory_space<hbm>> -> memref<80x128xi32, #tpu.memory_space<hbm>>
      %dma_start3A_101 = arith.constant 40 : i32
      %dma_start3A_102 = arith.constant 0 : i32
      %dma_start3A_103 = tpu.memref_slice %dma_start3A_100[%dma_start3A_101, %dma_start3A_102] : memref<80x128xi32, #tpu.memory_space<hbm>> -> memref<40x128xi32, #tpu.memory_space<hbm>>
      %dma_start3A_104 = arith.constant 0 : i32
      %dma_start3A_105 = arith.constant 0 : i32
      %dma_start3A_106 = tpu.memref_slice %arg4[%add3A, %dma_start3A_104, %dma_start3A_105] : memref<32x80x128xi32, #tpu.memory_space<hbm>> -> memref<1x80x128xi32, #tpu.memory_space<hbm>>
      %dma_start3A_107 = tpu.memref_squeeze %dma_start3A_106 : memref<1x80x128xi32, #tpu.memory_space<hbm>> -> memref<80x128xi32, #tpu.memory_space<hbm>>
      %dma_start3A_108 = arith.constant 40 : i32
      %dma_start3A_109 = arith.constant 0 : i32
      %dma_start3A_110 = tpu.memref_slice %dma_start3A_107[%dma_start3A_108, %dma_start3A_109] : memref<80x128xi32, #tpu.memory_space<hbm>> -> memref<40x128xi32, #tpu.memory_space<hbm>>
      tpu.enqueue_dma source(%dma_start3A_110 : memref<40x128xi32, #tpu.memory_space<hbm>>) target(%arg7 : memref<40x128xi32, #tpu.memory_space<vmem>>) target_semaphore(%run_scoped3A : memref<!tpu.dma_semaphore, #tpu.memory_space<semaphore_mem>>)
      %dma_wait3A = arith.constant 0 : i32
      %dma_wait3A_111 = arith.constant 0 : i32
      %dma_wait3A_112 = tpu.memref_slice %arg4[%add3A, %dma_wait3A, %dma_wait3A_111] : memref<32x80x128xi32, #tpu.memory_space<hbm>> -> memref<1x80x128xi32, #tpu.memory_space<hbm>>
      %dma_wait3A_113 = tpu.memref_squeeze %dma_wait3A_112 : memref<1x80x128xi32, #tpu.memory_space<hbm>> -> memref<80x128xi32, #tpu.memory_space<hbm>>
      %dma_wait3A_114 = arith.constant 40 : i32
      %dma_wait3A_115 = arith.constant 0 : i32
      %dma_wait3A_116 = tpu.memref_slice %dma_wait3A_113[%dma_wait3A_114, %dma_wait3A_115] : memref<80x128xi32, #tpu.memory_space<hbm>> -> memref<40x128xi32, #tpu.memory_space<hbm>>
      %dma_wait3A_117 = arith.constant 0 : i32
      %dma_wait3A_118 = arith.constant 0 : i32
      %dma_wait3A_119 = tpu.memref_slice %arg4[%add3A, %dma_wait3A_117, %dma_wait3A_118] : memref<32x80x128xi32, #tpu.memory_space<hbm>> -> memref<1x80x128xi32, #tpu.memory_space<hbm>>
      %dma_wait3A_120 = tpu.memref_squeeze %dma_wait3A_119 : memref<1x80x128xi32, #tpu.memory_space<hbm>> -> memref<80x128xi32, #tpu.memory_space<hbm>>
      %dma_wait3A_121 = arith.constant 40 : i32
      %dma_wait3A_122 = arith.constant 0 : i32
      %dma_wait3A_123 = tpu.memref_slice %dma_wait3A_120[%dma_wait3A_121, %dma_wait3A_122] : memref<80x128xi32, #tpu.memory_space<hbm>> -> memref<40x128xi32, #tpu.memory_space<hbm>>
      tpu.wait_dma2 semaphore(%run_scoped3A : memref<!tpu.dma_semaphore, #tpu.memory_space<semaphore_mem>>) src(%dma_wait3A_123 : memref<40x128xi32, #tpu.memory_space<hbm>>) dst(%arg7 : memref<40x128xi32, #tpu.memory_space<vmem>>)
      tpu.yield
    }) : () -> ()
    %dma_start3A_49 = arith.constant 0 : i32
    %dma_start3A_50 = arith.constant 0 : i32
    %dma_start3A_51 = arith.constant 0 : i32
    %dma_start3A_52 = arith.constant 0 : i32
    %dma_start3A_53 = tpu.memref_slice %arg8[%dma_start3A_50, %dma_start3A_51, %dma_start3A_52] : memref<2x128x128xf32, #tpu.memory_space<vmem>> -> memref<1x128x128xf32, #tpu.memory_space<vmem>>
    %dma_start3A_54 = tpu.memref_squeeze %dma_start3A_53 : memref<1x128x128xf32, #tpu.memory_space<vmem>> -> memref<128x128xf32, #tpu.memory_space<vmem>>
    %dma_start3A_55 = arith.constant 0 : i32
    %dma_start3A_56 = tpu.memref_slice %arg6[%dma_start3A_49, %dma_start3A_55] : memref<40x128xi32, #tpu.memory_space<vmem>> -> memref<1x128xi32, #tpu.memory_space<vmem>>
    %dma_start3A_57 = tpu.memref_squeeze %dma_start3A_56 : memref<1x128xi32, #tpu.memory_space<vmem>> -> memref<128xi32, #tpu.memory_space<vmem>>
    %dma_start3A_58 = arith.constant 0 : i32
    %dma_start3A_59 = arith.constant 0 : i32
    %dma_start3A_60 = tpu.memref_slice %arg2[%dma_start3A_58, %dma_start3A_59] : memref<10000x128xf32, #tpu.memory_space<hbm>> -> memref<10000x128xf32, #tpu.memory_space<hbm>>
    tpu.enqueue_indirect_dma source(%dma_start3A_60 : memref<10000x128xf32, #tpu.memory_space<hbm>>) target(%dma_start3A_54 : memref<128x128xf32, #tpu.memory_space<vmem>>) offsets(%dma_start3A_57 : memref<128xi32, #tpu.memory_space<vmem>>) semaphore(%arg11 : memref<!tpu.dma_semaphore, #tpu.memory_space<semaphore_mem>>)
    %dma_start3A_61 = arith.constant 1 : i32
    %dma_start3A_62 = arith.constant 1 : i32
    %dma_start3A_63 = arith.constant 0 : i32
    %dma_start3A_64 = arith.constant 0 : i32
    %dma_start3A_65 = tpu.memref_slice %arg8[%dma_start3A_62, %dma_start3A_63, %dma_start3A_64] : memref<2x128x128xf32, #tpu.memory_space<vmem>> -> memref<1x128x128xf32, #tpu.memory_space<vmem>>
    %dma_start3A_66 = tpu.memref_squeeze %dma_start3A_65 : memref<1x128x128xf32, #tpu.memory_space<vmem>> -> memref<128x128xf32, #tpu.memory_space<vmem>>
    %dma_start3A_67 = arith.constant 0 : i32
    %dma_start3A_68 = tpu.memref_slice %arg6[%dma_start3A_61, %dma_start3A_67] : memref<40x128xi32, #tpu.memory_space<vmem>> -> memref<1x128xi32, #tpu.memory_space<vmem>>
    %dma_start3A_69 = tpu.memref_squeeze %dma_start3A_68 : memref<1x128xi32, #tpu.memory_space<vmem>> -> memref<128xi32, #tpu.memory_space<vmem>>
    %dma_start3A_70 = arith.constant 0 : i32
    %dma_start3A_71 = arith.constant 0 : i32
    %dma_start3A_72 = tpu.memref_slice %arg2[%dma_start3A_70, %dma_start3A_71] : memref<10000x128xf32, #tpu.memory_space<hbm>> -> memref<10000x128xf32, #tpu.memory_space<hbm>>
    tpu.enqueue_indirect_dma source(%dma_start3A_72 : memref<10000x128xf32, #tpu.memory_space<hbm>>) target(%dma_start3A_66 : memref<128x128xf32, #tpu.memory_space<vmem>>) offsets(%dma_start3A_69 : memref<128xi32, #tpu.memory_space<vmem>>) semaphore(%arg12 : memref<!tpu.dma_semaphore, #tpu.memory_space<semaphore_mem>>)
    %scan3A_73 = arith.constant 0 : i32
    %scan3A_74 = arith.constant 20 : i32
    %scan3A_75 = arith.addi %scan3A_73, %scan3A_74 : i32
    %scan3A_76 = arith.constant 1 : i32
    scf.for %scan3A_97 = %scan3A_73 to %scan3A_75 step %scan3A_76  : i32 {
      %mul3A_98 = arith.constant 1 : i32
      %mul3A_99 = arith.muli %scan3A_97, %mul3A_98 : i32
      %add3A_100 = arith.constant 0 : i32
      %add3A_101 = arith.addi %add3A_100, %mul3A_99 : i32
      %mul3A_102 = arith.constant 2 : i32
      %mul3A_103 = arith.muli %add3A_101, %mul3A_102 : i32
      %add3A_104 = arith.constant 0 : i32
      %add3A_105 = arith.addi %mul3A_103, %add3A_104 : i32
      %dma_wait3A = arith.constant 0 : i32
      %dma_wait3A_106 = arith.constant 0 : i32
      %dma_wait3A_107 = arith.constant 0 : i32
      %dma_wait3A_108 = tpu.memref_slice %arg8[%dma_wait3A, %dma_wait3A_106, %dma_wait3A_107] : memref<2x128x128xf32, #tpu.memory_space<vmem>> -> memref<1x128x128xf32, #tpu.memory_space<vmem>>
      %dma_wait3A_109 = tpu.memref_squeeze %dma_wait3A_108 : memref<1x128x128xf32, #tpu.memory_space<vmem>> -> memref<128x128xf32, #tpu.memory_space<vmem>>
      %dma_wait3A_110 = arith.constant 0 : i32
      %dma_wait3A_111 = tpu.memref_slice %arg6[%add3A_105, %dma_wait3A_110] : memref<40x128xi32, #tpu.memory_space<vmem>> -> memref<1x128xi32, #tpu.memory_space<vmem>>
      %dma_wait3A_112 = tpu.memref_squeeze %dma_wait3A_111 : memref<1x128xi32, #tpu.memory_space<vmem>> -> memref<128xi32, #tpu.memory_space<vmem>>
      %dma_wait3A_113 = arith.constant 0 : i32
      %dma_wait3A_114 = arith.constant 0 : i32
      %dma_wait3A_115 = tpu.memref_slice %arg2[%dma_wait3A_113, %dma_wait3A_114] : memref<10000x128xf32, #tpu.memory_space<hbm>> -> memref<10000x128xf32, #tpu.memory_space<hbm>>
      tpu.wait_indirect_dma semaphore(%arg11 : memref<!tpu.dma_semaphore, #tpu.memory_space<semaphore_mem>>) src(%dma_wait3A_115 : memref<10000x128xf32, #tpu.memory_space<hbm>>) dst(%dma_wait3A_109 : memref<128x128xf32, #tpu.memory_space<vmem>>)
      %run_scoped3A = arith.constant 0 : i32
      "tpu.region"() ({
        %run_scoped3A_143 = tpu.sem_alloc : memref<!tpu.dma_semaphore, #tpu.memory_space<semaphore_mem>>
        %dma_start3A_144 = arith.constant 0 : i32
        %dma_start3A_145 = arith.constant 0 : i32
        %dma_start3A_146 = tpu.memref_slice %arg8[%run_scoped3A, %dma_start3A_144, %dma_start3A_145] : memref<2x128x128xf32, #tpu.memory_space<vmem>> -> memref<1x128x128xf32, #tpu.memory_space<vmem>>
        %dma_start3A_147 = tpu.memref_squeeze %dma_start3A_146 : memref<1x128x128xf32, #tpu.memory_space<vmem>> -> memref<128x128xf32, #tpu.memory_space<vmem>>
        %dma_start3A_148 = arith.constant 0 : i32
        %dma_start3A_149 = tpu.memref_slice %arg7[%add3A_105, %dma_start3A_148] : memref<40x128xi32, #tpu.memory_space<vmem>> -> memref<1x128xi32, #tpu.memory_space<vmem>>
        %dma_start3A_150 = tpu.memref_squeeze %dma_start3A_149 : memref<1x128xi32, #tpu.memory_space<vmem>> -> memref<128xi32, #tpu.memory_space<vmem>>
        %dma_start3A_151 = arith.constant 0 : i32
        %dma_start3A_152 = arith.constant 0 : i32
        %dma_start3A_153 = tpu.memref_slice %arg10[%dma_start3A_151, %dma_start3A_152] : memref<10000x128xf32, #tpu.memory_space<vmem_shared>> -> memref<10000x128xf32, #tpu.memory_space<vmem_shared>>
        tpu.enqueue_indirect_dma source(%dma_start3A_147 : memref<128x128xf32, #tpu.memory_space<vmem>>) target(%dma_start3A_153 : memref<10000x128xf32, #tpu.memory_space<vmem_shared>>) offsets(%dma_start3A_150 : memref<128xi32, #tpu.memory_space<vmem>>) semaphore(%run_scoped3A_143 : memref<!tpu.dma_semaphore, #tpu.memory_space<semaphore_mem>>) {add = true}
        %dma_wait3A_154 = arith.constant 0 : i32
        %dma_wait3A_155 = arith.constant 0 : i32
        %dma_wait3A_156 = tpu.memref_slice %arg8[%run_scoped3A, %dma_wait3A_154, %dma_wait3A_155] : memref<2x128x128xf32, #tpu.memory_space<vmem>> -> memref<1x128x128xf32, #tpu.memory_space<vmem>>
        %dma_wait3A_157 = tpu.memref_squeeze %dma_wait3A_156 : memref<1x128x128xf32, #tpu.memory_space<vmem>> -> memref<128x128xf32, #tpu.memory_space<vmem>>
        %dma_wait3A_158 = arith.constant 0 : i32
        %dma_wait3A_159 = tpu.memref_slice %arg7[%add3A_105, %dma_wait3A_158] : memref<40x128xi32, #tpu.memory_space<vmem>> -> memref<1x128xi32, #tpu.memory_space<vmem>>
        %dma_wait3A_160 = tpu.memref_squeeze %dma_wait3A_159 : memref<1x128xi32, #tpu.memory_space<vmem>> -> memref<128xi32, #tpu.memory_space<vmem>>
        %dma_wait3A_161 = arith.constant 0 : i32
        %dma_wait3A_162 = arith.constant 0 : i32
        %dma_wait3A_163 = tpu.memref_slice %arg10[%dma_wait3A_161, %dma_wait3A_162] : memref<10000x128xf32, #tpu.memory_space<vmem_shared>> -> memref<10000x128xf32, #tpu.memory_space<vmem_shared>>
        tpu.wait_indirect_dma semaphore(%run_scoped3A_143 : memref<!tpu.dma_semaphore, #tpu.memory_space<semaphore_mem>>) src(%dma_wait3A_157 : memref<128x128xf32, #tpu.memory_space<vmem>>) dst(%dma_wait3A_163 : memref<10000x128xf32, #tpu.memory_space<vmem_shared>>)
        tpu.yield
      }) : () -> ()
      %add3A_116 = arith.constant 2 : i32
      %add3A_117 = arith.addi %add3A_105, %add3A_116 : i32
      %lt3A = arith.constant 40 : i32
      %lt3A_118 = arith.cmpi slt, %add3A_117, %lt3A : i32
      %convert_element_type3A = arith.extui %lt3A_118 : i1 to i32
      %cond3A = arith.constant 0 : i32
      %cond3A_119 = arith.cmpi ne, %convert_element_type3A, %cond3A : i32
      scf.if %cond3A_119 {
        %add3A_143 = arith.constant 2 : i32
        %add3A_144 = arith.addi %add3A_105, %add3A_143 : i32
        %dma_start3A_145 = arith.constant 0 : i32
        %dma_start3A_146 = arith.constant 0 : i32
        %dma_start3A_147 = arith.constant 0 : i32
        %dma_start3A_148 = tpu.memref_slice %arg8[%dma_start3A_145, %dma_start3A_146, %dma_start3A_147] : memref<2x128x128xf32, #tpu.memory_space<vmem>> -> memref<1x128x128xf32, #tpu.memory_space<vmem>>
        %dma_start3A_149 = tpu.memref_squeeze %dma_start3A_148 : memref<1x128x128xf32, #tpu.memory_space<vmem>> -> memref<128x128xf32, #tpu.memory_space<vmem>>
        %dma_start3A_150 = arith.constant 0 : i32
        %dma_start3A_151 = tpu.memref_slice %arg6[%add3A_144, %dma_start3A_150] : memref<40x128xi32, #tpu.memory_space<vmem>> -> memref<1x128xi32, #tpu.memory_space<vmem>>
        %dma_start3A_152 = tpu.memref_squeeze %dma_start3A_151 : memref<1x128xi32, #tpu.memory_space<vmem>> -> memref<128xi32, #tpu.memory_space<vmem>>
        %dma_start3A_153 = arith.constant 0 : i32
        %dma_start3A_154 = arith.constant 0 : i32
        %dma_start3A_155 = tpu.memref_slice %arg2[%dma_start3A_153, %dma_start3A_154] : memref<10000x128xf32, #tpu.memory_space<hbm>> -> memref<10000x128xf32, #tpu.memory_space<hbm>>
        tpu.enqueue_indirect_dma source(%dma_start3A_155 : memref<10000x128xf32, #tpu.memory_space<hbm>>) target(%dma_start3A_149 : memref<128x128xf32, #tpu.memory_space<vmem>>) offsets(%dma_start3A_152 : memref<128xi32, #tpu.memory_space<vmem>>) semaphore(%arg11 : memref<!tpu.dma_semaphore, #tpu.memory_space<semaphore_mem>>)
      } else {
      }
      %mul3A_120 = arith.constant 2 : i32
      %mul3A_121 = arith.muli %add3A_101, %mul3A_120 : i32
      %add3A_122 = arith.constant 1 : i32
      %add3A_123 = arith.addi %mul3A_121, %add3A_122 : i32
      %dma_wait3A_124 = arith.constant 1 : i32
      %dma_wait3A_125 = arith.constant 0 : i32
      %dma_wait3A_126 = arith.constant 0 : i32
      %dma_wait3A_127 = tpu.memref_slice %arg8[%dma_wait3A_124, %dma_wait3A_125, %dma_wait3A_126] : memref<2x128x128xf32, #tpu.memory_space<vmem>> -> memref<1x128x128xf32, #tpu.memory_space<vmem>>
      %dma_wait3A_128 = tpu.memref_squeeze %dma_wait3A_127 : memref<1x128x128xf32, #tpu.memory_space<vmem>> -> memref<128x128xf32, #tpu.memory_space<vmem>>
      %dma_wait3A_129 = arith.constant 0 : i32
      %dma_wait3A_130 = tpu.memref_slice %arg6[%add3A_123, %dma_wait3A_129] : memref<40x128xi32, #tpu.memory_space<vmem>> -> memref<1x128xi32, #tpu.memory_space<vmem>>
      %dma_wait3A_131 = tpu.memref_squeeze %dma_wait3A_130 : memref<1x128xi32, #tpu.memory_space<vmem>> -> memref<128xi32, #tpu.memory_space<vmem>>
      %dma_wait3A_132 = arith.constant 0 : i32
      %dma_wait3A_133 = arith.constant 0 : i32
      %dma_wait3A_134 = tpu.memref_slice %arg2[%dma_wait3A_132, %dma_wait3A_133] : memref<10000x128xf32, #tpu.memory_space<hbm>> -> memref<10000x128xf32, #tpu.memory_space<hbm>>
      tpu.wait_indirect_dma semaphore(%arg12 : memref<!tpu.dma_semaphore, #tpu.memory_space<semaphore_mem>>) src(%dma_wait3A_134 : memref<10000x128xf32, #tpu.memory_space<hbm>>) dst(%dma_wait3A_128 : memref<128x128xf32, #tpu.memory_space<vmem>>)
      %run_scoped3A_135 = arith.constant 1 : i32
      "tpu.region"() ({
        %run_scoped3A_143 = tpu.sem_alloc : memref<!tpu.dma_semaphore, #tpu.memory_space<semaphore_mem>>
        %dma_start3A_144 = arith.constant 0 : i32
        %dma_start3A_145 = arith.constant 0 : i32
        %dma_start3A_146 = tpu.memref_slice %arg8[%run_scoped3A_135, %dma_start3A_144, %dma_start3A_145] : memref<2x128x128xf32, #tpu.memory_space<vmem>> -> memref<1x128x128xf32, #tpu.memory_space<vmem>>
        %dma_start3A_147 = tpu.memref_squeeze %dma_start3A_146 : memref<1x128x128xf32, #tpu.memory_space<vmem>> -> memref<128x128xf32, #tpu.memory_space<vmem>>
        %dma_start3A_148 = arith.constant 0 : i32
        %dma_start3A_149 = tpu.memref_slice %arg7[%add3A_123, %dma_start3A_148] : memref<40x128xi32, #tpu.memory_space<vmem>> -> memref<1x128xi32, #tpu.memory_space<vmem>>
        %dma_start3A_150 = tpu.memref_squeeze %dma_start3A_149 : memref<1x128xi32, #tpu.memory_space<vmem>> -> memref<128xi32, #tpu.memory_space<vmem>>
        %dma_start3A_151 = arith.constant 0 : i32
        %dma_start3A_152 = arith.constant 0 : i32
        %dma_start3A_153 = tpu.memref_slice %arg10[%dma_start3A_151, %dma_start3A_152] : memref<10000x128xf32, #tpu.memory_space<vmem_shared>> -> memref<10000x128xf32, #tpu.memory_space<vmem_shared>>
        tpu.enqueue_indirect_dma source(%dma_start3A_147 : memref<128x128xf32, #tpu.memory_space<vmem>>) target(%dma_start3A_153 : memref<10000x128xf32, #tpu.memory_space<vmem_shared>>) offsets(%dma_start3A_150 : memref<128xi32, #tpu.memory_space<vmem>>) semaphore(%run_scoped3A_143 : memref<!tpu.dma_semaphore, #tpu.memory_space<semaphore_mem>>) {add = true}
        %dma_wait3A_154 = arith.constant 0 : i32
        %dma_wait3A_155 = arith.constant 0 : i32
        %dma_wait3A_156 = tpu.memref_slice %arg8[%run_scoped3A_135, %dma_wait3A_154, %dma_wait3A_155] : memref<2x128x128xf32, #tpu.memory_space<vmem>> -> memref<1x128x128xf32, #tpu.memory_space<vmem>>
        %dma_wait3A_157 = tpu.memref_squeeze %dma_wait3A_156 : memref<1x128x128xf32, #tpu.memory_space<vmem>> -> memref<128x128xf32, #tpu.memory_space<vmem>>
        %dma_wait3A_158 = arith.constant 0 : i32
        %dma_wait3A_159 = tpu.memref_slice %arg7[%add3A_123, %dma_wait3A_158] : memref<40x128xi32, #tpu.memory_space<vmem>> -> memref<1x128xi32, #tpu.memory_space<vmem>>
        %dma_wait3A_160 = tpu.memref_squeeze %dma_wait3A_159 : memref<1x128xi32, #tpu.memory_space<vmem>> -> memref<128xi32, #tpu.memory_space<vmem>>
        %dma_wait3A_161 = arith.constant 0 : i32
        %dma_wait3A_162 = arith.constant 0 : i32
        %dma_wait3A_163 = tpu.memref_slice %arg10[%dma_wait3A_161, %dma_wait3A_162] : memref<10000x128xf32, #tpu.memory_space<vmem_shared>> -> memref<10000x128xf32, #tpu.memory_space<vmem_shared>>
        tpu.wait_indirect_dma semaphore(%run_scoped3A_143 : memref<!tpu.dma_semaphore, #tpu.memory_space<semaphore_mem>>) src(%dma_wait3A_157 : memref<128x128xf32, #tpu.memory_space<vmem>>) dst(%dma_wait3A_163 : memref<10000x128xf32, #tpu.memory_space<vmem_shared>>)
        tpu.yield
      }) : () -> ()
      %add3A_136 = arith.constant 2 : i32
      %add3A_137 = arith.addi %add3A_123, %add3A_136 : i32
      %lt3A_138 = arith.constant 40 : i32
      %lt3A_139 = arith.cmpi slt, %add3A_137, %lt3A_138 : i32
      %convert_element_type3A_140 = arith.extui %lt3A_139 : i1 to i32
      %cond3A_141 = arith.constant 0 : i32
      %cond3A_142 = arith.cmpi ne, %convert_element_type3A_140, %cond3A_141 : i32
      scf.if %cond3A_142 {
        %add3A_143 = arith.constant 2 : i32
        %add3A_144 = arith.addi %add3A_123, %add3A_143 : i32
        %dma_start3A_145 = arith.constant 1 : i32
        %dma_start3A_146 = arith.constant 0 : i32
        %dma_start3A_147 = arith.constant 0 : i32
        %dma_start3A_148 = tpu.memref_slice %arg8[%dma_start3A_145, %dma_start3A_146, %dma_start3A_147] : memref<2x128x128xf32, #tpu.memory_space<vmem>> -> memref<1x128x128xf32, #tpu.memory_space<vmem>>
        %dma_start3A_149 = tpu.memref_squeeze %dma_start3A_148 : memref<1x128x128xf32, #tpu.memory_space<vmem>> -> memref<128x128xf32, #tpu.memory_space<vmem>>
        %dma_start3A_150 = arith.constant 0 : i32
        %dma_start3A_151 = tpu.memref_slice %arg6[%add3A_144, %dma_start3A_150] : memref<40x128xi32, #tpu.memory_space<vmem>> -> memref<1x128xi32, #tpu.memory_space<vmem>>
        %dma_start3A_152 = tpu.memref_squeeze %dma_start3A_151 : memref<1x128xi32, #tpu.memory_space<vmem>> -> memref<128xi32, #tpu.memory_space<vmem>>
        %dma_start3A_153 = arith.constant 0 : i32
        %dma_start3A_154 = arith.constant 0 : i32
        %dma_start3A_155 = tpu.memref_slice %arg2[%dma_start3A_153, %dma_start3A_154] : memref<10000x128xf32, #tpu.memory_space<hbm>> -> memref<10000x128xf32, #tpu.memory_space<hbm>>
        tpu.enqueue_indirect_dma source(%dma_start3A_155 : memref<10000x128xf32, #tpu.memory_space<hbm>>) target(%dma_start3A_149 : memref<128x128xf32, #tpu.memory_space<vmem>>) offsets(%dma_start3A_152 : memref<128xi32, #tpu.memory_space<vmem>>) semaphore(%arg12 : memref<!tpu.dma_semaphore, #tpu.memory_space<semaphore_mem>>)
      } else {
      }
    }
    %scan3A_77 = arith.constant 20 : i32
    %barrier3A_78 = arith.constant 0 : index
    tpu.barrier barrier_id(%barrier3A_78)
    %sub3A_79 = arith.constant 125 : i32
    %sub3A_80 = arith.subi %sub3A_79, %arg1 : i32
    %sub3A_81 = arith.constant 16 : i32
    %sub3A_82 = arith.constant 1 : i32
    %sub3A_83 = arith.subi %sub3A_81, %sub3A_82 : i32
    %add3A_84 = arith.addi %sub3A_80, %sub3A_83 : i32
    %div3A_85 = arith.constant 16 : i32
    %div3A_86 = arith.divsi %add3A_84, %div3A_85 : i32
    %while3A_87 = arith.constant 16 : i32
    %while3A_88 = arith.constant 0 : i32
    %while3A_89 = arith.subi %div3A_86, %while3A_88 : i32
    %while3A_90 = arith.addi %while3A_88, %while3A_89 : i32
    %while3A_91 = arith.constant 1 : i32
    %while3A_92 = arith.divsi %while3A_89, %while3A_91 : i32
    %while3A_93 = arith.muli %while3A_92, %while3A_91 : i32
    %while3A_94 = arith.addi %while3A_88, %while3A_93 : i32
    %while3A_95 = arith.constant 1 : i32
    scf.for %while3A_97 = %while3A_88 to %while3A_94 step %while3A_95  : i32 {
      %mul3A_98 = arith.muli %while3A_97, %while3A_87 : i32
      %add3A_99 = arith.addi %arg1, %mul3A_98 : i32
      %mul3A_100 = arith.constant 80 : i32
      %mul3A_101 = arith.muli %add3A_99, %mul3A_100 : i32
      %mul3A_102 = arith.constant 80 : i32
      %mul3A_103 = arith.muli %add3A_99, %mul3A_102 : i32
      "tpu.region"() ({
        %run_scoped3A = tpu.sem_alloc : memref<!tpu.dma_semaphore, #tpu.memory_space<semaphore_mem>>
        %dma_start3A_104 = arith.constant 0 : i32
        %dma_start3A_105 = arith.constant 0 : i32
        %dma_start3A_106 = tpu.memref_slice %arg5[%arg0, %dma_start3A_104, %dma_start3A_105] : memref<2x10000x128xf32, #tpu.memory_space<hbm>> -> memref<1x10000x128xf32, #tpu.memory_space<hbm>>
        %dma_start3A_107 = tpu.memref_squeeze %dma_start3A_106 : memref<1x10000x128xf32, #tpu.memory_space<hbm>> -> memref<10000x128xf32, #tpu.memory_space<hbm>>
        %dma_start3A_108 = arith.constant 0 : i32
        %dma_start3A_109 = tpu.memref_slice %dma_start3A_107[%mul3A_103, %dma_start3A_108] : memref<10000x128xf32, #tpu.memory_space<hbm>> -> memref<80x128xf32, #tpu.memory_space<hbm>>
        %dma_start3A_110 = arith.constant 0 : i32
        %dma_start3A_111 = tpu.memref_slice %arg10[%mul3A_101, %dma_start3A_110] : memref<10000x128xf32, #tpu.memory_space<vmem_shared>> -> memref<80x128xf32, #tpu.memory_space<vmem_shared>>
        tpu.enqueue_dma source(%dma_start3A_111 : memref<80x128xf32, #tpu.memory_space<vmem_shared>>) target(%dma_start3A_109 : memref<80x128xf32, #tpu.memory_space<hbm>>) target_semaphore(%run_scoped3A : memref<!tpu.dma_semaphore, #tpu.memory_space<semaphore_mem>>)
        %dma_wait3A = arith.constant 0 : i32
        %dma_wait3A_112 = arith.constant 0 : i32
        %dma_wait3A_113 = tpu.memref_slice %arg5[%arg0, %dma_wait3A, %dma_wait3A_112] : memref<2x10000x128xf32, #tpu.memory_space<hbm>> -> memref<1x10000x128xf32, #tpu.memory_space<hbm>>
        %dma_wait3A_114 = tpu.memref_squeeze %dma_wait3A_113 : memref<1x10000x128xf32, #tpu.memory_space<hbm>> -> memref<10000x128xf32, #tpu.memory_space<hbm>>
        %dma_wait3A_115 = arith.constant 0 : i32
        %dma_wait3A_116 = tpu.memref_slice %dma_wait3A_114[%mul3A_103, %dma_wait3A_115] : memref<10000x128xf32, #tpu.memory_space<hbm>> -> memref<80x128xf32, #tpu.memory_space<hbm>>
        %dma_wait3A_117 = arith.constant 0 : i32
        %dma_wait3A_118 = tpu.memref_slice %arg10[%mul3A_101, %dma_wait3A_117] : memref<10000x128xf32, #tpu.memory_space<vmem_shared>> -> memref<80x128xf32, #tpu.memory_space<vmem_shared>>
        tpu.wait_dma2 semaphore(%run_scoped3A : memref<!tpu.dma_semaphore, #tpu.memory_space<semaphore_mem>>) src(%dma_wait3A_118 : memref<80x128xf32, #tpu.memory_space<vmem_shared>>) dst(%dma_wait3A_116 : memref<80x128xf32, #tpu.memory_space<hbm>>)
        tpu.yield
      }) : () -> ()
    }
    %while3A_96 = arith.constant 1 : i32
    scf.for %while3A_97 = %while3A_94 to %while3A_90 step %while3A_96  : i32 {
      %mul3A_98 = arith.muli %while3A_97, %while3A_87 : i32
      %add3A_99 = arith.addi %arg1, %mul3A_98 : i32
      %mul3A_100 = arith.constant 80 : i32
      %mul3A_101 = arith.muli %add3A_99, %mul3A_100 : i32
      %mul3A_102 = arith.constant 80 : i32
      %mul3A_103 = arith.muli %add3A_99, %mul3A_102 : i32
      "tpu.region"() ({
        %run_scoped3A = tpu.sem_alloc : memref<!tpu.dma_semaphore, #tpu.memory_space<semaphore_mem>>
        %dma_start3A_104 = arith.constant 0 : i32
        %dma_start3A_105 = arith.constant 0 : i32
        %dma_start3A_106 = tpu.memref_slice %arg5[%arg0, %dma_start3A_104, %dma_start3A_105] : memref<2x10000x128xf32, #tpu.memory_space<hbm>> -> memref<1x10000x128xf32, #tpu.memory_space<hbm>>
        %dma_start3A_107 = tpu.memref_squeeze %dma_start3A_106 : memref<1x10000x128xf32, #tpu.memory_space<hbm>> -> memref<10000x128xf32, #tpu.memory_space<hbm>>
        %dma_start3A_108 = arith.constant 0 : i32
        %dma_start3A_109 = tpu.memref_slice %dma_start3A_107[%mul3A_103, %dma_start3A_108] : memref<10000x128xf32, #tpu.memory_space<hbm>> -> memref<80x128xf32, #tpu.memory_space<hbm>>
        %dma_start3A_110 = arith.constant 0 : i32
        %dma_start3A_111 = tpu.memref_slice %arg10[%mul3A_101, %dma_start3A_110] : memref<10000x128xf32, #tpu.memory_space<vmem_shared>> -> memref<80x128xf32, #tpu.memory_space<vmem_shared>>
        tpu.enqueue_dma source(%dma_start3A_111 : memref<80x128xf32, #tpu.memory_space<vmem_shared>>) target(%dma_start3A_109 : memref<80x128xf32, #tpu.memory_space<hbm>>) target_semaphore(%run_scoped3A : memref<!tpu.dma_semaphore, #tpu.memory_space<semaphore_mem>>)
        %dma_wait3A = arith.constant 0 : i32
        %dma_wait3A_112 = arith.constant 0 : i32
        %dma_wait3A_113 = tpu.memref_slice %arg5[%arg0, %dma_wait3A, %dma_wait3A_112] : memref<2x10000x128xf32, #tpu.memory_space<hbm>> -> memref<1x10000x128xf32, #tpu.memory_space<hbm>>
        %dma_wait3A_114 = tpu.memref_squeeze %dma_wait3A_113 : memref<1x10000x128xf32, #tpu.memory_space<hbm>> -> memref<10000x128xf32, #tpu.memory_space<hbm>>
        %dma_wait3A_115 = arith.constant 0 : i32
        %dma_wait3A_116 = tpu.memref_slice %dma_wait3A_114[%mul3A_103, %dma_wait3A_115] : memref<10000x128xf32, #tpu.memory_space<hbm>> -> memref<80x128xf32, #tpu.memory_space<hbm>>
        %dma_wait3A_117 = arith.constant 0 : i32
        %dma_wait3A_118 = tpu.memref_slice %arg10[%mul3A_101, %dma_wait3A_117] : memref<10000x128xf32, #tpu.memory_space<vmem_shared>> -> memref<80x128xf32, #tpu.memory_space<vmem_shared>>
        tpu.wait_dma2 semaphore(%run_scoped3A : memref<!tpu.dma_semaphore, #tpu.memory_space<semaphore_mem>>) src(%dma_wait3A_118 : memref<80x128xf32, #tpu.memory_space<vmem_shared>>) dst(%dma_wait3A_116 : memref<80x128xf32, #tpu.memory_space<hbm>>)
        tpu.yield
      }) : () -> ()
    }
    return
  }
}

#map = affine_map<(d0, d1) -> (0, 0)>
#map1 = affine_map<(d0, d1) -> (0)>
#map2 = affine_map<(d0, d1) -> (0, 0, 0)>
module attributes {stable_mosaic.version = 14 : i64} {
  func.func @k(%arg0: i32, %arg1: i32, %arg2: memref<10000x128xf32, #tpu.memory_space<hbm>>, %arg3: memref<10000xi32, #tpu.memory_space<hbm>>, %arg4: memref<2x512x128xf32, #tpu.memory_space<hbm>>, %arg5: memref<2x512x16xf32, #tpu.memory_space<hbm>>, %arg6: memref<1x80xi32, #tpu.memory_space<vmem>>, %arg7: memref<80x128xf32, #tpu.memory_space<vmem>>, %arg8: memref<80x16xf32, #tpu.memory_space<vmem>>, %arg9: memref<64x128xf32, #tpu.memory_space<vmem>>, %arg10: memref<64x16xf32, #tpu.memory_space<vmem>>, %arg11: memref<512x128xf32, #tpu.memory_space<vmem_shared>>, %arg12: memref<512x16xf32, #tpu.memory_space<vmem_shared>>) attributes {dimension_semantics = [#tpu.dimension_semantics<core_parallel>, #tpu.dimension_semantics<subcore_parallel>], iteration_bounds = array<i64: 2, 16>, scalar_prefetch = 0 : i64, scratch_operands = 7 : i64, tpu.core_type = #tpu.core_type<sc_vector_subcore>, window_params = [{transform_indices = #map}, {transform_indices = #map1}, {transform_indices = #map2}, {transform_indices = #map2}]} {
    %mul3A = arith.constant 16 : i32
    %mul3A_0 = arith.muli %arg0, %mul3A : i32
    %add3A = arith.addi %mul3A_0, %arg1 : i32
    %broadcast_in_dim3A = arith.constant 1.000000e+00 : f32
    %broadcast_in_dim3A_1 = vector.broadcast %broadcast_in_dim3A : f32 to vector<16xf32>
    %broadcast_in_dim3A_2 = arith.constant 0.000000e+00 : f32
    %broadcast_in_dim3A_3 = vector.broadcast %broadcast_in_dim3A_2 : f32 to vector<16xf32>
    %scan3A = arith.constant 0 : i32
    %scan3A_4 = arith.constant 80 : i32
    %scan3A_5 = arith.addi %scan3A, %scan3A_4 : i32
    %scan3A_6 = arith.constant 1 : i32
    scf.for %scan3A_36 = %scan3A to %scan3A_5 step %scan3A_6  : i32 {
      %mul3A_37 = arith.constant 1 : i32
      %mul3A_38 = arith.muli %scan3A_36, %mul3A_37 : i32
      %add3A_39 = arith.constant 0 : i32
      %add3A_40 = arith.addi %add3A_39, %mul3A_38 : i32
      %swap3A = arith.index_cast %add3A_40 : i32 to index
      %swap3A_41 = arith.constant 0 : index
      %swap3A_42 = tpu.vector_load %arg8[%swap3A, %swap3A_41] {strides = array<i32>} : memref<80x16xf32, #tpu.memory_space<vmem>>, vector<1x16xf32>,
      %swap3A_43 = vector.shape_cast %swap3A_42 : vector<1x16xf32> to vector<16xf32>
      %swap3A_44 = vector.shape_cast %broadcast_in_dim3A_1 : vector<16xf32> to vector<1x16xf32>
      tpu.vector_store %arg8[%swap3A, %swap3A_41], %swap3A_44 {strides = array<i32>} : memref<80x16xf32, #tpu.memory_space<vmem>>, vector<1x16xf32>,
    }
    %scan3A_7 = arith.constant 80 : i32
    %scan3A_8 = arith.constant 0 : i32
    %scan3A_9 = arith.constant 64 : i32
    %scan3A_10 = arith.addi %scan3A_8, %scan3A_9 : i32
    %scan3A_11 = arith.constant 1 : i32
    scf.for %scan3A_36 = %scan3A_8 to %scan3A_10 step %scan3A_11  : i32 {
      %mul3A_37 = arith.constant 1 : i32
      %mul3A_38 = arith.muli %scan3A_36, %mul3A_37 : i32
      %add3A_39 = arith.constant 0 : i32
      %add3A_40 = arith.addi %add3A_39, %mul3A_38 : i32
      %swap3A = arith.index_cast %add3A_40 : i32 to index
      %swap3A_41 = arith.constant 0 : index
      %swap3A_42 = tpu.vector_load %arg10[%swap3A, %swap3A_41] {strides = array<i32>} : memref<64x16xf32, #tpu.memory_space<vmem>>, vector<1x16xf32>,
      %swap3A_43 = vector.shape_cast %swap3A_42 : vector<1x16xf32> to vector<16xf32>
      %swap3A_44 = vector.shape_cast %broadcast_in_dim3A_3 : vector<16xf32> to vector<1x16xf32>
      tpu.vector_store %arg10[%swap3A, %swap3A_41], %swap3A_44 {strides = array<i32>} : memref<64x16xf32, #tpu.memory_space<vmem>>, vector<1x16xf32>,
      %scan3A_45 = arith.constant 0 : i32
      %scan3A_46 = arith.constant 8 : i32
      %scan3A_47 = arith.addi %scan3A_45, %scan3A_46 : i32
      %scan3A_48 = arith.constant 1 : i32
      scf.for %scan3A_50 = %scan3A_45 to %scan3A_47 step %scan3A_48  : i32 {
        %mul3A_51 = arith.constant 16 : i32
        %mul3A_52 = arith.muli %scan3A_50, %mul3A_51 : i32
        %add3A_53 = arith.constant 0 : i32
        %add3A_54 = arith.addi %add3A_53, %mul3A_52 : i32
        %swap3A_55 = arith.index_cast %add3A_40 : i32 to index
        %swap3A_56 = arith.index_cast %add3A_54 : i32 to index
        %swap3A_57 = tpu.vector_load %arg9[%swap3A_55, %swap3A_56] {strides = array<i32>} : memref<64x128xf32, #tpu.memory_space<vmem>>, vector<1x16xf32>,
        %swap3A_58 = vector.shape_cast %swap3A_57 : vector<1x16xf32> to vector<16xf32>
        %swap3A_59 = vector.shape_cast %broadcast_in_dim3A_3 : vector<16xf32> to vector<1x16xf32>
        tpu.vector_store %arg9[%swap3A_55, %swap3A_56], %swap3A_59 {strides = array<i32>} : memref<64x128xf32, #tpu.memory_space<vmem>>, vector<1x16xf32>,
      }
      %scan3A_49 = arith.constant 8 : i32
    }
    %scan3A_12 = arith.constant 64 : i32
    %lt3A = arith.constant 8 : i32
    %lt3A_13 = arith.cmpi slt, %arg1, %lt3A : i32
    %convert_element_type3A = arith.extui %lt3A_13 : i1 to i32
    %cond3A = arith.constant 0 : i32
    %cond3A_14 = arith.cmpi ne, %convert_element_type3A, %cond3A : i32
    scf.if %cond3A_14 {
      %mul3A_36 = arith.constant 64 : i32
      %mul3A_37 = arith.muli %arg1, %mul3A_36 : i32
      "tpu.region"() ({
        %run_scoped3A = tpu.sem_alloc : memref<!tpu.dma_semaphore, #tpu.memory_space<semaphore_mem>>
        %dma_start3A = arith.constant 0 : i32
        %dma_start3A_40 = tpu.memref_slice %arg11[%mul3A_37, %dma_start3A] : memref<512x128xf32, #tpu.memory_space<vmem_shared>> -> memref<64x128xf32, #tpu.memory_space<vmem_shared>>
        %dma_start3A_41 = arith.constant 0 : i32
        %dma_start3A_42 = tpu.memref_slice %arg11[%mul3A_37, %dma_start3A_41] : memref<512x128xf32, #tpu.memory_space<vmem_shared>> -> memref<64x128xf32, #tpu.memory_space<vmem_shared>>
        tpu.enqueue_dma source(%arg9 : memref<64x128xf32, #tpu.memory_space<vmem>>) target(%dma_start3A_42 : memref<64x128xf32, #tpu.memory_space<vmem_shared>>) target_semaphore(%run_scoped3A : memref<!tpu.dma_semaphore, #tpu.memory_space<semaphore_mem>>)
        %dma_wait3A = arith.constant 0 : i32
        %dma_wait3A_43 = tpu.memref_slice %arg11[%mul3A_37, %dma_wait3A] : memref<512x128xf32, #tpu.memory_space<vmem_shared>> -> memref<64x128xf32, #tpu.memory_space<vmem_shared>>
        %dma_wait3A_44 = arith.constant 0 : i32
        %dma_wait3A_45 = tpu.memref_slice %arg11[%mul3A_37, %dma_wait3A_44] : memref<512x128xf32, #tpu.memory_space<vmem_shared>> -> memref<64x128xf32, #tpu.memory_space<vmem_shared>>
        tpu.wait_dma2 semaphore(%run_scoped3A : memref<!tpu.dma_semaphore, #tpu.memory_space<semaphore_mem>>) src(%arg9 : memref<64x128xf32, #tpu.memory_space<vmem>>) dst(%dma_wait3A_45 : memref<64x128xf32, #tpu.memory_space<vmem_shared>>)
        tpu.yield
      }) : () -> ()
      %mul3A_38 = arith.constant 64 : i32
      %mul3A_39 = arith.muli %arg1, %mul3A_38 : i32
      "tpu.region"() ({
        %run_scoped3A = tpu.sem_alloc : memref<!tpu.dma_semaphore, #tpu.memory_space<semaphore_mem>>
        %dma_start3A = arith.constant 0 : i32
        %dma_start3A_40 = tpu.memref_slice %arg12[%mul3A_39, %dma_start3A] : memref<512x16xf32, #tpu.memory_space<vmem_shared>> -> memref<64x16xf32, #tpu.memory_space<vmem_shared>>
        %dma_start3A_41 = arith.constant 0 : i32
        %dma_start3A_42 = tpu.memref_slice %arg12[%mul3A_39, %dma_start3A_41] : memref<512x16xf32, #tpu.memory_space<vmem_shared>> -> memref<64x16xf32, #tpu.memory_space<vmem_shared>>
        tpu.enqueue_dma source(%arg10 : memref<64x16xf32, #tpu.memory_space<vmem>>) target(%dma_start3A_42 : memref<64x16xf32, #tpu.memory_space<vmem_shared>>) target_semaphore(%run_scoped3A : memref<!tpu.dma_semaphore, #tpu.memory_space<semaphore_mem>>)
        %dma_wait3A = arith.constant 0 : i32
        %dma_wait3A_43 = tpu.memref_slice %arg12[%mul3A_39, %dma_wait3A] : memref<512x16xf32, #tpu.memory_space<vmem_shared>> -> memref<64x16xf32, #tpu.memory_space<vmem_shared>>
        %dma_wait3A_44 = arith.constant 0 : i32
        %dma_wait3A_45 = tpu.memref_slice %arg12[%mul3A_39, %dma_wait3A_44] : memref<512x16xf32, #tpu.memory_space<vmem_shared>> -> memref<64x16xf32, #tpu.memory_space<vmem_shared>>
        tpu.wait_dma2 semaphore(%run_scoped3A : memref<!tpu.dma_semaphore, #tpu.memory_space<semaphore_mem>>) src(%arg10 : memref<64x16xf32, #tpu.memory_space<vmem>>) dst(%dma_wait3A_45 : memref<64x16xf32, #tpu.memory_space<vmem_shared>>)
        tpu.yield
      }) : () -> ()
    } else {
    }
    %barrier3A = arith.constant 0 : index
    tpu.barrier barrier_id(%barrier3A)
    %sub3A = arith.constant 125 : i32
    %sub3A_15 = arith.subi %sub3A, %add3A : i32
    %sub3A_16 = arith.constant 32 : i32
    %sub3A_17 = arith.constant 1 : i32
    %sub3A_18 = arith.subi %sub3A_16, %sub3A_17 : i32
    %add3A_19 = arith.addi %sub3A_15, %sub3A_18 : i32
    %div3A = arith.constant 32 : i32
    %div3A_20 = arith.divsi %add3A_19, %div3A : i32
    %while3A = arith.constant 32 : i32
    %while3A_21 = arith.constant 0 : i32
    %while3A_22 = arith.subi %div3A_20, %while3A_21 : i32
    %while3A_23 = arith.addi %while3A_21, %while3A_22 : i32
    %while3A_24 = arith.constant 1 : i32
    %while3A_25 = arith.divsi %while3A_22, %while3A_24 : i32
    %while3A_26 = arith.muli %while3A_25, %while3A_24 : i32
    %while3A_27 = arith.addi %while3A_21, %while3A_26 : i32
    %while3A_28 = arith.constant 1 : i32
    scf.for %while3A_36 = %while3A_21 to %while3A_27 step %while3A_28  : i32 {
      %mul3A_37 = arith.muli %while3A_36, %while3A : i32
      %add3A_38 = arith.addi %add3A, %mul3A_37 : i32
      %mul3A_39 = arith.constant 80 : i32
      %mul3A_40 = arith.muli %add3A_38, %mul3A_39 : i32
      %run_scoped3A = arith.constant 0 : i32
      "tpu.region"() ({
        %run_scoped3A_45 = tpu.sem_alloc : memref<!tpu.dma_semaphore, #tpu.memory_space<semaphore_mem>>
        %dma_start3A = arith.constant 0 : i32
        %dma_start3A_46 = tpu.memref_slice %arg6[%run_scoped3A, %dma_start3A] : memref<1x80xi32, #tpu.memory_space<vmem>> -> memref<1x80xi32, #tpu.memory_space<vmem>>
        %dma_start3A_47 = tpu.memref_squeeze %dma_start3A_46 : memref<1x80xi32, #tpu.memory_space<vmem>> -> memref<80xi32, #tpu.memory_space<vmem>>
        %dma_start3A_48 = tpu.memref_slice %arg3[%mul3A_40] : memref<10000xi32, #tpu.memory_space<hbm>> -> memref<80xi32, #tpu.memory_space<hbm>>
        %dma_start3A_49 = arith.constant 0 : i32
        %dma_start3A_50 = tpu.memref_slice %arg6[%run_scoped3A, %dma_start3A_49] : memref<1x80xi32, #tpu.memory_space<vmem>> -> memref<1x80xi32, #tpu.memory_space<vmem>>
        %dma_start3A_51 = tpu.memref_squeeze %dma_start3A_50 : memref<1x80xi32, #tpu.memory_space<vmem>> -> memref<80xi32, #tpu.memory_space<vmem>>
        %dma_start3A_52 = tpu.memref_slice %arg3[%mul3A_40] : memref<10000xi32, #tpu.memory_space<hbm>> -> memref<80xi32, #tpu.memory_space<hbm>>
        tpu.enqueue_dma source(%dma_start3A_52 : memref<80xi32, #tpu.memory_space<hbm>>) target(%dma_start3A_51 : memref<80xi32, #tpu.memory_space<vmem>>) target_semaphore(%run_scoped3A_45 : memref<!tpu.dma_semaphore, #tpu.memory_space<semaphore_mem>>)
        %dma_wait3A = arith.constant 0 : i32
        %dma_wait3A_53 = tpu.memref_slice %arg6[%run_scoped3A, %dma_wait3A] : memref<1x80xi32, #tpu.memory_space<vmem>> -> memref<1x80xi32, #tpu.memory_space<vmem>>
        %dma_wait3A_54 = tpu.memref_squeeze %dma_wait3A_53 : memref<1x80xi32, #tpu.memory_space<vmem>> -> memref<80xi32, #tpu.memory_space<vmem>>
        %dma_wait3A_55 = tpu.memref_slice %arg3[%mul3A_40] : memref<10000xi32, #tpu.memory_space<hbm>> -> memref<80xi32, #tpu.memory_space<hbm>>
        %dma_wait3A_56 = arith.constant 0 : i32
        %dma_wait3A_57 = tpu.memref_slice %arg6[%run_scoped3A, %dma_wait3A_56] : memref<1x80xi32, #tpu.memory_space<vmem>> -> memref<1x80xi32, #tpu.memory_space<vmem>>
        %dma_wait3A_58 = tpu.memref_squeeze %dma_wait3A_57 : memref<1x80xi32, #tpu.memory_space<vmem>> -> memref<80xi32, #tpu.memory_space<vmem>>
        %dma_wait3A_59 = tpu.memref_slice %arg3[%mul3A_40] : memref<10000xi32, #tpu.memory_space<hbm>> -> memref<80xi32, #tpu.memory_space<hbm>>
        tpu.wait_dma2 semaphore(%run_scoped3A_45 : memref<!tpu.dma_semaphore, #tpu.memory_space<semaphore_mem>>) src(%dma_wait3A_59 : memref<80xi32, #tpu.memory_space<hbm>>) dst(%dma_wait3A_58 : memref<80xi32, #tpu.memory_space<vmem>>)
        tpu.yield
      }) : () -> ()
      %mul3A_41 = arith.constant 80 : i32
      %mul3A_42 = arith.muli %add3A_38, %mul3A_41 : i32
      "tpu.region"() ({
        %run_scoped3A_45 = tpu.sem_alloc : memref<!tpu.dma_semaphore, #tpu.memory_space<semaphore_mem>>
        %dma_start3A = arith.constant 0 : i32
        %dma_start3A_46 = tpu.memref_slice %arg2[%mul3A_42, %dma_start3A] : memref<10000x128xf32, #tpu.memory_space<hbm>> -> memref<80x128xf32, #tpu.memory_space<hbm>>
        %dma_start3A_47 = arith.constant 0 : i32
        %dma_start3A_48 = tpu.memref_slice %arg2[%mul3A_42, %dma_start3A_47] : memref<10000x128xf32, #tpu.memory_space<hbm>> -> memref<80x128xf32, #tpu.memory_space<hbm>>
        tpu.enqueue_dma source(%dma_start3A_48 : memref<80x128xf32, #tpu.memory_space<hbm>>) target(%arg7 : memref<80x128xf32, #tpu.memory_space<vmem>>) target_semaphore(%run_scoped3A_45 : memref<!tpu.dma_semaphore, #tpu.memory_space<semaphore_mem>>)
        %dma_wait3A = arith.constant 0 : i32
        %dma_wait3A_49 = tpu.memref_slice %arg2[%mul3A_42, %dma_wait3A] : memref<10000x128xf32, #tpu.memory_space<hbm>> -> memref<80x128xf32, #tpu.memory_space<hbm>>
        %dma_wait3A_50 = arith.constant 0 : i32
        %dma_wait3A_51 = tpu.memref_slice %arg2[%mul3A_42, %dma_wait3A_50] : memref<10000x128xf32, #tpu.memory_space<hbm>> -> memref<80x128xf32, #tpu.memory_space<hbm>>
        tpu.wait_dma2 semaphore(%run_scoped3A_45 : memref<!tpu.dma_semaphore, #tpu.memory_space<semaphore_mem>>) src(%dma_wait3A_51 : memref<80x128xf32, #tpu.memory_space<hbm>>) dst(%arg7 : memref<80x128xf32, #tpu.memory_space<vmem>>)
        tpu.yield
      }) : () -> ()
      %run_scoped3A_43 = arith.constant 0 : i32
      "tpu.region"() ({
        %run_scoped3A_45 = tpu.sem_alloc : memref<!tpu.dma_semaphore, #tpu.memory_space<semaphore_mem>>
        %dma_start3A = arith.constant 0 : i32
        %dma_start3A_46 = tpu.memref_slice %arg6[%run_scoped3A_43, %dma_start3A] : memref<1x80xi32, #tpu.memory_space<vmem>> -> memref<1x80xi32, #tpu.memory_space<vmem>>
        %dma_start3A_47 = tpu.memref_squeeze %dma_start3A_46 : memref<1x80xi32, #tpu.memory_space<vmem>> -> memref<80xi32, #tpu.memory_space<vmem>>
        %dma_start3A_48 = arith.constant 0 : i32
        %dma_start3A_49 = arith.constant 0 : i32
        %dma_start3A_50 = tpu.memref_slice %arg11[%dma_start3A_48, %dma_start3A_49] : memref<512x128xf32, #tpu.memory_space<vmem_shared>> -> memref<512x128xf32, #tpu.memory_space<vmem_shared>>
        tpu.enqueue_indirect_dma source(%arg7 : memref<80x128xf32, #tpu.memory_space<vmem>>) target(%dma_start3A_50 : memref<512x128xf32, #tpu.memory_space<vmem_shared>>) offsets(%dma_start3A_47 : memref<80xi32, #tpu.memory_space<vmem>>) semaphore(%run_scoped3A_45 : memref<!tpu.dma_semaphore, #tpu.memory_space<semaphore_mem>>) {add = true}
        %dma_wait3A = arith.constant 0 : i32
        %dma_wait3A_51 = tpu.memref_slice %arg6[%run_scoped3A_43, %dma_wait3A] : memref<1x80xi32, #tpu.memory_space<vmem>> -> memref<1x80xi32, #tpu.memory_space<vmem>>
        %dma_wait3A_52 = tpu.memref_squeeze %dma_wait3A_51 : memref<1x80xi32, #tpu.memory_space<vmem>> -> memref<80xi32, #tpu.memory_space<vmem>>
        %dma_wait3A_53 = arith.constant 0 : i32
        %dma_wait3A_54 = arith.constant 0 : i32
        %dma_wait3A_55 = tpu.memref_slice %arg11[%dma_wait3A_53, %dma_wait3A_54] : memref<512x128xf32, #tpu.memory_space<vmem_shared>> -> memref<512x128xf32, #tpu.memory_space<vmem_shared>>
        tpu.wait_indirect_dma semaphore(%run_scoped3A_45 : memref<!tpu.dma_semaphore, #tpu.memory_space<semaphore_mem>>) src(%arg7 : memref<80x128xf32, #tpu.memory_space<vmem>>) dst(%dma_wait3A_55 : memref<512x128xf32, #tpu.memory_space<vmem_shared>>)
        tpu.yield
      }) : () -> ()
      %run_scoped3A_44 = arith.constant 0 : i32
      "tpu.region"() ({
        %run_scoped3A_45 = tpu.sem_alloc : memref<!tpu.dma_semaphore, #tpu.memory_space<semaphore_mem>>
        %dma_start3A = arith.constant 0 : i32
        %dma_start3A_46 = tpu.memref_slice %arg6[%run_scoped3A_44, %dma_start3A] : memref<1x80xi32, #tpu.memory_space<vmem>> -> memref<1x80xi32, #tpu.memory_space<vmem>>
        %dma_start3A_47 = tpu.memref_squeeze %dma_start3A_46 : memref<1x80xi32, #tpu.memory_space<vmem>> -> memref<80xi32, #tpu.memory_space<vmem>>
        %dma_start3A_48 = arith.constant 0 : i32
        %dma_start3A_49 = arith.constant 0 : i32
        %dma_start3A_50 = tpu.memref_slice %arg12[%dma_start3A_48, %dma_start3A_49] : memref<512x16xf32, #tpu.memory_space<vmem_shared>> -> memref<512x16xf32, #tpu.memory_space<vmem_shared>>
        tpu.enqueue_indirect_dma source(%arg8 : memref<80x16xf32, #tpu.memory_space<vmem>>) target(%dma_start3A_50 : memref<512x16xf32, #tpu.memory_space<vmem_shared>>) offsets(%dma_start3A_47 : memref<80xi32, #tpu.memory_space<vmem>>) semaphore(%run_scoped3A_45 : memref<!tpu.dma_semaphore, #tpu.memory_space<semaphore_mem>>) {add = true}
        %dma_wait3A = arith.constant 0 : i32
        %dma_wait3A_51 = tpu.memref_slice %arg6[%run_scoped3A_44, %dma_wait3A] : memref<1x80xi32, #tpu.memory_space<vmem>> -> memref<1x80xi32, #tpu.memory_space<vmem>>
        %dma_wait3A_52 = tpu.memref_squeeze %dma_wait3A_51 : memref<1x80xi32, #tpu.memory_space<vmem>> -> memref<80xi32, #tpu.memory_space<vmem>>
        %dma_wait3A_53 = arith.constant 0 : i32
        %dma_wait3A_54 = arith.constant 0 : i32
        %dma_wait3A_55 = tpu.memref_slice %arg12[%dma_wait3A_53, %dma_wait3A_54] : memref<512x16xf32, #tpu.memory_space<vmem_shared>> -> memref<512x16xf32, #tpu.memory_space<vmem_shared>>
        tpu.wait_indirect_dma semaphore(%run_scoped3A_45 : memref<!tpu.dma_semaphore, #tpu.memory_space<semaphore_mem>>) src(%arg8 : memref<80x16xf32, #tpu.memory_space<vmem>>) dst(%dma_wait3A_55 : memref<512x16xf32, #tpu.memory_space<vmem_shared>>)
        tpu.yield
      }) : () -> ()
    }
    %while3A_29 = arith.constant 1 : i32
    scf.for %while3A_36 = %while3A_27 to %while3A_23 step %while3A_29  : i32 {
      %mul3A_37 = arith.muli %while3A_36, %while3A : i32
      %add3A_38 = arith.addi %add3A, %mul3A_37 : i32
      %mul3A_39 = arith.constant 80 : i32
      %mul3A_40 = arith.muli %add3A_38, %mul3A_39 : i32
      %run_scoped3A = arith.constant 0 : i32
      "tpu.region"() ({
        %run_scoped3A_45 = tpu.sem_alloc : memref<!tpu.dma_semaphore, #tpu.memory_space<semaphore_mem>>
        %dma_start3A = arith.constant 0 : i32
        %dma_start3A_46 = tpu.memref_slice %arg6[%run_scoped3A, %dma_start3A] : memref<1x80xi32, #tpu.memory_space<vmem>> -> memref<1x80xi32, #tpu.memory_space<vmem>>
        %dma_start3A_47 = tpu.memref_squeeze %dma_start3A_46 : memref<1x80xi32, #tpu.memory_space<vmem>> -> memref<80xi32, #tpu.memory_space<vmem>>
        %dma_start3A_48 = tpu.memref_slice %arg3[%mul3A_40] : memref<10000xi32, #tpu.memory_space<hbm>> -> memref<80xi32, #tpu.memory_space<hbm>>
        %dma_start3A_49 = arith.constant 0 : i32
        %dma_start3A_50 = tpu.memref_slice %arg6[%run_scoped3A, %dma_start3A_49] : memref<1x80xi32, #tpu.memory_space<vmem>> -> memref<1x80xi32, #tpu.memory_space<vmem>>
        %dma_start3A_51 = tpu.memref_squeeze %dma_start3A_50 : memref<1x80xi32, #tpu.memory_space<vmem>> -> memref<80xi32, #tpu.memory_space<vmem>>
        %dma_start3A_52 = tpu.memref_slice %arg3[%mul3A_40] : memref<10000xi32, #tpu.memory_space<hbm>> -> memref<80xi32, #tpu.memory_space<hbm>>
        tpu.enqueue_dma source(%dma_start3A_52 : memref<80xi32, #tpu.memory_space<hbm>>) target(%dma_start3A_51 : memref<80xi32, #tpu.memory_space<vmem>>) target_semaphore(%run_scoped3A_45 : memref<!tpu.dma_semaphore, #tpu.memory_space<semaphore_mem>>)
        %dma_wait3A = arith.constant 0 : i32
        %dma_wait3A_53 = tpu.memref_slice %arg6[%run_scoped3A, %dma_wait3A] : memref<1x80xi32, #tpu.memory_space<vmem>> -> memref<1x80xi32, #tpu.memory_space<vmem>>
        %dma_wait3A_54 = tpu.memref_squeeze %dma_wait3A_53 : memref<1x80xi32, #tpu.memory_space<vmem>> -> memref<80xi32, #tpu.memory_space<vmem>>
        %dma_wait3A_55 = tpu.memref_slice %arg3[%mul3A_40] : memref<10000xi32, #tpu.memory_space<hbm>> -> memref<80xi32, #tpu.memory_space<hbm>>
        %dma_wait3A_56 = arith.constant 0 : i32
        %dma_wait3A_57 = tpu.memref_slice %arg6[%run_scoped3A, %dma_wait3A_56] : memref<1x80xi32, #tpu.memory_space<vmem>> -> memref<1x80xi32, #tpu.memory_space<vmem>>
        %dma_wait3A_58 = tpu.memref_squeeze %dma_wait3A_57 : memref<1x80xi32, #tpu.memory_space<vmem>> -> memref<80xi32, #tpu.memory_space<vmem>>
        %dma_wait3A_59 = tpu.memref_slice %arg3[%mul3A_40] : memref<10000xi32, #tpu.memory_space<hbm>> -> memref<80xi32, #tpu.memory_space<hbm>>
        tpu.wait_dma2 semaphore(%run_scoped3A_45 : memref<!tpu.dma_semaphore, #tpu.memory_space<semaphore_mem>>) src(%dma_wait3A_59 : memref<80xi32, #tpu.memory_space<hbm>>) dst(%dma_wait3A_58 : memref<80xi32, #tpu.memory_space<vmem>>)
        tpu.yield
      }) : () -> ()
      %mul3A_41 = arith.constant 80 : i32
      %mul3A_42 = arith.muli %add3A_38, %mul3A_41 : i32
      "tpu.region"() ({
        %run_scoped3A_45 = tpu.sem_alloc : memref<!tpu.dma_semaphore, #tpu.memory_space<semaphore_mem>>
        %dma_start3A = arith.constant 0 : i32
        %dma_start3A_46 = tpu.memref_slice %arg2[%mul3A_42, %dma_start3A] : memref<10000x128xf32, #tpu.memory_space<hbm>> -> memref<80x128xf32, #tpu.memory_space<hbm>>
        %dma_start3A_47 = arith.constant 0 : i32
        %dma_start3A_48 = tpu.memref_slice %arg2[%mul3A_42, %dma_start3A_47] : memref<10000x128xf32, #tpu.memory_space<hbm>> -> memref<80x128xf32, #tpu.memory_space<hbm>>
        tpu.enqueue_dma source(%dma_start3A_48 : memref<80x128xf32, #tpu.memory_space<hbm>>) target(%arg7 : memref<80x128xf32, #tpu.memory_space<vmem>>) target_semaphore(%run_scoped3A_45 : memref<!tpu.dma_semaphore, #tpu.memory_space<semaphore_mem>>)
        %dma_wait3A = arith.constant 0 : i32
        %dma_wait3A_49 = tpu.memref_slice %arg2[%mul3A_42, %dma_wait3A] : memref<10000x128xf32, #tpu.memory_space<hbm>> -> memref<80x128xf32, #tpu.memory_space<hbm>>
        %dma_wait3A_50 = arith.constant 0 : i32
        %dma_wait3A_51 = tpu.memref_slice %arg2[%mul3A_42, %dma_wait3A_50] : memref<10000x128xf32, #tpu.memory_space<hbm>> -> memref<80x128xf32, #tpu.memory_space<hbm>>
        tpu.wait_dma2 semaphore(%run_scoped3A_45 : memref<!tpu.dma_semaphore, #tpu.memory_space<semaphore_mem>>) src(%dma_wait3A_51 : memref<80x128xf32, #tpu.memory_space<hbm>>) dst(%arg7 : memref<80x128xf32, #tpu.memory_space<vmem>>)
        tpu.yield
      }) : () -> ()
      %run_scoped3A_43 = arith.constant 0 : i32
      "tpu.region"() ({
        %run_scoped3A_45 = tpu.sem_alloc : memref<!tpu.dma_semaphore, #tpu.memory_space<semaphore_mem>>
        %dma_start3A = arith.constant 0 : i32
        %dma_start3A_46 = tpu.memref_slice %arg6[%run_scoped3A_43, %dma_start3A] : memref<1x80xi32, #tpu.memory_space<vmem>> -> memref<1x80xi32, #tpu.memory_space<vmem>>
        %dma_start3A_47 = tpu.memref_squeeze %dma_start3A_46 : memref<1x80xi32, #tpu.memory_space<vmem>> -> memref<80xi32, #tpu.memory_space<vmem>>
        %dma_start3A_48 = arith.constant 0 : i32
        %dma_start3A_49 = arith.constant 0 : i32
        %dma_start3A_50 = tpu.memref_slice %arg11[%dma_start3A_48, %dma_start3A_49] : memref<512x128xf32, #tpu.memory_space<vmem_shared>> -> memref<512x128xf32, #tpu.memory_space<vmem_shared>>
        tpu.enqueue_indirect_dma source(%arg7 : memref<80x128xf32, #tpu.memory_space<vmem>>) target(%dma_start3A_50 : memref<512x128xf32, #tpu.memory_space<vmem_shared>>) offsets(%dma_start3A_47 : memref<80xi32, #tpu.memory_space<vmem>>) semaphore(%run_scoped3A_45 : memref<!tpu.dma_semaphore, #tpu.memory_space<semaphore_mem>>) {add = true}
        %dma_wait3A = arith.constant 0 : i32
        %dma_wait3A_51 = tpu.memref_slice %arg6[%run_scoped3A_43, %dma_wait3A] : memref<1x80xi32, #tpu.memory_space<vmem>> -> memref<1x80xi32, #tpu.memory_space<vmem>>
        %dma_wait3A_52 = tpu.memref_squeeze %dma_wait3A_51 : memref<1x80xi32, #tpu.memory_space<vmem>> -> memref<80xi32, #tpu.memory_space<vmem>>
        %dma_wait3A_53 = arith.constant 0 : i32
        %dma_wait3A_54 = arith.constant 0 : i32
        %dma_wait3A_55 = tpu.memref_slice %arg11[%dma_wait3A_53, %dma_wait3A_54] : memref<512x128xf32, #tpu.memory_space<vmem_shared>> -> memref<512x128xf32, #tpu.memory_space<vmem_shared>>
        tpu.wait_indirect_dma semaphore(%run_scoped3A_45 : memref<!tpu.dma_semaphore, #tpu.memory_space<semaphore_mem>>) src(%arg7 : memref<80x128xf32, #tpu.memory_space<vmem>>) dst(%dma_wait3A_55 : memref<512x128xf32, #tpu.memory_space<vmem_shared>>)
        tpu.yield
      }) : () -> ()
      %run_scoped3A_44 = arith.constant 0 : i32
      "tpu.region"() ({
        %run_scoped3A_45 = tpu.sem_alloc : memref<!tpu.dma_semaphore, #tpu.memory_space<semaphore_mem>>
        %dma_start3A = arith.constant 0 : i32
        %dma_start3A_46 = tpu.memref_slice %arg6[%run_scoped3A_44, %dma_start3A] : memref<1x80xi32, #tpu.memory_space<vmem>> -> memref<1x80xi32, #tpu.memory_space<vmem>>
        %dma_start3A_47 = tpu.memref_squeeze %dma_start3A_46 : memref<1x80xi32, #tpu.memory_space<vmem>> -> memref<80xi32, #tpu.memory_space<vmem>>
        %dma_start3A_48 = arith.constant 0 : i32
        %dma_start3A_49 = arith.constant 0 : i32
        %dma_start3A_50 = tpu.memref_slice %arg12[%dma_start3A_48, %dma_start3A_49] : memref<512x16xf32, #tpu.memory_space<vmem_shared>> -> memref<512x16xf32, #tpu.memory_space<vmem_shared>>
        tpu.enqueue_indirect_dma source(%arg8 : memref<80x16xf32, #tpu.memory_space<vmem>>) target(%dma_start3A_50 : memref<512x16xf32, #tpu.memory_space<vmem_shared>>) offsets(%dma_start3A_47 : memref<80xi32, #tpu.memory_space<vmem>>) semaphore(%run_scoped3A_45 : memref<!tpu.dma_semaphore, #tpu.memory_space<semaphore_mem>>) {add = true}
        %dma_wait3A = arith.constant 0 : i32
        %dma_wait3A_51 = tpu.memref_slice %arg6[%run_scoped3A_44, %dma_wait3A] : memref<1x80xi32, #tpu.memory_space<vmem>> -> memref<1x80xi32, #tpu.memory_space<vmem>>
        %dma_wait3A_52 = tpu.memref_squeeze %dma_wait3A_51 : memref<1x80xi32, #tpu.memory_space<vmem>> -> memref<80xi32, #tpu.memory_space<vmem>>
        %dma_wait3A_53 = arith.constant 0 : i32
        %dma_wait3A_54 = arith.constant 0 : i32
        %dma_wait3A_55 = tpu.memref_slice %arg12[%dma_wait3A_53, %dma_wait3A_54] : memref<512x16xf32, #tpu.memory_space<vmem_shared>> -> memref<512x16xf32, #tpu.memory_space<vmem_shared>>
        tpu.wait_indirect_dma semaphore(%run_scoped3A_45 : memref<!tpu.dma_semaphore, #tpu.memory_space<semaphore_mem>>) src(%arg8 : memref<80x16xf32, #tpu.memory_space<vmem>>) dst(%dma_wait3A_55 : memref<512x16xf32, #tpu.memory_space<vmem_shared>>)
        tpu.yield
      }) : () -> ()
    }
    %barrier3A_30 = arith.constant 0 : index
    tpu.barrier barrier_id(%barrier3A_30)
    %lt3A_31 = arith.constant 8 : i32
    %lt3A_32 = arith.cmpi slt, %arg1, %lt3A_31 : i32
    %convert_element_type3A_33 = arith.extui %lt3A_32 : i1 to i32
    %cond3A_34 = arith.constant 0 : i32
    %cond3A_35 = arith.cmpi ne, %convert_element_type3A_33, %cond3A_34 : i32
    scf.if %cond3A_35 {
      %mul3A_36 = arith.constant 64 : i32
      %mul3A_37 = arith.muli %arg1, %mul3A_36 : i32
      %mul3A_38 = arith.constant 64 : i32
      %mul3A_39 = arith.muli %arg1, %mul3A_38 : i32
      "tpu.region"() ({
        %run_scoped3A = tpu.sem_alloc : memref<!tpu.dma_semaphore, #tpu.memory_space<semaphore_mem>>
        %dma_start3A = arith.constant 0 : i32
        %dma_start3A_44 = arith.constant 0 : i32
        %dma_start3A_45 = tpu.memref_slice %arg4[%arg0, %dma_start3A, %dma_start3A_44] : memref<2x512x128xf32, #tpu.memory_space<hbm>> -> memref<1x512x128xf32, #tpu.memory_space<hbm>>
        %dma_start3A_46 = tpu.memref_squeeze %dma_start3A_45 : memref<1x512x128xf32, #tpu.memory_space<hbm>> -> memref<512x128xf32, #tpu.memory_space<hbm>>
        %dma_start3A_47 = arith.constant 0 : i32
        %dma_start3A_48 = tpu.memref_slice %dma_start3A_46[%mul3A_39, %dma_start3A_47] : memref<512x128xf32, #tpu.memory_space<hbm>> -> memref<64x128xf32, #tpu.memory_space<hbm>>
        %dma_start3A_49 = arith.constant 0 : i32
        %dma_start3A_50 = tpu.memref_slice %arg11[%mul3A_37, %dma_start3A_49] : memref<512x128xf32, #tpu.memory_space<vmem_shared>> -> memref<64x128xf32, #tpu.memory_space<vmem_shared>>
        tpu.enqueue_dma source(%dma_start3A_50 : memref<64x128xf32, #tpu.memory_space<vmem_shared>>) target(%dma_start3A_48 : memref<64x128xf32, #tpu.memory_space<hbm>>) target_semaphore(%run_scoped3A : memref<!tpu.dma_semaphore, #tpu.memory_space<semaphore_mem>>)
        %dma_wait3A = arith.constant 0 : i32
        %dma_wait3A_51 = arith.constant 0 : i32
        %dma_wait3A_52 = tpu.memref_slice %arg4[%arg0, %dma_wait3A, %dma_wait3A_51] : memref<2x512x128xf32, #tpu.memory_space<hbm>> -> memref<1x512x128xf32, #tpu.memory_space<hbm>>
        %dma_wait3A_53 = tpu.memref_squeeze %dma_wait3A_52 : memref<1x512x128xf32, #tpu.memory_space<hbm>> -> memref<512x128xf32, #tpu.memory_space<hbm>>
        %dma_wait3A_54 = arith.constant 0 : i32
        %dma_wait3A_55 = tpu.memref_slice %dma_wait3A_53[%mul3A_39, %dma_wait3A_54] : memref<512x128xf32, #tpu.memory_space<hbm>> -> memref<64x128xf32, #tpu.memory_space<hbm>>
        %dma_wait3A_56 = arith.constant 0 : i32
        %dma_wait3A_57 = tpu.memref_slice %arg11[%mul3A_37, %dma_wait3A_56] : memref<512x128xf32, #tpu.memory_space<vmem_shared>> -> memref<64x128xf32, #tpu.memory_space<vmem_shared>>
        tpu.wait_dma2 semaphore(%run_scoped3A : memref<!tpu.dma_semaphore, #tpu.memory_space<semaphore_mem>>) src(%dma_wait3A_57 : memref<64x128xf32, #tpu.memory_space<vmem_shared>>) dst(%dma_wait3A_55 : memref<64x128xf32, #tpu.memory_space<hbm>>)
        tpu.yield
      }) : () -> ()
      %mul3A_40 = arith.constant 64 : i32
      %mul3A_41 = arith.muli %arg1, %mul3A_40 : i32
      %mul3A_42 = arith.constant 64 : i32
      %mul3A_43 = arith.muli %arg1, %mul3A_42 : i32
      "tpu.region"() ({
        %run_scoped3A = tpu.sem_alloc : memref<!tpu.dma_semaphore, #tpu.memory_space<semaphore_mem>>
        %dma_start3A = arith.constant 0 : i32
        %dma_start3A_44 = arith.constant 0 : i32
        %dma_start3A_45 = tpu.memref_slice %arg5[%arg0, %dma_start3A, %dma_start3A_44] : memref<2x512x16xf32, #tpu.memory_space<hbm>> -> memref<1x512x16xf32, #tpu.memory_space<hbm>>
        %dma_start3A_46 = tpu.memref_squeeze %dma_start3A_45 : memref<1x512x16xf32, #tpu.memory_space<hbm>> -> memref<512x16xf32, #tpu.memory_space<hbm>>
        %dma_start3A_47 = arith.constant 0 : i32
        %dma_start3A_48 = tpu.memref_slice %dma_start3A_46[%mul3A_43, %dma_start3A_47] : memref<512x16xf32, #tpu.memory_space<hbm>> -> memref<64x16xf32, #tpu.memory_space<hbm>>
        %dma_start3A_49 = arith.constant 0 : i32
        %dma_start3A_50 = tpu.memref_slice %arg12[%mul3A_41, %dma_start3A_49] : memref<512x16xf32, #tpu.memory_space<vmem_shared>> -> memref<64x16xf32, #tpu.memory_space<vmem_shared>>
        tpu.enqueue_dma source(%dma_start3A_50 : memref<64x16xf32, #tpu.memory_space<vmem_shared>>) target(%dma_start3A_48 : memref<64x16xf32, #tpu.memory_space<hbm>>) target_semaphore(%run_scoped3A : memref<!tpu.dma_semaphore, #tpu.memory_space<semaphore_mem>>)
        %dma_wait3A = arith.constant 0 : i32
        %dma_wait3A_51 = arith.constant 0 : i32
        %dma_wait3A_52 = tpu.memref_slice %arg5[%arg0, %dma_wait3A, %dma_wait3A_51] : memref<2x512x16xf32, #tpu.memory_space<hbm>> -> memref<1x512x16xf32, #tpu.memory_space<hbm>>
        %dma_wait3A_53 = tpu.memref_squeeze %dma_wait3A_52 : memref<1x512x16xf32, #tpu.memory_space<hbm>> -> memref<512x16xf32, #tpu.memory_space<hbm>>
        %dma_wait3A_54 = arith.constant 0 : i32
        %dma_wait3A_55 = tpu.memref_slice %dma_wait3A_53[%mul3A_43, %dma_wait3A_54] : memref<512x16xf32, #tpu.memory_space<hbm>> -> memref<64x16xf32, #tpu.memory_space<hbm>>
        %dma_wait3A_56 = arith.constant 0 : i32
        %dma_wait3A_57 = tpu.memref_slice %arg12[%mul3A_41, %dma_wait3A_56] : memref<512x16xf32, #tpu.memory_space<vmem_shared>> -> memref<64x16xf32, #tpu.memory_space<vmem_shared>>
        tpu.wait_dma2 semaphore(%run_scoped3A : memref<!tpu.dma_semaphore, #tpu.memory_space<semaphore_mem>>) src(%dma_wait3A_57 : memref<64x16xf32, #tpu.memory_space<vmem_shared>>) dst(%dma_wait3A_55 : memref<64x16xf32, #tpu.memory_space<hbm>>)
        tpu.yield
      }) : () -> ()
    } else {
    }
    return
  }
}

module attributes {stable_mosaic.version = 14 : i64} {
  func.func @body(%arg0: i32, %arg1: memref<1000x128xf32, #tpu.memory_space<vmem>>, %arg2: memref<128x128xf32, #tpu.memory_space<vmem>>, %arg3: memref<1x128xf32, #tpu.memory_space<vmem>>, %arg4: memref<128x128xf32, #tpu.memory_space<vmem>>, %arg5: memref<1000x128xf32, #tpu.memory_space<vmem>>) attributes {dimension_semantics = [#tpu.dimension_semantics<arbitrary>], iteration_bounds = array<i64: 10>, scalar_prefetch = 0 : i64, scratch_operands = 0 : i64, tpu.core_type = #tpu.core_type<tc>, window_params = [{transform_indices = @transform_0, window_bounds = array<i64: 1000, 128>}, {pipeline_mode = #tpu.pipeline_mode<synchronous>, transform_indices = @transform_1, window_bounds = array<i64: 128, 128>}, {pipeline_mode = #tpu.pipeline_mode<synchronous>, transform_indices = @transform_2, window_bounds = array<i64: 1, 128>}, {pipeline_mode = #tpu.pipeline_mode<synchronous>, transform_indices = @transform_3, window_bounds = array<i64: 128, 128>}, {transform_indices = @transform_4, window_bounds = array<i64: 1000, 128>}]} {
    %get3A = arith.constant 0 : index
    %get3A_0 = arith.constant 0 : index
    %get3A_1 = vector.load %arg1[%get3A, %get3A_0] : memref<1000x128xf32, #tpu.memory_space<vmem>>, vector<1000x128xf32>
    %get3A_2 = arith.constant 0 : index
    %get3A_3 = arith.constant 0 : index
    %get3A_4 = vector.load %arg2[%get3A_2, %get3A_3] : memref<128x128xf32, #tpu.memory_space<vmem>>, vector<128x128xf32>
    %dot_general3A = arith.constant dense<0.000000e+00> : vector<1000x128xf32>
    %dot_general3A_5 = tpu.matmul %get3A_1, %get3A_4, %dot_general3A {dimension_numbers = #tpu.dot_dimension_numbers<[1], [0], [0], [1], [0, 0, 1, 1], [], []>, precision = #tpu.contract_precision<fp32>, transpose_lhs_hint = false} : vector<1000x128xf32>, vector<128x128xf32>, vector<1000x128xf32> -> vector<1000x128xf32>
    %get3A_6 = arith.constant 0 : index
    %get3A_7 = arith.constant 0 : index
    %get3A_8 = vector.load %arg3[%get3A_6, %get3A_7] : memref<1x128xf32, #tpu.memory_space<vmem>>, vector<1x128xf32>
    %add3A = vector.broadcast %get3A_8 : vector<1x128xf32> to vector<1000x128xf32>
    %add3A_9 = arith.addf %dot_general3A_5, %add3A : vector<1000x128xf32>
    %get3A_10 = arith.constant 0 : index
    %get3A_11 = arith.constant 0 : index
    %get3A_12 = vector.load %arg4[%get3A_10, %get3A_11] : memref<128x128xf32, #tpu.memory_space<vmem>>, vector<128x128xf32>
    %dot_general3A_13 = arith.constant dense<0.000000e+00> : vector<1000x128xf32>
    %dot_general3A_14 = tpu.matmul %add3A_9, %get3A_12, %dot_general3A_13 {dimension_numbers = #tpu.dot_dimension_numbers<[1], [0], [0], [1], [0, 0, 1, 1], [], []>, precision = #tpu.contract_precision<fp32>, transpose_lhs_hint = false} : vector<1000x128xf32>, vector<128x128xf32>, vector<1000x128xf32> -> vector<1000x128xf32>
    %swap3A = arith.constant 0 : index
    %swap3A_15 = arith.constant 0 : index
    %swap3A_16 = vector.load %arg5[%swap3A, %swap3A_15] : memref<1000x128xf32, #tpu.memory_space<vmem>>, vector<1000x128xf32>
    tpu.vector_store %arg5[%swap3A, %swap3A_15], %dot_general3A_14 {strides = array<i32>} : memref<1000x128xf32, #tpu.memory_space<vmem>>, vector<1000x128xf32>,
    return
  }
  func.func @transform_0(%arg0: i32) -> (i32, i32) {
    %c0_i32 = arith.constant 0 : i32
    %c0_i32_0 = arith.constant 0 : i32
    return %arg0, %c0_i32 : i32, i32
  }
  func.func @transform_1(%arg0: i32) -> (i32, i32) {
    %c0_i32 = arith.constant 0 : i32
    %c0_i32_0 = arith.constant 0 : i32
    %c0_i32_1 = arith.constant 0 : i32
    return %c0_i32, %c0_i32_0 : i32, i32
  }
  func.func @transform_2(%arg0: i32) -> (i32, i32) {
    %c0_i32 = arith.constant 0 : i32
    %c0_i32_0 = arith.constant 0 : i32
    %c0_i32_1 = arith.constant 0 : i32
    return %c0_i32, %c0_i32_0 : i32, i32
  }
  func.func @transform_3(%arg0: i32) -> (i32, i32) {
    %c0_i32 = arith.constant 0 : i32
    %c0_i32_0 = arith.constant 0 : i32
    %c0_i32_1 = arith.constant 0 : i32
    return %c0_i32, %c0_i32_0 : i32, i32
  }
  func.func @transform_4(%arg0: i32) -> (i32, i32) {
    %c0_i32 = arith.constant 0 : i32
    %c0_i32_0 = arith.constant 0 : i32
    return %arg0, %c0_i32 : i32, i32
  }
}

module attributes {stable_mosaic.version = 14 : i64} {
  func.func @body(%arg0: i32, %arg1: memref<1000x128xf32, #tpu.memory_space<vmem>>, %arg2: memref<2x1000x16xf32, #tpu.memory_space<vmem>>, %arg3: memref<1000x128xf32, #tpu.memory_space<vmem>>) attributes {dimension_semantics = [#tpu.dimension_semantics<arbitrary>], iteration_bounds = array<i64: 10>, scalar_prefetch = 0 : i64, scratch_operands = 0 : i64, tpu.core_type = #tpu.core_type<tc>, window_params = [{transform_indices = @transform_0, window_bounds = array<i64: 1000, 128>}, {transform_indices = @transform_1, window_bounds = array<i64: 2, 1000, 16>}, {transform_indices = @transform_2, window_bounds = array<i64: 1000, 128>}]} {
    %get3A = arith.constant 0 : index
    %get3A_0 = arith.constant 0 : index
    %get3A_1 = arith.constant 0 : index
    %get3A_2 = vector.load %arg2[%get3A, %get3A_0, %get3A_1] : memref<2x1000x16xf32, #tpu.memory_space<vmem>>, vector<1x1000x1xf32>
    %get3A_3 = vector.shape_cast %get3A_2 : vector<1x1000x1xf32> to vector<1000xf32>
    %get3A_4 = arith.constant 1 : index
    %get3A_5 = arith.constant 0 : index
    %get3A_6 = arith.constant 0 : index
    %get3A_7 = vector.load %arg2[%get3A_4, %get3A_5, %get3A_6] : memref<2x1000x16xf32, #tpu.memory_space<vmem>>, vector<1x1000x1xf32>
    %get3A_8 = vector.shape_cast %get3A_7 : vector<1x1000x1xf32> to vector<1000xf32>
    %add3A = arith.addf %get3A_3, %get3A_8 : vector<1000xf32>
    %add3A_9 = arith.constant 1.000000e+00 : f32
    %add3A_10 = vector.broadcast %add3A_9 : f32 to vector<1000xf32>
    %add3A_11 = arith.addf %add3A, %add3A_10 : vector<1000xf32>
    %rsqrt3A = math.rsqrt %add3A_11 : vector<1000xf32>
    %broadcast_in_dim3A = vector.shape_cast %rsqrt3A : vector<1000xf32> to vector<1000x1xf32>
    %get3A_12 = arith.constant 0 : index
    %get3A_13 = arith.constant 0 : index
    %get3A_14 = vector.load %arg1[%get3A_12, %get3A_13] : memref<1000x128xf32, #tpu.memory_space<vmem>>, vector<1000x128xf32>
    %mul3A = vector.broadcast %broadcast_in_dim3A : vector<1000x1xf32> to vector<1000x128xf32>
    %mul3A_15 = arith.mulf %mul3A, %get3A_14 : vector<1000x128xf32>
    %swap3A = arith.constant 0 : index
    %swap3A_16 = arith.constant 0 : index
    %swap3A_17 = vector.load %arg3[%swap3A, %swap3A_16] : memref<1000x128xf32, #tpu.memory_space<vmem>>, vector<1000x128xf32>
    tpu.vector_store %arg3[%swap3A, %swap3A_16], %mul3A_15 {strides = array<i32>} : memref<1000x128xf32, #tpu.memory_space<vmem>>, vector<1000x128xf32>,
    return
  }
  func.func @transform_0(%arg0: i32) -> (i32, i32) {
    %c0_i32 = arith.constant 0 : i32
    %c0_i32_0 = arith.constant 0 : i32
    return %arg0, %c0_i32 : i32, i32
  }
  func.func @transform_1(%arg0: i32) -> (i32, i32, i32) {
    %c0_i32 = arith.constant 0 : i32
    %c0_i32_0 = arith.constant 0 : i32
    %c0_i32_1 = arith.constant 0 : i32
    return %c0_i32, %arg0, %c0_i32_0 : i32, i32, i32
  }
  func.func @transform_2(%arg0: i32) -> (i32, i32) {
    %c0_i32 = arith.constant 0 : i32
    %c0_i32_0 = arith.constant 0 : i32
    return %arg0, %c0_i32 : i32, i32
  }
}

module attributes {stable_mosaic.version = 14 : i64} {
  func.func @body(%arg0: i32, %arg1: memref<2x1000x128xf32, #tpu.memory_space<vmem>>, %arg2: memref<1000x128xf32, #tpu.memory_space<vmem>>, %arg3: memref<1000x1xf32, #tpu.memory_space<vmem>>, %arg4: memref<2x1000x16xf32, #tpu.memory_space<vmem>>, %arg5: memref<1x128xf32, #tpu.memory_space<vmem>>, %arg6: memref<1x128xf32, #tpu.memory_space<vmem>>, %arg7: memref<1x128xf32, #tpu.memory_space<vmem>>, %arg8: memref<128x128xf32, #tpu.memory_space<vmem>>, %arg9: memref<1000x128xf32, #tpu.memory_space<vmem>>) attributes {dimension_semantics = [#tpu.dimension_semantics<arbitrary>], iteration_bounds = array<i64: 10>, scalar_prefetch = 0 : i64, scratch_operands = 0 : i64, tpu.core_type = #tpu.core_type<tc>, window_params = [{transform_indices = @transform_0, window_bounds = array<i64: 2, 1000, 128>}, {transform_indices = @transform_1, window_bounds = array<i64: 1000, 128>}, {transform_indices = @transform_2, window_bounds = array<i64: 1000, 1>}, {transform_indices = @transform_3, window_bounds = array<i64: 2, 1000, 16>}, {pipeline_mode = #tpu.pipeline_mode<synchronous>, transform_indices = @transform_4, window_bounds = array<i64: 1, 128>}, {pipeline_mode = #tpu.pipeline_mode<synchronous>, transform_indices = @transform_5, window_bounds = array<i64: 1, 128>}, {pipeline_mode = #tpu.pipeline_mode<synchronous>, transform_indices = @transform_6, window_bounds = array<i64: 1, 128>}, {pipeline_mode = #tpu.pipeline_mode<synchronous>, transform_indices = @transform_7, window_bounds = array<i64: 128, 128>}, {transform_indices = @transform_8, window_bounds = array<i64: 1000, 128>}]} {
    %get3A = arith.constant 0 : index
    %get3A_0 = arith.constant 0 : index
    %get3A_1 = arith.constant 0 : index
    %get3A_2 = vector.load %arg4[%get3A, %get3A_0, %get3A_1] : memref<2x1000x16xf32, #tpu.memory_space<vmem>>, vector<1x1000x1xf32>
    %get3A_3 = vector.shape_cast %get3A_2 : vector<1x1000x1xf32> to vector<1000xf32>
    %get3A_4 = arith.constant 1 : index
    %get3A_5 = arith.constant 0 : index
    %get3A_6 = arith.constant 0 : index
    %get3A_7 = vector.load %arg4[%get3A_4, %get3A_5, %get3A_6] : memref<2x1000x16xf32, #tpu.memory_space<vmem>>, vector<1x1000x1xf32>
    %get3A_8 = vector.shape_cast %get3A_7 : vector<1x1000x1xf32> to vector<1000xf32>
    %add3A = arith.addf %get3A_3, %get3A_8 : vector<1000xf32>
    %add3A_9 = arith.constant 1.000000e+00 : f32
    %add3A_10 = vector.broadcast %add3A_9 : f32 to vector<1000xf32>
    %add3A_11 = arith.addf %add3A, %add3A_10 : vector<1000xf32>
    %rsqrt3A = math.rsqrt %add3A_11 : vector<1000xf32>
    %broadcast_in_dim3A = vector.shape_cast %rsqrt3A : vector<1000xf32> to vector<1000x1xf32>
    %get3A_12 = arith.constant 0 : index
    %get3A_13 = arith.constant 0 : index
    %get3A_14 = arith.constant 0 : index
    %get3A_15 = vector.load %arg1[%get3A_12, %get3A_13, %get3A_14] : memref<2x1000x128xf32, #tpu.memory_space<vmem>>, vector<1x1000x128xf32>
    %get3A_16 = vector.shape_cast %get3A_15 : vector<1x1000x128xf32> to vector<1000x128xf32>
    %get3A_17 = arith.constant 1 : index
    %get3A_18 = arith.constant 0 : index
    %get3A_19 = arith.constant 0 : index
    %get3A_20 = vector.load %arg1[%get3A_17, %get3A_18, %get3A_19] : memref<2x1000x128xf32, #tpu.memory_space<vmem>>, vector<1x1000x128xf32>
    %get3A_21 = vector.shape_cast %get3A_20 : vector<1x1000x128xf32> to vector<1000x128xf32>
    %add3A_22 = arith.addf %get3A_16, %get3A_21 : vector<1000x128xf32>
    %get3A_23 = arith.constant 0 : index
    %get3A_24 = arith.constant 0 : index
    %get3A_25 = vector.load %arg3[%get3A_23, %get3A_24] : memref<1000x1xf32, #tpu.memory_space<vmem>>, vector<1000x1xf32>
    %get3A_26 = arith.constant 0 : index
    %get3A_27 = arith.constant 0 : index
    %get3A_28 = vector.load %arg2[%get3A_26, %get3A_27] : memref<1000x128xf32, #tpu.memory_space<vmem>>, vector<1000x128xf32>
    %mul3A = vector.broadcast %get3A_25 : vector<1000x1xf32> to vector<1000x128xf32>
    %mul3A_29 = arith.mulf %mul3A, %get3A_28 : vector<1000x128xf32>
    %add3A_30 = arith.addf %add3A_22, %mul3A_29 : vector<1000x128xf32>
    %mul3A_31 = vector.broadcast %broadcast_in_dim3A : vector<1000x1xf32> to vector<1000x128xf32>
    %mul3A_32 = arith.mulf %mul3A_31, %add3A_30 : vector<1000x128xf32>
    %get3A_33 = arith.constant 0 : index
    %get3A_34 = arith.constant 0 : index
    %get3A_35 = vector.load %arg7[%get3A_33, %get3A_34] : memref<1x128xf32, #tpu.memory_space<vmem>>, vector<1x128xf32>
    %add3A_36 = vector.broadcast %get3A_35 : vector<1x128xf32> to vector<1000x128xf32>
    %add3A_37 = arith.addf %mul3A_32, %add3A_36 : vector<1000x128xf32>
    %get3A_38 = arith.constant 0 : index
    %get3A_39 = arith.constant 0 : index
    %get3A_40 = vector.load %arg5[%get3A_38, %get3A_39] : memref<1x128xf32, #tpu.memory_space<vmem>>, vector<1x128xf32>
    %sqrt3A = arith.constant 1.000010e+00 : f32
    %sqrt3A_41 = math.sqrt %sqrt3A : f32
    %div3A = arith.constant 1.000000e+00 : f32
    %div3A_42 = arith.divf %div3A, %sqrt3A_41 : f32
    %mul3A_43 = vector.broadcast %div3A_42 : f32 to vector<1x128xf32>
    %mul3A_44 = arith.mulf %get3A_40, %mul3A_43 : vector<1x128xf32>
    %mul3A_45 = vector.broadcast %mul3A_44 : vector<1x128xf32> to vector<1000x128xf32>
    %mul3A_46 = arith.mulf %mul3A_45, %add3A_37 : vector<1000x128xf32>
    %get3A_47 = arith.constant 0 : index
    %get3A_48 = arith.constant 0 : index
    %get3A_49 = vector.load %arg6[%get3A_47, %get3A_48] : memref<1x128xf32, #tpu.memory_space<vmem>>, vector<1x128xf32>
    %add3A_50 = vector.broadcast %get3A_49 : vector<1x128xf32> to vector<1000x128xf32>
    %add3A_51 = arith.addf %mul3A_46, %add3A_50 : vector<1000x128xf32>
    %max3A = arith.constant 0.000000e+00 : f32
    %max3A_52 = vector.broadcast %max3A : f32 to vector<1000x128xf32>
    %max3A_53 = arith.maximumf %add3A_51, %max3A_52 : vector<1000x128xf32>
    %get3A_54 = arith.constant 0 : index
    %get3A_55 = arith.constant 0 : index
    %get3A_56 = vector.load %arg8[%get3A_54, %get3A_55] : memref<128x128xf32, #tpu.memory_space<vmem>>, vector<128x128xf32>
    %dot_general3A = arith.constant dense<0.000000e+00> : vector<1000x128xf32>
    %dot_general3A_57 = tpu.matmul %max3A_53, %get3A_56, %dot_general3A {dimension_numbers = #tpu.dot_dimension_numbers<[1], [0], [0], [1], [0, 0, 1, 1], [], []>, precision = #tpu.contract_precision<fp32>, transpose_lhs_hint = false} : vector<1000x128xf32>, vector<128x128xf32>, vector<1000x128xf32> -> vector<1000x128xf32>
    %mul3A_58 = vector.broadcast %broadcast_in_dim3A : vector<1000x1xf32> to vector<1000x128xf32>
    %mul3A_59 = arith.mulf %mul3A_58, %dot_general3A_57 : vector<1000x128xf32>
    %swap3A = arith.constant 0 : index
    %swap3A_60 = arith.constant 0 : index
    %swap3A_61 = vector.load %arg9[%swap3A, %swap3A_60] : memref<1000x128xf32, #tpu.memory_space<vmem>>, vector<1000x128xf32>
    tpu.vector_store %arg9[%swap3A, %swap3A_60], %mul3A_59 {strides = array<i32>} : memref<1000x128xf32, #tpu.memory_space<vmem>>, vector<1000x128xf32>,
    return
  }
  func.func @transform_0(%arg0: i32) -> (i32, i32, i32) {
    %c0_i32 = arith.constant 0 : i32
    %c0_i32_0 = arith.constant 0 : i32
    %c0_i32_1 = arith.constant 0 : i32
    return %c0_i32, %arg0, %c0_i32_0 : i32, i32, i32
  }
  func.func @transform_1(%arg0: i32) -> (i32, i32) {
    %c0_i32 = arith.constant 0 : i32
    %c0_i32_0 = arith.constant 0 : i32
    return %arg0, %c0_i32 : i32, i32
  }
  func.func @transform_2(%arg0: i32) -> (i32, i32) {
    %c0_i32 = arith.constant 0 : i32
    %c0_i32_0 = arith.constant 0 : i32
    return %arg0, %c0_i32 : i32, i32
  }
  func.func @transform_3(%arg0: i32) -> (i32, i32, i32) {
    %c0_i32 = arith.constant 0 : i32
    %c0_i32_0 = arith.constant 0 : i32
    %c0_i32_1 = arith.constant 0 : i32
    return %c0_i32, %arg0, %c0_i32_0 : i32, i32, i32
  }
  func.func @transform_4(%arg0: i32) -> (i32, i32) {
    %c0_i32 = arith.constant 0 : i32
    %c0_i32_0 = arith.constant 0 : i32
    %c0_i32_1 = arith.constant 0 : i32
    return %c0_i32, %c0_i32_0 : i32, i32
  }
  func.func @transform_5(%arg0: i32) -> (i32, i32) {
    %c0_i32 = arith.constant 0 : i32
    %c0_i32_0 = arith.constant 0 : i32
    %c0_i32_1 = arith.constant 0 : i32
    return %c0_i32, %c0_i32_0 : i32, i32
  }
  func.func @transform_6(%arg0: i32) -> (i32, i32) {
    %c0_i32 = arith.constant 0 : i32
    %c0_i32_0 = arith.constant 0 : i32
    %c0_i32_1 = arith.constant 0 : i32
    return %c0_i32, %c0_i32_0 : i32, i32
  }
  func.func @transform_7(%arg0: i32) -> (i32, i32) {
    %c0_i32 = arith.constant 0 : i32
    %c0_i32_0 = arith.constant 0 : i32
    %c0_i32_1 = arith.constant 0 : i32
    return %c0_i32, %c0_i32_0 : i32, i32
  }
  func.func @transform_8(%arg0: i32) -> (i32, i32) {
    %c0_i32 = arith.constant 0 : i32
    %c0_i32_0 = arith.constant 0 : i32
    return %arg0, %c0_i32 : i32, i32
  }
}

module attributes {stable_mosaic.version = 14 : i64} {
  func.func @body(%arg0: i32, %arg1: memref<2x1000x128xf32, #tpu.memory_space<vmem>>, %arg2: memref<1000x128xf32, #tpu.memory_space<vmem>>, %arg3: memref<1000x1xf32, #tpu.memory_space<vmem>>, %arg4: memref<2x1000x16xf32, #tpu.memory_space<vmem>>, %arg5: memref<1x128xf32, #tpu.memory_space<vmem>>, %arg6: memref<1x128xf32, #tpu.memory_space<vmem>>, %arg7: memref<1x128xf32, #tpu.memory_space<vmem>>, %arg8: memref<1000x128xf32, #tpu.memory_space<vmem>>) attributes {dimension_semantics = [#tpu.dimension_semantics<arbitrary>], iteration_bounds = array<i64: 10>, scalar_prefetch = 0 : i64, scratch_operands = 0 : i64, tpu.core_type = #tpu.core_type<tc>, window_params = [{transform_indices = @transform_0, window_bounds = array<i64: 2, 1000, 128>}, {transform_indices = @transform_1, window_bounds = array<i64: 1000, 128>}, {transform_indices = @transform_2, window_bounds = array<i64: 1000, 1>}, {transform_indices = @transform_3, window_bounds = array<i64: 2, 1000, 16>}, {pipeline_mode = #tpu.pipeline_mode<synchronous>, transform_indices = @transform_4, window_bounds = array<i64: 1, 128>}, {pipeline_mode = #tpu.pipeline_mode<synchronous>, transform_indices = @transform_5, window_bounds = array<i64: 1, 128>}, {pipeline_mode = #tpu.pipeline_mode<synchronous>, transform_indices = @transform_6, window_bounds = array<i64: 1, 128>}, {transform_indices = @transform_7, window_bounds = array<i64: 1000, 128>}]} {
    %get3A = arith.constant 0 : index
    %get3A_0 = arith.constant 0 : index
    %get3A_1 = arith.constant 0 : index
    %get3A_2 = vector.load %arg4[%get3A, %get3A_0, %get3A_1] : memref<2x1000x16xf32, #tpu.memory_space<vmem>>, vector<1x1000x1xf32>
    %get3A_3 = vector.shape_cast %get3A_2 : vector<1x1000x1xf32> to vector<1000xf32>
    %get3A_4 = arith.constant 1 : index
    %get3A_5 = arith.constant 0 : index
    %get3A_6 = arith.constant 0 : index
    %get3A_7 = vector.load %arg4[%get3A_4, %get3A_5, %get3A_6] : memref<2x1000x16xf32, #tpu.memory_space<vmem>>, vector<1x1000x1xf32>
    %get3A_8 = vector.shape_cast %get3A_7 : vector<1x1000x1xf32> to vector<1000xf32>
    %add3A = arith.addf %get3A_3, %get3A_8 : vector<1000xf32>
    %add3A_9 = arith.constant 1.000000e+00 : f32
    %add3A_10 = vector.broadcast %add3A_9 : f32 to vector<1000xf32>
    %add3A_11 = arith.addf %add3A, %add3A_10 : vector<1000xf32>
    %rsqrt3A = math.rsqrt %add3A_11 : vector<1000xf32>
    %broadcast_in_dim3A = vector.shape_cast %rsqrt3A : vector<1000xf32> to vector<1000x1xf32>
    %get3A_12 = arith.constant 0 : index
    %get3A_13 = arith.constant 0 : index
    %get3A_14 = arith.constant 0 : index
    %get3A_15 = vector.load %arg1[%get3A_12, %get3A_13, %get3A_14] : memref<2x1000x128xf32, #tpu.memory_space<vmem>>, vector<1x1000x128xf32>
    %get3A_16 = vector.shape_cast %get3A_15 : vector<1x1000x128xf32> to vector<1000x128xf32>
    %get3A_17 = arith.constant 1 : index
    %get3A_18 = arith.constant 0 : index
    %get3A_19 = arith.constant 0 : index
    %get3A_20 = vector.load %arg1[%get3A_17, %get3A_18, %get3A_19] : memref<2x1000x128xf32, #tpu.memory_space<vmem>>, vector<1x1000x128xf32>
    %get3A_21 = vector.shape_cast %get3A_20 : vector<1x1000x128xf32> to vector<1000x128xf32>
    %add3A_22 = arith.addf %get3A_16, %get3A_21 : vector<1000x128xf32>
    %get3A_23 = arith.constant 0 : index
    %get3A_24 = arith.constant 0 : index
    %get3A_25 = vector.load %arg3[%get3A_23, %get3A_24] : memref<1000x1xf32, #tpu.memory_space<vmem>>, vector<1000x1xf32>
    %get3A_26 = arith.constant 0 : index
    %get3A_27 = arith.constant 0 : index
    %get3A_28 = vector.load %arg2[%get3A_26, %get3A_27] : memref<1000x128xf32, #tpu.memory_space<vmem>>, vector<1000x128xf32>
    %mul3A = vector.broadcast %get3A_25 : vector<1000x1xf32> to vector<1000x128xf32>
    %mul3A_29 = arith.mulf %mul3A, %get3A_28 : vector<1000x128xf32>
    %add3A_30 = arith.addf %add3A_22, %mul3A_29 : vector<1000x128xf32>
    %mul3A_31 = vector.broadcast %broadcast_in_dim3A : vector<1000x1xf32> to vector<1000x128xf32>
    %mul3A_32 = arith.mulf %mul3A_31, %add3A_30 : vector<1000x128xf32>
    %get3A_33 = arith.constant 0 : index
    %get3A_34 = arith.constant 0 : index
    %get3A_35 = vector.load %arg7[%get3A_33, %get3A_34] : memref<1x128xf32, #tpu.memory_space<vmem>>, vector<1x128xf32>
    %add3A_36 = vector.broadcast %get3A_35 : vector<1x128xf32> to vector<1000x128xf32>
    %add3A_37 = arith.addf %mul3A_32, %add3A_36 : vector<1000x128xf32>
    %get3A_38 = arith.constant 0 : index
    %get3A_39 = arith.constant 0 : index
    %get3A_40 = vector.load %arg5[%get3A_38, %get3A_39] : memref<1x128xf32, #tpu.memory_space<vmem>>, vector<1x128xf32>
    %sqrt3A = arith.constant 1.000010e+00 : f32
    %sqrt3A_41 = math.sqrt %sqrt3A : f32
    %div3A = arith.constant 1.000000e+00 : f32
    %div3A_42 = arith.divf %div3A, %sqrt3A_41 : f32
    %mul3A_43 = vector.broadcast %div3A_42 : f32 to vector<1x128xf32>
    %mul3A_44 = arith.mulf %get3A_40, %mul3A_43 : vector<1x128xf32>
    %mul3A_45 = vector.broadcast %mul3A_44 : vector<1x128xf32> to vector<1000x128xf32>
    %mul3A_46 = arith.mulf %mul3A_45, %add3A_37 : vector<1000x128xf32>
    %get3A_47 = arith.constant 0 : index
    %get3A_48 = arith.constant 0 : index
    %get3A_49 = vector.load %arg6[%get3A_47, %get3A_48] : memref<1x128xf32, #tpu.memory_space<vmem>>, vector<1x128xf32>
    %add3A_50 = vector.broadcast %get3A_49 : vector<1x128xf32> to vector<1000x128xf32>
    %add3A_51 = arith.addf %mul3A_46, %add3A_50 : vector<1000x128xf32>
    %max3A = arith.constant 0.000000e+00 : f32
    %max3A_52 = vector.broadcast %max3A : f32 to vector<1000x128xf32>
    %max3A_53 = arith.maximumf %add3A_51, %max3A_52 : vector<1000x128xf32>
    %swap3A = arith.constant 0 : index
    %swap3A_54 = arith.constant 0 : index
    %swap3A_55 = vector.load %arg8[%swap3A, %swap3A_54] : memref<1000x128xf32, #tpu.memory_space<vmem>>, vector<1000x128xf32>
    tpu.vector_store %arg8[%swap3A, %swap3A_54], %max3A_53 {strides = array<i32>} : memref<1000x128xf32, #tpu.memory_space<vmem>>, vector<1000x128xf32>,
    return
  }
  func.func @transform_0(%arg0: i32) -> (i32, i32, i32) {
    %c0_i32 = arith.constant 0 : i32
    %c0_i32_0 = arith.constant 0 : i32
    %c0_i32_1 = arith.constant 0 : i32
    return %c0_i32, %arg0, %c0_i32_0 : i32, i32, i32
  }
  func.func @transform_1(%arg0: i32) -> (i32, i32) {
    %c0_i32 = arith.constant 0 : i32
    %c0_i32_0 = arith.constant 0 : i32
    return %arg0, %c0_i32 : i32, i32
  }
  func.func @transform_2(%arg0: i32) -> (i32, i32) {
    %c0_i32 = arith.constant 0 : i32
    %c0_i32_0 = arith.constant 0 : i32
    return %arg0, %c0_i32 : i32, i32
  }
  func.func @transform_3(%arg0: i32) -> (i32, i32, i32) {
    %c0_i32 = arith.constant 0 : i32
    %c0_i32_0 = arith.constant 0 : i32
    %c0_i32_1 = arith.constant 0 : i32
    return %c0_i32, %arg0, %c0_i32_0 : i32, i32, i32
  }
  func.func @transform_4(%arg0: i32) -> (i32, i32) {
    %c0_i32 = arith.constant 0 : i32
    %c0_i32_0 = arith.constant 0 : i32
    %c0_i32_1 = arith.constant 0 : i32
    return %c0_i32, %c0_i32_0 : i32, i32
  }
  func.func @transform_5(%arg0: i32) -> (i32, i32) {
    %c0_i32 = arith.constant 0 : i32
    %c0_i32_0 = arith.constant 0 : i32
    %c0_i32_1 = arith.constant 0 : i32
    return %c0_i32, %c0_i32_0 : i32, i32
  }
  func.func @transform_6(%arg0: i32) -> (i32, i32) {
    %c0_i32 = arith.constant 0 : i32
    %c0_i32_0 = arith.constant 0 : i32
    %c0_i32_1 = arith.constant 0 : i32
    return %c0_i32, %c0_i32_0 : i32, i32
  }
  func.func @transform_7(%arg0: i32) -> (i32, i32) {
    %c0_i32 = arith.constant 0 : i32
    %c0_i32_0 = arith.constant 0 : i32
    return %arg0, %c0_i32 : i32, i32
  }
}

module attributes {stable_mosaic.version = 14 : i64} {
  func.func @body(%arg0: memref<2x512x128xf32, #tpu.memory_space<vmem>>, %arg1: memref<2x512x16xf32, #tpu.memory_space<vmem>>, %arg2: memref<128x128xf32, #tpu.memory_space<vmem>>, %arg3: memref<1x128xf32, #tpu.memory_space<vmem>>, %arg4: memref<1x128xf32, #tpu.memory_space<vmem>>, %arg5: memref<1x128xf32, #tpu.memory_space<vmem>>, %arg6: memref<1x128xf32, #tpu.memory_space<vmem>>, %arg7: memref<1x1xf32, #tpu.memory_space<vmem>>, %arg8: memref<512x1xf32, #tpu.memory_space<vmem>>) attributes {dimension_semantics = [], scalar_prefetch = 0 : i64, scratch_operands = 0 : i64, tpu.core_type = #tpu.core_type<tc>} {
    %get3A = arith.constant 0 : index
    %get3A_0 = arith.constant 0 : index
    %get3A_1 = arith.constant 0 : index
    %get3A_2 = vector.load %arg1[%get3A, %get3A_0, %get3A_1] : memref<2x512x16xf32, #tpu.memory_space<vmem>>, vector<1x512x1xf32>
    %get3A_3 = vector.shape_cast %get3A_2 : vector<1x512x1xf32> to vector<512xf32>
    %get3A_4 = arith.constant 1 : index
    %get3A_5 = arith.constant 0 : index
    %get3A_6 = arith.constant 0 : index
    %get3A_7 = vector.load %arg1[%get3A_4, %get3A_5, %get3A_6] : memref<2x512x16xf32, #tpu.memory_space<vmem>>, vector<1x512x1xf32>
    %get3A_8 = vector.shape_cast %get3A_7 : vector<1x512x1xf32> to vector<512xf32>
    %add3A = arith.addf %get3A_3, %get3A_8 : vector<512xf32>
    %get3A_9 = arith.constant 0 : index
    %get3A_10 = arith.constant 0 : index
    %get3A_11 = arith.constant 0 : index
    %get3A_12 = vector.load %arg0[%get3A_9, %get3A_10, %get3A_11] : memref<2x512x128xf32, #tpu.memory_space<vmem>>, vector<1x512x128xf32>
    %get3A_13 = vector.shape_cast %get3A_12 : vector<1x512x128xf32> to vector<512x128xf32>
    %get3A_14 = arith.constant 1 : index
    %get3A_15 = arith.constant 0 : index
    %get3A_16 = arith.constant 0 : index
    %get3A_17 = vector.load %arg0[%get3A_14, %get3A_15, %get3A_16] : memref<2x512x128xf32, #tpu.memory_space<vmem>>, vector<1x512x128xf32>
    %get3A_18 = vector.shape_cast %get3A_17 : vector<1x512x128xf32> to vector<512x128xf32>
    %add3A_19 = arith.addf %get3A_13, %get3A_18 : vector<512x128xf32>
    %max3A = arith.constant 1.000000e+00 : f32
    %max3A_20 = vector.broadcast %max3A : f32 to vector<512xf32>
    %max3A_21 = arith.maximumf %add3A, %max3A_20 : vector<512xf32>
    %broadcast_in_dim3A = vector.shape_cast %max3A_21 : vector<512xf32> to vector<512x1xf32>
    %div3A = vector.broadcast %broadcast_in_dim3A : vector<512x1xf32> to vector<512x128xf32>
    %div3A_22 = arith.divf %add3A_19, %div3A : vector<512x128xf32>
    %get3A_23 = arith.constant 0 : index
    %get3A_24 = arith.constant 0 : index
    %get3A_25 = vector.load %arg2[%get3A_23, %get3A_24] : memref<128x128xf32, #tpu.memory_space<vmem>>, vector<128x128xf32>
    %dot_general3A = arith.constant dense<0.000000e+00> : vector<512x128xf32>
    %dot_general3A_26 = tpu.matmul %div3A_22, %get3A_25, %dot_general3A {dimension_numbers = #tpu.dot_dimension_numbers<[1], [0], [0], [1], [0, 0, 1, 1], [], []>, precision = #tpu.contract_precision<fp32>, transpose_lhs_hint = false} : vector<512x128xf32>, vector<128x128xf32>, vector<512x128xf32> -> vector<512x128xf32>
    %get3A_27 = arith.constant 0 : index
    %get3A_28 = arith.constant 0 : index
    %get3A_29 = vector.load %arg3[%get3A_27, %get3A_28] : memref<1x128xf32, #tpu.memory_space<vmem>>, vector<1x128xf32>
    %add3A_30 = vector.broadcast %get3A_29 : vector<1x128xf32> to vector<512x128xf32>
    %add3A_31 = arith.addf %dot_general3A_26, %add3A_30 : vector<512x128xf32>
    %get3A_32 = arith.constant 0 : index
    %get3A_33 = arith.constant 0 : index
    %get3A_34 = vector.load %arg4[%get3A_32, %get3A_33] : memref<1x128xf32, #tpu.memory_space<vmem>>, vector<1x128xf32>
    %sqrt3A = arith.constant 1.000010e+00 : f32
    %sqrt3A_35 = math.sqrt %sqrt3A : f32
    %div3A_36 = arith.constant 1.000000e+00 : f32
    %div3A_37 = arith.divf %div3A_36, %sqrt3A_35 : f32
    %mul3A = vector.broadcast %div3A_37 : f32 to vector<1x128xf32>
    %mul3A_38 = arith.mulf %get3A_34, %mul3A : vector<1x128xf32>
    %mul3A_39 = vector.broadcast %mul3A_38 : vector<1x128xf32> to vector<512x128xf32>
    %mul3A_40 = arith.mulf %mul3A_39, %add3A_31 : vector<512x128xf32>
    %get3A_41 = arith.constant 0 : index
    %get3A_42 = arith.constant 0 : index
    %get3A_43 = vector.load %arg5[%get3A_41, %get3A_42] : memref<1x128xf32, #tpu.memory_space<vmem>>, vector<1x128xf32>
    %add3A_44 = vector.broadcast %get3A_43 : vector<1x128xf32> to vector<512x128xf32>
    %add3A_45 = arith.addf %mul3A_40, %add3A_44 : vector<512x128xf32>
    %max3A_46 = arith.constant 0.000000e+00 : f32
    %max3A_47 = vector.broadcast %max3A_46 : f32 to vector<512x128xf32>
    %max3A_48 = arith.maximumf %add3A_45, %max3A_47 : vector<512x128xf32>
    %get3A_49 = arith.constant 0 : index
    %get3A_50 = arith.constant 0 : index
    %get3A_51 = vector.load %arg6[%get3A_49, %get3A_50] : memref<1x128xf32, #tpu.memory_space<vmem>>, vector<1x128xf32>
    %mul3A_52 = vector.broadcast %get3A_51 : vector<1x128xf32> to vector<512x128xf32>
    %mul3A_53 = arith.mulf %max3A_48, %mul3A_52 : vector<512x128xf32>
    %reduce_sum3A = arith.constant dense<0.000000e+00> : vector<512xf32>
    %reduce_sum3A_54 = vector.multi_reduction <add>, %mul3A_53, %reduce_sum3A [1] : vector<512x128xf32> to vector<512xf32>
    %broadcast_in_dim3A_55 = vector.shape_cast %reduce_sum3A_54 : vector<512xf32> to vector<512x1xf32>
    %get3A_56 = arith.constant 0 : index
    %get3A_57 = arith.constant 0 : index
    %get3A_58 = vector.load %arg7[%get3A_56, %get3A_57] : memref<1x1xf32, #tpu.memory_space<vmem>>, vector<1x1xf32>
    %add3A_59 = vector.broadcast %get3A_58 : vector<1x1xf32> to vector<512x1xf32>
    %add3A_60 = arith.addf %broadcast_in_dim3A_55, %add3A_59 : vector<512x1xf32>
    %swap3A = arith.constant 0 : index
    %swap3A_61 = arith.constant 0 : index
    %swap3A_62 = vector.load %arg8[%swap3A, %swap3A_61] : memref<512x1xf32, #tpu.memory_space<vmem>>, vector<512x1xf32>
    tpu.vector_store %arg8[%swap3A, %swap3A_61], %add3A_60 {strides = array<i32>} : memref<512x1xf32, #tpu.memory_space<vmem>>, vector<512x1xf32>,
    return
  }
}

</mosaic_0001>

<sc_bundles>
// kernel: kernel.13.cloned.1.call-start
scs
__scs_entry_jumppad:
0x0: {  	(pc) =	sbr.rel $0x88, $3  }
0x1: {  	(tag) =	ssettag $0x0;
	lr =	simm.s32 $0x1  }
0x2: {  	[smem:$0x3F92] =	sst lr;
	_ =	strace $0xD0000000  }
0x3: {  	_ = 	snop  }
0x4: {  	_ = 	snop  }
0x5: {  	_ = 	snop  }
0x6: {  	_ = 	snop  }
0x7: {  	_ = 	snop  }
__scs_overlays_trampoline_lowered:
0x8: {  	[smem:$0x3FA1] =	sst s0  }
0x9: {  	[smem:$0x3FA2] =	sst s1  }
0xa: {  	[smem:$0x3FA3] =	sst s2  }
0xb: {  	[smem:$0x3FA4] =	sst s3  }
0xc: {  	[smem:$0x3FA5] =	sst s4  }
0xd: {  	[smem:$0x3FA6] =	sst s5  }
0xe: {  	[smem:$0x3FA7] =	sst s6  }
0xf: {  	[smem:$0x3FA8] =	sst s7  }
0x10: {  	[smem:$0x3FA9] =	sst s8  }
0x11: {  	[smem:$0x3FAA] =	sst s9;
	s0 =	simm.s32 @!p0 $0x0  }
0x12: {  	s1 =	sld [smem:$0x3F90];
	s0 =	simm.s32 @p0 $0x1  }
0x13: {  	[smem:$0x3FAB] =	sst s0;
	s0 =	simm.s32 @!p1 $0x0  }
0x14: {  	s2 =	sld [smem:$0x3F8F];
	s0 =	simm.s32 @p1 $0x1  }
0x15: {  	[smem:$0x3FAC] =	sst s0;
	s0 =	simm.s32 @!p2 $0x0  }
0x16: {  	s3 =	sld [smem:$0x3FDB];
	s0 =	simm.s32 @p2 $0x1  }
0x17: {  	s4 =	simm.s32 $0x1BF5;
	[smem:$0x3FAE] =	sst s0  }
0x18: {  	s0 =	sld [smem:$0x3F91];
	_ =	swait.ge [sflag:s4], $0x0  }
0x19: {  	s7 =	sld [smem:$0x3F92]  }
0x1a: {  	s8 =	sadd.s32 $0xFFFFE003, lr  }
0x1b: {  	s9 =	sadd.s32 $0xFFFFFEF7, lr;
	s5 =	simm.s32 $0xFFFFFFFF;
	p2 =	slt.u32 s8, $0xFFFFF086  }
0x1c: {  	p1 =	slt.u32 s9, $0xF7A;
	s5 =	simm.s32 @!p2 $0x0  }
0x1d: {  	s5 =	simm.s32 @p1 $0x1;
	p0 =	seq.s32 s7, s2  }
0x1e: {  	s7 =	smul.u32 @!p0 $0xF7A, s2;
	p2 =	seq.s32 @!p0 s5, $0x0  }
0x1f: {  	s9 =	smul.u32 $0xF7A, s1;
	s8 =	simm.s32 @!p0 $0x1BF5;
	p2 =	por !p2, p0  }
0x20: {  	[sflag:s8] =	ssyncset.s32 @!p0 $0xFFFFF086;
	s6 =	sadd.s32 @!p0 s3, s7;
	s7 =	simm.s32 @!p0 $0x108  }
0x21: {  	s3 =	sadd.s32 s3, s9;
	s6 =	sadd.s32 @!p0 $0x88, s6;
	s7 =	simm.s32 @p2 $0x1082  }
0x22: {  	[simem:s7], [sflag:s8] =	dma.local @!p0 [hbm:s6], $0xF7A  }
0x23: {  	s9 =	sor.u32 $0xD0000000, s2;
	s6 =	simm.s32 $0x108;
	_ =	swait.ge @!p0 [sflag:s8], $0x0  }
0x24: {  	s3 =	sadd.s32 $0x88, s3;
	s6 =	simm.s32 @!p1 $0x1082;
	[sflag:s4] =	ssyncset.s32 $0xFFFFF086  }
0x25: {  	[simem:s6], [sflag:s4] =	dma.local [hbm:s3], $0xF7A  }
0x26: {  	[smem:$0x3F92] =	sst s1;
	(tag) =	ssettag s2;
	_ =	strace s9  }
0x27: {  	s1 =	sld [smem:$0x3FA2]  }
0x28: {  	s2 =	sld [smem:$0x3FA3]  }
0x29: {  	s4 =	sld [smem:$0x3FA5]  }
0x2a: {  	p0 =	seq.s32 s5, $0x0;
	s5 =	sld [smem:$0x3FA6]  }
0x2b: {  	s6 =	sld [smem:$0x3FA7]  }
0x2c: {  	s7 =	sld [smem:$0x3FA8]  }
0x2d: {  	s3 =	simm.s32 $0x108;
	s8 =	sld [smem:$0x3FA9]  }
0x2e: {  	s3 =	simm.s32 @!p0 $0x1082;
	s9 =	sld [smem:$0x3FAA]  }
0x2f: {  	lr =	sadd.s32 s0, s3;
	s0 =	sld [smem:$0x3FA1]  }
0x30: {  	s3 =	sld [smem:$0x3FA4]  }
0x31: {  	[smem:$0x3FAD] =	sst s10  }
0x32: {  	s10 =	sld [smem:$0x3FAB];
	_ =	sdelay $0x3  }
0x33: {  	p0 =	seq.s32 s10, $0x1;
	s10 =	sld [smem:$0x3FAD];
	_ =	sdelay $0x3  }
0x34: {  	[smem:$0x3FAD] =	sst s10  }
0x35: {  	s10 =	sld [smem:$0x3FAC];
	_ =	sdelay $0x3  }
0x36: {  	p1 =	seq.s32 s10, $0x1;
	s10 =	sld [smem:$0x3FAD];
	_ =	sdelay $0x3  }
0x37: {  	[smem:$0x3FAD] =	sst s10  }
0x38: {  	s10 =	sld [smem:$0x3FAE]  }
0x39: {  	_ = 	snop;
	(pc) =	sbr.ind lr, $3  }
0x3a: {  	_ = 	snop  }
0x3b: {  	_ = 	snop  }
0x3c: {  	p2 =	seq.s32 s10, $0x1;
	s10 =	sld [smem:$0x3FAD]  }
0x3d: {  	_ =	shalt  }
0x3e: {  	_ =	shalt  }
0x3f: {  	_ =	shalt  }
0x40: {  	_ =	shalt  }
0x41: {  	_ =	shalt  }
0x42: {  	_ =	shalt  }
0x43: {  	_ =	shalt  }
0x44: {  	_ =	shalt  }
0x45: {  	_ =	shalt  }
0x46: {  	_ =	shalt  }
0x47: {  	_ =	shalt  }
0x48: {  	_ =	shalt  }
0x49: {  	_ =	shalt  }
0x4a: {  	_ =	shalt  }
0x4b: {  	_ =	shalt  }
0x4c: {  	_ =	shalt  }
0x4d: {  	_ =	shalt  }
0x4e: {  	_ =	shalt  }
0x4f: {  	_ =	shalt  }
0x50: {  	_ =	shalt  }
0x51: {  	_ =	shalt  }
0x52: {  	_ =	shalt  }
0x53: {  	_ =	shalt  }
0x54: {  	_ =	shalt  }
0x55: {  	_ =	shalt  }
0x56: {  	_ =	shalt  }
0x57: {  	_ =	shalt  }
0x58: {  	_ =	shalt  }
0x59: {  	_ =	shalt  }
0x5a: {  	_ =	shalt  }
0x5b: {  	_ =	shalt  }
0x5c: {  	_ =	shalt  }
0x5d: {  	_ =	shalt  }
0x5e: {  	_ =	shalt  }
0x5f: {  	_ =	shalt  }
0x60: {  	_ =	shalt  }
0x61: {  	_ =	shalt  }
0x62: {  	_ =	shalt  }
0x63: {  	_ =	shalt  }
0x64: {  	_ =	shalt  }
0x65: {  	_ =	shalt  }
0x66: {  	_ =	shalt  }
0x67: {  	_ =	shalt  }
0x68: {  	_ =	shalt  }
0x69: {  	_ =	shalt  }
0x6a: {  	_ =	shalt  }
0x6b: {  	_ =	shalt  }
0x6c: {  	_ =	shalt  }
0x6d: {  	_ =	shalt  }
0x6e: {  	_ =	shalt  }
0x6f: {  	_ =	shalt  }
0x70: {  	_ =	shalt  }
0x71: {  	_ =	shalt  }
0x72: {  	_ =	shalt  }
0x73: {  	_ =	shalt  }
0x74: {  	_ =	shalt  }
0x75: {  	_ =	shalt  }
0x76: {  	_ =	shalt  }
0x77: {  	_ =	shalt  }
0x78: {  	_ =	shalt  }
0x79: {  	_ =	shalt  }
0x7a: {  	_ =	shalt  }
0x7b: {  	_ =	shalt  }
0x7c: {  	_ =	shalt  }
0x7d: {  	_ =	shalt  }
0x7e: {  	_ =	shalt  }
0x7f: {  	_ =	shalt  }
0x80: {  	_ =	shalt  }
0x81: {  	_ =	shalt  }
0x82: {  	_ =	shalt  }
0x83: {  	_ =	shalt  }
0x84: {  	_ =	shalt  }
0x85: {  	_ =	shalt  }
0x86: {  	_ =	shalt  }
0x87: {  	_ =	shalt  }
.Lfunc_end0:
.L_simem_size_0:
called_computation_lowered:
.L_overlay_start_0:
0x88: {  	s2 =	sld [smem:$0x3FD9]  }
0x89: {  	s3 =	sld [smem:$0x3FFE];
	_ =	sdelay $0x1  }
0x8a: {  	s1 =	srdreg.scid  }
0x8b: {  	s0 =	sand.u32 $0x1, s1  }
0x8c: {  	s16 =	sshll.u32 s0, $0xA;
	s2 =	sadd.s32 s3, s2  }
0x8d: {  	s2 =	sadd.s32 s2, s16  }
0x8e: {  	[smem:$0x3FB9] =	sst s2  }
0x8f: {  	_ = 	snop  }
0x90: {  	(tm) =	ssettm $0x1  }
0x91: {  	s17 =	sld [smem:$0x3FFB];
	_ =	sdelay $0x3  }
0x92: {  	_ =	strace s17  }
0x93: {  	s2 =	sld [smem:$0x3FFC];
	_ =	sdelay $0x3  }
0x94: {  	_ =	strace s2  }
0x95: {  	s2 =	sld [smem:$0x3FFD];
	_ =	sdelay $0x3  }
0x96: {  	_ =	strace s2  }
0x97: {  	_ =	strace $0x8FFFFFFF  }
0x98: {  	s18 =	sld [smem:$0x3FDB];
	_ =	sdelay $0x1  }
0x99: {  	s19 =	simm.s32 $_scs_section_size  }
0x9a: {  	s4 =	simm.s32 $_size__tile_overlayer_lowered;
	s5 =	simm.s32 $_tile_overlayer_lowered  }
0x9b: {  	s22 =	simm.s32 $0x1BFF;
	s21 =	sshll.u32 s5, $0x1;
	s2 =	sadd.s32 s19, s18  }
0x9c: {  	s6 =	simm.s32 $0x0;
	s20 =	sshll.u32 s4, $0x1;
	s4 =	sadd.s32 s21, s2  }
0x9d: {  	[timem:s6], [sflag:s22] =	dma.local [hbm:s4], s20  }
0x9e: {  	_ =	swait.ge [sflag:s22], s20  }
0x9f: {  	s3 =	ssub.s32 $0x0, s20;
	[sflag:s22] =	ssyncset.done $0x0  }
0xa0: {  	[sflag:s22] =	ssyncadd.s32 s3;
	_ =	sdelay $0x1  }
0xa1: {  	s23 =	simm.s32 $0x1B8B  }
0xa2: {  	_ =	swait.ge [sflag:s23], $0x1  }
0xa3: {  	[sflag:s23] =	ssyncset.done $0x0  }
0xa4: {  	s25 =	simm.s32 $0x1B8E;
	s24 =	sld [smem:$0x3FFE];
	[sflag:s23] =	ssyncadd.s32 $0xFFFFFFFF  }
0xa5: {  	s26 =	simm.s32 $execute0_lowered;
	[smem:$0x3FD2] =	sst s25  }
0xa6: {  	s4 =	sshll.u32 s26, $0x1;
	_ =	strace $0x80000046;
	[dreg:$0x1] =	wrdreg $0xFFFFFFFF  }
0xa7: {  	s28 =	simm.s32 $_size_execute0_lowered;
	s2 =	sadd.s32 s2, s4;
	[dreg:$0x0] =	wrdreg $0x0  }
0xa8: {  	s4 =	sshll.u32 s28, $0x1;
	[dreg:$0x2] =	wrdreg s2  }
0xa9: {  	[dreg:$0x3] =	wrdreg s4  }
0xaa: {  	[dreg:$0x4] =	wrdreg $0xC0  }
0xab: {  	_ =	task [dreg:s6], $0x5FFFF  }
0xac: {  	[dreg:$0x1] =	wrdreg $0xFFFFFFFF  }
0xad: {  	[dreg:$0x0] =	wrdreg $0x60  }
0xae: {  	[dreg:$0x2] =	wrdreg s24  }
0xaf: {  	[dreg:$0x3] =	wrdreg $0x90000  }
0xb0: {  	[dreg:$0x4] =	wrdreg $0x9  }
0xb1: {  	_ =	task.clear_ibuf [dreg:s6], $0x5FFFF;
	_ =	strace $0x90000046  }
0xb2: {  	s29 =	simm.s32 $0x9;
	_ =	strace $0x80000048  }
0xb3: {  	_ =	swait.ge [sflag:s29], $0x1  }
0xb4: {  	[sflag:s29] =	ssyncadd.s32 $0xFFFFFFFF  }
0xb5: {  	_ =	strace $0x90000048  }
0xb6: {  	_ =	sfence  }
0xb7: {  	s30 =	sld [smem:$0x0];
	_ =	sdelay $0x2  }
0xb8: {  	s31 =	sshll.u32 s1, $0xD;
	s1 =	sshrl.u32 s1, $0x2  }
0xb9: {  	s3 =	sand.u32 $0x4000, s31;
	s1 =	sadd.s32 s1, s30  }
0xba: {  	s0 =	sor.u32 s3, s0;
	s1 =	sshll.u32 s1, $0x11  }
0xbb: {  	s0 =	sor.u32 s1, s0  }
0xbc: {  	s0 =	sadd.s32 $0x8F2B, s0  }
0xbd: {  	[sflag:s0] =	ssyncadd.remote.s32 $0x1  }
0xbe: {  	_ =	sfence.sel $0xFFFF  }
0xbf: {  	[dreg:$0x0] =	wrdreg $0xFFFFFFFF;
	(pc) =	sbr.abs _section_cstart, $3  }
0xc0: {  	[dreg:$0x1] =	wrdreg $0xFFFFFFFF  }
0xc1: {  	_ =	task.clear_ibuf [dreg:s6], $0x2FFFF;
	_ =	strace $0x9FFFFFFF  }
0xc2: {  	(tm) =	ssettm $0x7FFFFFFF  }
0xc3: {  	_ =	shalt  }
tec
execute0_lowered:
.L_overlay_start_1:
0x0: {  	(tag) =	ssettag $0x1  }
0x1: {  	s0 =	srdreg.scid;
	s5 =	rddreg [dreg:$0x0]  }
0x2: {  	s2 =	rddreg [dreg:$0x1];
	s4 =	sand.u32 $0x1, s0  }
0x3: {  	s3 =	simm.s32 $0x0;
	s0 =	stileid.u32;
	s7 =	smul.u32 $0x27100, s4  }
0x4: {  	[smem:$0x7FF] =	sst s3;
	s1 =	sshll.u32 s4, $0x4;
	s9 =	smul.u32 $0xA000, s0  }
0x5: {  	s4 =	ssub.s32 $0x2, s4;
	s8 =	ssub.s32 $0x8C, s0;
	s12 =	smul.u32 $0x500, s0  }
0x6: {  	s13 =	sshll.u32 s0, $0x6;
	s6 =	sor.u32 s0, s1;
	s1 =	rddreg [dreg:$0x2]  }
0x7: {  	_ =	strace $0x80000047;
	s30 =	sshrl.u32 s4, $0x1;
	s13 =	sor.u32 $0x1C01, s13  }
0x8: {  	s6 =	smul.u32 $0x500, s6;
	s7 =	sadd.s32 s7, s5;
	s10 =	ssub.s32 s4, s30  }
0x9: {  	s4 =	sshrl.u32 s8, $0x4;
	s31 =	sshrl.u32 s9, $0x2;
	s8 =	simm.s32 $0x6800  }
0xa: {  	s9 =	simm.s32 $0x1;
	s11 =	sadd.s32 $0x23A00, s7;
	s7 =	sadd.s32 s31, s2  }
0xb: {  	s6 =	sadd.s32 s6, s5;
	s11 =	sadd.s32 s11, s12;
	s12 =	simm.s32 $0x2800  }
0xc: {  	v0 =	vimm.f32 $1.000000000e+00;
	v1 =	vimm.f32 $0.0e+00;
	s5 =	sadd.s32 $0x5A00, s6;
	s6 =	smax.u32 s10, $0x1;
	s10 =	simm.s32 $0x80  }
.LBB2_1:
0xd: {  	s14 =	simm.s32 $0x0  }
.LBB2_2:
0xe: {  	p0 =	sne.s32 s14, $0xFE00  }
.Ltmp0:
0xf: {  	_ = 	snop;
	(pc) =	sbr.rel @p0 .LBB2_2-.Ltmp0, $3  }
0x10: {  	_ =	sdelay $0x1  }
0x11: {  	s15 =	sshra.s32 s14, $0x2  }
0x12: {  	s14 =	sadd.s32 $0x200, s14;
	[tilespmem:s15+$0x2800] =	vst v0  }
0x13: {  	s14 =	simm.s32 $0x200;
	s15 =	simm.s32 $0x0  }
.LBB2_4:
0x14: {  	p0 =	sne.s32 s14, $0x9E00;
	[tilespmem:s15+$0x6800] =	vst v1;
	s15 =	smov.u32 s14;
	s14 =	sadd.s32 $0x200, s14  }
.Ltmp1:
0x15: {  	(pc) =	sbr.rel @p0 .LBB2_4-.Ltmp1, $2  }
0x16: {  	_ =	sdelay $0x2  }
0x17: {  	s15 =	sshra.s32 s15, $0x2  }
0x18: {  	p0 =	sne.s32 s4, $0x1  }
.Ltmp2:
0x19: {  	_ = 	snop;
	(pc) =	sbr.rel @!p0 .LBB2_7-.Ltmp2, $4  }
0x1a: {  	[tilespmem:s15+$0x6800] =	vst v1  }
0x1b: {  	[spmem:s7] =	stream.linear.scatter [tilespmem:s8], [sflag:$0x1], $0x2800, $0x38;
	[tilespmem:$0xB718] =	vst v63  }
0x1c: {  	_ =	swait.ge [sflag:s9], $0x2800  }
0x1d: {  	s14 =	sadd.s32 $0xFFFFFFFF, s4;
	s15 =	smov.u32 s7;
	[sflag:s9] =	ssyncset.done $0x0  }
.LBB2_6:
0x1e: {  	p1 =	sne.s32 s14, $0x1;
	[sflag:s9] =	ssyncadd.s32 $0xFFFFD800;
	s15 =	sadd.s32 $0x28000, s15  }
.Ltmp3:
0x1f: {  	s14 =	sadd.s32 $0xFFFFFFFF, s14;
	(pc) =	sbr.rel @p1 .LBB2_6-.Ltmp3, $4  }
0x20: {  	_ = 	snop  }
0x21: {  	[spmem:s15] =	stream.linear.scatter [tilespmem:s8], [sflag:$0x1], $0x2800, $0x38;
	[tilespmem:$0xB718] =	vst v63  }
0x22: {  	_ =	swait.ge [sflag:s9], $0x2800  }
0x23: {  	[sflag:s9] =	ssyncset.done $0x0  }
.LBB2_7:
0x24: {  	[sflag:s9] =	ssyncadd.s32 $0xFFFFD800;
	s14 =	simm.s32 $0x0  }
0x25: {  	[tilespmem:s14], [sflag:$0x1] =	stream.linear.gather [hbm4b:s5+s14], $0x2800, $0x38;
	[tilespmem:$0xB718] =	vst v63  }
0x26: {  	_ =	swait.ge [sflag:s9], $0x2800  }
0x27: {  	[sflag:s9] =	ssyncset.done $0x0  }
0x28: {  	[sflag:s9] =	ssyncadd.s32 $0xFFFFD800  }
0x29: {  	s31 =	simm.s32 $0x0;
	[bflag:$0x0] =	sbarrier.arrive $0xFFFF  }
0x2a: {  	[spmem:s2] =	stream.indirect.scatter.add.f32 [tilespmem:s12], [sflag:$0x1], $0x10, s31, s10, $0xb8;
	[tilespmem:$0xB718] =	vst v63  }
0x2b: {  	_ =	swait.ge [sflag:s9], $0x800  }
0x2c: {  	s14 =	simm.s32 $0x200;
	[sflag:s9] =	ssyncset.done $0x0  }
.LBB2_8:
0x2d: {  	s15 =	sshra.s32 s14, $0x2;
	[sflag:s9] =	ssyncadd.s32 $0xFFFFF800;
	p1 =	sne.s32 s14, $0x9E00  }
0x2e: {  	[spmem:s2] =	stream.indirect.scatter.add.f32 [tilespmem:s12], [sflag:$0x1], $0x10, s15, s10, $0xb8;
	[tilespmem:$0xB718] =	vst v63  }
.Ltmp4:
0x2f: {  	_ = 	snop;
	(pc) =	sbr.rel @p1 .LBB2_8-.Ltmp4, $4  }
0x30: {  	_ = 	snop  }
0x31: {  	s14 =	sadd.s32 $0x200, s14  }
0x32: {  	_ =	swait.ge [sflag:s9], $0x800  }
0x33: {  	[sflag:s9] =	ssyncset.done $0x0  }
.Ltmp5:
0x34: {  	[sflag:s9] =	ssyncadd.s32 $0xFFFFF800;
	(pc) =	sbr.rel @!p0 .LBB2_11-.Ltmp5, $4  }
0x35: {  	s14 =	sshrl.u32 s7, $0x3;
	[bflag:$0x0] =	sbarrier.arrive $0xFFFF  }
0x36: {  	[hbm:s11], [sflag:s13] =	dma.local [spmem:s14], $0x500  }
0x37: {  	s15 =	sadd.s32 $0x28000, s7;
	_ =	swait.ge [sflag:s9], $0x500  }
0x38: {  	s16 =	smov.u32 s11;
	s14 =	sadd.s32 $0xFFFFFFFF, s4;
	[sflag:s9] =	ssyncset.done $0x0  }
.LBB2_10:
0x39: {  	s17 =	sshrl.u32 s15, $0x3  }
0x3a: {  	[sflag:s9] =	ssyncadd.s32 $0xFFFFFB00;
	s16 =	sadd.s32 $0x5000, s16;
	p0 =	sne.s32 s14, $0x1  }
0x3b: {  	[hbm:s16], [sflag:s13] =	dma.local [spmem:s17], $0x500  }
.Ltmp6:
0x3c: {  	_ = 	snop;
	(pc) =	sbr.rel @p0 .LBB2_10-.Ltmp6, $4  }
0x3d: {  	_ = 	snop  }
0x3e: {  	s14 =	sadd.s32 $0xFFFFFFFF, s14  }
0x3f: {  	_ =	swait.ge [sflag:s9], $0x500  }
0x40: {  	s15 =	sadd.s32 $0x28000, s15;
	[sflag:s9] =	ssyncset.done $0x0  }
.LBB2_11:
0x41: {  	s3 =	sadd.s32 $0x1, s3  }
0x42: {  	p0 =	sne.s32 s3, s6  }
.Ltmp7:
0x43: {  	_ = 	snop;
	(pc) =	sbr.rel @p0 .LBB2_1-.Ltmp7, $2  }
0x44: {  	_ =	sdelay $0x2  }
0x45: {  	[sflag:s9] =	ssyncadd.s32 $0xFFFFFB00  }
0x46: {  	_ =	sfence.sel $0x180000  }
0x47: {  	[bflag:$0x0] =	sbarrier.arrive $0xFFFF  }
0x48: {  	p0 =	sne.s32 s0, $0x0;
	_ =	strace $0x90000047  }
0x49: {  	s0 =	sadd.s32 @!p0 $0x100000, s1;
	[bflag:$0x2] =	sbarrier.arrive $0xFFFF  }
0x4a: {  	[sflag:s0] =	ssyncadd.tile.s32 @!p0 $0x1;
	_ =	shalt  }
.Lfunc_end2:
_tile_overlayer_lowered:
.L_overlay_start_2:
0x4b: {  	(tag) =	ssettag $0x2  }
0x4c: {  	s0 =	rddreg [dreg:$0x0];
	s2 =	stileid.u32  }
0x4d: {  	s1 =	rddreg [dreg:$0x1];
	p0 =	sne.s32 s2, $0x0  }
0x4e: {  	s3 =	rddreg [dreg:$0x2];
	[bflag:$0x3] =	sbarrier.arrive $0xFFFF;
	s2 =	simm.s32 @!p0 $0x1C01  }
0x4f: {  	[timem:s3], [sflag:s2] =	dma.local @!p0 [hbm:s0], s1  }
0x50: {  	s0 =	simm.s32 @!p0 $0x1  }
0x51: {  	_ =	swait.ge @!p0 [sflag:s0], s1  }
0x52: {  	s1 =	ssub.s32 @!p0 $0x0, s1;
	[sflag:s0] =	ssyncset.done @!p0 $0x0  }
0x53: {  	[sflag:s0] =	ssyncadd.s32 @!p0 s1  }
0x54: {  	[bflag:$0x3] =	sbarrier.arrive $0xFFFF  }
0x55: {  	_ =	shalt  }

// kernel: kernel.16.cloned.1.call-start
scs
__scs_entry_jumppad:
0x0: {  	(pc) =	sbr.rel $0x88, $3  }
0x1: {  	(tag) =	ssettag $0x0;
	lr =	simm.s32 $0x1  }
0x2: {  	[smem:$0x3F92] =	sst lr;
	_ =	strace $0xD0000000  }
0x3: {  	_ = 	snop  }
0x4: {  	_ = 	snop  }
0x5: {  	_ = 	snop  }
0x6: {  	_ = 	snop  }
0x7: {  	_ = 	snop  }
__scs_overlays_trampoline_lowered:
0x8: {  	[smem:$0x3FA1] =	sst s0  }
0x9: {  	[smem:$0x3FA2] =	sst s1  }
0xa: {  	[smem:$0x3FA3] =	sst s2  }
0xb: {  	[smem:$0x3FA4] =	sst s3  }
0xc: {  	[smem:$0x3FA5] =	sst s4  }
0xd: {  	[smem:$0x3FA6] =	sst s5  }
0xe: {  	[smem:$0x3FA7] =	sst s6  }
0xf: {  	[smem:$0x3FA8] =	sst s7  }
0x10: {  	[smem:$0x3FA9] =	sst s8  }
0x11: {  	[smem:$0x3FAA] =	sst s9;
	s0 =	simm.s32 @!p0 $0x0  }
0x12: {  	s1 =	sld [smem:$0x3F90];
	s0 =	simm.s32 @p0 $0x1  }
0x13: {  	[smem:$0x3FAB] =	sst s0;
	s0 =	simm.s32 @!p1 $0x0  }
0x14: {  	s2 =	sld [smem:$0x3F8F];
	s0 =	simm.s32 @p1 $0x1  }
0x15: {  	[smem:$0x3FAC] =	sst s0;
	s0 =	simm.s32 @!p2 $0x0  }
0x16: {  	s3 =	sld [smem:$0x3FDB];
	s0 =	simm.s32 @p2 $0x1  }
0x17: {  	s4 =	simm.s32 $0x1BF5;
	[smem:$0x3FAE] =	sst s0  }
0x18: {  	s0 =	sld [smem:$0x3F91];
	_ =	swait.ge [sflag:s4], $0x0  }
0x19: {  	s7 =	sld [smem:$0x3F92]  }
0x1a: {  	s8 =	sadd.s32 $0xFFFFE003, lr  }
0x1b: {  	s9 =	sadd.s32 $0xFFFFFEF7, lr;
	s5 =	simm.s32 $0xFFFFFFFF;
	p2 =	slt.u32 s8, $0xFFFFF086  }
0x1c: {  	p1 =	slt.u32 s9, $0xF7A;
	s5 =	simm.s32 @!p2 $0x0  }
0x1d: {  	s5 =	simm.s32 @p1 $0x1;
	p0 =	seq.s32 s7, s2  }
0x1e: {  	s7 =	smul.u32 @!p0 $0xF7A, s2;
	p2 =	seq.s32 @!p0 s5, $0x0  }
0x1f: {  	s9 =	smul.u32 $0xF7A, s1;
	s8 =	simm.s32 @!p0 $0x1BF5;
	p2 =	por !p2, p0  }
0x20: {  	[sflag:s8] =	ssyncset.s32 @!p0 $0xFFFFF086;
	s6 =	sadd.s32 @!p0 s3, s7;
	s7 =	simm.s32 @!p0 $0x108  }
0x21: {  	s3 =	sadd.s32 s3, s9;
	s6 =	sadd.s32 @!p0 $0x88, s6;
	s7 =	simm.s32 @p2 $0x1082  }
0x22: {  	[simem:s7], [sflag:s8] =	dma.local @!p0 [hbm:s6], $0xF7A  }
0x23: {  	s9 =	sor.u32 $0xD0000000, s2;
	s6 =	simm.s32 $0x108;
	_ =	swait.ge @!p0 [sflag:s8], $0x0  }
0x24: {  	s3 =	sadd.s32 $0x88, s3;
	s6 =	simm.s32 @!p1 $0x1082;
	[sflag:s4] =	ssyncset.s32 $0xFFFFF086  }
0x25: {  	[simem:s6], [sflag:s4] =	dma.local [hbm:s3], $0xF7A  }
0x26: {  	[smem:$0x3F92] =	sst s1;
	(tag) =	ssettag s2;
	_ =	strace s9  }
0x27: {  	s1 =	sld [smem:$0x3FA2]  }
0x28: {  	s2 =	sld [smem:$0x3FA3]  }
0x29: {  	s4 =	sld [smem:$0x3FA5]  }
0x2a: {  	p0 =	seq.s32 s5, $0x0;
	s5 =	sld [smem:$0x3FA6]  }
0x2b: {  	s6 =	sld [smem:$0x3FA7]  }
0x2c: {  	s7 =	sld [smem:$0x3FA8]  }
0x2d: {  	s3 =	simm.s32 $0x108;
	s8 =	sld [smem:$0x3FA9]  }
0x2e: {  	s3 =	simm.s32 @!p0 $0x1082;
	s9 =	sld [smem:$0x3FAA]  }
0x2f: {  	lr =	sadd.s32 s0, s3;
	s0 =	sld [smem:$0x3FA1]  }
0x30: {  	s3 =	sld [smem:$0x3FA4]  }
0x31: {  	[smem:$0x3FAD] =	sst s10  }
0x32: {  	s10 =	sld [smem:$0x3FAB];
	_ =	sdelay $0x3  }
0x33: {  	p0 =	seq.s32 s10, $0x1;
	s10 =	sld [smem:$0x3FAD];
	_ =	sdelay $0x3  }
0x34: {  	[smem:$0x3FAD] =	sst s10  }
0x35: {  	s10 =	sld [smem:$0x3FAC];
	_ =	sdelay $0x3  }
0x36: {  	p1 =	seq.s32 s10, $0x1;
	s10 =	sld [smem:$0x3FAD];
	_ =	sdelay $0x3  }
0x37: {  	[smem:$0x3FAD] =	sst s10  }
0x38: {  	s10 =	sld [smem:$0x3FAE]  }
0x39: {  	_ = 	snop;
	(pc) =	sbr.ind lr, $3  }
0x3a: {  	_ = 	snop  }
0x3b: {  	_ = 	snop  }
0x3c: {  	p2 =	seq.s32 s10, $0x1;
	s10 =	sld [smem:$0x3FAD]  }
0x3d: {  	_ =	shalt  }
0x3e: {  	_ =	shalt  }
0x3f: {  	_ =	shalt  }
0x40: {  	_ =	shalt  }
0x41: {  	_ =	shalt  }
0x42: {  	_ =	shalt  }
0x43: {  	_ =	shalt  }
0x44: {  	_ =	shalt  }
0x45: {  	_ =	shalt  }
0x46: {  	_ =	shalt  }
0x47: {  	_ =	shalt  }
0x48: {  	_ =	shalt  }
0x49: {  	_ =	shalt  }
0x4a: {  	_ =	shalt  }
0x4b: {  	_ =	shalt  }
0x4c: {  	_ =	shalt  }
0x4d: {  	_ =	shalt  }
0x4e: {  	_ =	shalt  }
0x4f: {  	_ =	shalt  }
0x50: {  	_ =	shalt  }
0x51: {  	_ =	shalt  }
0x52: {  	_ =	shalt  }
0x53: {  	_ =	shalt  }
0x54: {  	_ =	shalt  }
0x55: {  	_ =	shalt  }
0x56: {  	_ =	shalt  }
0x57: {  	_ =	shalt  }
0x58: {  	_ =	shalt  }
0x59: {  	_ =	shalt  }
0x5a: {  	_ =	shalt  }
0x5b: {  	_ =	shalt  }
0x5c: {  	_ =	shalt  }
0x5d: {  	_ =	shalt  }
0x5e: {  	_ =	shalt  }
0x5f: {  	_ =	shalt  }
0x60: {  	_ =	shalt  }
0x61: {  	_ =	shalt  }
0x62: {  	_ =	shalt  }
0x63: {  	_ =	shalt  }
0x64: {  	_ =	shalt  }
0x65: {  	_ =	shalt  }
0x66: {  	_ =	shalt  }
0x67: {  	_ =	shalt  }
0x68: {  	_ =	shalt  }
0x69: {  	_ =	shalt  }
0x6a: {  	_ =	shalt  }
0x6b: {  	_ =	shalt  }
0x6c: {  	_ =	shalt  }
0x6d: {  	_ =	shalt  }
0x6e: {  	_ =	shalt  }
0x6f: {  	_ =	shalt  }
0x70: {  	_ =	shalt  }
0x71: {  	_ =	shalt  }
0x72: {  	_ =	shalt  }
0x73: {  	_ =	shalt  }
0x74: {  	_ =	shalt  }
0x75: {  	_ =	shalt  }
0x76: {  	_ =	shalt  }
0x77: {  	_ =	shalt  }
0x78: {  	_ =	shalt  }
0x79: {  	_ =	shalt  }
0x7a: {  	_ =	shalt  }
0x7b: {  	_ =	shalt  }
0x7c: {  	_ =	shalt  }
0x7d: {  	_ =	shalt  }
0x7e: {  	_ =	shalt  }
0x7f: {  	_ =	shalt  }
0x80: {  	_ =	shalt  }
0x81: {  	_ =	shalt  }
0x82: {  	_ =	shalt  }
0x83: {  	_ =	shalt  }
0x84: {  	_ =	shalt  }
0x85: {  	_ =	shalt  }
0x86: {  	_ =	shalt  }
0x87: {  	_ =	shalt  }
.Lfunc_end0:
.L_simem_size_0:
called_computation.1_lowered:
.L_overlay_start_0:
0x88: {  	s2 =	sld [smem:$0x3FD9]  }
0x89: {  	s3 =	sld [smem:$0x3FFE];
	_ =	sdelay $0x1  }
0x8a: {  	s1 =	srdreg.scid  }
0x8b: {  	s0 =	sand.u32 $0x1, s1  }
0x8c: {  	s16 =	sshll.u32 s0, $0xA;
	s2 =	sadd.s32 s3, s2  }
0x8d: {  	s2 =	sadd.s32 s2, s16  }
0x8e: {  	[smem:$0x3FB9] =	sst s2  }
0x8f: {  	_ = 	snop  }
0x90: {  	(tm) =	ssettm $0x1  }
0x91: {  	s17 =	sld [smem:$0x3FFB];
	_ =	sdelay $0x3  }
0x92: {  	_ =	strace s17  }
0x93: {  	s2 =	sld [smem:$0x3FFC];
	_ =	sdelay $0x3  }
0x94: {  	_ =	strace s2  }
0x95: {  	s2 =	sld [smem:$0x3FFD];
	_ =	sdelay $0x3  }
0x96: {  	_ =	strace s2  }
0x97: {  	_ =	strace $0x8FFFFFFF  }
0x98: {  	s18 =	sld [smem:$0x3FDB];
	_ =	sdelay $0x1  }
0x99: {  	s19 =	simm.s32 $_scs_section_size  }
0x9a: {  	s4 =	simm.s32 $_size__tile_overlayer_lowered;
	s5 =	simm.s32 $_tile_overlayer_lowered  }
0x9b: {  	s22 =	simm.s32 $0x1BFF;
	s21 =	sshll.u32 s5, $0x1;
	s2 =	sadd.s32 s19, s18  }
0x9c: {  	s6 =	simm.s32 $0x0;
	s20 =	sshll.u32 s4, $0x1;
	s4 =	sadd.s32 s21, s2  }
0x9d: {  	[timem:s6], [sflag:s22] =	dma.local [hbm:s4], s20  }
0x9e: {  	_ =	swait.ge [sflag:s22], s20  }
0x9f: {  	s3 =	ssub.s32 $0x0, s20;
	[sflag:s22] =	ssyncset.done $0x0  }
0xa0: {  	[sflag:s22] =	ssyncadd.s32 s3;
	_ =	sdelay $0x1  }
0xa1: {  	s23 =	simm.s32 $0x1B8B  }
0xa2: {  	_ =	swait.ge [sflag:s23], $0x1  }
0xa3: {  	[sflag:s23] =	ssyncset.done $0x0  }
0xa4: {  	s25 =	simm.s32 $0x1B8E;
	s24 =	sld [smem:$0x3FFE];
	[sflag:s23] =	ssyncadd.s32 $0xFFFFFFFF  }
0xa5: {  	s26 =	simm.s32 $execute0_lowered;
	[smem:$0x3FD2] =	sst s25  }
0xa6: {  	s4 =	sshll.u32 s26, $0x1;
	_ =	strace $0x80000049;
	[dreg:$0x1] =	wrdreg $0xFFFFFFFF  }
0xa7: {  	s28 =	simm.s32 $_size_execute0_lowered;
	s2 =	sadd.s32 s2, s4;
	[dreg:$0x0] =	wrdreg $0x0  }
0xa8: {  	s4 =	sshll.u32 s28, $0x1;
	[dreg:$0x2] =	wrdreg s2  }
0xa9: {  	[dreg:$0x3] =	wrdreg s4  }
0xaa: {  	[dreg:$0x4] =	wrdreg $0xC0  }
0xab: {  	_ =	task [dreg:s6], $0x5FFFF  }
0xac: {  	[dreg:$0x1] =	wrdreg $0xFFFFFFFF  }
0xad: {  	[dreg:$0x0] =	wrdreg $0x60  }
0xae: {  	[dreg:$0x2] =	wrdreg s24  }
0xaf: {  	[dreg:$0x3] =	wrdreg $0xBC000  }
0xb0: {  	[dreg:$0x4] =	wrdreg $0x9  }
0xb1: {  	_ =	task.clear_ibuf [dreg:s6], $0x5FFFF;
	_ =	strace $0x90000049  }
0xb2: {  	s29 =	simm.s32 $0x9;
	_ =	strace $0x8000004B  }
0xb3: {  	_ =	swait.ge [sflag:s29], $0x1  }
0xb4: {  	[sflag:s29] =	ssyncadd.s32 $0xFFFFFFFF  }
0xb5: {  	_ =	strace $0x9000004B  }
0xb6: {  	_ =	sfence  }
0xb7: {  	s30 =	sld [smem:$0x0];
	_ =	sdelay $0x2  }
0xb8: {  	s31 =	sshll.u32 s1, $0xD;
	s1 =	sshrl.u32 s1, $0x2  }
0xb9: {  	s3 =	sand.u32 $0x4000, s31;
	s1 =	sadd.s32 s1, s30  }
0xba: {  	s0 =	sor.u32 s3, s0;
	s1 =	sshll.u32 s1, $0x11  }
0xbb: {  	s0 =	sor.u32 s1, s0  }
0xbc: {  	s0 =	sadd.s32 $0x8F2B, s0  }
0xbd: {  	[sflag:s0] =	ssyncadd.remote.s32 $0x1  }
0xbe: {  	_ =	sfence.sel $0xFFFF  }
0xbf: {  	[dreg:$0x0] =	wrdreg $0xFFFFFFFF;
	(pc) =	sbr.abs _section_cstart, $3  }
0xc0: {  	[dreg:$0x1] =	wrdreg $0xFFFFFFFF  }
0xc1: {  	_ =	task.clear_ibuf [dreg:s6], $0x2FFFF;
	_ =	strace $0x9FFFFFFF  }
0xc2: {  	(tm) =	ssettm $0x7FFFFFFF  }
0xc3: {  	_ =	shalt  }
tec
execute0_lowered:
.L_overlay_start_1:
0x0: {  	(tag) =	ssettag $0x1  }
0x1: {  	s5 =	rddreg [dreg:$0x0]  }
0x2: {  	s1 =	rddreg [dreg:$0x1];
	s2 =	srdreg.scid  }
0x3: {  	s0 =	rddreg [dreg:$0x2];
	s3 =	simm.s32 $0x0;
	s13 =	simm.s32 $0x3  }
0x4: {  	s14 =	simm.s32 $0x1400;
	s15 =	simm.s32 $0x80;
	s16 =	simm.s32 $0x2800  }
0x5: {  	s17 =	simm.s32 $0x6800;
	s18 =	simm.s32 $0x1;
	s19 =	simm.s32 $0x2  }
0x6: {  	s20 =	simm.s32 $0x2700;
	s6 =	sand.u32 $0x1, s2;
	s2 =	stileid.u32  }
0x7: {  	s21 =	simm.s32 $0x2780;
	[smem:$0x7FF] =	sst s3;
	s8 =	smul.u32 $0x27100, s6  }
0x8: {  	s4 =	sshll.u32 s6, $0x4;
	_ =	strace $0x8000004A;
	s30 =	smul.u32 $0x5000, s2  }
0x9: {  	s6 =	ssub.s32 $0x2, s6;
	s10 =	ssub.s32 $0x109, s2;
	s12 =	smul.u32 $0xA000, s2  }
0xa: {  	s29 =	ssub.s32 $0x8C, s2;
	s23 =	smul.u32 $0x500, s2;
	s4 =	sor.u32 s2, s4  }
0xb: {  	s9 =	sshrl.u32 s6, $0x1;
	s7 =	smul.u32 $0x500, s4;
	s4 =	sadd.s32 $0x71C00, s5  }
0xc: {  	s11 =	sadd.s32 s8, s5;
	s9 =	ssub.s32 s6, s9;
	s8 =	sshrl.u32 s29, $0x4  }
0xd: {  	s31 =	sshrl.u32 s12, $0x2;
	s12 =	simm.s32 $0xA800;
	s22 =	sadd.s32 $0x98E00, s11  }
0xe: {  	s9 =	smax.u32 s9, $0x1;
	s11 =	sadd.s32 s31, s1;
	s7 =	sadd.s32 s7, s5  }
0xf: {  	s5 =	sshrl.u32 s10, $0x4;
	s10 =	sshrl.u32 s30, $0x2;
	s22 =	sadd.s32 s22, s23  }
0x10: {  	v0 =	vimm.f32 $0.0e+00;
	s6 =	sadd.s32 $0x19A00, s7;
	s7 =	sadd.s32 $0xFA00, s7;
	s10 =	sadd.s32 s10, s1  }
.LBB2_1:
0x11: {  	s23 =	simm.s32 $0x70;
	s24 =	simm.s32 $0x3C0  }
.LBB2_2:
0x12: {  	p0 =	sne.s32 s24, $0x4FC0;
	[tilespmem:s23+$0xA800] =	vst v0  }
0x13: {  	[tilespmem:s23+$0xA790] =	vst v0  }
0x14: {  	[tilespmem:s23+$0xA7A0] =	vst v0  }
.Ltmp0:
0x15: {  	[tilespmem:s23+$0xA7B0] =	vst v0;
	(pc) =	sbr.rel @p0 .LBB2_2-.Ltmp0, $4  }
0x16: {  	[tilespmem:s23+$0xA7C0] =	vst v0  }
0x17: {  	[tilespmem:s23+$0xA7D0] =	vst v0  }
0x18: {  	[tilespmem:s23+$0xA7E0] =	vst v0  }
0x19: {  	[tilespmem:s23+$0xA7F0] =	vst v0;
	s23 =	sshra.s32 s24, $0x2;
	s24 =	sadd.s32 $0x200, s24  }
0x1a: {  	[tilespmem:s23+$0xA800] =	vst v0  }
0x1b: {  	[tilespmem:s23+$0xA790] =	vst v0  }
0x1c: {  	[tilespmem:s23+$0xA7A0] =	vst v0  }
0x1d: {  	[tilespmem:s23+$0xA7B0] =	vst v0  }
0x1e: {  	[tilespmem:s23+$0xA7C0] =	vst v0  }
0x1f: {  	[tilespmem:s23+$0xA7D0] =	vst v0;
	p0 =	sne.s32 s5, $0x1  }
.Ltmp1:
0x20: {  	[tilespmem:s23+$0xA7E0] =	vst v0;
	(pc) =	sbr.rel @!p0 .LBB2_5-.Ltmp1, $4  }
0x21: {  	[tilespmem:s23+$0xA7F0] =	vst v0  }
0x22: {  	[spmem:s10] =	stream.linear.scatter [tilespmem:s12], [sflag:$0x3], $0x1400, $0x38;
	[tilespmem:$0x1F480] =	vst v63  }
0x23: {  	_ =	swait.ge [sflag:s13], $0x1400  }
0x24: {  	s23 =	sadd.s32 $0xFFFFFFFF, s5;
	s24 =	smov.u32 s10;
	[sflag:s13] =	ssyncset.done $0x0  }
.LBB2_4:
0x25: {  	p0 =	sne.s32 s23, $0x1;
	[sflag:s13] =	ssyncadd.s32 $0xFFFFEC00;
	s24 =	sadd.s32 $0x14000, s24  }
.Ltmp2:
0x26: {  	s23 =	sadd.s32 $0xFFFFFFFF, s23;
	(pc) =	sbr.rel @p0 .LBB2_4-.Ltmp2, $4  }
0x27: {  	_ = 	snop  }
0x28: {  	[spmem:s24] =	stream.linear.scatter [tilespmem:s12], [sflag:$0x3], $0x1400, $0x38;
	[tilespmem:$0x1F480] =	vst v63  }
0x29: {  	_ =	swait.ge [sflag:s13], $0x1400  }
0x2a: {  	[sflag:s13] =	ssyncset.done $0x0  }
.LBB2_5:
0x2b: {  	[sflag:s13] =	ssyncadd.s32 $0xFFFFEC00  }
0x2c: {  	s23 =	simm.s32 $0x0;
	[bflag:$0x0] =	sbarrier.arrive $0xFFFF  }
0x2d: {  	[tilespmem:s23], [sflag:$0x3] =	stream.linear.gather [hbm4b:s6+s23], $0x1400, $0x38;
	[tilespmem:$0x1F480] =	vst v63  }
0x2e: {  	_ =	swait.ge [sflag:s13], $0x1400  }
0x2f: {  	[sflag:s13] =	ssyncset.done $0x0  }
0x30: {  	[sflag:s13] =	ssyncadd.s32 $0xFFFFEC00  }
0x31: {  	[tilespmem:s14], [sflag:$0x3] =	stream.linear.gather [hbm4b:s7+s23], $0x1400, $0x38;
	[tilespmem:$0x1F480] =	vst v63  }
0x32: {  	_ =	swait.ge [sflag:s13], $0x1400  }
0x33: {  	[sflag:s13] =	ssyncset.done $0x0  }
0x34: {  	[sflag:s13] =	ssyncadd.s32 $0xFFFFEC00  }
0x35: {  	[tilespmem:s16], [sflag:$0x1] =	stream.indirect.gather [hbm4b:s4+s15], $0x80, s23, s15, $0xb8;
	[tilespmem:$0x1F480] =	vst v63  }
0x36: {  	_ = 	snop  }
0x37: {  	[tilespmem:s17], [sflag:$0x2] =	stream.indirect.gather [hbm4b:s4+s15], $0x80, s15, s15, $0xb8;
	[tilespmem:$0x1F480] =	vst v63  }
0x38: {  	_ =	swait.ge [sflag:s18], $0x4000  }
0x39: {  	[sflag:s18] =	ssyncset.done $0x0  }
0x3a: {  	s29 =	simm.s32 $0x1400;
	[sflag:s18] =	ssyncadd.s32 $0xFFFFC000  }
0x3b: {  	[spmem:s1] =	stream.indirect.scatter.add.f32 [tilespmem:s16], [sflag:$0x3], $0x80, s29, s15, $0xb8;
	[tilespmem:$0x1F480] =	vst v63  }
0x3c: {  	_ =	swait.ge [sflag:s13], $0x4000  }
0x3d: {  	[sflag:s13] =	ssyncset.done $0x0  }
0x3e: {  	s30 =	simm.s32 $0x100;
	[sflag:s13] =	ssyncadd.s32 $0xFFFFC000  }
0x3f: {  	[tilespmem:s16], [sflag:$0x1] =	stream.indirect.gather [hbm4b:s4+s15], $0x80, s30, s15, $0xb8;
	[tilespmem:$0x1F480] =	vst v63  }
0x40: {  	_ =	swait.ge [sflag:s19], $0x4000  }
0x41: {  	[sflag:s19] =	ssyncset.done $0x0  }
0x42: {  	s31 =	simm.s32 $0x1480;
	[sflag:s19] =	ssyncadd.s32 $0xFFFFC000  }
0x43: {  	[spmem:s1] =	stream.indirect.scatter.add.f32 [tilespmem:s17], [sflag:$0x3], $0x80, s31, s15, $0xb8;
	[tilespmem:$0x1F480] =	vst v63  }
0x44: {  	_ =	swait.ge [sflag:s13], $0x4000  }
0x45: {  	[sflag:s13] =	ssyncset.done $0x0  }
0x46: {  	s24 =	simm.s32 $0x180;
	s23 =	simm.s32 $0x400;
	[sflag:s13] =	ssyncadd.s32 $0xFFFFC000  }
.LBB2_6:
0x47: {  	[tilespmem:s17], [sflag:$0x2] =	stream.indirect.gather [hbm4b:s4+s15], $0x80, s24, s15, $0xb8;
	[tilespmem:$0x1F480] =	vst v63  }
0x48: {  	s24 =	smov.u32 s23  }
0x49: {  	p0 =	sne.s32 s23, $0x4800;
	s23 =	sadd.s32 $0x400, s23;
	_ =	swait.ge [sflag:s18], $0x4000  }
0x4a: {  	s24 =	sshra.s32 s24, $0x2;
	[sflag:s18] =	ssyncset.done $0x0  }
0x4b: {  	s25 =	sadd.s32 $0x1400, s24;
	[sflag:s18] =	ssyncadd.s32 $0xFFFFC000  }
0x4c: {  	[spmem:s1] =	stream.indirect.scatter.add.f32 [tilespmem:s16], [sflag:$0x3], $0x80, s25, s15, $0xb8;
	[tilespmem:$0x1F480] =	vst v63  }
0x4d: {  	_ =	swait.ge [sflag:s13], $0x4000  }
0x4e: {  	[sflag:s13] =	ssyncset.done $0x0  }
0x4f: {  	s25 =	sadd.s32 $0x100, s24;
	[sflag:s13] =	ssyncadd.s32 $0xFFFFC000  }
0x50: {  	[tilespmem:s16], [sflag:$0x1] =	stream.indirect.gather [hbm4b:s4+s15], $0x80, s25, s15, $0xb8;
	[tilespmem:$0x1F480] =	vst v63  }
0x51: {  	_ =	swait.ge [sflag:s19], $0x4000  }
0x52: {  	[sflag:s19] =	ssyncset.done $0x0  }
.Ltmp3:
0x53: {  	s25 =	sadd.s32 $0x1480, s24;
	[sflag:s19] =	ssyncadd.s32 $0xFFFFC000;
	(pc) =	sbr.rel @p0 .LBB2_6-.Ltmp3, $4  }
0x54: {  	[spmem:s1] =	stream.indirect.scatter.add.f32 [tilespmem:s17], [sflag:$0x3], $0x80, s25, s15, $0xb8;
	[tilespmem:$0x1F480] =	vst v63  }
0x55: {  	_ =	swait.ge [sflag:s13], $0x4000  }
0x56: {  	[sflag:s13] =	ssyncset.done $0x0  }
0x57: {  	s24 =	sadd.s32 $0x180, s24;
	[sflag:s13] =	ssyncadd.s32 $0xFFFFC000  }
0x58: {  	[tilespmem:s17], [sflag:$0x2] =	stream.indirect.gather [hbm4b:s4+s15], $0x80, s24, s15, $0xb8;
	[tilespmem:$0x1F480] =	vst v63  }
0x59: {  	_ =	swait.ge [sflag:s18], $0x4000  }
0x5a: {  	[sflag:s18] =	ssyncset.done $0x0  }
0x5b: {  	[sflag:s18] =	ssyncadd.s32 $0xFFFFC000  }
0x5c: {  	[spmem:s1] =	stream.indirect.scatter.add.f32 [tilespmem:s16], [sflag:$0x3], $0x80, s20, s15, $0xb8;
	[tilespmem:$0x1F480] =	vst v63  }
0x5d: {  	_ =	swait.ge [sflag:s13], $0x4000  }
0x5e: {  	[sflag:s13] =	ssyncset.done $0x0  }
0x5f: {  	[sflag:s13] =	ssyncadd.s32 $0xFFFFC000  }
0x60: {  	_ =	swait.ge [sflag:s19], $0x4000  }
0x61: {  	[sflag:s19] =	ssyncset.done $0x0  }
0x62: {  	[sflag:s19] =	ssyncadd.s32 $0xFFFFC000  }
0x63: {  	[spmem:s1] =	stream.indirect.scatter.add.f32 [tilespmem:s17], [sflag:$0x3], $0x80, s21, s15, $0xb8;
	[tilespmem:$0x1F480] =	vst v63  }
0x64: {  	_ =	swait.ge [sflag:s13], $0x4000  }
0x65: {  	[sflag:s13] =	ssyncset.done $0x0  }
0x66: {  	s23 =	sadd.s32 $0x280, s6;
	s26 =	simm.s32 $0x0;
	[sflag:s13] =	ssyncadd.s32 $0xFFFFC000  }
0x67: {  	[tilespmem:s26], [sflag:$0x3] =	stream.linear.gather [hbm4b:s23+s26], $0x1400, $0x38;
	[tilespmem:$0x1F480] =	vst v63  }
0x68: {  	_ =	swait.ge [sflag:s13], $0x1400  }
0x69: {  	[sflag:s13] =	ssyncset.done $0x0  }
0x6a: {  	s28 =	sadd.s32 $0x280, s7;
	[sflag:s13] =	ssyncadd.s32 $0xFFFFEC00  }
0x6b: {  	[tilespmem:s14], [sflag:$0x3] =	stream.linear.gather [hbm4b:s28+s26], $0x1400, $0x38;
	[tilespmem:$0x1F480] =	vst v63  }
0x6c: {  	_ =	swait.ge [sflag:s13], $0x1400  }
0x6d: {  	[sflag:s13] =	ssyncset.done $0x0  }
0x6e: {  	[sflag:s13] =	ssyncadd.s32 $0xFFFFEC00  }
0x6f: {  	[tilespmem:s16], [sflag:$0x1] =	stream.indirect.gather [hbm4b:s4+s15], $0x80, s26, s15, $0xb8;
	[tilespmem:$0x1F480] =	vst v63  }
0x70: {  	_ = 	snop  }
0x71: {  	[tilespmem:s17], [sflag:$0x2] =	stream.indirect.gather [hbm4b:s4+s15], $0x80, s15, s15, $0xb8;
	[tilespmem:$0x1F480] =	vst v63  }
0x72: {  	_ =	swait.ge [sflag:s18], $0x4000  }
0x73: {  	[sflag:s18] =	ssyncset.done $0x0  }
0x74: {  	s29 =	simm.s32 $0x1400;
	[sflag:s18] =	ssyncadd.s32 $0xFFFFC000  }
0x75: {  	[spmem:s1] =	stream.indirect.scatter.add.f32 [tilespmem:s16], [sflag:$0x3], $0x80, s29, s15, $0xb8;
	[tilespmem:$0x1F480] =	vst v63  }
0x76: {  	_ =	swait.ge [sflag:s13], $0x4000  }
0x77: {  	[sflag:s13] =	ssyncset.done $0x0  }
0x78: {  	s30 =	simm.s32 $0x100;
	[sflag:s13] =	ssyncadd.s32 $0xFFFFC000  }
0x79: {  	[tilespmem:s16], [sflag:$0x1] =	stream.indirect.gather [hbm4b:s4+s15], $0x80, s30, s15, $0xb8;
	[tilespmem:$0x1F480] =	vst v63  }
0x7a: {  	_ =	swait.ge [sflag:s19], $0x4000  }
0x7b: {  	[sflag:s19] =	ssyncset.done $0x0  }
0x7c: {  	s31 =	simm.s32 $0x1480;
	[sflag:s19] =	ssyncadd.s32 $0xFFFFC000  }
0x7d: {  	[spmem:s1] =	stream.indirect.scatter.add.f32 [tilespmem:s17], [sflag:$0x3], $0x80, s31, s15, $0xb8;
	[tilespmem:$0x1F480] =	vst v63  }
0x7e: {  	_ =	swait.ge [sflag:s13], $0x4000  }
0x7f: {  	[sflag:s13] =	ssyncset.done $0x0  }
0x80: {  	s24 =	simm.s32 $0x180;
	s23 =	simm.s32 $0x400;
	[sflag:s13] =	ssyncadd.s32 $0xFFFFC000  }
.LBB2_8:
0x81: {  	[tilespmem:s17], [sflag:$0x2] =	stream.indirect.gather [hbm4b:s4+s15], $0x80, s24, s15, $0xb8;
	[tilespmem:$0x1F480] =	vst v63  }
0x82: {  	s24 =	smov.u32 s23  }
0x83: {  	p0 =	sne.s32 s23, $0x4800;
	s23 =	sadd.s32 $0x400, s23;
	_ =	swait.ge [sflag:s18], $0x4000  }
0x84: {  	s24 =	sshra.s32 s24, $0x2;
	[sflag:s18] =	ssyncset.done $0x0  }
0x85: {  	s25 =	sadd.s32 $0x1400, s24;
	[sflag:s18] =	ssyncadd.s32 $0xFFFFC000  }
0x86: {  	[spmem:s1] =	stream.indirect.scatter.add.f32 [tilespmem:s16], [sflag:$0x3], $0x80, s25, s15, $0xb8;
	[tilespmem:$0x1F480] =	vst v63  }
0x87: {  	_ =	swait.ge [sflag:s13], $0x4000  }
0x88: {  	[sflag:s13] =	ssyncset.done $0x0  }
0x89: {  	s25 =	sadd.s32 $0x100, s24;
	[sflag:s13] =	ssyncadd.s32 $0xFFFFC000  }
0x8a: {  	[tilespmem:s16], [sflag:$0x1] =	stream.indirect.gather [hbm4b:s4+s15], $0x80, s25, s15, $0xb8;
	[tilespmem:$0x1F480] =	vst v63  }
0x8b: {  	_ =	swait.ge [sflag:s19], $0x4000  }
0x8c: {  	[sflag:s19] =	ssyncset.done $0x0  }
.Ltmp4:
0x8d: {  	s25 =	sadd.s32 $0x1480, s24;
	[sflag:s19] =	ssyncadd.s32 $0xFFFFC000;
	(pc) =	sbr.rel @p0 .LBB2_8-.Ltmp4, $4  }
0x8e: {  	[spmem:s1] =	stream.indirect.scatter.add.f32 [tilespmem:s17], [sflag:$0x3], $0x80, s25, s15, $0xb8;
	[tilespmem:$0x1F480] =	vst v63  }
0x8f: {  	_ =	swait.ge [sflag:s13], $0x4000  }
0x90: {  	[sflag:s13] =	ssyncset.done $0x0  }
0x91: {  	s24 =	sadd.s32 $0x180, s24;
	[sflag:s13] =	ssyncadd.s32 $0xFFFFC000  }
0x92: {  	[tilespmem:s17], [sflag:$0x2] =	stream.indirect.gather [hbm4b:s4+s15], $0x80, s24, s15, $0xb8;
	[tilespmem:$0x1F480] =	vst v63  }
0x93: {  	_ =	swait.ge [sflag:s18], $0x4000  }
0x94: {  	[sflag:s18] =	ssyncset.done $0x0  }
0x95: {  	[sflag:s18] =	ssyncadd.s32 $0xFFFFC000  }
0x96: {  	[spmem:s1] =	stream.indirect.scatter.add.f32 [tilespmem:s16], [sflag:$0x3], $0x80, s20, s15, $0xb8;
	[tilespmem:$0x1F480] =	vst v63  }
0x97: {  	_ =	swait.ge [sflag:s13], $0x4000  }
0x98: {  	[sflag:s13] =	ssyncset.done $0x0  }
0x99: {  	[sflag:s13] =	ssyncadd.s32 $0xFFFFC000  }
0x9a: {  	_ =	swait.ge [sflag:s19], $0x4000  }
0x9b: {  	[sflag:s19] =	ssyncset.done $0x0  }
0x9c: {  	[sflag:s19] =	ssyncadd.s32 $0xFFFFC000  }
0x9d: {  	[spmem:s1] =	stream.indirect.scatter.add.f32 [tilespmem:s17], [sflag:$0x3], $0x80, s21, s15, $0xb8;
	[tilespmem:$0x1F480] =	vst v63  }
0x9e: {  	p0 =	sne.s32 s8, $0x1;
	_ =	swait.ge [sflag:s13], $0x4000  }
.Ltmp5:
0x9f: {  	[sflag:s13] =	ssyncset.done $0x0;
	(pc) =	sbr.rel @!p0 .LBB2_11-.Ltmp5, $4  }
0xa0: {  	s23 =	sshll.u32 s2, $0x6;
	s31 =	sshrl.u32 s11, $0x3;
	[sflag:s13] =	ssyncadd.s32 $0xFFFFC000  }
0xa1: {  	s24 =	sadd.s32 $0xFFFFFFFF, s8;
	s23 =	sor.u32 $0x1C03, s23;
	[bflag:$0x0] =	sbarrier.arrive $0xFFFF  }
0xa2: {  	[hbm:s22], [sflag:s23] =	dma.local [spmem:s31], $0x500  }
0xa3: {  	s25 =	sadd.s32 $0x5000, s22;
	s26 =	smov.u32 s11;
	_ =	swait.ge [sflag:s13], $0x500  }
.LBB2_10:
0xa4: {  	[sflag:s13] =	ssyncset.done $0x0;
	s26 =	sadd.s32 $0x28000, s26;
	p0 =	sne.s32 s24, $0x1  }
.Ltmp6:
0xa5: {  	s28 =	sshrl.u32 s26, $0x3;
	[sflag:s13] =	ssyncadd.s32 $0xFFFFFB00;
	(pc) =	sbr.rel @p0 .LBB2_10-.Ltmp6, $3  }
0xa6: {  	[hbm:s25], [sflag:s23] =	dma.local [spmem:s28], $0x500  }
0xa7: {  	s24 =	sadd.s32 $0xFFFFFFFF, s24;
	_ =	sdelay $0x1  }
0xa8: {  	s25 =	sadd.s32 $0x5000, s25;
	_ =	swait.ge [sflag:s13], $0x500  }
.LBB2_11:
0xa9: {  	s3 =	sadd.s32 $0x1, s3  }
0xaa: {  	p0 =	sne.s32 s3, s9  }
.Ltmp7:
0xab: {  	_ = 	snop;
	(pc) =	sbr.rel @p0 .LBB2_1-.Ltmp7, $3  }
0xac: {  	_ =	sdelay $0x1  }
0xad: {  	[sflag:s13] =	ssyncset.done $0x0  }
0xae: {  	[sflag:s13] =	ssyncadd.s32 $0xFFFFFB00  }
0xaf: {  	_ =	sfence.sel $0x180000  }
0xb0: {  	[bflag:$0x0] =	sbarrier.arrive $0xFFFF  }
0xb1: {  	p0 =	sne.s32 s2, $0x0;
	_ =	strace $0x9000004A  }
0xb2: {  	s0 =	sadd.s32 @!p0 $0x100000, s0;
	[bflag:$0x2] =	sbarrier.arrive $0xFFFF  }
0xb3: {  	[sflag:s0] =	ssyncadd.tile.s32 @!p0 $0x1;
	_ =	shalt  }
.Lfunc_end2:
_tile_overlayer_lowered:
.L_overlay_start_2:
0xb4: {  	(tag) =	ssettag $0x2  }
0xb5: {  	s0 =	rddreg [dreg:$0x0];
	s2 =	stileid.u32  }
0xb6: {  	s1 =	rddreg [dreg:$0x1];
	p0 =	sne.s32 s2, $0x0  }
0xb7: {  	s3 =	rddreg [dreg:$0x2];
	[bflag:$0x3] =	sbarrier.arrive $0xFFFF;
	s2 =	simm.s32 @!p0 $0x1C03  }
0xb8: {  	[timem:s3], [sflag:s2] =	dma.local @!p0 [hbm:s0], s1  }
0xb9: {  	s0 =	simm.s32 @!p0 $0x3  }
0xba: {  	_ =	swait.ge @!p0 [sflag:s0], s1  }
0xbb: {  	s1 =	ssub.s32 @!p0 $0x0, s1;
	[sflag:s0] =	ssyncset.done @!p0 $0x0  }
0xbc: {  	[sflag:s0] =	ssyncadd.s32 @!p0 s1  }
0xbd: {  	[bflag:$0x3] =	sbarrier.arrive $0xFFFF  }
0xbe: {  	_ =	shalt  }

// kernel: kernel.19.cloned.1.call-start
scs
__scs_entry_jumppad:
0x0: {  	(pc) =	sbr.rel $0x88, $3  }
0x1: {  	(tag) =	ssettag $0x0;
	lr =	simm.s32 $0x1  }
0x2: {  	[smem:$0x3F92] =	sst lr;
	_ =	strace $0xD0000000  }
0x3: {  	_ = 	snop  }
0x4: {  	_ = 	snop  }
0x5: {  	_ = 	snop  }
0x6: {  	_ = 	snop  }
0x7: {  	_ = 	snop  }
__scs_overlays_trampoline_lowered:
0x8: {  	[smem:$0x3FA1] =	sst s0  }
0x9: {  	[smem:$0x3FA2] =	sst s1  }
0xa: {  	[smem:$0x3FA3] =	sst s2  }
0xb: {  	[smem:$0x3FA4] =	sst s3  }
0xc: {  	[smem:$0x3FA5] =	sst s4  }
0xd: {  	[smem:$0x3FA6] =	sst s5  }
0xe: {  	[smem:$0x3FA7] =	sst s6  }
0xf: {  	[smem:$0x3FA8] =	sst s7  }
0x10: {  	[smem:$0x3FA9] =	sst s8  }
0x11: {  	[smem:$0x3FAA] =	sst s9;
	s0 =	simm.s32 @!p0 $0x0  }
0x12: {  	s1 =	sld [smem:$0x3F90];
	s0 =	simm.s32 @p0 $0x1  }
0x13: {  	[smem:$0x3FAB] =	sst s0;
	s0 =	simm.s32 @!p1 $0x0  }
0x14: {  	s2 =	sld [smem:$0x3F8F];
	s0 =	simm.s32 @p1 $0x1  }
0x15: {  	[smem:$0x3FAC] =	sst s0;
	s0 =	simm.s32 @!p2 $0x0  }
0x16: {  	s3 =	sld [smem:$0x3FDB];
	s0 =	simm.s32 @p2 $0x1  }
0x17: {  	s4 =	simm.s32 $0x1BF5;
	[smem:$0x3FAE] =	sst s0  }
0x18: {  	s0 =	sld [smem:$0x3F91];
	_ =	swait.ge [sflag:s4], $0x0  }
0x19: {  	s7 =	sld [smem:$0x3F92]  }
0x1a: {  	s8 =	sadd.s32 $0xFFFFE003, lr  }
0x1b: {  	s9 =	sadd.s32 $0xFFFFFEF7, lr;
	s5 =	simm.s32 $0xFFFFFFFF;
	p2 =	slt.u32 s8, $0xFFFFF086  }
0x1c: {  	p1 =	slt.u32 s9, $0xF7A;
	s5 =	simm.s32 @!p2 $0x0  }
0x1d: {  	s5 =	simm.s32 @p1 $0x1;
	p0 =	seq.s32 s7, s2  }
0x1e: {  	s7 =	smul.u32 @!p0 $0xF7A, s2;
	p2 =	seq.s32 @!p0 s5, $0x0  }
0x1f: {  	s9 =	smul.u32 $0xF7A, s1;
	s8 =	simm.s32 @!p0 $0x1BF5;
	p2 =	por !p2, p0  }
0x20: {  	[sflag:s8] =	ssyncset.s32 @!p0 $0xFFFFF086;
	s6 =	sadd.s32 @!p0 s3, s7;
	s7 =	simm.s32 @!p0 $0x108  }
0x21: {  	s3 =	sadd.s32 s3, s9;
	s6 =	sadd.s32 @!p0 $0x88, s6;
	s7 =	simm.s32 @p2 $0x1082  }
0x22: {  	[simem:s7], [sflag:s8] =	dma.local @!p0 [hbm:s6], $0xF7A  }
0x23: {  	s9 =	sor.u32 $0xD0000000, s2;
	s6 =	simm.s32 $0x108;
	_ =	swait.ge @!p0 [sflag:s8], $0x0  }
0x24: {  	s3 =	sadd.s32 $0x88, s3;
	s6 =	simm.s32 @!p1 $0x1082;
	[sflag:s4] =	ssyncset.s32 $0xFFFFF086  }
0x25: {  	[simem:s6], [sflag:s4] =	dma.local [hbm:s3], $0xF7A  }
0x26: {  	[smem:$0x3F92] =	sst s1;
	(tag) =	ssettag s2;
	_ =	strace s9  }
0x27: {  	s1 =	sld [smem:$0x3FA2]  }
0x28: {  	s2 =	sld [smem:$0x3FA3]  }
0x29: {  	s4 =	sld [smem:$0x3FA5]  }
0x2a: {  	p0 =	seq.s32 s5, $0x0;
	s5 =	sld [smem:$0x3FA6]  }
0x2b: {  	s6 =	sld [smem:$0x3FA7]  }
0x2c: {  	s7 =	sld [smem:$0x3FA8]  }
0x2d: {  	s3 =	simm.s32 $0x108;
	s8 =	sld [smem:$0x3FA9]  }
0x2e: {  	s3 =	simm.s32 @!p0 $0x1082;
	s9 =	sld [smem:$0x3FAA]  }
0x2f: {  	lr =	sadd.s32 s0, s3;
	s0 =	sld [smem:$0x3FA1]  }
0x30: {  	s3 =	sld [smem:$0x3FA4]  }
0x31: {  	[smem:$0x3FAD] =	sst s10  }
0x32: {  	s10 =	sld [smem:$0x3FAB];
	_ =	sdelay $0x3  }
0x33: {  	p0 =	seq.s32 s10, $0x1;
	s10 =	sld [smem:$0x3FAD];
	_ =	sdelay $0x3  }
0x34: {  	[smem:$0x3FAD] =	sst s10  }
0x35: {  	s10 =	sld [smem:$0x3FAC];
	_ =	sdelay $0x3  }
0x36: {  	p1 =	seq.s32 s10, $0x1;
	s10 =	sld [smem:$0x3FAD];
	_ =	sdelay $0x3  }
0x37: {  	[smem:$0x3FAD] =	sst s10  }
0x38: {  	s10 =	sld [smem:$0x3FAE]  }
0x39: {  	_ = 	snop;
	(pc) =	sbr.ind lr, $3  }
0x3a: {  	_ = 	snop  }
0x3b: {  	_ = 	snop  }
0x3c: {  	p2 =	seq.s32 s10, $0x1;
	s10 =	sld [smem:$0x3FAD]  }
0x3d: {  	_ =	shalt  }
0x3e: {  	_ =	shalt  }
0x3f: {  	_ =	shalt  }
0x40: {  	_ =	shalt  }
0x41: {  	_ =	shalt  }
0x42: {  	_ =	shalt  }
0x43: {  	_ =	shalt  }
0x44: {  	_ =	shalt  }
0x45: {  	_ =	shalt  }
0x46: {  	_ =	shalt  }
0x47: {  	_ =	shalt  }
0x48: {  	_ =	shalt  }
0x49: {  	_ =	shalt  }
0x4a: {  	_ =	shalt  }
0x4b: {  	_ =	shalt  }
0x4c: {  	_ =	shalt  }
0x4d: {  	_ =	shalt  }
0x4e: {  	_ =	shalt  }
0x4f: {  	_ =	shalt  }
0x50: {  	_ =	shalt  }
0x51: {  	_ =	shalt  }
0x52: {  	_ =	shalt  }
0x53: {  	_ =	shalt  }
0x54: {  	_ =	shalt  }
0x55: {  	_ =	shalt  }
0x56: {  	_ =	shalt  }
0x57: {  	_ =	shalt  }
0x58: {  	_ =	shalt  }
0x59: {  	_ =	shalt  }
0x5a: {  	_ =	shalt  }
0x5b: {  	_ =	shalt  }
0x5c: {  	_ =	shalt  }
0x5d: {  	_ =	shalt  }
0x5e: {  	_ =	shalt  }
0x5f: {  	_ =	shalt  }
0x60: {  	_ =	shalt  }
0x61: {  	_ =	shalt  }
0x62: {  	_ =	shalt  }
0x63: {  	_ =	shalt  }
0x64: {  	_ =	shalt  }
0x65: {  	_ =	shalt  }
0x66: {  	_ =	shalt  }
0x67: {  	_ =	shalt  }
0x68: {  	_ =	shalt  }
0x69: {  	_ =	shalt  }
0x6a: {  	_ =	shalt  }
0x6b: {  	_ =	shalt  }
0x6c: {  	_ =	shalt  }
0x6d: {  	_ =	shalt  }
0x6e: {  	_ =	shalt  }
0x6f: {  	_ =	shalt  }
0x70: {  	_ =	shalt  }
0x71: {  	_ =	shalt  }
0x72: {  	_ =	shalt  }
0x73: {  	_ =	shalt  }
0x74: {  	_ =	shalt  }
0x75: {  	_ =	shalt  }
0x76: {  	_ =	shalt  }
0x77: {  	_ =	shalt  }
0x78: {  	_ =	shalt  }
0x79: {  	_ =	shalt  }
0x7a: {  	_ =	shalt  }
0x7b: {  	_ =	shalt  }
0x7c: {  	_ =	shalt  }
0x7d: {  	_ =	shalt  }
0x7e: {  	_ =	shalt  }
0x7f: {  	_ =	shalt  }
0x80: {  	_ =	shalt  }
0x81: {  	_ =	shalt  }
0x82: {  	_ =	shalt  }
0x83: {  	_ =	shalt  }
0x84: {  	_ =	shalt  }
0x85: {  	_ =	shalt  }
0x86: {  	_ =	shalt  }
0x87: {  	_ =	shalt  }
.Lfunc_end0:
.L_simem_size_0:
called_computation.2_lowered:
.L_overlay_start_0:
0x88: {  	s2 =	sld [smem:$0x3FD9]  }
0x89: {  	s3 =	sld [smem:$0x3FFE];
	_ =	sdelay $0x1  }
0x8a: {  	s1 =	srdreg.scid  }
0x8b: {  	s0 =	sand.u32 $0x1, s1  }
0x8c: {  	s16 =	sshll.u32 s0, $0xA;
	s2 =	sadd.s32 s3, s2  }
0x8d: {  	s2 =	sadd.s32 s2, s16  }
0x8e: {  	[smem:$0x3FB9] =	sst s2  }
0x8f: {  	_ = 	snop  }
0x90: {  	(tm) =	ssettm $0x1  }
0x91: {  	s17 =	sld [smem:$0x3FFB];
	_ =	sdelay $0x3  }
0x92: {  	_ =	strace s17  }
0x93: {  	s2 =	sld [smem:$0x3FFC];
	_ =	sdelay $0x3  }
0x94: {  	_ =	strace s2  }
0x95: {  	s2 =	sld [smem:$0x3FFD];
	_ =	sdelay $0x3  }
0x96: {  	_ =	strace s2  }
0x97: {  	_ =	strace $0x8FFFFFFF  }
0x98: {  	s18 =	sld [smem:$0x3FDB];
	_ =	sdelay $0x1  }
0x99: {  	s19 =	simm.s32 $_scs_section_size  }
0x9a: {  	s4 =	simm.s32 $_size__tile_overlayer_lowered;
	s5 =	simm.s32 $_tile_overlayer_lowered  }
0x9b: {  	s22 =	simm.s32 $0x1BFF;
	s21 =	sshll.u32 s5, $0x1;
	s2 =	sadd.s32 s19, s18  }
0x9c: {  	s6 =	simm.s32 $0x0;
	s20 =	sshll.u32 s4, $0x1;
	s4 =	sadd.s32 s21, s2  }
0x9d: {  	[timem:s6], [sflag:s22] =	dma.local [hbm:s4], s20  }
0x9e: {  	_ =	swait.ge [sflag:s22], s20  }
0x9f: {  	s3 =	ssub.s32 $0x0, s20;
	[sflag:s22] =	ssyncset.done $0x0  }
0xa0: {  	[sflag:s22] =	ssyncadd.s32 s3;
	_ =	sdelay $0x1  }
0xa1: {  	s23 =	simm.s32 $0x1B8B  }
0xa2: {  	_ =	swait.ge [sflag:s23], $0x1  }
0xa3: {  	[sflag:s23] =	ssyncset.done $0x0  }
0xa4: {  	s25 =	simm.s32 $0x1B8E;
	s24 =	sld [smem:$0x3FFE];
	[sflag:s23] =	ssyncadd.s32 $0xFFFFFFFF  }
0xa5: {  	s26 =	simm.s32 $execute0_lowered;
	[smem:$0x3FD2] =	sst s25  }
0xa6: {  	s4 =	sshll.u32 s26, $0x1;
	_ =	strace $0x8000004C;
	[dreg:$0x1] =	wrdreg $0xFFFFFFFF  }
0xa7: {  	s28 =	simm.s32 $_size_execute0_lowered;
	s2 =	sadd.s32 s2, s4;
	[dreg:$0x0] =	wrdreg $0x0  }
0xa8: {  	s4 =	sshll.u32 s28, $0x1;
	[dreg:$0x2] =	wrdreg s2  }
0xa9: {  	[dreg:$0x3] =	wrdreg s4  }
0xaa: {  	[dreg:$0x4] =	wrdreg $0xC0  }
0xab: {  	_ =	task [dreg:s6], $0x5FFFF  }
0xac: {  	[dreg:$0x1] =	wrdreg $0xFFFFFFFF  }
0xad: {  	[dreg:$0x0] =	wrdreg $0x60  }
0xae: {  	[dreg:$0x2] =	wrdreg s24  }
0xaf: {  	[dreg:$0x3] =	wrdreg $0xBC000  }
0xb0: {  	[dreg:$0x4] =	wrdreg $0x9  }
0xb1: {  	_ =	task.clear_ibuf [dreg:s6], $0x5FFFF;
	_ =	strace $0x9000004C  }
0xb2: {  	s29 =	simm.s32 $0x9;
	_ =	strace $0x8000004E  }
0xb3: {  	_ =	swait.ge [sflag:s29], $0x1  }
0xb4: {  	[sflag:s29] =	ssyncadd.s32 $0xFFFFFFFF  }
0xb5: {  	_ =	strace $0x9000004E  }
0xb6: {  	_ =	sfence  }
0xb7: {  	s30 =	sld [smem:$0x0];
	_ =	sdelay $0x2  }
0xb8: {  	s31 =	sshll.u32 s1, $0xD;
	s1 =	sshrl.u32 s1, $0x2  }
0xb9: {  	s3 =	sand.u32 $0x4000, s31;
	s1 =	sadd.s32 s1, s30  }
0xba: {  	s0 =	sor.u32 s3, s0;
	s1 =	sshll.u32 s1, $0x11  }
0xbb: {  	s0 =	sor.u32 s1, s0  }
0xbc: {  	s0 =	sadd.s32 $0x8F2B, s0  }
0xbd: {  	[sflag:s0] =	ssyncadd.remote.s32 $0x1  }
0xbe: {  	_ =	sfence.sel $0xFFFF  }
0xbf: {  	[dreg:$0x0] =	wrdreg $0xFFFFFFFF;
	(pc) =	sbr.abs _section_cstart, $3  }
0xc0: {  	[dreg:$0x1] =	wrdreg $0xFFFFFFFF  }
0xc1: {  	_ =	task.clear_ibuf [dreg:s6], $0x2FFFF;
	_ =	strace $0x9FFFFFFF  }
0xc2: {  	(tm) =	ssettm $0x7FFFFFFF  }
0xc3: {  	_ =	shalt  }
tec
execute0_lowered:
.L_overlay_start_1:
0x0: {  	(tag) =	ssettag $0x1  }
0x1: {  	s5 =	rddreg [dreg:$0x0]  }
0x2: {  	s1 =	rddreg [dreg:$0x1];
	s2 =	srdreg.scid  }
0x3: {  	s0 =	rddreg [dreg:$0x2];
	s3 =	simm.s32 $0x0;
	s13 =	simm.s32 $0x3  }
0x4: {  	s14 =	simm.s32 $0x1400;
	s15 =	simm.s32 $0x80;
	s16 =	simm.s32 $0x2800  }
0x5: {  	s17 =	simm.s32 $0x6800;
	s18 =	simm.s32 $0x1;
	s19 =	simm.s32 $0x2  }
0x6: {  	s20 =	simm.s32 $0x2700;
	s6 =	sand.u32 $0x1, s2;
	s2 =	stileid.u32  }
0x7: {  	s21 =	simm.s32 $0x2780;
	[smem:$0x7FF] =	sst s3;
	s8 =	smul.u32 $0x27100, s6  }
0x8: {  	s4 =	sshll.u32 s6, $0x4;
	_ =	strace $0x8000004D;
	s30 =	smul.u32 $0x5000, s2  }
0x9: {  	s6 =	ssub.s32 $0x2, s6;
	s10 =	ssub.s32 $0x109, s2;
	s12 =	smul.u32 $0xA000, s2  }
0xa: {  	s29 =	ssub.s32 $0x8C, s2;
	s23 =	smul.u32 $0x500, s2;
	s4 =	sor.u32 s2, s4  }
0xb: {  	s9 =	sshrl.u32 s6, $0x1;
	s7 =	smul.u32 $0x500, s4;
	s4 =	sadd.s32 $0x71C00, s5  }
0xc: {  	s11 =	sadd.s32 s8, s5;
	s9 =	ssub.s32 s6, s9;
	s8 =	sshrl.u32 s29, $0x4  }
0xd: {  	s31 =	sshrl.u32 s12, $0x2;
	s12 =	simm.s32 $0xA800;
	s22 =	sadd.s32 $0x98E00, s11  }
0xe: {  	s9 =	smax.u32 s9, $0x1;
	s11 =	sadd.s32 s31, s1;
	s7 =	sadd.s32 s7, s5  }
0xf: {  	s5 =	sshrl.u32 s10, $0x4;
	s10 =	sshrl.u32 s30, $0x2;
	s22 =	sadd.s32 s22, s23  }
0x10: {  	v0 =	vimm.f32 $0.0e+00;
	s6 =	sadd.s32 $0x19A00, s7;
	s7 =	sadd.s32 $0xFA00, s7;
	s10 =	sadd.s32 s10, s1  }
.LBB2_1:
0x11: {  	s23 =	simm.s32 $0x70;
	s24 =	simm.s32 $0x3C0  }
.LBB2_2:
0x12: {  	p0 =	sne.s32 s24, $0x4FC0;
	[tilespmem:s23+$0xA800] =	vst v0  }
0x13: {  	[tilespmem:s23+$0xA790] =	vst v0  }
0x14: {  	[tilespmem:s23+$0xA7A0] =	vst v0  }
.Ltmp0:
0x15: {  	[tilespmem:s23+$0xA7B0] =	vst v0;
	(pc) =	sbr.rel @p0 .LBB2_2-.Ltmp0, $4  }
0x16: {  	[tilespmem:s23+$0xA7C0] =	vst v0  }
0x17: {  	[tilespmem:s23+$0xA7D0] =	vst v0  }
0x18: {  	[tilespmem:s23+$0xA7E0] =	vst v0  }
0x19: {  	[tilespmem:s23+$0xA7F0] =	vst v0;
	s23 =	sshra.s32 s24, $0x2;
	s24 =	sadd.s32 $0x200, s24  }
0x1a: {  	[tilespmem:s23+$0xA800] =	vst v0  }
0x1b: {  	[tilespmem:s23+$0xA790] =	vst v0  }
0x1c: {  	[tilespmem:s23+$0xA7A0] =	vst v0  }
0x1d: {  	[tilespmem:s23+$0xA7B0] =	vst v0  }
0x1e: {  	[tilespmem:s23+$0xA7C0] =	vst v0  }
0x1f: {  	[tilespmem:s23+$0xA7D0] =	vst v0;
	p0 =	sne.s32 s5, $0x1  }
.Ltmp1:
0x20: {  	[tilespmem:s23+$0xA7E0] =	vst v0;
	(pc) =	sbr.rel @!p0 .LBB2_5-.Ltmp1, $4  }
0x21: {  	[tilespmem:s23+$0xA7F0] =	vst v0  }
0x22: {  	[spmem:s10] =	stream.linear.scatter [tilespmem:s12], [sflag:$0x3], $0x1400, $0x38;
	[tilespmem:$0x1F480] =	vst v63  }
0x23: {  	_ =	swait.ge [sflag:s13], $0x1400  }
0x24: {  	s23 =	sadd.s32 $0xFFFFFFFF, s5;
	s24 =	smov.u32 s10;
	[sflag:s13] =	ssyncset.done $0x0  }
.LBB2_4:
0x25: {  	p0 =	sne.s32 s23, $0x1;
	[sflag:s13] =	ssyncadd.s32 $0xFFFFEC00;
	s24 =	sadd.s32 $0x14000, s24  }
.Ltmp2:
0x26: {  	s23 =	sadd.s32 $0xFFFFFFFF, s23;
	(pc) =	sbr.rel @p0 .LBB2_4-.Ltmp2, $4  }
0x27: {  	_ = 	snop  }
0x28: {  	[spmem:s24] =	stream.linear.scatter [tilespmem:s12], [sflag:$0x3], $0x1400, $0x38;
	[tilespmem:$0x1F480] =	vst v63  }
0x29: {  	_ =	swait.ge [sflag:s13], $0x1400  }
0x2a: {  	[sflag:s13] =	ssyncset.done $0x0  }
.LBB2_5:
0x2b: {  	[sflag:s13] =	ssyncadd.s32 $0xFFFFEC00  }
0x2c: {  	s23 =	simm.s32 $0x0;
	[bflag:$0x0] =	sbarrier.arrive $0xFFFF  }
0x2d: {  	[tilespmem:s23], [sflag:$0x3] =	stream.linear.gather [hbm4b:s6+s23], $0x1400, $0x38;
	[tilespmem:$0x1F480] =	vst v63  }
0x2e: {  	_ =	swait.ge [sflag:s13], $0x1400  }
0x2f: {  	[sflag:s13] =	ssyncset.done $0x0  }
0x30: {  	[sflag:s13] =	ssyncadd.s32 $0xFFFFEC00  }
0x31: {  	[tilespmem:s14], [sflag:$0x3] =	stream.linear.gather [hbm4b:s7+s23], $0x1400, $0x38;
	[tilespmem:$0x1F480] =	vst v63  }
0x32: {  	_ =	swait.ge [sflag:s13], $0x1400  }
0x33: {  	[sflag:s13] =	ssyncset.done $0x0  }
0x34: {  	[sflag:s13] =	ssyncadd.s32 $0xFFFFEC00  }
0x35: {  	[tilespmem:s16], [sflag:$0x1] =	stream.indirect.gather [hbm4b:s4+s15], $0x80, s23, s15, $0xb8;
	[tilespmem:$0x1F480] =	vst v63  }
0x36: {  	_ = 	snop  }
0x37: {  	[tilespmem:s17], [sflag:$0x2] =	stream.indirect.gather [hbm4b:s4+s15], $0x80, s15, s15, $0xb8;
	[tilespmem:$0x1F480] =	vst v63  }
0x38: {  	_ =	swait.ge [sflag:s18], $0x4000  }
0x39: {  	[sflag:s18] =	ssyncset.done $0x0  }
0x3a: {  	s29 =	simm.s32 $0x1400;
	[sflag:s18] =	ssyncadd.s32 $0xFFFFC000  }
0x3b: {  	[spmem:s1] =	stream.indirect.scatter.add.f32 [tilespmem:s16], [sflag:$0x3], $0x80, s29, s15, $0xb8;
	[tilespmem:$0x1F480] =	vst v63  }
0x3c: {  	_ =	swait.ge [sflag:s13], $0x4000  }
0x3d: {  	[sflag:s13] =	ssyncset.done $0x0  }
0x3e: {  	s30 =	simm.s32 $0x100;
	[sflag:s13] =	ssyncadd.s32 $0xFFFFC000  }
0x3f: {  	[tilespmem:s16], [sflag:$0x1] =	stream.indirect.gather [hbm4b:s4+s15], $0x80, s30, s15, $0xb8;
	[tilespmem:$0x1F480] =	vst v63  }
0x40: {  	_ =	swait.ge [sflag:s19], $0x4000  }
0x41: {  	[sflag:s19] =	ssyncset.done $0x0  }
0x42: {  	s31 =	simm.s32 $0x1480;
	[sflag:s19] =	ssyncadd.s32 $0xFFFFC000  }
0x43: {  	[spmem:s1] =	stream.indirect.scatter.add.f32 [tilespmem:s17], [sflag:$0x3], $0x80, s31, s15, $0xb8;
	[tilespmem:$0x1F480] =	vst v63  }
0x44: {  	_ =	swait.ge [sflag:s13], $0x4000  }
0x45: {  	[sflag:s13] =	ssyncset.done $0x0  }
0x46: {  	s24 =	simm.s32 $0x180;
	s23 =	simm.s32 $0x400;
	[sflag:s13] =	ssyncadd.s32 $0xFFFFC000  }
.LBB2_6:
0x47: {  	[tilespmem:s17], [sflag:$0x2] =	stream.indirect.gather [hbm4b:s4+s15], $0x80, s24, s15, $0xb8;
	[tilespmem:$0x1F480] =	vst v63  }
0x48: {  	s24 =	smov.u32 s23  }
0x49: {  	p0 =	sne.s32 s23, $0x4800;
	s23 =	sadd.s32 $0x400, s23;
	_ =	swait.ge [sflag:s18], $0x4000  }
0x4a: {  	s24 =	sshra.s32 s24, $0x2;
	[sflag:s18] =	ssyncset.done $0x0  }
0x4b: {  	s25 =	sadd.s32 $0x1400, s24;
	[sflag:s18] =	ssyncadd.s32 $0xFFFFC000  }
0x4c: {  	[spmem:s1] =	stream.indirect.scatter.add.f32 [tilespmem:s16], [sflag:$0x3], $0x80, s25, s15, $0xb8;
	[tilespmem:$0x1F480] =	vst v63  }
0x4d: {  	_ =	swait.ge [sflag:s13], $0x4000  }
0x4e: {  	[sflag:s13] =	ssyncset.done $0x0  }
0x4f: {  	s25 =	sadd.s32 $0x100, s24;
	[sflag:s13] =	ssyncadd.s32 $0xFFFFC000  }
0x50: {  	[tilespmem:s16], [sflag:$0x1] =	stream.indirect.gather [hbm4b:s4+s15], $0x80, s25, s15, $0xb8;
	[tilespmem:$0x1F480] =	vst v63  }
0x51: {  	_ =	swait.ge [sflag:s19], $0x4000  }
0x52: {  	[sflag:s19] =	ssyncset.done $0x0  }
.Ltmp3:
0x53: {  	s25 =	sadd.s32 $0x1480, s24;
	[sflag:s19] =	ssyncadd.s32 $0xFFFFC000;
	(pc) =	sbr.rel @p0 .LBB2_6-.Ltmp3, $4  }
0x54: {  	[spmem:s1] =	stream.indirect.scatter.add.f32 [tilespmem:s17], [sflag:$0x3], $0x80, s25, s15, $0xb8;
	[tilespmem:$0x1F480] =	vst v63  }
0x55: {  	_ =	swait.ge [sflag:s13], $0x4000  }
0x56: {  	[sflag:s13] =	ssyncset.done $0x0  }
0x57: {  	s24 =	sadd.s32 $0x180, s24;
	[sflag:s13] =	ssyncadd.s32 $0xFFFFC000  }
0x58: {  	[tilespmem:s17], [sflag:$0x2] =	stream.indirect.gather [hbm4b:s4+s15], $0x80, s24, s15, $0xb8;
	[tilespmem:$0x1F480] =	vst v63  }
0x59: {  	_ =	swait.ge [sflag:s18], $0x4000  }
0x5a: {  	[sflag:s18] =	ssyncset.done $0x0  }
0x5b: {  	[sflag:s18] =	ssyncadd.s32 $0xFFFFC000  }
0x5c: {  	[spmem:s1] =	stream.indirect.scatter.add.f32 [tilespmem:s16], [sflag:$0x3], $0x80, s20, s15, $0xb8;
	[tilespmem:$0x1F480] =	vst v63  }
0x5d: {  	_ =	swait.ge [sflag:s13], $0x4000  }
0x5e: {  	[sflag:s13] =	ssyncset.done $0x0  }
0x5f: {  	[sflag:s13] =	ssyncadd.s32 $0xFFFFC000  }
0x60: {  	_ =	swait.ge [sflag:s19], $0x4000  }
0x61: {  	[sflag:s19] =	ssyncset.done $0x0  }
0x62: {  	[sflag:s19] =	ssyncadd.s32 $0xFFFFC000  }
0x63: {  	[spmem:s1] =	stream.indirect.scatter.add.f32 [tilespmem:s17], [sflag:$0x3], $0x80, s21, s15, $0xb8;
	[tilespmem:$0x1F480] =	vst v63  }
0x64: {  	_ =	swait.ge [sflag:s13], $0x4000  }
0x65: {  	[sflag:s13] =	ssyncset.done $0x0  }
0x66: {  	s23 =	sadd.s32 $0x280, s6;
	s26 =	simm.s32 $0x0;
	[sflag:s13] =	ssyncadd.s32 $0xFFFFC000  }
0x67: {  	[tilespmem:s26], [sflag:$0x3] =	stream.linear.gather [hbm4b:s23+s26], $0x1400, $0x38;
	[tilespmem:$0x1F480] =	vst v63  }
0x68: {  	_ =	swait.ge [sflag:s13], $0x1400  }
0x69: {  	[sflag:s13] =	ssyncset.done $0x0  }
0x6a: {  	s28 =	sadd.s32 $0x280, s7;
	[sflag:s13] =	ssyncadd.s32 $0xFFFFEC00  }
0x6b: {  	[tilespmem:s14], [sflag:$0x3] =	stream.linear.gather [hbm4b:s28+s26], $0x1400, $0x38;
	[tilespmem:$0x1F480] =	vst v63  }
0x6c: {  	_ =	swait.ge [sflag:s13], $0x1400  }
0x6d: {  	[sflag:s13] =	ssyncset.done $0x0  }
0x6e: {  	[sflag:s13] =	ssyncadd.s32 $0xFFFFEC00  }
0x6f: {  	[tilespmem:s16], [sflag:$0x1] =	stream.indirect.gather [hbm4b:s4+s15], $0x80, s26, s15, $0xb8;
	[tilespmem:$0x1F480] =	vst v63  }
0x70: {  	_ = 	snop  }
0x71: {  	[tilespmem:s17], [sflag:$0x2] =	stream.indirect.gather [hbm4b:s4+s15], $0x80, s15, s15, $0xb8;
	[tilespmem:$0x1F480] =	vst v63  }
0x72: {  	_ =	swait.ge [sflag:s18], $0x4000  }
0x73: {  	[sflag:s18] =	ssyncset.done $0x0  }
0x74: {  	s29 =	simm.s32 $0x1400;
	[sflag:s18] =	ssyncadd.s32 $0xFFFFC000  }
0x75: {  	[spmem:s1] =	stream.indirect.scatter.add.f32 [tilespmem:s16], [sflag:$0x3], $0x80, s29, s15, $0xb8;
	[tilespmem:$0x1F480] =	vst v63  }
0x76: {  	_ =	swait.ge [sflag:s13], $0x4000  }
0x77: {  	[sflag:s13] =	ssyncset.done $0x0  }
0x78: {  	s30 =	simm.s32 $0x100;
	[sflag:s13] =	ssyncadd.s32 $0xFFFFC000  }
0x79: {  	[tilespmem:s16], [sflag:$0x1] =	stream.indirect.gather [hbm4b:s4+s15], $0x80, s30, s15, $0xb8;
	[tilespmem:$0x1F480] =	vst v63  }
0x7a: {  	_ =	swait.ge [sflag:s19], $0x4000  }
0x7b: {  	[sflag:s19] =	ssyncset.done $0x0  }
0x7c: {  	s31 =	simm.s32 $0x1480;
	[sflag:s19] =	ssyncadd.s32 $0xFFFFC000  }
0x7d: {  	[spmem:s1] =	stream.indirect.scatter.add.f32 [tilespmem:s17], [sflag:$0x3], $0x80, s31, s15, $0xb8;
	[tilespmem:$0x1F480] =	vst v63  }
0x7e: {  	_ =	swait.ge [sflag:s13], $0x4000  }
0x7f: {  	[sflag:s13] =	ssyncset.done $0x0  }
0x80: {  	s24 =	simm.s32 $0x180;
	s23 =	simm.s32 $0x400;
	[sflag:s13] =	ssyncadd.s32 $0xFFFFC000  }
.LBB2_8:
0x81: {  	[tilespmem:s17], [sflag:$0x2] =	stream.indirect.gather [hbm4b:s4+s15], $0x80, s24, s15, $0xb8;
	[tilespmem:$0x1F480] =	vst v63  }
0x82: {  	s24 =	smov.u32 s23  }
0x83: {  	p0 =	sne.s32 s23, $0x4800;
	s23 =	sadd.s32 $0x400, s23;
	_ =	swait.ge [sflag:s18], $0x4000  }
0x84: {  	s24 =	sshra.s32 s24, $0x2;
	[sflag:s18] =	ssyncset.done $0x0  }
0x85: {  	s25 =	sadd.s32 $0x1400, s24;
	[sflag:s18] =	ssyncadd.s32 $0xFFFFC000  }
0x86: {  	[spmem:s1] =	stream.indirect.scatter.add.f32 [tilespmem:s16], [sflag:$0x3], $0x80, s25, s15, $0xb8;
	[tilespmem:$0x1F480] =	vst v63  }
0x87: {  	_ =	swait.ge [sflag:s13], $0x4000  }
0x88: {  	[sflag:s13] =	ssyncset.done $0x0  }
0x89: {  	s25 =	sadd.s32 $0x100, s24;
	[sflag:s13] =	ssyncadd.s32 $0xFFFFC000  }
0x8a: {  	[tilespmem:s16], [sflag:$0x1] =	stream.indirect.gather [hbm4b:s4+s15], $0x80, s25, s15, $0xb8;
	[tilespmem:$0x1F480] =	vst v63  }
0x8b: {  	_ =	swait.ge [sflag:s19], $0x4000  }
0x8c: {  	[sflag:s19] =	ssyncset.done $0x0  }
.Ltmp4:
0x8d: {  	s25 =	sadd.s32 $0x1480, s24;
	[sflag:s19] =	ssyncadd.s32 $0xFFFFC000;
	(pc) =	sbr.rel @p0 .LBB2_8-.Ltmp4, $4  }
0x8e: {  	[spmem:s1] =	stream.indirect.scatter.add.f32 [tilespmem:s17], [sflag:$0x3], $0x80, s25, s15, $0xb8;
	[tilespmem:$0x1F480] =	vst v63  }
0x8f: {  	_ =	swait.ge [sflag:s13], $0x4000  }
0x90: {  	[sflag:s13] =	ssyncset.done $0x0  }
0x91: {  	s24 =	sadd.s32 $0x180, s24;
	[sflag:s13] =	ssyncadd.s32 $0xFFFFC000  }
0x92: {  	[tilespmem:s17], [sflag:$0x2] =	stream.indirect.gather [hbm4b:s4+s15], $0x80, s24, s15, $0xb8;
	[tilespmem:$0x1F480] =	vst v63  }
0x93: {  	_ =	swait.ge [sflag:s18], $0x4000  }
0x94: {  	[sflag:s18] =	ssyncset.done $0x0  }
0x95: {  	[sflag:s18] =	ssyncadd.s32 $0xFFFFC000  }
0x96: {  	[spmem:s1] =	stream.indirect.scatter.add.f32 [tilespmem:s16], [sflag:$0x3], $0x80, s20, s15, $0xb8;
	[tilespmem:$0x1F480] =	vst v63  }
0x97: {  	_ =	swait.ge [sflag:s13], $0x4000  }
0x98: {  	[sflag:s13] =	ssyncset.done $0x0  }
0x99: {  	[sflag:s13] =	ssyncadd.s32 $0xFFFFC000  }
0x9a: {  	_ =	swait.ge [sflag:s19], $0x4000  }
0x9b: {  	[sflag:s19] =	ssyncset.done $0x0  }
0x9c: {  	[sflag:s19] =	ssyncadd.s32 $0xFFFFC000  }
0x9d: {  	[spmem:s1] =	stream.indirect.scatter.add.f32 [tilespmem:s17], [sflag:$0x3], $0x80, s21, s15, $0xb8;
	[tilespmem:$0x1F480] =	vst v63  }
0x9e: {  	p0 =	sne.s32 s8, $0x1;
	_ =	swait.ge [sflag:s13], $0x4000  }
.Ltmp5:
0x9f: {  	[sflag:s13] =	ssyncset.done $0x0;
	(pc) =	sbr.rel @!p0 .LBB2_11-.Ltmp5, $4  }
0xa0: {  	s23 =	sshll.u32 s2, $0x6;
	s31 =	sshrl.u32 s11, $0x3;
	[sflag:s13] =	ssyncadd.s32 $0xFFFFC000  }
0xa1: {  	s24 =	sadd.s32 $0xFFFFFFFF, s8;
	s23 =	sor.u32 $0x1C03, s23;
	[bflag:$0x0] =	sbarrier.arrive $0xFFFF  }
0xa2: {  	[hbm:s22], [sflag:s23] =	dma.local [spmem:s31], $0x500  }
0xa3: {  	s25 =	sadd.s32 $0x5000, s22;
	s26 =	smov.u32 s11;
	_ =	swait.ge [sflag:s13], $0x500  }
.LBB2_10:
0xa4: {  	[sflag:s13] =	ssyncset.done $0x0;
	s26 =	sadd.s32 $0x28000, s26;
	p0 =	sne.s32 s24, $0x1  }
.Ltmp6:
0xa5: {  	s28 =	sshrl.u32 s26, $0x3;
	[sflag:s13] =	ssyncadd.s32 $0xFFFFFB00;
	(pc) =	sbr.rel @p0 .LBB2_10-.Ltmp6, $3  }
0xa6: {  	[hbm:s25], [sflag:s23] =	dma.local [spmem:s28], $0x500  }
0xa7: {  	s24 =	sadd.s32 $0xFFFFFFFF, s24;
	_ =	sdelay $0x1  }
0xa8: {  	s25 =	sadd.s32 $0x5000, s25;
	_ =	swait.ge [sflag:s13], $0x500  }
.LBB2_11:
0xa9: {  	s3 =	sadd.s32 $0x1, s3  }
0xaa: {  	p0 =	sne.s32 s3, s9  }
.Ltmp7:
0xab: {  	_ = 	snop;
	(pc) =	sbr.rel @p0 .LBB2_1-.Ltmp7, $3  }
0xac: {  	_ =	sdelay $0x1  }
0xad: {  	[sflag:s13] =	ssyncset.done $0x0  }
0xae: {  	[sflag:s13] =	ssyncadd.s32 $0xFFFFFB00  }
0xaf: {  	_ =	sfence.sel $0x180000  }
0xb0: {  	[bflag:$0x0] =	sbarrier.arrive $0xFFFF  }
0xb1: {  	p0 =	sne.s32 s2, $0x0;
	_ =	strace $0x9000004D  }
0xb2: {  	s0 =	sadd.s32 @!p0 $0x100000, s0;
	[bflag:$0x2] =	sbarrier.arrive $0xFFFF  }
0xb3: {  	[sflag:s0] =	ssyncadd.tile.s32 @!p0 $0x1;
	_ =	shalt  }
.Lfunc_end2:
_tile_overlayer_lowered:
.L_overlay_start_2:
0xb4: {  	(tag) =	ssettag $0x2  }
0xb5: {  	s0 =	rddreg [dreg:$0x0];
	s2 =	stileid.u32  }
0xb6: {  	s1 =	rddreg [dreg:$0x1];
	p0 =	sne.s32 s2, $0x0  }
0xb7: {  	s3 =	rddreg [dreg:$0x2];
	[bflag:$0x3] =	sbarrier.arrive $0xFFFF;
	s2 =	simm.s32 @!p0 $0x1C03  }
0xb8: {  	[timem:s3], [sflag:s2] =	dma.local @!p0 [hbm:s0], s1  }
0xb9: {  	s0 =	simm.s32 @!p0 $0x3  }
0xba: {  	_ =	swait.ge @!p0 [sflag:s0], s1  }
0xbb: {  	s1 =	ssub.s32 @!p0 $0x0, s1;
	[sflag:s0] =	ssyncset.done @!p0 $0x0  }
0xbc: {  	[sflag:s0] =	ssyncadd.s32 @!p0 s1  }
0xbd: {  	[bflag:$0x3] =	sbarrier.arrive $0xFFFF  }
0xbe: {  	_ =	shalt  }

// kernel: kernel.22.cloned.1.call-start
scs
__scs_entry_jumppad:
0x0: {  	(pc) =	sbr.rel $0x88, $3  }
0x1: {  	(tag) =	ssettag $0x0;
	lr =	simm.s32 $0x1  }
0x2: {  	[smem:$0x3F92] =	sst lr;
	_ =	strace $0xD0000000  }
0x3: {  	_ = 	snop  }
0x4: {  	_ = 	snop  }
0x5: {  	_ = 	snop  }
0x6: {  	_ = 	snop  }
0x7: {  	_ = 	snop  }
__scs_overlays_trampoline_lowered:
0x8: {  	[smem:$0x3FA1] =	sst s0  }
0x9: {  	[smem:$0x3FA2] =	sst s1  }
0xa: {  	[smem:$0x3FA3] =	sst s2  }
0xb: {  	[smem:$0x3FA4] =	sst s3  }
0xc: {  	[smem:$0x3FA5] =	sst s4  }
0xd: {  	[smem:$0x3FA6] =	sst s5  }
0xe: {  	[smem:$0x3FA7] =	sst s6  }
0xf: {  	[smem:$0x3FA8] =	sst s7  }
0x10: {  	[smem:$0x3FA9] =	sst s8  }
0x11: {  	[smem:$0x3FAA] =	sst s9;
	s0 =	simm.s32 @!p0 $0x0  }
0x12: {  	s1 =	sld [smem:$0x3F90];
	s0 =	simm.s32 @p0 $0x1  }
0x13: {  	[smem:$0x3FAB] =	sst s0;
	s0 =	simm.s32 @!p1 $0x0  }
0x14: {  	s2 =	sld [smem:$0x3F8F];
	s0 =	simm.s32 @p1 $0x1  }
0x15: {  	[smem:$0x3FAC] =	sst s0;
	s0 =	simm.s32 @!p2 $0x0  }
0x16: {  	s3 =	sld [smem:$0x3FDB];
	s0 =	simm.s32 @p2 $0x1  }
0x17: {  	s4 =	simm.s32 $0x1BF5;
	[smem:$0x3FAE] =	sst s0  }
0x18: {  	s0 =	sld [smem:$0x3F91];
	_ =	swait.ge [sflag:s4], $0x0  }
0x19: {  	s7 =	sld [smem:$0x3F92]  }
0x1a: {  	s8 =	sadd.s32 $0xFFFFE003, lr  }
0x1b: {  	s9 =	sadd.s32 $0xFFFFFEF7, lr;
	s5 =	simm.s32 $0xFFFFFFFF;
	p2 =	slt.u32 s8, $0xFFFFF086  }
0x1c: {  	p1 =	slt.u32 s9, $0xF7A;
	s5 =	simm.s32 @!p2 $0x0  }
0x1d: {  	s5 =	simm.s32 @p1 $0x1;
	p0 =	seq.s32 s7, s2  }
0x1e: {  	s7 =	smul.u32 @!p0 $0xF7A, s2;
	p2 =	seq.s32 @!p0 s5, $0x0  }
0x1f: {  	s9 =	smul.u32 $0xF7A, s1;
	s8 =	simm.s32 @!p0 $0x1BF5;
	p2 =	por !p2, p0  }
0x20: {  	[sflag:s8] =	ssyncset.s32 @!p0 $0xFFFFF086;
	s6 =	sadd.s32 @!p0 s3, s7;
	s7 =	simm.s32 @!p0 $0x108  }
0x21: {  	s3 =	sadd.s32 s3, s9;
	s6 =	sadd.s32 @!p0 $0x88, s6;
	s7 =	simm.s32 @p2 $0x1082  }
0x22: {  	[simem:s7], [sflag:s8] =	dma.local @!p0 [hbm:s6], $0xF7A  }
0x23: {  	s9 =	sor.u32 $0xD0000000, s2;
	s6 =	simm.s32 $0x108;
	_ =	swait.ge @!p0 [sflag:s8], $0x0  }
0x24: {  	s3 =	sadd.s32 $0x88, s3;
	s6 =	simm.s32 @!p1 $0x1082;
	[sflag:s4] =	ssyncset.s32 $0xFFFFF086  }
0x25: {  	[simem:s6], [sflag:s4] =	dma.local [hbm:s3], $0xF7A  }
0x26: {  	[smem:$0x3F92] =	sst s1;
	(tag) =	ssettag s2;
	_ =	strace s9  }
0x27: {  	s1 =	sld [smem:$0x3FA2]  }
0x28: {  	s2 =	sld [smem:$0x3FA3]  }
0x29: {  	s4 =	sld [smem:$0x3FA5]  }
0x2a: {  	p0 =	seq.s32 s5, $0x0;
	s5 =	sld [smem:$0x3FA6]  }
0x2b: {  	s6 =	sld [smem:$0x3FA7]  }
0x2c: {  	s7 =	sld [smem:$0x3FA8]  }
0x2d: {  	s3 =	simm.s32 $0x108;
	s8 =	sld [smem:$0x3FA9]  }
0x2e: {  	s3 =	simm.s32 @!p0 $0x1082;
	s9 =	sld [smem:$0x3FAA]  }
0x2f: {  	lr =	sadd.s32 s0, s3;
	s0 =	sld [smem:$0x3FA1]  }
0x30: {  	s3 =	sld [smem:$0x3FA4]  }
0x31: {  	[smem:$0x3FAD] =	sst s10  }
0x32: {  	s10 =	sld [smem:$0x3FAB];
	_ =	sdelay $0x3  }
0x33: {  	p0 =	seq.s32 s10, $0x1;
	s10 =	sld [smem:$0x3FAD];
	_ =	sdelay $0x3  }
0x34: {  	[smem:$0x3FAD] =	sst s10  }
0x35: {  	s10 =	sld [smem:$0x3FAC];
	_ =	sdelay $0x3  }
0x36: {  	p1 =	seq.s32 s10, $0x1;
	s10 =	sld [smem:$0x3FAD];
	_ =	sdelay $0x3  }
0x37: {  	[smem:$0x3FAD] =	sst s10  }
0x38: {  	s10 =	sld [smem:$0x3FAE]  }
0x39: {  	_ = 	snop;
	(pc) =	sbr.ind lr, $3  }
0x3a: {  	_ = 	snop  }
0x3b: {  	_ = 	snop  }
0x3c: {  	p2 =	seq.s32 s10, $0x1;
	s10 =	sld [smem:$0x3FAD]  }
0x3d: {  	_ =	shalt  }
0x3e: {  	_ =	shalt  }
0x3f: {  	_ =	shalt  }
0x40: {  	_ =	shalt  }
0x41: {  	_ =	shalt  }
0x42: {  	_ =	shalt  }
0x43: {  	_ =	shalt  }
0x44: {  	_ =	shalt  }
0x45: {  	_ =	shalt  }
0x46: {  	_ =	shalt  }
0x47: {  	_ =	shalt  }
0x48: {  	_ =	shalt  }
0x49: {  	_ =	shalt  }
0x4a: {  	_ =	shalt  }
0x4b: {  	_ =	shalt  }
0x4c: {  	_ =	shalt  }
0x4d: {  	_ =	shalt  }
0x4e: {  	_ =	shalt  }
0x4f: {  	_ =	shalt  }
0x50: {  	_ =	shalt  }
0x51: {  	_ =	shalt  }
0x52: {  	_ =	shalt  }
0x53: {  	_ =	shalt  }
0x54: {  	_ =	shalt  }
0x55: {  	_ =	shalt  }
0x56: {  	_ =	shalt  }
0x57: {  	_ =	shalt  }
0x58: {  	_ =	shalt  }
0x59: {  	_ =	shalt  }
0x5a: {  	_ =	shalt  }
0x5b: {  	_ =	shalt  }
0x5c: {  	_ =	shalt  }
0x5d: {  	_ =	shalt  }
0x5e: {  	_ =	shalt  }
0x5f: {  	_ =	shalt  }
0x60: {  	_ =	shalt  }
0x61: {  	_ =	shalt  }
0x62: {  	_ =	shalt  }
0x63: {  	_ =	shalt  }
0x64: {  	_ =	shalt  }
0x65: {  	_ =	shalt  }
0x66: {  	_ =	shalt  }
0x67: {  	_ =	shalt  }
0x68: {  	_ =	shalt  }
0x69: {  	_ =	shalt  }
0x6a: {  	_ =	shalt  }
0x6b: {  	_ =	shalt  }
0x6c: {  	_ =	shalt  }
0x6d: {  	_ =	shalt  }
0x6e: {  	_ =	shalt  }
0x6f: {  	_ =	shalt  }
0x70: {  	_ =	shalt  }
0x71: {  	_ =	shalt  }
0x72: {  	_ =	shalt  }
0x73: {  	_ =	shalt  }
0x74: {  	_ =	shalt  }
0x75: {  	_ =	shalt  }
0x76: {  	_ =	shalt  }
0x77: {  	_ =	shalt  }
0x78: {  	_ =	shalt  }
0x79: {  	_ =	shalt  }
0x7a: {  	_ =	shalt  }
0x7b: {  	_ =	shalt  }
0x7c: {  	_ =	shalt  }
0x7d: {  	_ =	shalt  }
0x7e: {  	_ =	shalt  }
0x7f: {  	_ =	shalt  }
0x80: {  	_ =	shalt  }
0x81: {  	_ =	shalt  }
0x82: {  	_ =	shalt  }
0x83: {  	_ =	shalt  }
0x84: {  	_ =	shalt  }
0x85: {  	_ =	shalt  }
0x86: {  	_ =	shalt  }
0x87: {  	_ =	shalt  }
.Lfunc_end0:
.L_simem_size_0:
called_computation.3_lowered:
.L_overlay_start_0:
0x88: {  	s2 =	sld [smem:$0x3FD9]  }
0x89: {  	s3 =	sld [smem:$0x3FFE];
	_ =	sdelay $0x1  }
0x8a: {  	s1 =	srdreg.scid  }
0x8b: {  	s0 =	sand.u32 $0x1, s1  }
0x8c: {  	s16 =	sshll.u32 s0, $0xA;
	s2 =	sadd.s32 s3, s2  }
0x8d: {  	s2 =	sadd.s32 s2, s16  }
0x8e: {  	[smem:$0x3FB9] =	sst s2  }
0x8f: {  	_ = 	snop  }
0x90: {  	(tm) =	ssettm $0x1  }
0x91: {  	s17 =	sld [smem:$0x3FFB];
	_ =	sdelay $0x3  }
0x92: {  	_ =	strace s17  }
0x93: {  	s2 =	sld [smem:$0x3FFC];
	_ =	sdelay $0x3  }
0x94: {  	_ =	strace s2  }
0x95: {  	s2 =	sld [smem:$0x3FFD];
	_ =	sdelay $0x3  }
0x96: {  	_ =	strace s2  }
0x97: {  	_ =	strace $0x8FFFFFFF  }
0x98: {  	s18 =	sld [smem:$0x3FDB];
	_ =	sdelay $0x1  }
0x99: {  	s19 =	simm.s32 $_scs_section_size  }
0x9a: {  	s4 =	simm.s32 $_size__tile_overlayer_lowered;
	s5 =	simm.s32 $_tile_overlayer_lowered  }
0x9b: {  	s22 =	simm.s32 $0x1BFF;
	s21 =	sshll.u32 s5, $0x1;
	s2 =	sadd.s32 s19, s18  }
0x9c: {  	s6 =	simm.s32 $0x0;
	s20 =	sshll.u32 s4, $0x1;
	s4 =	sadd.s32 s21, s2  }
0x9d: {  	[timem:s6], [sflag:s22] =	dma.local [hbm:s4], s20  }
0x9e: {  	_ =	swait.ge [sflag:s22], s20  }
0x9f: {  	s3 =	ssub.s32 $0x0, s20;
	[sflag:s22] =	ssyncset.done $0x0  }
0xa0: {  	[sflag:s22] =	ssyncadd.s32 s3;
	_ =	sdelay $0x1  }
0xa1: {  	s23 =	simm.s32 $0x1B8B  }
0xa2: {  	_ =	swait.ge [sflag:s23], $0x1  }
0xa3: {  	[sflag:s23] =	ssyncset.done $0x0  }
0xa4: {  	s25 =	simm.s32 $0x1B8E;
	s24 =	sld [smem:$0x3FFE];
	[sflag:s23] =	ssyncadd.s32 $0xFFFFFFFF  }
0xa5: {  	s26 =	simm.s32 $execute0_lowered;
	[smem:$0x3FD2] =	sst s25  }
0xa6: {  	s4 =	sshll.u32 s26, $0x1;
	_ =	strace $0x8000004F;
	[dreg:$0x1] =	wrdreg $0xFFFFFFFF  }
0xa7: {  	s28 =	simm.s32 $_size_execute0_lowered;
	s2 =	sadd.s32 s2, s4;
	[dreg:$0x0] =	wrdreg $0x0  }
0xa8: {  	s4 =	sshll.u32 s28, $0x1;
	[dreg:$0x2] =	wrdreg s2  }
0xa9: {  	[dreg:$0x3] =	wrdreg s4  }
0xaa: {  	[dreg:$0x4] =	wrdreg $0xC0  }
0xab: {  	_ =	task [dreg:s6], $0x5FFFF  }
0xac: {  	[dreg:$0x1] =	wrdreg $0xFFFFFFFF  }
0xad: {  	[dreg:$0x0] =	wrdreg $0x60  }
0xae: {  	[dreg:$0x2] =	wrdreg s24  }
0xaf: {  	[dreg:$0x3] =	wrdreg $0xBC000  }
0xb0: {  	[dreg:$0x4] =	wrdreg $0x9  }
0xb1: {  	_ =	task.clear_ibuf [dreg:s6], $0x5FFFF;
	_ =	strace $0x9000004F  }
0xb2: {  	s29 =	simm.s32 $0x9;
	_ =	strace $0x80000051  }
0xb3: {  	_ =	swait.ge [sflag:s29], $0x1  }
0xb4: {  	[sflag:s29] =	ssyncadd.s32 $0xFFFFFFFF  }
0xb5: {  	_ =	strace $0x90000051  }
0xb6: {  	_ =	sfence  }
0xb7: {  	s30 =	sld [smem:$0x0];
	_ =	sdelay $0x2  }
0xb8: {  	s31 =	sshll.u32 s1, $0xD;
	s1 =	sshrl.u32 s1, $0x2  }
0xb9: {  	s3 =	sand.u32 $0x4000, s31;
	s1 =	sadd.s32 s1, s30  }
0xba: {  	s0 =	sor.u32 s3, s0;
	s1 =	sshll.u32 s1, $0x11  }
0xbb: {  	s0 =	sor.u32 s1, s0  }
0xbc: {  	s0 =	sadd.s32 $0x8F2B, s0  }
0xbd: {  	[sflag:s0] =	ssyncadd.remote.s32 $0x1  }
0xbe: {  	_ =	sfence.sel $0xFFFF  }
0xbf: {  	[dreg:$0x0] =	wrdreg $0xFFFFFFFF;
	(pc) =	sbr.abs _section_cstart, $3  }
0xc0: {  	[dreg:$0x1] =	wrdreg $0xFFFFFFFF  }
0xc1: {  	_ =	task.clear_ibuf [dreg:s6], $0x2FFFF;
	_ =	strace $0x9FFFFFFF  }
0xc2: {  	(tm) =	ssettm $0x7FFFFFFF  }
0xc3: {  	_ =	shalt  }
tec
execute0_lowered:
.L_overlay_start_1:
0x0: {  	(tag) =	ssettag $0x1  }
0x1: {  	s5 =	rddreg [dreg:$0x0]  }
0x2: {  	s1 =	rddreg [dreg:$0x1];
	s2 =	srdreg.scid  }
0x3: {  	s0 =	rddreg [dreg:$0x2];
	s3 =	simm.s32 $0x0;
	s13 =	simm.s32 $0x3  }
0x4: {  	s14 =	simm.s32 $0x1400;
	s15 =	simm.s32 $0x80;
	s16 =	simm.s32 $0x2800  }
0x5: {  	s17 =	simm.s32 $0x6800;
	s18 =	simm.s32 $0x1;
	s19 =	simm.s32 $0x2  }
0x6: {  	s20 =	simm.s32 $0x2700;
	s6 =	sand.u32 $0x1, s2;
	s2 =	stileid.u32  }
0x7: {  	s21 =	simm.s32 $0x2780;
	[smem:$0x7FF] =	sst s3;
	s8 =	smul.u32 $0x27100, s6  }
0x8: {  	s4 =	sshll.u32 s6, $0x4;
	_ =	strace $0x80000050;
	s30 =	smul.u32 $0x5000, s2  }
0x9: {  	s6 =	ssub.s32 $0x2, s6;
	s10 =	ssub.s32 $0x109, s2;
	s12 =	smul.u32 $0xA000, s2  }
0xa: {  	s29 =	ssub.s32 $0x8C, s2;
	s23 =	smul.u32 $0x500, s2;
	s4 =	sor.u32 s2, s4  }
0xb: {  	s9 =	sshrl.u32 s6, $0x1;
	s7 =	smul.u32 $0x500, s4;
	s4 =	sadd.s32 $0x71C00, s5  }
0xc: {  	s11 =	sadd.s32 s8, s5;
	s9 =	ssub.s32 s6, s9;
	s8 =	sshrl.u32 s29, $0x4  }
0xd: {  	s31 =	sshrl.u32 s12, $0x2;
	s12 =	simm.s32 $0xA800;
	s22 =	sadd.s32 $0x98E00, s11  }
0xe: {  	s9 =	smax.u32 s9, $0x1;
	s11 =	sadd.s32 s31, s1;
	s7 =	sadd.s32 s7, s5  }
0xf: {  	s5 =	sshrl.u32 s10, $0x4;
	s10 =	sshrl.u32 s30, $0x2;
	s22 =	sadd.s32 s22, s23  }
0x10: {  	v0 =	vimm.f32 $0.0e+00;
	s6 =	sadd.s32 $0x19A00, s7;
	s7 =	sadd.s32 $0xFA00, s7;
	s10 =	sadd.s32 s10, s1  }
.LBB2_1:
0x11: {  	s23 =	simm.s32 $0x70;
	s24 =	simm.s32 $0x3C0  }
.LBB2_2:
0x12: {  	p0 =	sne.s32 s24, $0x4FC0;
	[tilespmem:s23+$0xA800] =	vst v0  }
0x13: {  	[tilespmem:s23+$0xA790] =	vst v0  }
0x14: {  	[tilespmem:s23+$0xA7A0] =	vst v0  }
.Ltmp0:
0x15: {  	[tilespmem:s23+$0xA7B0] =	vst v0;
	(pc) =	sbr.rel @p0 .LBB2_2-.Ltmp0, $4  }
0x16: {  	[tilespmem:s23+$0xA7C0] =	vst v0  }
0x17: {  	[tilespmem:s23+$0xA7D0] =	vst v0  }
0x18: {  	[tilespmem:s23+$0xA7E0] =	vst v0  }
0x19: {  	[tilespmem:s23+$0xA7F0] =	vst v0;
	s23 =	sshra.s32 s24, $0x2;
	s24 =	sadd.s32 $0x200, s24  }
0x1a: {  	[tilespmem:s23+$0xA800] =	vst v0  }
0x1b: {  	[tilespmem:s23+$0xA790] =	vst v0  }
0x1c: {  	[tilespmem:s23+$0xA7A0] =	vst v0  }
0x1d: {  	[tilespmem:s23+$0xA7B0] =	vst v0  }
0x1e: {  	[tilespmem:s23+$0xA7C0] =	vst v0  }
0x1f: {  	[tilespmem:s23+$0xA7D0] =	vst v0;
	p0 =	sne.s32 s5, $0x1  }
.Ltmp1:
0x20: {  	[tilespmem:s23+$0xA7E0] =	vst v0;
	(pc) =	sbr.rel @!p0 .LBB2_5-.Ltmp1, $4  }
0x21: {  	[tilespmem:s23+$0xA7F0] =	vst v0  }
0x22: {  	[spmem:s10] =	stream.linear.scatter [tilespmem:s12], [sflag:$0x3], $0x1400, $0x38;
	[tilespmem:$0x1F480] =	vst v63  }
0x23: {  	_ =	swait.ge [sflag:s13], $0x1400  }
0x24: {  	s23 =	sadd.s32 $0xFFFFFFFF, s5;
	s24 =	smov.u32 s10;
	[sflag:s13] =	ssyncset.done $0x0  }
.LBB2_4:
0x25: {  	p0 =	sne.s32 s23, $0x1;
	[sflag:s13] =	ssyncadd.s32 $0xFFFFEC00;
	s24 =	sadd.s32 $0x14000, s24  }
.Ltmp2:
0x26: {  	s23 =	sadd.s32 $0xFFFFFFFF, s23;
	(pc) =	sbr.rel @p0 .LBB2_4-.Ltmp2, $4  }
0x27: {  	_ = 	snop  }
0x28: {  	[spmem:s24] =	stream.linear.scatter [tilespmem:s12], [sflag:$0x3], $0x1400, $0x38;
	[tilespmem:$0x1F480] =	vst v63  }
0x29: {  	_ =	swait.ge [sflag:s13], $0x1400  }
0x2a: {  	[sflag:s13] =	ssyncset.done $0x0  }
.LBB2_5:
0x2b: {  	[sflag:s13] =	ssyncadd.s32 $0xFFFFEC00  }
0x2c: {  	s23 =	simm.s32 $0x0;
	[bflag:$0x0] =	sbarrier.arrive $0xFFFF  }
0x2d: {  	[tilespmem:s23], [sflag:$0x3] =	stream.linear.gather [hbm4b:s6+s23], $0x1400, $0x38;
	[tilespmem:$0x1F480] =	vst v63  }
0x2e: {  	_ =	swait.ge [sflag:s13], $0x1400  }
0x2f: {  	[sflag:s13] =	ssyncset.done $0x0  }
0x30: {  	[sflag:s13] =	ssyncadd.s32 $0xFFFFEC00  }
0x31: {  	[tilespmem:s14], [sflag:$0x3] =	stream.linear.gather [hbm4b:s7+s23], $0x1400, $0x38;
	[tilespmem:$0x1F480] =	vst v63  }
0x32: {  	_ =	swait.ge [sflag:s13], $0x1400  }
0x33: {  	[sflag:s13] =	ssyncset.done $0x0  }
0x34: {  	[sflag:s13] =	ssyncadd.s32 $0xFFFFEC00  }
0x35: {  	[tilespmem:s16], [sflag:$0x1] =	stream.indirect.gather [hbm4b:s4+s15], $0x80, s23, s15, $0xb8;
	[tilespmem:$0x1F480] =	vst v63  }
0x36: {  	_ = 	snop  }
0x37: {  	[tilespmem:s17], [sflag:$0x2] =	stream.indirect.gather [hbm4b:s4+s15], $0x80, s15, s15, $0xb8;
	[tilespmem:$0x1F480] =	vst v63  }
0x38: {  	_ =	swait.ge [sflag:s18], $0x4000  }
0x39: {  	[sflag:s18] =	ssyncset.done $0x0  }
0x3a: {  	s29 =	simm.s32 $0x1400;
	[sflag:s18] =	ssyncadd.s32 $0xFFFFC000  }
0x3b: {  	[spmem:s1] =	stream.indirect.scatter.add.f32 [tilespmem:s16], [sflag:$0x3], $0x80, s29, s15, $0xb8;
	[tilespmem:$0x1F480] =	vst v63  }
0x3c: {  	_ =	swait.ge [sflag:s13], $0x4000  }
0x3d: {  	[sflag:s13] =	ssyncset.done $0x0  }
0x3e: {  	s30 =	simm.s32 $0x100;
	[sflag:s13] =	ssyncadd.s32 $0xFFFFC000  }
0x3f: {  	[tilespmem:s16], [sflag:$0x1] =	stream.indirect.gather [hbm4b:s4+s15], $0x80, s30, s15, $0xb8;
	[tilespmem:$0x1F480] =	vst v63  }
0x40: {  	_ =	swait.ge [sflag:s19], $0x4000  }
0x41: {  	[sflag:s19] =	ssyncset.done $0x0  }
0x42: {  	s31 =	simm.s32 $0x1480;
	[sflag:s19] =	ssyncadd.s32 $0xFFFFC000  }
0x43: {  	[spmem:s1] =	stream.indirect.scatter.add.f32 [tilespmem:s17], [sflag:$0x3], $0x80, s31, s15, $0xb8;
	[tilespmem:$0x1F480] =	vst v63  }
0x44: {  	_ =	swait.ge [sflag:s13], $0x4000  }
0x45: {  	[sflag:s13] =	ssyncset.done $0x0  }
0x46: {  	s24 =	simm.s32 $0x180;
	s23 =	simm.s32 $0x400;
	[sflag:s13] =	ssyncadd.s32 $0xFFFFC000  }
.LBB2_6:
0x47: {  	[tilespmem:s17], [sflag:$0x2] =	stream.indirect.gather [hbm4b:s4+s15], $0x80, s24, s15, $0xb8;
	[tilespmem:$0x1F480] =	vst v63  }
0x48: {  	s24 =	smov.u32 s23  }
0x49: {  	p0 =	sne.s32 s23, $0x4800;
	s23 =	sadd.s32 $0x400, s23;
	_ =	swait.ge [sflag:s18], $0x4000  }
0x4a: {  	s24 =	sshra.s32 s24, $0x2;
	[sflag:s18] =	ssyncset.done $0x0  }
0x4b: {  	s25 =	sadd.s32 $0x1400, s24;
	[sflag:s18] =	ssyncadd.s32 $0xFFFFC000  }
0x4c: {  	[spmem:s1] =	stream.indirect.scatter.add.f32 [tilespmem:s16], [sflag:$0x3], $0x80, s25, s15, $0xb8;
	[tilespmem:$0x1F480] =	vst v63  }
0x4d: {  	_ =	swait.ge [sflag:s13], $0x4000  }
0x4e: {  	[sflag:s13] =	ssyncset.done $0x0  }
0x4f: {  	s25 =	sadd.s32 $0x100, s24;
	[sflag:s13] =	ssyncadd.s32 $0xFFFFC000  }
0x50: {  	[tilespmem:s16], [sflag:$0x1] =	stream.indirect.gather [hbm4b:s4+s15], $0x80, s25, s15, $0xb8;
	[tilespmem:$0x1F480] =	vst v63  }
0x51: {  	_ =	swait.ge [sflag:s19], $0x4000  }
0x52: {  	[sflag:s19] =	ssyncset.done $0x0  }
.Ltmp3:
0x53: {  	s25 =	sadd.s32 $0x1480, s24;
	[sflag:s19] =	ssyncadd.s32 $0xFFFFC000;
	(pc) =	sbr.rel @p0 .LBB2_6-.Ltmp3, $4  }
0x54: {  	[spmem:s1] =	stream.indirect.scatter.add.f32 [tilespmem:s17], [sflag:$0x3], $0x80, s25, s15, $0xb8;
	[tilespmem:$0x1F480] =	vst v63  }
0x55: {  	_ =	swait.ge [sflag:s13], $0x4000  }
0x56: {  	[sflag:s13] =	ssyncset.done $0x0  }
0x57: {  	s24 =	sadd.s32 $0x180, s24;
	[sflag:s13] =	ssyncadd.s32 $0xFFFFC000  }
0x58: {  	[tilespmem:s17], [sflag:$0x2] =	stream.indirect.gather [hbm4b:s4+s15], $0x80, s24, s15, $0xb8;
	[tilespmem:$0x1F480] =	vst v63  }
0x59: {  	_ =	swait.ge [sflag:s18], $0x4000  }
0x5a: {  	[sflag:s18] =	ssyncset.done $0x0  }
0x5b: {  	[sflag:s18] =	ssyncadd.s32 $0xFFFFC000  }
0x5c: {  	[spmem:s1] =	stream.indirect.scatter.add.f32 [tilespmem:s16], [sflag:$0x3], $0x80, s20, s15, $0xb8;
	[tilespmem:$0x1F480] =	vst v63  }
0x5d: {  	_ =	swait.ge [sflag:s13], $0x4000  }
0x5e: {  	[sflag:s13] =	ssyncset.done $0x0  }
0x5f: {  	[sflag:s13] =	ssyncadd.s32 $0xFFFFC000  }
0x60: {  	_ =	swait.ge [sflag:s19], $0x4000  }
0x61: {  	[sflag:s19] =	ssyncset.done $0x0  }
0x62: {  	[sflag:s19] =	ssyncadd.s32 $0xFFFFC000  }
0x63: {  	[spmem:s1] =	stream.indirect.scatter.add.f32 [tilespmem:s17], [sflag:$0x3], $0x80, s21, s15, $0xb8;
	[tilespmem:$0x1F480] =	vst v63  }
0x64: {  	_ =	swait.ge [sflag:s13], $0x4000  }
0x65: {  	[sflag:s13] =	ssyncset.done $0x0  }
0x66: {  	s23 =	sadd.s32 $0x280, s6;
	s26 =	simm.s32 $0x0;
	[sflag:s13] =	ssyncadd.s32 $0xFFFFC000  }
0x67: {  	[tilespmem:s26], [sflag:$0x3] =	stream.linear.gather [hbm4b:s23+s26], $0x1400, $0x38;
	[tilespmem:$0x1F480] =	vst v63  }
0x68: {  	_ =	swait.ge [sflag:s13], $0x1400  }
0x69: {  	[sflag:s13] =	ssyncset.done $0x0  }
0x6a: {  	s28 =	sadd.s32 $0x280, s7;
	[sflag:s13] =	ssyncadd.s32 $0xFFFFEC00  }
0x6b: {  	[tilespmem:s14], [sflag:$0x3] =	stream.linear.gather [hbm4b:s28+s26], $0x1400, $0x38;
	[tilespmem:$0x1F480] =	vst v63  }
0x6c: {  	_ =	swait.ge [sflag:s13], $0x1400  }
0x6d: {  	[sflag:s13] =	ssyncset.done $0x0  }
0x6e: {  	[sflag:s13] =	ssyncadd.s32 $0xFFFFEC00  }
0x6f: {  	[tilespmem:s16], [sflag:$0x1] =	stream.indirect.gather [hbm4b:s4+s15], $0x80, s26, s15, $0xb8;
	[tilespmem:$0x1F480] =	vst v63  }
0x70: {  	_ = 	snop  }
0x71: {  	[tilespmem:s17], [sflag:$0x2] =	stream.indirect.gather [hbm4b:s4+s15], $0x80, s15, s15, $0xb8;
	[tilespmem:$0x1F480] =	vst v63  }
0x72: {  	_ =	swait.ge [sflag:s18], $0x4000  }
0x73: {  	[sflag:s18] =	ssyncset.done $0x0  }
0x74: {  	s29 =	simm.s32 $0x1400;
	[sflag:s18] =	ssyncadd.s32 $0xFFFFC000  }
0x75: {  	[spmem:s1] =	stream.indirect.scatter.add.f32 [tilespmem:s16], [sflag:$0x3], $0x80, s29, s15, $0xb8;
	[tilespmem:$0x1F480] =	vst v63  }
0x76: {  	_ =	swait.ge [sflag:s13], $0x4000  }
0x77: {  	[sflag:s13] =	ssyncset.done $0x0  }
0x78: {  	s30 =	simm.s32 $0x100;
	[sflag:s13] =	ssyncadd.s32 $0xFFFFC000  }
0x79: {  	[tilespmem:s16], [sflag:$0x1] =	stream.indirect.gather [hbm4b:s4+s15], $0x80, s30, s15, $0xb8;
	[tilespmem:$0x1F480] =	vst v63  }
0x7a: {  	_ =	swait.ge [sflag:s19], $0x4000  }
0x7b: {  	[sflag:s19] =	ssyncset.done $0x0  }
0x7c: {  	s31 =	simm.s32 $0x1480;
	[sflag:s19] =	ssyncadd.s32 $0xFFFFC000  }
0x7d: {  	[spmem:s1] =	stream.indirect.scatter.add.f32 [tilespmem:s17], [sflag:$0x3], $0x80, s31, s15, $0xb8;
	[tilespmem:$0x1F480] =	vst v63  }
0x7e: {  	_ =	swait.ge [sflag:s13], $0x4000  }
0x7f: {  	[sflag:s13] =	ssyncset.done $0x0  }
0x80: {  	s24 =	simm.s32 $0x180;
	s23 =	simm.s32 $0x400;
	[sflag:s13] =	ssyncadd.s32 $0xFFFFC000  }
.LBB2_8:
0x81: {  	[tilespmem:s17], [sflag:$0x2] =	stream.indirect.gather [hbm4b:s4+s15], $0x80, s24, s15, $0xb8;
	[tilespmem:$0x1F480] =	vst v63  }
0x82: {  	s24 =	smov.u32 s23  }
0x83: {  	p0 =	sne.s32 s23, $0x4800;
	s23 =	sadd.s32 $0x400, s23;
	_ =	swait.ge [sflag:s18], $0x4000  }
0x84: {  	s24 =	sshra.s32 s24, $0x2;
	[sflag:s18] =	ssyncset.done $0x0  }
0x85: {  	s25 =	sadd.s32 $0x1400, s24;
	[sflag:s18] =	ssyncadd.s32 $0xFFFFC000  }
0x86: {  	[spmem:s1] =	stream.indirect.scatter.add.f32 [tilespmem:s16], [sflag:$0x3], $0x80, s25, s15, $0xb8;
	[tilespmem:$0x1F480] =	vst v63  }
0x87: {  	_ =	swait.ge [sflag:s13], $0x4000  }
0x88: {  	[sflag:s13] =	ssyncset.done $0x0  }
0x89: {  	s25 =	sadd.s32 $0x100, s24;
	[sflag:s13] =	ssyncadd.s32 $0xFFFFC000  }
0x8a: {  	[tilespmem:s16], [sflag:$0x1] =	stream.indirect.gather [hbm4b:s4+s15], $0x80, s25, s15, $0xb8;
	[tilespmem:$0x1F480] =	vst v63  }
0x8b: {  	_ =	swait.ge [sflag:s19], $0x4000  }
0x8c: {  	[sflag:s19] =	ssyncset.done $0x0  }
.Ltmp4:
0x8d: {  	s25 =	sadd.s32 $0x1480, s24;
	[sflag:s19] =	ssyncadd.s32 $0xFFFFC000;
	(pc) =	sbr.rel @p0 .LBB2_8-.Ltmp4, $4  }
0x8e: {  	[spmem:s1] =	stream.indirect.scatter.add.f32 [tilespmem:s17], [sflag:$0x3], $0x80, s25, s15, $0xb8;
	[tilespmem:$0x1F480] =	vst v63  }
0x8f: {  	_ =	swait.ge [sflag:s13], $0x4000  }
0x90: {  	[sflag:s13] =	ssyncset.done $0x0  }
0x91: {  	s24 =	sadd.s32 $0x180, s24;
	[sflag:s13] =	ssyncadd.s32 $0xFFFFC000  }
0x92: {  	[tilespmem:s17], [sflag:$0x2] =	stream.indirect.gather [hbm4b:s4+s15], $0x80, s24, s15, $0xb8;
	[tilespmem:$0x1F480] =	vst v63  }
0x93: {  	_ =	swait.ge [sflag:s18], $0x4000  }
0x94: {  	[sflag:s18] =	ssyncset.done $0x0  }
0x95: {  	[sflag:s18] =	ssyncadd.s32 $0xFFFFC000  }
0x96: {  	[spmem:s1] =	stream.indirect.scatter.add.f32 [tilespmem:s16], [sflag:$0x3], $0x80, s20, s15, $0xb8;
	[tilespmem:$0x1F480] =	vst v63  }
0x97: {  	_ =	swait.ge [sflag:s13], $0x4000  }
0x98: {  	[sflag:s13] =	ssyncset.done $0x0  }
0x99: {  	[sflag:s13] =	ssyncadd.s32 $0xFFFFC000  }
0x9a: {  	_ =	swait.ge [sflag:s19], $0x4000  }
0x9b: {  	[sflag:s19] =	ssyncset.done $0x0  }
0x9c: {  	[sflag:s19] =	ssyncadd.s32 $0xFFFFC000  }
0x9d: {  	[spmem:s1] =	stream.indirect.scatter.add.f32 [tilespmem:s17], [sflag:$0x3], $0x80, s21, s15, $0xb8;
	[tilespmem:$0x1F480] =	vst v63  }
0x9e: {  	p0 =	sne.s32 s8, $0x1;
	_ =	swait.ge [sflag:s13], $0x4000  }
.Ltmp5:
0x9f: {  	[sflag:s13] =	ssyncset.done $0x0;
	(pc) =	sbr.rel @!p0 .LBB2_11-.Ltmp5, $4  }
0xa0: {  	s23 =	sshll.u32 s2, $0x6;
	s31 =	sshrl.u32 s11, $0x3;
	[sflag:s13] =	ssyncadd.s32 $0xFFFFC000  }
0xa1: {  	s24 =	sadd.s32 $0xFFFFFFFF, s8;
	s23 =	sor.u32 $0x1C03, s23;
	[bflag:$0x0] =	sbarrier.arrive $0xFFFF  }
0xa2: {  	[hbm:s22], [sflag:s23] =	dma.local [spmem:s31], $0x500  }
0xa3: {  	s25 =	sadd.s32 $0x5000, s22;
	s26 =	smov.u32 s11;
	_ =	swait.ge [sflag:s13], $0x500  }
.LBB2_10:
0xa4: {  	[sflag:s13] =	ssyncset.done $0x0;
	s26 =	sadd.s32 $0x28000, s26;
	p0 =	sne.s32 s24, $0x1  }
.Ltmp6:
0xa5: {  	s28 =	sshrl.u32 s26, $0x3;
	[sflag:s13] =	ssyncadd.s32 $0xFFFFFB00;
	(pc) =	sbr.rel @p0 .LBB2_10-.Ltmp6, $3  }
0xa6: {  	[hbm:s25], [sflag:s23] =	dma.local [spmem:s28], $0x500  }
0xa7: {  	s24 =	sadd.s32 $0xFFFFFFFF, s24;
	_ =	sdelay $0x1  }
0xa8: {  	s25 =	sadd.s32 $0x5000, s25;
	_ =	swait.ge [sflag:s13], $0x500  }
.LBB2_11:
0xa9: {  	s3 =	sadd.s32 $0x1, s3  }
0xaa: {  	p0 =	sne.s32 s3, s9  }
.Ltmp7:
0xab: {  	_ = 	snop;
	(pc) =	sbr.rel @p0 .LBB2_1-.Ltmp7, $3  }
0xac: {  	_ =	sdelay $0x1  }
0xad: {  	[sflag:s13] =	ssyncset.done $0x0  }
0xae: {  	[sflag:s13] =	ssyncadd.s32 $0xFFFFFB00  }
0xaf: {  	_ =	sfence.sel $0x180000  }
0xb0: {  	[bflag:$0x0] =	sbarrier.arrive $0xFFFF  }
0xb1: {  	p0 =	sne.s32 s2, $0x0;
	_ =	strace $0x90000050  }
0xb2: {  	s0 =	sadd.s32 @!p0 $0x100000, s0;
	[bflag:$0x2] =	sbarrier.arrive $0xFFFF  }
0xb3: {  	[sflag:s0] =	ssyncadd.tile.s32 @!p0 $0x1;
	_ =	shalt  }
.Lfunc_end2:
_tile_overlayer_lowered:
.L_overlay_start_2:
0xb4: {  	(tag) =	ssettag $0x2  }
0xb5: {  	s0 =	rddreg [dreg:$0x0];
	s2 =	stileid.u32  }
0xb6: {  	s1 =	rddreg [dreg:$0x1];
	p0 =	sne.s32 s2, $0x0  }
0xb7: {  	s3 =	rddreg [dreg:$0x2];
	[bflag:$0x3] =	sbarrier.arrive $0xFFFF;
	s2 =	simm.s32 @!p0 $0x1C03  }
0xb8: {  	[timem:s3], [sflag:s2] =	dma.local @!p0 [hbm:s0], s1  }
0xb9: {  	s0 =	simm.s32 @!p0 $0x3  }
0xba: {  	_ =	swait.ge @!p0 [sflag:s0], s1  }
0xbb: {  	s1 =	ssub.s32 @!p0 $0x0, s1;
	[sflag:s0] =	ssyncset.done @!p0 $0x0  }
0xbc: {  	[sflag:s0] =	ssyncadd.s32 @!p0 s1  }
0xbd: {  	[bflag:$0x3] =	sbarrier.arrive $0xFFFF  }
0xbe: {  	_ =	shalt  }

// kernel: kernel.25.cloned.1.call-start
scs
__scs_entry_jumppad:
0x0: {  	(pc) =	sbr.rel $0x88, $3  }
0x1: {  	(tag) =	ssettag $0x0;
	lr =	simm.s32 $0x1  }
0x2: {  	[smem:$0x3F92] =	sst lr;
	_ =	strace $0xD0000000  }
0x3: {  	_ = 	snop  }
0x4: {  	_ = 	snop  }
0x5: {  	_ = 	snop  }
0x6: {  	_ = 	snop  }
0x7: {  	_ = 	snop  }
__scs_overlays_trampoline_lowered:
0x8: {  	[smem:$0x3FA1] =	sst s0  }
0x9: {  	[smem:$0x3FA2] =	sst s1  }
0xa: {  	[smem:$0x3FA3] =	sst s2  }
0xb: {  	[smem:$0x3FA4] =	sst s3  }
0xc: {  	[smem:$0x3FA5] =	sst s4  }
0xd: {  	[smem:$0x3FA6] =	sst s5  }
0xe: {  	[smem:$0x3FA7] =	sst s6  }
0xf: {  	[smem:$0x3FA8] =	sst s7  }
0x10: {  	[smem:$0x3FA9] =	sst s8  }
0x11: {  	[smem:$0x3FAA] =	sst s9;
	s0 =	simm.s32 @!p0 $0x0  }
0x12: {  	s1 =	sld [smem:$0x3F90];
	s0 =	simm.s32 @p0 $0x1  }
0x13: {  	[smem:$0x3FAB] =	sst s0;
	s0 =	simm.s32 @!p1 $0x0  }
0x14: {  	s2 =	sld [smem:$0x3F8F];
	s0 =	simm.s32 @p1 $0x1  }
0x15: {  	[smem:$0x3FAC] =	sst s0;
	s0 =	simm.s32 @!p2 $0x0  }
0x16: {  	s3 =	sld [smem:$0x3FDB];
	s0 =	simm.s32 @p2 $0x1  }
0x17: {  	s4 =	simm.s32 $0x1BF5;
	[smem:$0x3FAE] =	sst s0  }
0x18: {  	s0 =	sld [smem:$0x3F91];
	_ =	swait.ge [sflag:s4], $0x0  }
0x19: {  	s7 =	sld [smem:$0x3F92]  }
0x1a: {  	s8 =	sadd.s32 $0xFFFFE003, lr  }
0x1b: {  	s9 =	sadd.s32 $0xFFFFFEF7, lr;
	s5 =	simm.s32 $0xFFFFFFFF;
	p2 =	slt.u32 s8, $0xFFFFF086  }
0x1c: {  	p1 =	slt.u32 s9, $0xF7A;
	s5 =	simm.s32 @!p2 $0x0  }
0x1d: {  	s5 =	simm.s32 @p1 $0x1;
	p0 =	seq.s32 s7, s2  }
0x1e: {  	s7 =	smul.u32 @!p0 $0xF7A, s2;
	p2 =	seq.s32 @!p0 s5, $0x0  }
0x1f: {  	s9 =	smul.u32 $0xF7A, s1;
	s8 =	simm.s32 @!p0 $0x1BF5;
	p2 =	por !p2, p0  }
0x20: {  	[sflag:s8] =	ssyncset.s32 @!p0 $0xFFFFF086;
	s6 =	sadd.s32 @!p0 s3, s7;
	s7 =	simm.s32 @!p0 $0x108  }
0x21: {  	s3 =	sadd.s32 s3, s9;
	s6 =	sadd.s32 @!p0 $0x88, s6;
	s7 =	simm.s32 @p2 $0x1082  }
0x22: {  	[simem:s7], [sflag:s8] =	dma.local @!p0 [hbm:s6], $0xF7A  }
0x23: {  	s9 =	sor.u32 $0xD0000000, s2;
	s6 =	simm.s32 $0x108;
	_ =	swait.ge @!p0 [sflag:s8], $0x0  }
0x24: {  	s3 =	sadd.s32 $0x88, s3;
	s6 =	simm.s32 @!p1 $0x1082;
	[sflag:s4] =	ssyncset.s32 $0xFFFFF086  }
0x25: {  	[simem:s6], [sflag:s4] =	dma.local [hbm:s3], $0xF7A  }
0x26: {  	[smem:$0x3F92] =	sst s1;
	(tag) =	ssettag s2;
	_ =	strace s9  }
0x27: {  	s1 =	sld [smem:$0x3FA2]  }
0x28: {  	s2 =	sld [smem:$0x3FA3]  }
0x29: {  	s4 =	sld [smem:$0x3FA5]  }
0x2a: {  	p0 =	seq.s32 s5, $0x0;
	s5 =	sld [smem:$0x3FA6]  }
0x2b: {  	s6 =	sld [smem:$0x3FA7]  }
0x2c: {  	s7 =	sld [smem:$0x3FA8]  }
0x2d: {  	s3 =	simm.s32 $0x108;
	s8 =	sld [smem:$0x3FA9]  }
0x2e: {  	s3 =	simm.s32 @!p0 $0x1082;
	s9 =	sld [smem:$0x3FAA]  }
0x2f: {  	lr =	sadd.s32 s0, s3;
	s0 =	sld [smem:$0x3FA1]  }
0x30: {  	s3 =	sld [smem:$0x3FA4]  }
0x31: {  	[smem:$0x3FAD] =	sst s10  }
0x32: {  	s10 =	sld [smem:$0x3FAB];
	_ =	sdelay $0x3  }
0x33: {  	p0 =	seq.s32 s10, $0x1;
	s10 =	sld [smem:$0x3FAD];
	_ =	sdelay $0x3  }
0x34: {  	[smem:$0x3FAD] =	sst s10  }
0x35: {  	s10 =	sld [smem:$0x3FAC];
	_ =	sdelay $0x3  }
0x36: {  	p1 =	seq.s32 s10, $0x1;
	s10 =	sld [smem:$0x3FAD];
	_ =	sdelay $0x3  }
0x37: {  	[smem:$0x3FAD] =	sst s10  }
0x38: {  	s10 =	sld [smem:$0x3FAE]  }
0x39: {  	_ = 	snop;
	(pc) =	sbr.ind lr, $3  }
0x3a: {  	_ = 	snop  }
0x3b: {  	_ = 	snop  }
0x3c: {  	p2 =	seq.s32 s10, $0x1;
	s10 =	sld [smem:$0x3FAD]  }
0x3d: {  	_ =	shalt  }
0x3e: {  	_ =	shalt  }
0x3f: {  	_ =	shalt  }
0x40: {  	_ =	shalt  }
0x41: {  	_ =	shalt  }
0x42: {  	_ =	shalt  }
0x43: {  	_ =	shalt  }
0x44: {  	_ =	shalt  }
0x45: {  	_ =	shalt  }
0x46: {  	_ =	shalt  }
0x47: {  	_ =	shalt  }
0x48: {  	_ =	shalt  }
0x49: {  	_ =	shalt  }
0x4a: {  	_ =	shalt  }
0x4b: {  	_ =	shalt  }
0x4c: {  	_ =	shalt  }
0x4d: {  	_ =	shalt  }
0x4e: {  	_ =	shalt  }
0x4f: {  	_ =	shalt  }
0x50: {  	_ =	shalt  }
0x51: {  	_ =	shalt  }
0x52: {  	_ =	shalt  }
0x53: {  	_ =	shalt  }
0x54: {  	_ =	shalt  }
0x55: {  	_ =	shalt  }
0x56: {  	_ =	shalt  }
0x57: {  	_ =	shalt  }
0x58: {  	_ =	shalt  }
0x59: {  	_ =	shalt  }
0x5a: {  	_ =	shalt  }
0x5b: {  	_ =	shalt  }
0x5c: {  	_ =	shalt  }
0x5d: {  	_ =	shalt  }
0x5e: {  	_ =	shalt  }
0x5f: {  	_ =	shalt  }
0x60: {  	_ =	shalt  }
0x61: {  	_ =	shalt  }
0x62: {  	_ =	shalt  }
0x63: {  	_ =	shalt  }
0x64: {  	_ =	shalt  }
0x65: {  	_ =	shalt  }
0x66: {  	_ =	shalt  }
0x67: {  	_ =	shalt  }
0x68: {  	_ =	shalt  }
0x69: {  	_ =	shalt  }
0x6a: {  	_ =	shalt  }
0x6b: {  	_ =	shalt  }
0x6c: {  	_ =	shalt  }
0x6d: {  	_ =	shalt  }
0x6e: {  	_ =	shalt  }
0x6f: {  	_ =	shalt  }
0x70: {  	_ =	shalt  }
0x71: {  	_ =	shalt  }
0x72: {  	_ =	shalt  }
0x73: {  	_ =	shalt  }
0x74: {  	_ =	shalt  }
0x75: {  	_ =	shalt  }
0x76: {  	_ =	shalt  }
0x77: {  	_ =	shalt  }
0x78: {  	_ =	shalt  }
0x79: {  	_ =	shalt  }
0x7a: {  	_ =	shalt  }
0x7b: {  	_ =	shalt  }
0x7c: {  	_ =	shalt  }
0x7d: {  	_ =	shalt  }
0x7e: {  	_ =	shalt  }
0x7f: {  	_ =	shalt  }
0x80: {  	_ =	shalt  }
0x81: {  	_ =	shalt  }
0x82: {  	_ =	shalt  }
0x83: {  	_ =	shalt  }
0x84: {  	_ =	shalt  }
0x85: {  	_ =	shalt  }
0x86: {  	_ =	shalt  }
0x87: {  	_ =	shalt  }
.Lfunc_end0:
.L_simem_size_0:
called_computation.4_lowered:
.L_overlay_start_0:
0x88: {  	s2 =	sld [smem:$0x3FD9]  }
0x89: {  	s3 =	sld [smem:$0x3FFE];
	_ =	sdelay $0x1  }
0x8a: {  	s1 =	srdreg.scid  }
0x8b: {  	s0 =	sand.u32 $0x1, s1  }
0x8c: {  	s17 =	sshll.u32 s0, $0xA;
	s2 =	sadd.s32 s3, s2  }
0x8d: {  	s2 =	sadd.s32 s2, s17  }
0x8e: {  	[smem:$0x3FB9] =	sst s2  }
0x8f: {  	_ = 	snop  }
0x90: {  	s2 =	sld [smem:$0x3FC7];
	(tm) =	ssettm $0x1  }
0x91: {  	s18 =	sld [smem:$0x3FFB];
	_ =	sdelay $0x3  }
0x92: {  	_ =	strace s18  }
0x93: {  	s3 =	sld [smem:$0x3FFC];
	_ =	sdelay $0x3  }
0x94: {  	_ =	strace s3  }
0x95: {  	s3 =	sld [smem:$0x3FFD];
	_ =	sdelay $0x3  }
0x96: {  	_ =	strace s3  }
0x97: {  	_ =	strace $0x8FFFFFFF  }
0x98: {  	s19 =	sld [smem:$0x3FDB];
	_ =	sdelay $0x1  }
0x99: {  	s4 =	simm.s32 $_scs_section_size  }
0x9a: {  	s5 =	simm.s32 $_size__tile_overlayer_lowered;
	s6 =	simm.s32 $_tile_overlayer_lowered  }
0x9b: {  	s22 =	simm.s32 $0x1BFF;
	s21 =	sshll.u32 s6, $0x1;
	s3 =	sadd.s32 s4, s19  }
0x9c: {  	s7 =	simm.s32 $0x0;
	s20 =	sshll.u32 s5, $0x1;
	s5 =	sadd.s32 s21, s3  }
0x9d: {  	[timem:s7], [sflag:s22] =	dma.local [hbm:s5], s20  }
0x9e: {  	_ =	swait.ge [sflag:s22], s20  }
0x9f: {  	s4 =	ssub.s32 $0x0, s20;
	[sflag:s22] =	ssyncset.done $0x0  }
0xa0: {  	[sflag:s22] =	ssyncadd.s32 s4;
	_ =	sdelay $0x1  }
0xa1: {  	s23 =	simm.s32 $0x1B8B  }
0xa2: {  	_ =	swait.ge [sflag:s23], $0x1  }
0xa3: {  	[sflag:s23] =	ssyncset.done $0x0  }
0xa4: {  	s25 =	simm.s32 $0x1B8E;
	s24 =	sld [smem:$0x3FFE];
	[sflag:s23] =	ssyncadd.s32 $0xFFFFFFFF  }
0xa5: {  	s26 =	simm.s32 $execute0_lowered;
	[smem:$0x3FD2] =	sst s25  }
0xa6: {  	s5 =	sshll.u32 s26, $0x1;
	_ =	strace $0x80000052;
	[dreg:$0x1] =	wrdreg $0xFFFFFFFF  }
0xa7: {  	s28 =	simm.s32 $_size_execute0_lowered;
	s3 =	sadd.s32 s3, s5;
	[dreg:$0x0] =	wrdreg $0x0  }
0xa8: {  	s5 =	sshll.u32 s28, $0x1;
	[dreg:$0x2] =	wrdreg s3  }
0xa9: {  	[dreg:$0x3] =	wrdreg s5  }
0xaa: {  	[dreg:$0x4] =	wrdreg $0xC0  }
0xab: {  	_ =	task [dreg:s7], $0x5FFFF  }
0xac: {  	[dreg:$0x1] =	wrdreg $0xFFFFFFFF  }
0xad: {  	[dreg:$0x0] =	wrdreg $0x60  }
0xae: {  	[dreg:$0x2] =	wrdreg s24  }
0xaf: {  	[dreg:$0x3] =	wrdreg s2  }
0xb0: {  	[dreg:$0x4] =	wrdreg $0x90800  }
0xb1: {  	[dreg:$0x5] =	wrdreg $0xA0800  }
0xb2: {  	[dreg:$0x6] =	wrdreg $0x9  }
0xb3: {  	_ =	task.clear_ibuf [dreg:s7], $0x7FFFF;
	_ =	strace $0x90000052  }
0xb4: {  	s29 =	simm.s32 $0x9;
	_ =	strace $0x80000054  }
0xb5: {  	_ =	swait.ge [sflag:s29], $0x1  }
0xb6: {  	[sflag:s29] =	ssyncadd.s32 $0xFFFFFFFF  }
0xb7: {  	_ =	strace $0x90000054  }
0xb8: {  	_ =	sfence  }
0xb9: {  	s30 =	sld [smem:$0x0];
	_ =	sdelay $0x2  }
0xba: {  	s31 =	sshll.u32 s1, $0xD;
	s1 =	sshrl.u32 s1, $0x2  }
0xbb: {  	s3 =	sand.u32 $0x4000, s31;
	s1 =	sadd.s32 s1, s30  }
0xbc: {  	s0 =	sor.u32 s3, s0;
	s1 =	sshll.u32 s1, $0x11  }
0xbd: {  	s0 =	sor.u32 s1, s0  }
0xbe: {  	s0 =	sadd.s32 $0x8F2B, s0  }
0xbf: {  	[sflag:s0] =	ssyncadd.remote.s32 $0x1  }
0xc0: {  	_ =	sfence.sel $0xFFFF  }
0xc1: {  	[dreg:$0x0] =	wrdreg $0xFFFFFFFF;
	(pc) =	sbr.abs _section_cstart, $3  }
0xc2: {  	[dreg:$0x1] =	wrdreg $0xFFFFFFFF  }
0xc3: {  	_ =	task.clear_ibuf [dreg:s7], $0x2FFFF;
	_ =	strace $0x9FFFFFFF  }
0xc4: {  	(tm) =	ssettm $0x7FFFFFFF  }
0xc5: {  	_ =	shalt  }
tec
execute0_lowered:
.L_overlay_start_1:
0x0: {  	(tag) =	ssettag $0x1  }
0x1: {  	s7 =	rddreg [dreg:$0x0]  }
0x2: {  	s1 =	rddreg [dreg:$0x1]  }
0x3: {  	s2 =	rddreg [dreg:$0x2]  }
0x4: {  	s3 =	rddreg [dreg:$0x3]  }
0x5: {  	s0 =	rddreg [dreg:$0x4];
	s4 =	simm.s32 $0x0  }
0x6: {  	s5 =	srdreg.scid;
	s16 =	simm.s32 $0x2880;
	[smem:$0x7FF] =	sst s4  }
0x7: {  	s9 =	sand.u32 $0x1, s5;
	s6 =	sadd.s32 $0x5A00, s7;
	s5 =	stileid.u32  }
0x8: {  	_ =	strace $0x80000053;
	s8 =	ssub.s32 $0x2, s9;
	s13 =	smul.u32 $0x500, s9  }
0x9: {  	s10 =	sshll.u32 s9, $0xD;
	s29 =	sshll.u32 s5, $0xD;
	s14 =	smul.u32 $0x50, s5  }
0xa: {  	s12 =	sshll.u32 s9, $0x4;
	s18 =	sshll.u32 s5, $0xA;
	s15 =	smul.u32 $0x28000, s9  }
0xb: {  	s31 =	smul.u32 $0x2800, s5;
	p0 =	sgt.u32 s5, $0x7;
	s11 =	sshrl.u32 s8, $0x1  }
0xc: {  	s10 =	sadd.s32 s10, s7;
	s7 =	sadd.s32 s29, s2;
	s12 =	sor.u32 s12, s5  }
0xd: {  	s11 =	ssub.s32 s8, s11;
	s8 =	sadd.s32 s29, s3;
	s17 =	sadd.s32 $0x2CC00, s10  }
0xe: {  	s19 =	sadd.s32 $0x30C00, s10;
	s30 =	ssub.s32 $0x9C, s12;
	s12 =	sadd.s32 s31, s15  }
0xf: {  	s15 =	simm.s32 $0x50;
	s9 =	smax.u32 s11, $0x1;
	s10 =	sshrl.u32 s30, $0x5  }
0x10: {  	s11 =	sadd.s32 s14, s13;
	s13 =	simm.s32 $0x1;
	s14 =	simm.s32 $0x80  }
0x11: {  	v0 =	vimm.f32 $1.000000000e+00;
	v1 =	vimm.f32 $0.0e+00;
	s17 =	sadd.s32 @!p0 s18, s17;
	s18 =	sadd.s32 @!p0 s18, s19;
	s19 =	simm.s32 $0x0  }
.LBB2_1:
0x12: {  	s20 =	simm.s32 $0x0  }
.LBB2_2:
0x13: {  	p1 =	sne.s32 s20, $0x9E00  }
.Ltmp0:
0x14: {  	_ = 	snop;
	(pc) =	sbr.rel @p1 .LBB2_2-.Ltmp0, $3  }
0x15: {  	_ =	sdelay $0x1  }
0x16: {  	s21 =	sshra.s32 s20, $0x2  }
0x17: {  	s20 =	sadd.s32 $0x200, s20;
	[tilespmem:s21+$0x2880] =	vst v0  }
0x18: {  	s20 =	simm.s32 $0x0;
	s21 =	simm.s32 $0x200  }
.LBB2_4:
0x19: {  	p1 =	sne.s32 s21, $0x7E00;
	[tilespmem:s20+$0x50F0] =	vst v1  }
0x1a: {  	[tilespmem:s20+$0x7080] =	vst v1  }
0x1b: {  	[tilespmem:s20+$0x5080] =	vst v1  }
0x1c: {  	[tilespmem:s20+$0x5090] =	vst v1  }
.Ltmp1:
0x1d: {  	[tilespmem:s20+$0x50A0] =	vst v1;
	(pc) =	sbr.rel @p1 .LBB2_4-.Ltmp1, $4  }
0x1e: {  	[tilespmem:s20+$0x50B0] =	vst v1  }
0x1f: {  	[tilespmem:s20+$0x50C0] =	vst v1  }
0x20: {  	[tilespmem:s20+$0x50D0] =	vst v1  }
0x21: {  	[tilespmem:s20+$0x50E0] =	vst v1;
	s20 =	sshra.s32 s21, $0x2;
	s21 =	sadd.s32 $0x200, s21  }
0x22: {  	[tilespmem:s20+$0x50F0] =	vst v1  }
0x23: {  	[tilespmem:s20+$0x7080] =	vst v1  }
0x24: {  	[tilespmem:s20+$0x5080] =	vst v1  }
0x25: {  	[tilespmem:s20+$0x5090] =	vst v1  }
0x26: {  	[tilespmem:s20+$0x50A0] =	vst v1  }
0x27: {  	[tilespmem:s20+$0x50B0] =	vst v1  }
0x28: {  	[tilespmem:s20+$0x50C0] =	vst v1  }
0x29: {  	[tilespmem:s20+$0x50D0] =	vst v1  }
0x2a: {  	[tilespmem:s20+$0x50E0] =	vst v1;
	s20 =	simm.s32 @!p0 $0x5080  }
0x2b: {  	[spmem:s7] =	stream.linear.scatter @!p0 [tilespmem:s20], [sflag:$0x1], $0x2000, $0x38;
	[tilespmem:$0xA280] =	vst v63  }
0x2c: {  	s20 =	simm.s32 @!p0 $0x1  }
0x2d: {  	_ =	swait.ge @!p0 [sflag:s20], $0x2000  }
0x2e: {  	[sflag:s20] =	ssyncset.done @!p0 $0x0  }
0x2f: {  	s21 =	simm.s32 @!p0 $0x7080;
	p2 =	sne.s32 s10, $0x1;
	[sflag:s20] =	ssyncadd.s32 @!p0 $0xFFFFE000  }
0x30: {  	[spmem:s8] =	stream.linear.scatter @!p0 [tilespmem:s21], [sflag:$0x1], $0x2000, $0x38;
	[tilespmem:$0xA280] =	vst v63  }
.Ltmp2:
0x31: {  	_ =	swait.ge @!p0 [sflag:s20], $0x2000;
	(pc) =	sbr.rel @!p2 .LBB2_6-.Ltmp2, $4  }
0x32: {  	[sflag:s20] =	ssyncset.done @!p0 $0x0  }
0x33: {  	[sflag:s20] =	ssyncadd.s32 @!p0 $0xFFFFE000  }
0x34: {  	[bflag:$0x0] =	sbarrier.arrive $0xFFFF  }
0x35: {  	s24 =	sshrl.u32 s11, $0x3;
	p1 =	por $0x0, $0x0;
	s21 =	sadd.s32 $0xFFFFFFFF, s10  }
0x36: {  	s22 =	sadd.s32 s1, s24  }
0x37: {  	[tilespmem:s4], [sflag:$0x1] =	stream.linear.gather [hbm4b:s22+s4], $0x50, $0x38;
	[tilespmem:$0xA280] =	vst v63  }
0x38: {  	_ =	swait.ge [sflag:s13], $0x50  }
0x39: {  	s31 =	sshrl.u32 s12, $0x3;
	[sflag:s13] =	ssyncset.done $0x0  }
0x3a: {  	s22 =	sadd.s32 s6, s31;
	[sflag:s13] =	ssyncadd.s32 $0xFFFFFFB0  }
0x3b: {  	[tilespmem:s14], [sflag:$0x1] =	stream.linear.gather [hbm4b:s22+s4], $0x2800, $0x38;
	[tilespmem:$0xA280] =	vst v63  }
0x3c: {  	_ =	swait.ge [sflag:s13], $0x2800  }
0x3d: {  	[sflag:s13] =	ssyncset.done $0x0  }
0x3e: {  	[sflag:s13] =	ssyncadd.s32 $0xFFFFD800  }
0x3f: {  	[spmem:s2] =	stream.indirect.scatter.add.f32 [tilespmem:s14], [sflag:$0x1], $0x80, s4, s15, $0xb8;
	[tilespmem:$0xA280] =	vst v63  }
0x40: {  	p2 =	sne.s32 s21, $0x1;
	_ =	swait.ge [sflag:s13], $0x2800  }
.Ltmp3:
0x41: {  	[sflag:s13] =	ssyncset.done $0x0;
	(pc) =	sbr.rel @!p2 .LBB2_8-.Ltmp3, $4  }
0x42: {  	s23 =	sadd.s32 $0xA00, s11;
	[sflag:s13] =	ssyncadd.s32 $0xFFFFD800  }
0x43: {  	[spmem:s3] =	stream.indirect.scatter.add.f32 [tilespmem:s16], [sflag:$0x1], $0x10, s4, s15, $0xb8;
	[tilespmem:$0xA280] =	vst v63  }
0x44: {  	p1 =	por $0x1, $0x1;
	s24 =	sshrl.u32 s23, $0x3;
	_ =	swait.ge [sflag:s13], $0x500  }
0x45: {  	s22 =	sadd.s32 $0xFFFFFFFF, s21;
	s21 =	smov.u32 s12;
	[sflag:s13] =	ssyncset.done $0x0  }
.LBB2_9:
0x46: {  	s24 =	sadd.s32 s1, s24;
	[sflag:s13] =	ssyncadd.s32 $0xFFFFFB00;
	s21 =	sadd.s32 $0x50000, s21  }
0x47: {  	[tilespmem:s4], [sflag:$0x1] =	stream.linear.gather [hbm4b:s24+s4], $0x50, $0x38;
	[tilespmem:$0xA280] =	vst v63  }
0x48: {  	p2 =	sne.s32 s22, $0x1;
	s22 =	sadd.s32 $0xFFFFFFFF, s22;
	_ =	swait.ge [sflag:s13], $0x50  }
0x49: {  	s24 =	sshrl.u32 s21, $0x3;
	[sflag:s13] =	ssyncset.done $0x0  }
0x4a: {  	s24 =	sadd.s32 s6, s24;
	[sflag:s13] =	ssyncadd.s32 $0xFFFFFFB0  }
0x4b: {  	[tilespmem:s14], [sflag:$0x1] =	stream.linear.gather [hbm4b:s24+s4], $0x2800, $0x38;
	[tilespmem:$0xA280] =	vst v63  }
0x4c: {  	_ =	swait.ge [sflag:s13], $0x2800  }
0x4d: {  	[sflag:s13] =	ssyncset.done $0x0  }
0x4e: {  	[sflag:s13] =	ssyncadd.s32 $0xFFFFD800  }
0x4f: {  	[spmem:s2] =	stream.indirect.scatter.add.f32 [tilespmem:s14], [sflag:$0x1], $0x80, s4, s15, $0xb8;
	[tilespmem:$0xA280] =	vst v63  }
0x50: {  	_ =	swait.ge [sflag:s13], $0x2800  }
.Ltmp4:
0x51: {  	[sflag:s13] =	ssyncset.done $0x0;
	(pc) =	sbr.rel @p2 .LBB2_9-.Ltmp4, $4  }
0x52: {  	[sflag:s13] =	ssyncadd.s32 $0xFFFFD800  }
0x53: {  	[spmem:s3] =	stream.indirect.scatter.add.f32 [tilespmem:s16], [sflag:$0x1], $0x10, s4, s15, $0xb8;
	[tilespmem:$0xA280] =	vst v63  }
0x54: {  	s23 =	sadd.s32 $0xA00, s23;
	_ =	swait.ge [sflag:s13], $0x500  }
0x55: {  	s24 =	sshrl.u32 s23, $0x3;
	[sflag:s13] =	ssyncset.done $0x0  }
.LBB2_10:
0x56: {  	s22 =	sadd.s32 s1, s24;
	[sflag:s13] =	ssyncadd.s32 @p1 $0xFFFFFB00  }
0x57: {  	[tilespmem:s4], [sflag:$0x1] =	stream.linear.gather [hbm4b:s22+s4], $0x50, $0x38;
	[tilespmem:$0xA280] =	vst v63  }
0x58: {  	s21 =	sadd.s32 @p1 $0x50000, s21;
	s22 =	smov.u32 s12  }
0x59: {  	_ =	swait.ge [sflag:s13], $0x50;
	s22 =	smov.u32 @p1 s21  }
0x5a: {  	[sflag:s13] =	ssyncset.done $0x0;
	s21 =	sshrl.u32 s22, $0x3  }
0x5b: {  	[sflag:s13] =	ssyncadd.s32 $0xFFFFFFB0;
	s21 =	sadd.s32 s6, s21  }
0x5c: {  	[tilespmem:s14], [sflag:$0x1] =	stream.linear.gather [hbm4b:s21+s4], $0x2800, $0x38;
	[tilespmem:$0xA280] =	vst v63  }
0x5d: {  	_ =	swait.ge [sflag:s13], $0x2800  }
0x5e: {  	[sflag:s13] =	ssyncset.done $0x0  }
0x5f: {  	[sflag:s13] =	ssyncadd.s32 $0xFFFFD800  }
0x60: {  	[spmem:s2] =	stream.indirect.scatter.add.f32 [tilespmem:s14], [sflag:$0x1], $0x80, s4, s15, $0xb8;
	[tilespmem:$0xA280] =	vst v63  }
0x61: {  	_ =	swait.ge [sflag:s13], $0x2800  }
0x62: {  	[sflag:s13] =	ssyncset.done $0x0  }
0x63: {  	[sflag:s13] =	ssyncadd.s32 $0xFFFFD800  }
0x64: {  	[spmem:s3] =	stream.indirect.scatter.add.f32 [tilespmem:s16], [sflag:$0x1], $0x10, s4, s15, $0xb8;
	[tilespmem:$0xA280] =	vst v63  }
0x65: {  	_ =	swait.ge [sflag:s13], $0x500  }
0x66: {  	[sflag:s13] =	ssyncset.done $0x0  }
0x67: {  	s21 =	sshll.u32 @!p0 s5, $0x6;
	[sflag:s13] =	ssyncadd.s32 $0xFFFFFB00  }
0x68: {  	s22 =	sshrl.u32 @!p0 s7, $0x3;
	s21 =	sor.u32 @!p0 $0x1C01, s21;
	[bflag:$0x0] =	sbarrier.arrive $0xFFFF  }
0x69: {  	[hbm:s17], [sflag:s21] =	dma.local @!p0 [spmem:s22], $0x400  }
0x6a: {  	_ =	swait.ge @!p0 [sflag:s20], $0x400  }
0x6b: {  	s19 =	sadd.s32 $0x1, s19;
	[sflag:s20] =	ssyncset.done @!p0 $0x0  }
0x6c: {  	p1 =	sne.s32 s19, s9;
	s22 =	sshrl.u32 @!p0 s8, $0x3;
	[sflag:s20] =	ssyncadd.s32 @!p0 $0xFFFFFC00  }
0x6d: {  	[hbm:s18], [sflag:s21] =	dma.local @!p0 [spmem:s22], $0x400  }
.Ltmp5:
0x6e: {  	_ = 	snop;
	(pc) =	sbr.rel @p1 .LBB2_1-.Ltmp5, $4  }
.Ltmp6:
0x6f: {  	_ = 	snop;
	(pc) =	sbr.rel @!p1 .LBB2_11-.Ltmp6, $4  }
0x70: {  	_ =	swait.ge @!p0 [sflag:s20], $0x400  }
0x71: {  	[sflag:s20] =	ssyncset.done @!p0 $0x0  }
0x72: {  	[sflag:s20] =	ssyncadd.s32 @!p0 $0xFFFFFC00  }
0x73: {  	_ = 	snop  }
.LBB2_6:
.Ltmp7:
0x74: {  	(pc) =	sbr.rel .LBB2_10-.Ltmp7, $2  }
0x75: {  	_ =	sdelay $0x2  }
0x76: {  	s21 =	smov.u32 s12  }
.LBB2_8:
.Ltmp8:
0x77: {  	(pc) =	sbr.rel .LBB2_10-.Ltmp8, $2  }
0x78: {  	_ =	sdelay $0x2  }
0x79: {  	s21 =	smov.u32 s12  }
.LBB2_11:
0x7a: {  	_ =	sfence.sel $0x180000  }
0x7b: {  	[bflag:$0x0] =	sbarrier.arrive $0xFFFF  }
0x7c: {  	p0 =	sne.s32 s5, $0x0;
	_ =	strace $0x90000053  }
0x7d: {  	s0 =	sadd.s32 @!p0 $0x100000, s0;
	[bflag:$0x2] =	sbarrier.arrive $0xFFFF  }
0x7e: {  	[sflag:s0] =	ssyncadd.tile.s32 @!p0 $0x1;
	_ =	shalt  }
.Lfunc_end2:
_tile_overlayer_lowered:
.L_overlay_start_2:
0x7f: {  	(tag) =	ssettag $0x2  }
0x80: {  	s0 =	rddreg [dreg:$0x0];
	s2 =	stileid.u32  }
0x81: {  	s1 =	rddreg [dreg:$0x1];
	p0 =	sne.s32 s2, $0x0  }
0x82: {  	s3 =	rddreg [dreg:$0x2];
	[bflag:$0x3] =	sbarrier.arrive $0xFFFF;
	s2 =	simm.s32 @!p0 $0x1C01  }
0x83: {  	[timem:s3], [sflag:s2] =	dma.local @!p0 [hbm:s0], s1  }
0x84: {  	s0 =	simm.s32 @!p0 $0x1  }
0x85: {  	_ =	swait.ge @!p0 [sflag:s0], s1  }
0x86: {  	s1 =	ssub.s32 @!p0 $0x0, s1;
	[sflag:s0] =	ssyncset.done @!p0 $0x0  }
0x87: {  	[sflag:s0] =	ssyncadd.s32 @!p0 s1  }
0x88: {  	[bflag:$0x3] =	sbarrier.arrive $0xFFFF  }
0x89: {  	_ =	shalt  }

</sc_bundles>
